<compile_context>
chip_gen: v7x
topology: tpu7x:2x2x1
jax: 0.10.2.dev20260603
libtpu: 0.0.44.dev20260713+nightly
codegen_flags: <defaults>
</compile_context>

<pallas_src>
import functools

import jax
import jax.numpy as jnp
from jax import lax
from jax.experimental import pallas as pl
from jax.experimental.pallas import tpu as pltpu
from jax.experimental.pallas import tpu_sc as plsc

N = 10000
IN = 256
OUT = 256
EF = 16
HALF = OUT // 2
NC = 2
NS = 16
B = 128
BG = 128
NPAD = 10080
ROWS_PER_TILE = NPAD // NS


def _mm_body(h_ref, e_ref, wh_ref, we_ref, o0_ref, o1_ref):
    acc = jnp.dot(h_ref[...], wh_ref[...], preferred_element_type=jnp.float32)
    acc = acc + jnp.dot(e_ref[...], we_ref[...], preferred_element_type=jnp.float32)
    o0_ref[...] = acc[:, :HALF].astype(jnp.bfloat16)
    o1_ref[...] = acc[:, HALF:].astype(jnp.bfloat16)


def _fin_body(h0_ref, h1_ref, gx_ref, gy_ref, r0_ref, wri_ref, wro_ref,
              h_ref, rain_ref):
    v = jnp.dot(wro_ref[...], wri_ref[...], preferred_element_type=jnp.float32)
    hb = jnp.concatenate([h0_ref[...], h1_ref[...]], axis=1).astype(jnp.float32)
    h_ref[...] = hb
    hcat = jnp.concatenate([hb, gx_ref[...], gy_ref[...]], axis=1)
    r = lax.dot_general(hcat, v, (((1,), (1,)), ((), ())),
                        preferred_element_type=jnp.float32)
    rain_ref[...] = r0_ref[...] + r


def _make_sc_kernel(eh_per_tile, eg_per_tile, eg_seg):
    nbh = eh_per_tile // B
    nbg = eg_per_tile // BG
    assert nbh % 4 == 0 and nbh == 2 * nbg
    mesh = plsc.VectorSubcoreMesh(core_axis_name="c", subcore_axis_name="s",
                                  num_cores=NC, num_subcores=NS)
    f32 = jnp.float32

    @functools.partial(
        pl.kernel,
        out_type=[
            jax.ShapeDtypeStruct((NPAD, HALF), jnp.bfloat16),
            jax.ShapeDtypeStruct((NPAD, HALF), jnp.bfloat16),
            jax.ShapeDtypeStruct((NPAD, EF), f32),
            jax.ShapeDtypeStruct((NPAD, EF), f32),
        ],
        mesh=mesh,
        scratch_types=[
            pltpu.VMEM_SHARED((NPAD, HALF), jnp.bfloat16),
            pltpu.VMEM_SHARED((NPAD, EF), f32),
            [pltpu.VMEM((B,), jnp.int32)] * 2,
            [pltpu.VMEM((B,), jnp.int32)] * 2,
            [pltpu.VMEM((B, HALF), jnp.bfloat16)] * 2,
            [pltpu.VMEM((BG,), jnp.int32)] * 2,
            [pltpu.VMEM((BG,), jnp.int32)] * 2,
            [pltpu.VMEM((BG, EF), f32)] * 2,
            [pltpu.VMEM((BG, EF), f32)] * 2,
            [pltpu.VMEM((BG, EF), f32)] * 2,
            [pltpu.VMEM((BG,), f32)] * 2,
            [pltpu.SemaphoreType.DMA] * 2,
            [pltpu.SemaphoreType.DMA] * 2,
            [pltpu.SemaphoreType.DMA] * 2,
            [pltpu.SemaphoreType.DMA] * 2,
            [pltpu.SemaphoreType.DMA] * 2,
            [pltpu.SemaphoreType.DMA] * 2,
            [pltpu.SemaphoreType.DMA] * 2,
        ],
        compiler_params=pltpu.CompilerParams(use_tc_tiling_on_sc=False),
    )
    def sc_kernel(t0, t1, src_a, dst_a, w_a, ef, h0, h1, gx, gy,
                  acc_h, acc_g, idx_s, idx_d, rows, igs, igd, ga, gb, gs, wv,
                  gsem, g2sem, ssem, isem, ggsem, gssem, gisem):
        cid = lax.axis_index("c")
        sid = lax.axis_index("s")
        rb = sid * ROWS_PER_TILE

        def zero_rows(i, _):
            for j in range(HALF // 32):
                rows[0][i, pl.ds(j * 32, 32)] = jnp.zeros((32,), jnp.bfloat16)
            return 0

        def zero_rows_g(i, _):
            gs[0][i, :] = jnp.zeros((16,), f32)
            return 0

        lax.fori_loop(0, B, zero_rows, 0)
        lax.fori_loop(0, BG, zero_rows_g, 0)
        zc = ROWS_PER_TILE // 5
        for c in range(5):
            pltpu.sync_copy(rows[0].at[pl.ds(0, zc)],
                            acc_h.at[pl.ds(rb + c * zc, zc)])
        zg = ROWS_PER_TILE // 10
        for c in range(10):
            pltpu.sync_copy(gs[0].at[pl.ds(0, zg)],
                            acc_g.at[pl.ds(rb + c * zg, zg)])
        plsc.subcore_barrier()

        def run_core(t_ref, ebase):
            tb = sid * eh_per_tile
            tg = ebase + sid * eg_per_tile

            pltpu.sync_copy(src_a.at[pl.ds(tb, B)], idx_s[0])
            pltpu.sync_copy(dst_a.at[pl.ds(tb, B)], idx_d[0])
            pltpu.async_copy(t_ref.at[idx_s[0]], rows[0], gsem[0])
            pltpu.sync_copy(src_a.at[pl.ds(tg, BG)], igs[0])
            pltpu.sync_copy(dst_a.at[pl.ds(tg, BG)], igd[0])
            pltpu.sync_copy(w_a.at[pl.ds(tg, BG)], wv[0])
            pltpu.async_copy(ef.at[igs[0]], ga[0], ggsem[0])
            pltpu.async_copy(ef.at[igd[0]], gb[0], g2sem[0])

            def h_step(b, p):
                q = 1 - p
                offn = tb + (b + 1) * B

                @pl.when(b > 0)
                def _():
                    pltpu.make_async_copy(rows[q], acc_h.at[idx_d[q]],
                                          ssem[q]).wait()

                @pl.when(b + 1 < nbh)
                def _():
                    pltpu.async_copy(src_a.at[pl.ds(offn, B)], idx_s[q],
                                     isem[q])
                    pltpu.async_copy(dst_a.at[pl.ds(offn, B)], idx_d[q],
                                     isem[q])

                pltpu.make_async_copy(t_ref.at[idx_s[p]], rows[p],
                                      gsem[p]).wait()
                pltpu.async_copy(rows[p], acc_h.at[idx_d[p]], ssem[p],
                                 add=True)

                @pl.when(b + 1 < nbh)
                def _():
                    pltpu.make_async_copy(src_a.at[pl.ds(offn, B)],
                                          idx_s[q], isem[q]).wait()
                    pltpu.make_async_copy(dst_a.at[pl.ds(offn, B)],
                                          idx_d[q], isem[q]).wait()
                    pltpu.async_copy(t_ref.at[idx_s[q]], rows[q], gsem[q])

            def g_step(g, p):
                q = 1 - p
                offn = tg + (g + 1) * BG

                @pl.when(g > 0)
                def _():
                    pltpu.make_async_copy(gs[q], acc_g.at[igd[q]],
                                          gssem[q]).wait()

                @pl.when(g + 1 < nbg)
                def _():
                    pltpu.async_copy(src_a.at[pl.ds(offn, BG)], igs[q],
                                     gisem[q])
                    pltpu.async_copy(dst_a.at[pl.ds(offn, BG)], igd[q],
                                     gisem[q])
                    pltpu.async_copy(w_a.at[pl.ds(offn, BG)], wv[q],
                                     gisem[q])

                pltpu.make_async_copy(ef.at[igs[p]], ga[p], ggsem[p]).wait()
                pltpu.make_async_copy(ef.at[igd[p]], gb[p], g2sem[p]).wait()

                @pl.when(g + 1 < nbg)
                def _():
                    pltpu.make_async_copy(src_a.at[pl.ds(offn, BG)],
                                          igs[q], gisem[q]).wait()
                    pltpu.make_async_copy(dst_a.at[pl.ds(offn, BG)],
                                          igd[q], gisem[q]).wait()
                    pltpu.make_async_copy(w_a.at[pl.ds(offn, BG)],
                                          wv[q], gisem[q]).wait()
                    pltpu.async_copy(ef.at[igs[q]], ga[q], ggsem[q])
                    pltpu.async_copy(ef.at[igd[q]], gb[q], g2sem[q])

                def gbody(gg, _):
                    w16 = wv[p][pl.ds(gg * 16, 16)]
                    for j in range(16):
                        k = gg * 16 + j
                        wk = w16[j]
                        gs[p][k, :] = (ga[p][k, :] - gb[p][k, :]) * wk
                    return 0

                lax.fori_loop(0, BG // 16, gbody, 0)

                pltpu.async_copy(gs[p], acc_g.at[igd[p]], gssem[p],
                                 add=True)

            def body(b4, _):
                for pp in range(4):
                    h_step(b4 * 4 + pp, pp % 2)
                    if pp == 0:
                        g_step(b4 * 2, 0)
                    elif pp == 2:
                        g_step(b4 * 2 + 1, 1)
                return 0

            lax.fori_loop(0, nbh // 4, body, 0)
            pltpu.make_async_copy(rows[1], acc_h.at[idx_d[1]], ssem[1]).wait()
            pltpu.make_async_copy(gs[1], acc_g.at[igd[1]], gssem[1]).wait()

        @pl.when(cid == 0)
        def _():
            run_core(t0, 0)

        @pl.when(cid == 1)
        def _():
            run_core(t1, eg_seg)

        plsc.subcore_barrier()

        @pl.when(cid == 0)
        def _():
            pltpu.sync_copy(acc_h.at[pl.ds(rb, ROWS_PER_TILE)],
                            h0.at[pl.ds(rb, ROWS_PER_TILE)])
            pltpu.sync_copy(acc_g.at[pl.ds(rb, ROWS_PER_TILE)],
                            gx.at[pl.ds(rb, ROWS_PER_TILE)])

        @pl.when(cid == 1)
        def _():
            pltpu.sync_copy(acc_h.at[pl.ds(rb, ROWS_PER_TILE)],
                            h1.at[pl.ds(rb, ROWS_PER_TILE)])
            pltpu.sync_copy(acc_g.at[pl.ds(rb, ROWS_PER_TILE)],
                            gy.at[pl.ds(rb, ROWS_PER_TILE)])

    return sc_kernel


def kernel(edge_index_xx, edge_index_yy, w_xx, w_yy, h_feat, e_feat, rain0,
           W_t, W_ri, W_ro):
    i32, f32 = jnp.int32, jnp.float32
    e_cnt = edge_index_xx.shape[1]

    eg = ((e_cnt + NS * B - 1) // (NS * B)) * (NS * B)
    eg_pad = eg - e_cnt
    eh = 2 * eg
    eh_pad = eh - 2 * e_cnt

    sx = edge_index_xx[0].astype(i32)
    dx = edge_index_xx[1].astype(i32)
    sy = edge_index_yy[0].astype(i32)
    dy = edge_index_yy[1].astype(i32)
    zs = jnp.zeros((eg_pad,), i32)
    zf = jnp.zeros((eg_pad,), f32)
    dump = jnp.full((eg_pad,), N, i32)
    src_a = jnp.concatenate([sx, zs, sy, zs])
    dst_a = jnp.concatenate([dx, dump, dy, dump])
    w_a = jnp.concatenate([w_xx.astype(f32), zf, w_yy.astype(f32), zf])

    wh = W_t[:, :IN].T
    we = W_t[:, IN:].T
    r1 = 2000
    t0, t1 = pl.pallas_call(
        _mm_body,
        grid=(N // r1,),
        in_specs=[
            pl.BlockSpec((r1, IN), lambda i: (i, 0)),
            pl.BlockSpec((r1, EF), lambda i: (i, 0)),
            pl.BlockSpec((IN, OUT), lambda i: (0, 0)),
            pl.BlockSpec((EF, OUT), lambda i: (0, 0)),
        ],
        out_specs=[
            pl.BlockSpec((r1, HALF), lambda i: (i, 0)),
            pl.BlockSpec((r1, HALF), lambda i: (i, 0)),
        ],
        out_shape=[
            jax.ShapeDtypeStruct((N, HALF), jnp.bfloat16),
            jax.ShapeDtypeStruct((N, HALF), jnp.bfloat16),
        ],
    )(h_feat, e_feat, wh, we)

    sc = _make_sc_kernel(eh // NS, eg // NS, eg)
    h0, h1, gx, gy = sc(t0, t1, src_a, dst_a, w_a, e_feat)

    r3 = 2000
    h_out, rain = pl.pallas_call(
        _fin_body,
        grid=(N // r3,),
        in_specs=[
            pl.BlockSpec((r3, HALF), lambda i: (i, 0)),
            pl.BlockSpec((r3, HALF), lambda i: (i, 0)),
            pl.BlockSpec((r3, EF), lambda i: (i, 0)),
            pl.BlockSpec((r3, EF), lambda i: (i, 0)),
            pl.BlockSpec((r3, 1), lambda i: (i, 0)),
            pl.BlockSpec((OUT * 2, OUT + 2 * EF), lambda i: (0, 0)),
            pl.BlockSpec((1, OUT * 2), lambda i: (0, 0)),
        ],
        out_specs=[
            pl.BlockSpec((r3, OUT), lambda i: (i, 0)),
            pl.BlockSpec((r3, 1), lambda i: (i, 0)),
        ],
        out_shape=[
            jax.ShapeDtypeStruct((N, OUT), f32),
            jax.ShapeDtypeStruct((N, 1), f32),
        ],
    )(h0, h1, gx, gy, rain0.reshape(N, 1), W_ri, W_ro)

    return (rain, h_out)

# --- scband reference (transcript-rebuilt; emitter-appended) ---
"""Pipeline reference for scband-st-eiconv-spgrad-55662776156165 (READ-ONLY COPY).

The authoritative reference and input builder live on the scoring server;
editing this copy changes nothing except your own understanding.
"""

import jax, jax.numpy as jnp
import numpy as np

N = 10000
E = 80000
IN = 256
OUT = 256
EF = 16


def setup_inputs(seed: int = 0) -> dict:
    key = jax.random.key(seed)
    ks = jax.random.split(key, 12)
    h_feat = jax.random.normal(ks[0], (N, IN), dtype=jnp.float32)
    e_feat = jax.random.normal(ks[1], (N, EF), dtype=jnp.float32)
    rain0 = jax.random.normal(ks[2], (N,), dtype=jnp.float32)
    edge_index_xx = jax.random.randint(ks[3], (2, E), 0, N)
    edge_index_yy = jax.random.randint(ks[4], (2, E), 0, N)
    w_xx = jax.random.uniform(ks[5], (E,), dtype=jnp.float32)
    w_yy = jax.random.uniform(ks[6], (E,), dtype=jnp.float32)
    # Learned params (torch nn.Linear stores weight as [out_features, in_features])
    W_t = jax.random.normal(ks[7], (OUT, IN + EF), dtype=jnp.float32) * (1.0 / np.sqrt(IN + EF))
    W_ri = jax.random.normal(ks[8], (OUT * 2, OUT + EF * 2), dtype=jnp.float32) * (1.0 / np.sqrt(OUT + EF * 2))
    W_ro = jax.random.normal(ks[9], (1, OUT * 2), dtype=jnp.float32) * (1.0 / np.sqrt(OUT * 2))
    return {
        "edge_index_xx": edge_index_xx,
        "edge_index_yy": edge_index_yy,
        "w_xx": w_xx,
        "w_yy": w_yy,
        "h_feat": h_feat,
        "e_feat": e_feat,
        "rain0": rain0,
        "W_t": W_t,
        "W_ri": W_ri,
        "W_ro": W_ro,
    }


def reference(edge_index_xx, edge_index_yy, w_xx, w_yy, h_feat, e_feat, rain0, W_t, W_ri, W_ro):
    # transform_h(concat(h, e))
    cat = jnp.concatenate([h_feat, e_feat], axis=1)
    trans = cat @ W_t.T  # [N, OUT]  (activation_edge is None)

    src_x, dst_x = edge_index_xx[0], edge_index_xx[1]
    src_y, dst_y = edge_index_yy[0], edge_index_yy[1]

    # update_all(copy_u, sum) per etype
    h_x = jax.ops.segment_sum(jnp.take(trans, src_x, axis=0), dst_x, num_segments=N)
    h_y = jax.ops.segment_sum(jnp.take(trans, src_y, axis=0), dst_y, num_segments=N)
    h = h_x + h_y  # activation is None

    # out_on=True path: dif_Es_Ed = w * (e_src - e_dst), scatter-sum to dst
    dif_x = w_xx[:, None] * (jnp.take(e_feat, src_x, axis=0) - jnp.take(e_feat, dst_x, axis=0))
    dif_y = w_yy[:, None] * (jnp.take(e_feat, src_y, axis=0) - jnp.take(e_feat, dst_y, axis=0))
    grad_x = jax.ops.segment_sum(dif_x, dst_x, num_segments=N)
    grad_y = jax.ops.segment_sum(dif_y, dst_y, num_segments=N)

    h_cat = jnp.concatenate([h, grad_x, grad_y], axis=1)
    rain_h = h_cat @ W_ri.T  # activation_edge is None
    rainfall_modified = rain_h @ W_ro.T  # [N, 1]
    # error_mode=True
    rainfall_modified = rain0.reshape(-1, 1) + rainfall_modified
    return (rainfall_modified, h)

if __name__ == "__main__":
    import jax
    _d = setup_inputs()
    print(jax.jit(kernel)(*tuple(_d.values())))

</pallas_src>

<mosaic_0001>
#map = affine_map<(d0, d1) -> (0, 0)>
#map1 = affine_map<(d0, d1) -> (0)>
module attributes {stable_mosaic.version = 14 : i64} {
  func.func @sc_kernel(%arg0: i32, %arg1: i32, %arg2: memref<10000x128xbf16, #tpu.memory_space<hbm>>, %arg3: memref<10000x128xbf16, #tpu.memory_space<hbm>>, %arg4: memref<163840xi32, #tpu.memory_space<hbm>>, %arg5: memref<163840xi32, #tpu.memory_space<hbm>>, %arg6: memref<163840xf32, #tpu.memory_space<hbm>>, %arg7: memref<10000x16xf32, #tpu.memory_space<hbm>>, %arg8: memref<10080x128xbf16, #tpu.memory_space<hbm>>, %arg9: memref<10080x128xbf16, #tpu.memory_space<hbm>>, %arg10: memref<10080x16xf32, #tpu.memory_space<hbm>>, %arg11: memref<10080x16xf32, #tpu.memory_space<hbm>>, %arg12: memref<10080x128xbf16, #tpu.memory_space<vmem_shared>>, %arg13: memref<10080x16xf32, #tpu.memory_space<vmem_shared>>, %arg14: memref<128xi32, #tpu.memory_space<vmem>>, %arg15: memref<128xi32, #tpu.memory_space<vmem>>, %arg16: memref<128xi32, #tpu.memory_space<vmem>>, %arg17: memref<128xi32, #tpu.memory_space<vmem>>, %arg18: memref<128x128xbf16, #tpu.memory_space<vmem>>, %arg19: memref<128x128xbf16, #tpu.memory_space<vmem>>, %arg20: memref<128xi32, #tpu.memory_space<vmem>>, %arg21: memref<128xi32, #tpu.memory_space<vmem>>, %arg22: memref<128xi32, #tpu.memory_space<vmem>>, %arg23: memref<128xi32, #tpu.memory_space<vmem>>, %arg24: memref<128x16xf32, #tpu.memory_space<vmem>>, %arg25: memref<128x16xf32, #tpu.memory_space<vmem>>, %arg26: memref<128x16xf32, #tpu.memory_space<vmem>>, %arg27: memref<128x16xf32, #tpu.memory_space<vmem>>, %arg28: memref<128x16xf32, #tpu.memory_space<vmem>>, %arg29: memref<128x16xf32, #tpu.memory_space<vmem>>, %arg30: memref<128xf32, #tpu.memory_space<vmem>>, %arg31: memref<128xf32, #tpu.memory_space<vmem>>, %arg32: memref<!tpu.dma_semaphore, #tpu.memory_space<semaphore_mem>>, %arg33: memref<!tpu.dma_semaphore, #tpu.memory_space<semaphore_mem>>, %arg34: memref<!tpu.dma_semaphore, #tpu.memory_space<semaphore_mem>>, %arg35: memref<!tpu.dma_semaphore, #tpu.memory_space<semaphore_mem>>, %arg36: memref<!tpu.dma_semaphore, #tpu.memory_space<semaphore_mem>>, %arg37: memref<!tpu.dma_semaphore, #tpu.memory_space<semaphore_mem>>, %arg38: memref<!tpu.dma_semaphore, #tpu.memory_space<semaphore_mem>>, %arg39: memref<!tpu.dma_semaphore, #tpu.memory_space<semaphore_mem>>, %arg40: memref<!tpu.dma_semaphore, #tpu.memory_space<semaphore_mem>>, %arg41: memref<!tpu.dma_semaphore, #tpu.memory_space<semaphore_mem>>, %arg42: memref<!tpu.dma_semaphore, #tpu.memory_space<semaphore_mem>>, %arg43: memref<!tpu.dma_semaphore, #tpu.memory_space<semaphore_mem>>, %arg44: memref<!tpu.dma_semaphore, #tpu.memory_space<semaphore_mem>>, %arg45: memref<!tpu.dma_semaphore, #tpu.memory_space<semaphore_mem>>) attributes {dimension_semantics = [#tpu.dimension_semantics<core_parallel>, #tpu.dimension_semantics<subcore_parallel>], iteration_bounds = array<i64: 2, 16>, scalar_prefetch = 0 : i64, scratch_operands = 34 : i64, tpu.core_type = #tpu.core_type<sc_vector_subcore>, window_params = [{transform_indices = #map}, {transform_indices = #map}, {transform_indices = #map1}, {transform_indices = #map1}, {transform_indices = #map1}, {transform_indices = #map}, {transform_indices = #map}, {transform_indices = #map}, {transform_indices = #map}, {transform_indices = #map}]} {
    %mul3A = arith.constant 630 : i32
    %mul3A_0 = arith.muli %arg1, %mul3A : i32
    %scan3A = arith.constant 0 : i32
    %scan3A_1 = arith.constant 0 : i32
    %scan3A_2 = arith.constant 128 : i32
    %scan3A_3 = arith.addi %scan3A_1, %scan3A_2 : i32
    %scan3A_4 = arith.constant 1 : i32
    %scan3A_5 = scf.for %scan3A_61 = %scan3A_1 to %scan3A_3 step %scan3A_4 iter_args(%scan3A_62 = %scan3A) -> (i32)  : i32 {
      %broadcast_in_dim3A = arith.constant 0.000000e+00 : bf16
      %broadcast_in_dim3A_63 = vector.broadcast %broadcast_in_dim3A : bf16 to vector<32xbf16>
      %swap3A = arith.index_cast %scan3A_61 : i32 to index
      %swap3A_64 = arith.constant 0 : index
      %swap3A_65 = tpu.vector_load %arg18[%swap3A, %swap3A_64] {strides = array<i32>} : memref<128x128xbf16, #tpu.memory_space<vmem>>, vector<1x32xbf16>,
      %swap3A_66 = vector.shape_cast %swap3A_65 : vector<1x32xbf16> to vector<32xbf16>
      %swap3A_67 = vector.shape_cast %broadcast_in_dim3A_63 : vector<32xbf16> to vector<1x32xbf16>
      tpu.vector_store %arg18[%swap3A, %swap3A_64], %swap3A_67 {strides = array<i32>} : memref<128x128xbf16, #tpu.memory_space<vmem>>, vector<1x32xbf16>,
      %broadcast_in_dim3A_68 = arith.constant 0.000000e+00 : bf16
      %broadcast_in_dim3A_69 = vector.broadcast %broadcast_in_dim3A_68 : bf16 to vector<32xbf16>
      %swap3A_70 = arith.index_cast %scan3A_61 : i32 to index
      %swap3A_71 = arith.constant 32 : index
      %swap3A_72 = tpu.vector_load %arg18[%swap3A_70, %swap3A_71] {strides = array<i32>} : memref<128x128xbf16, #tpu.memory_space<vmem>>, vector<1x32xbf16>,
      %swap3A_73 = vector.shape_cast %swap3A_72 : vector<1x32xbf16> to vector<32xbf16>
      %swap3A_74 = vector.shape_cast %broadcast_in_dim3A_69 : vector<32xbf16> to vector<1x32xbf16>
      tpu.vector_store %arg18[%swap3A_70, %swap3A_71], %swap3A_74 {strides = array<i32>} : memref<128x128xbf16, #tpu.memory_space<vmem>>, vector<1x32xbf16>,
      %broadcast_in_dim3A_75 = arith.constant 0.000000e+00 : bf16
      %broadcast_in_dim3A_76 = vector.broadcast %broadcast_in_dim3A_75 : bf16 to vector<32xbf16>
      %swap3A_77 = arith.index_cast %scan3A_61 : i32 to index
      %swap3A_78 = arith.constant 64 : index
      %swap3A_79 = tpu.vector_load %arg18[%swap3A_77, %swap3A_78] {strides = array<i32>} : memref<128x128xbf16, #tpu.memory_space<vmem>>, vector<1x32xbf16>,
      %swap3A_80 = vector.shape_cast %swap3A_79 : vector<1x32xbf16> to vector<32xbf16>
      %swap3A_81 = vector.shape_cast %broadcast_in_dim3A_76 : vector<32xbf16> to vector<1x32xbf16>
      tpu.vector_store %arg18[%swap3A_77, %swap3A_78], %swap3A_81 {strides = array<i32>} : memref<128x128xbf16, #tpu.memory_space<vmem>>, vector<1x32xbf16>,
      %broadcast_in_dim3A_82 = arith.constant 0.000000e+00 : bf16
      %broadcast_in_dim3A_83 = vector.broadcast %broadcast_in_dim3A_82 : bf16 to vector<32xbf16>
      %swap3A_84 = arith.index_cast %scan3A_61 : i32 to index
      %swap3A_85 = arith.constant 96 : index
      %swap3A_86 = tpu.vector_load %arg18[%swap3A_84, %swap3A_85] {strides = array<i32>} : memref<128x128xbf16, #tpu.memory_space<vmem>>, vector<1x32xbf16>,
      %swap3A_87 = vector.shape_cast %swap3A_86 : vector<1x32xbf16> to vector<32xbf16>
      %swap3A_88 = vector.shape_cast %broadcast_in_dim3A_83 : vector<32xbf16> to vector<1x32xbf16>
      tpu.vector_store %arg18[%swap3A_84, %swap3A_85], %swap3A_88 {strides = array<i32>} : memref<128x128xbf16, #tpu.memory_space<vmem>>, vector<1x32xbf16>,
      %scan3A_89 = arith.constant 0 : i32
      scf.yield %scan3A_89 : i32
    }
    %scan3A_6 = arith.constant 128 : i32
    %scan3A_7 = arith.constant 0 : i32
    %scan3A_8 = arith.constant 0 : i32
    %scan3A_9 = arith.constant 128 : i32
    %scan3A_10 = arith.addi %scan3A_8, %scan3A_9 : i32
    %scan3A_11 = arith.constant 1 : i32
    %scan3A_12 = scf.for %scan3A_61 = %scan3A_8 to %scan3A_10 step %scan3A_11 iter_args(%scan3A_62 = %scan3A_7) -> (i32)  : i32 {
      %broadcast_in_dim3A = arith.constant 0.000000e+00 : f32
      %broadcast_in_dim3A_63 = vector.broadcast %broadcast_in_dim3A : f32 to vector<16xf32>
      %swap3A = arith.index_cast %scan3A_61 : i32 to index
      %swap3A_64 = arith.constant 0 : index
      %swap3A_65 = tpu.vector_load %arg28[%swap3A, %swap3A_64] {strides = array<i32>} : memref<128x16xf32, #tpu.memory_space<vmem>>, vector<1x16xf32>,
      %swap3A_66 = vector.shape_cast %swap3A_65 : vector<1x16xf32> to vector<16xf32>
      %swap3A_67 = vector.shape_cast %broadcast_in_dim3A_63 : vector<16xf32> to vector<1x16xf32>
      tpu.vector_store %arg28[%swap3A, %swap3A_64], %swap3A_67 {strides = array<i32>} : memref<128x16xf32, #tpu.memory_space<vmem>>, vector<1x16xf32>,
      %scan3A_68 = arith.constant 0 : i32
      scf.yield %scan3A_68 : i32
    }
    %scan3A_13 = arith.constant 128 : i32
    %add3A = arith.constant 0 : i32
    %add3A_14 = arith.addi %mul3A_0, %add3A : i32
    "tpu.region"() ({
      %run_scoped3A = tpu.sem_alloc : memref<!tpu.dma_semaphore, #tpu.memory_space<semaphore_mem>>
      %dma_start3A = arith.constant 0 : i32
      %dma_start3A_61 = arith.constant 0 : i32
      %dma_start3A_62 = tpu.memref_slice %arg18[%dma_start3A, %dma_start3A_61] : memref<128x128xbf16, #tpu.memory_space<vmem>> -> memref<126x128xbf16, #tpu.memory_space<vmem>>
      %dma_start3A_63 = arith.constant 0 : i32
      %dma_start3A_64 = tpu.memref_slice %arg12[%add3A_14, %dma_start3A_63] : memref<10080x128xbf16, #tpu.memory_space<vmem_shared>> -> memref<126x128xbf16, #tpu.memory_space<vmem_shared>>
      %dma_start3A_65 = arith.constant 0 : i32
      %dma_start3A_66 = tpu.memref_slice %arg12[%add3A_14, %dma_start3A_65] : memref<10080x128xbf16, #tpu.memory_space<vmem_shared>> -> memref<126x128xbf16, #tpu.memory_space<vmem_shared>>
      %dma_start3A_67 = arith.constant 0 : i32
      %dma_start3A_68 = arith.constant 0 : i32
      %dma_start3A_69 = tpu.memref_slice %arg18[%dma_start3A_67, %dma_start3A_68] : memref<128x128xbf16, #tpu.memory_space<vmem>> -> memref<126x128xbf16, #tpu.memory_space<vmem>>
      tpu.enqueue_dma source(%dma_start3A_69 : memref<126x128xbf16, #tpu.memory_space<vmem>>) target(%dma_start3A_66 : memref<126x128xbf16, #tpu.memory_space<vmem_shared>>) target_semaphore(%run_scoped3A : memref<!tpu.dma_semaphore, #tpu.memory_space<semaphore_mem>>)
      %dma_wait3A = arith.constant 0 : i32
      %dma_wait3A_70 = arith.constant 0 : i32
      %dma_wait3A_71 = tpu.memref_slice %arg18[%dma_wait3A, %dma_wait3A_70] : memref<128x128xbf16, #tpu.memory_space<vmem>> -> memref<126x128xbf16, #tpu.memory_space<vmem>>
      %dma_wait3A_72 = arith.constant 0 : i32
      %dma_wait3A_73 = tpu.memref_slice %arg12[%add3A_14, %dma_wait3A_72] : memref<10080x128xbf16, #tpu.memory_space<vmem_shared>> -> memref<126x128xbf16, #tpu.memory_space<vmem_shared>>
      %dma_wait3A_74 = arith.constant 0 : i32
      %dma_wait3A_75 = tpu.memref_slice %arg12[%add3A_14, %dma_wait3A_74] : memref<10080x128xbf16, #tpu.memory_space<vmem_shared>> -> memref<126x128xbf16, #tpu.memory_space<vmem_shared>>
      %dma_wait3A_76 = arith.constant 0 : i32
      %dma_wait3A_77 = arith.constant 0 : i32
      %dma_wait3A_78 = tpu.memref_slice %arg18[%dma_wait3A_76, %dma_wait3A_77] : memref<128x128xbf16, #tpu.memory_space<vmem>> -> memref<126x128xbf16, #tpu.memory_space<vmem>>
      tpu.wait_dma2 semaphore(%run_scoped3A : memref<!tpu.dma_semaphore, #tpu.memory_space<semaphore_mem>>) src(%dma_wait3A_78 : memref<126x128xbf16, #tpu.memory_space<vmem>>) dst(%dma_wait3A_75 : memref<126x128xbf16, #tpu.memory_space<vmem_shared>>)
      tpu.yield
    }) : () -> ()
    %add3A_15 = arith.constant 126 : i32
    %add3A_16 = arith.addi %mul3A_0, %add3A_15 : i32
    "tpu.region"() ({
      %run_scoped3A = tpu.sem_alloc : memref<!tpu.dma_semaphore, #tpu.memory_space<semaphore_mem>>
      %dma_start3A = arith.constant 0 : i32
      %dma_start3A_61 = arith.constant 0 : i32
      %dma_start3A_62 = tpu.memref_slice %arg18[%dma_start3A, %dma_start3A_61] : memref<128x128xbf16, #tpu.memory_space<vmem>> -> memref<126x128xbf16, #tpu.memory_space<vmem>>
      %dma_start3A_63 = arith.constant 0 : i32
      %dma_start3A_64 = tpu.memref_slice %arg12[%add3A_16, %dma_start3A_63] : memref<10080x128xbf16, #tpu.memory_space<vmem_shared>> -> memref<126x128xbf16, #tpu.memory_space<vmem_shared>>
      %dma_start3A_65 = arith.constant 0 : i32
      %dma_start3A_66 = tpu.memref_slice %arg12[%add3A_16, %dma_start3A_65] : memref<10080x128xbf16, #tpu.memory_space<vmem_shared>> -> memref<126x128xbf16, #tpu.memory_space<vmem_shared>>
      %dma_start3A_67 = arith.constant 0 : i32
      %dma_start3A_68 = arith.constant 0 : i32
      %dma_start3A_69 = tpu.memref_slice %arg18[%dma_start3A_67, %dma_start3A_68] : memref<128x128xbf16, #tpu.memory_space<vmem>> -> memref<126x128xbf16, #tpu.memory_space<vmem>>
      tpu.enqueue_dma source(%dma_start3A_69 : memref<126x128xbf16, #tpu.memory_space<vmem>>) target(%dma_start3A_66 : memref<126x128xbf16, #tpu.memory_space<vmem_shared>>) target_semaphore(%run_scoped3A : memref<!tpu.dma_semaphore, #tpu.memory_space<semaphore_mem>>)
      %dma_wait3A = arith.constant 0 : i32
      %dma_wait3A_70 = arith.constant 0 : i32
      %dma_wait3A_71 = tpu.memref_slice %arg18[%dma_wait3A, %dma_wait3A_70] : memref<128x128xbf16, #tpu.memory_space<vmem>> -> memref<126x128xbf16, #tpu.memory_space<vmem>>
      %dma_wait3A_72 = arith.constant 0 : i32
      %dma_wait3A_73 = tpu.memref_slice %arg12[%add3A_16, %dma_wait3A_72] : memref<10080x128xbf16, #tpu.memory_space<vmem_shared>> -> memref<126x128xbf16, #tpu.memory_space<vmem_shared>>
      %dma_wait3A_74 = arith.constant 0 : i32
      %dma_wait3A_75 = tpu.memref_slice %arg12[%add3A_16, %dma_wait3A_74] : memref<10080x128xbf16, #tpu.memory_space<vmem_shared>> -> memref<126x128xbf16, #tpu.memory_space<vmem_shared>>
      %dma_wait3A_76 = arith.constant 0 : i32
      %dma_wait3A_77 = arith.constant 0 : i32
      %dma_wait3A_78 = tpu.memref_slice %arg18[%dma_wait3A_76, %dma_wait3A_77] : memref<128x128xbf16, #tpu.memory_space<vmem>> -> memref<126x128xbf16, #tpu.memory_space<vmem>>
      tpu.wait_dma2 semaphore(%run_scoped3A : memref<!tpu.dma_semaphore, #tpu.memory_space<semaphore_mem>>) src(%dma_wait3A_78 : memref<126x128xbf16, #tpu.memory_space<vmem>>) dst(%dma_wait3A_75 : memref<126x128xbf16, #tpu.memory_space<vmem_shared>>)
      tpu.yield
    }) : () -> ()
    %add3A_17 = arith.constant 252 : i32
    %add3A_18 = arith.addi %mul3A_0, %add3A_17 : i32
    "tpu.region"() ({
      %run_scoped3A = tpu.sem_alloc : memref<!tpu.dma_semaphore, #tpu.memory_space<semaphore_mem>>
      %dma_start3A = arith.constant 0 : i32
      %dma_start3A_61 = arith.constant 0 : i32
      %dma_start3A_62 = tpu.memref_slice %arg18[%dma_start3A, %dma_start3A_61] : memref<128x128xbf16, #tpu.memory_space<vmem>> -> memref<126x128xbf16, #tpu.memory_space<vmem>>
      %dma_start3A_63 = arith.constant 0 : i32
      %dma_start3A_64 = tpu.memref_slice %arg12[%add3A_18, %dma_start3A_63] : memref<10080x128xbf16, #tpu.memory_space<vmem_shared>> -> memref<126x128xbf16, #tpu.memory_space<vmem_shared>>
      %dma_start3A_65 = arith.constant 0 : i32
      %dma_start3A_66 = tpu.memref_slice %arg12[%add3A_18, %dma_start3A_65] : memref<10080x128xbf16, #tpu.memory_space<vmem_shared>> -> memref<126x128xbf16, #tpu.memory_space<vmem_shared>>
      %dma_start3A_67 = arith.constant 0 : i32
      %dma_start3A_68 = arith.constant 0 : i32
      %dma_start3A_69 = tpu.memref_slice %arg18[%dma_start3A_67, %dma_start3A_68] : memref<128x128xbf16, #tpu.memory_space<vmem>> -> memref<126x128xbf16, #tpu.memory_space<vmem>>
      tpu.enqueue_dma source(%dma_start3A_69 : memref<126x128xbf16, #tpu.memory_space<vmem>>) target(%dma_start3A_66 : memref<126x128xbf16, #tpu.memory_space<vmem_shared>>) target_semaphore(%run_scoped3A : memref<!tpu.dma_semaphore, #tpu.memory_space<semaphore_mem>>)
      %dma_wait3A = arith.constant 0 : i32
      %dma_wait3A_70 = arith.constant 0 : i32
      %dma_wait3A_71 = tpu.memref_slice %arg18[%dma_wait3A, %dma_wait3A_70] : memref<128x128xbf16, #tpu.memory_space<vmem>> -> memref<126x128xbf16, #tpu.memory_space<vmem>>
      %dma_wait3A_72 = arith.constant 0 : i32
      %dma_wait3A_73 = tpu.memref_slice %arg12[%add3A_18, %dma_wait3A_72] : memref<10080x128xbf16, #tpu.memory_space<vmem_shared>> -> memref<126x128xbf16, #tpu.memory_space<vmem_shared>>
      %dma_wait3A_74 = arith.constant 0 : i32
      %dma_wait3A_75 = tpu.memref_slice %arg12[%add3A_18, %dma_wait3A_74] : memref<10080x128xbf16, #tpu.memory_space<vmem_shared>> -> memref<126x128xbf16, #tpu.memory_space<vmem_shared>>
      %dma_wait3A_76 = arith.constant 0 : i32
      %dma_wait3A_77 = arith.constant 0 : i32
      %dma_wait3A_78 = tpu.memref_slice %arg18[%dma_wait3A_76, %dma_wait3A_77] : memref<128x128xbf16, #tpu.memory_space<vmem>> -> memref<126x128xbf16, #tpu.memory_space<vmem>>
      tpu.wait_dma2 semaphore(%run_scoped3A : memref<!tpu.dma_semaphore, #tpu.memory_space<semaphore_mem>>) src(%dma_wait3A_78 : memref<126x128xbf16, #tpu.memory_space<vmem>>) dst(%dma_wait3A_75 : memref<126x128xbf16, #tpu.memory_space<vmem_shared>>)
      tpu.yield
    }) : () -> ()
    %add3A_19 = arith.constant 378 : i32
    %add3A_20 = arith.addi %mul3A_0, %add3A_19 : i32
    "tpu.region"() ({
      %run_scoped3A = tpu.sem_alloc : memref<!tpu.dma_semaphore, #tpu.memory_space<semaphore_mem>>
      %dma_start3A = arith.constant 0 : i32
      %dma_start3A_61 = arith.constant 0 : i32
      %dma_start3A_62 = tpu.memref_slice %arg18[%dma_start3A, %dma_start3A_61] : memref<128x128xbf16, #tpu.memory_space<vmem>> -> memref<126x128xbf16, #tpu.memory_space<vmem>>
      %dma_start3A_63 = arith.constant 0 : i32
      %dma_start3A_64 = tpu.memref_slice %arg12[%add3A_20, %dma_start3A_63] : memref<10080x128xbf16, #tpu.memory_space<vmem_shared>> -> memref<126x128xbf16, #tpu.memory_space<vmem_shared>>
      %dma_start3A_65 = arith.constant 0 : i32
      %dma_start3A_66 = tpu.memref_slice %arg12[%add3A_20, %dma_start3A_65] : memref<10080x128xbf16, #tpu.memory_space<vmem_shared>> -> memref<126x128xbf16, #tpu.memory_space<vmem_shared>>
      %dma_start3A_67 = arith.constant 0 : i32
      %dma_start3A_68 = arith.constant 0 : i32
      %dma_start3A_69 = tpu.memref_slice %arg18[%dma_start3A_67, %dma_start3A_68] : memref<128x128xbf16, #tpu.memory_space<vmem>> -> memref<126x128xbf16, #tpu.memory_space<vmem>>
      tpu.enqueue_dma source(%dma_start3A_69 : memref<126x128xbf16, #tpu.memory_space<vmem>>) target(%dma_start3A_66 : memref<126x128xbf16, #tpu.memory_space<vmem_shared>>) target_semaphore(%run_scoped3A : memref<!tpu.dma_semaphore, #tpu.memory_space<semaphore_mem>>)
      %dma_wait3A = arith.constant 0 : i32
      %dma_wait3A_70 = arith.constant 0 : i32
      %dma_wait3A_71 = tpu.memref_slice %arg18[%dma_wait3A, %dma_wait3A_70] : memref<128x128xbf16, #tpu.memory_space<vmem>> -> memref<126x128xbf16, #tpu.memory_space<vmem>>
      %dma_wait3A_72 = arith.constant 0 : i32
      %dma_wait3A_73 = tpu.memref_slice %arg12[%add3A_20, %dma_wait3A_72] : memref<10080x128xbf16, #tpu.memory_space<vmem_shared>> -> memref<126x128xbf16, #tpu.memory_space<vmem_shared>>
      %dma_wait3A_74 = arith.constant 0 : i32
      %dma_wait3A_75 = tpu.memref_slice %arg12[%add3A_20, %dma_wait3A_74] : memref<10080x128xbf16, #tpu.memory_space<vmem_shared>> -> memref<126x128xbf16, #tpu.memory_space<vmem_shared>>
      %dma_wait3A_76 = arith.constant 0 : i32
      %dma_wait3A_77 = arith.constant 0 : i32
      %dma_wait3A_78 = tpu.memref_slice %arg18[%dma_wait3A_76, %dma_wait3A_77] : memref<128x128xbf16, #tpu.memory_space<vmem>> -> memref<126x128xbf16, #tpu.memory_space<vmem>>
      tpu.wait_dma2 semaphore(%run_scoped3A : memref<!tpu.dma_semaphore, #tpu.memory_space<semaphore_mem>>) src(%dma_wait3A_78 : memref<126x128xbf16, #tpu.memory_space<vmem>>) dst(%dma_wait3A_75 : memref<126x128xbf16, #tpu.memory_space<vmem_shared>>)
      tpu.yield
    }) : () -> ()
    %add3A_21 = arith.constant 504 : i32
    %add3A_22 = arith.addi %mul3A_0, %add3A_21 : i32
    "tpu.region"() ({
      %run_scoped3A = tpu.sem_alloc : memref<!tpu.dma_semaphore, #tpu.memory_space<semaphore_mem>>
      %dma_start3A = arith.constant 0 : i32
      %dma_start3A_61 = arith.constant 0 : i32
      %dma_start3A_62 = tpu.memref_slice %arg18[%dma_start3A, %dma_start3A_61] : memref<128x128xbf16, #tpu.memory_space<vmem>> -> memref<126x128xbf16, #tpu.memory_space<vmem>>
      %dma_start3A_63 = arith.constant 0 : i32
      %dma_start3A_64 = tpu.memref_slice %arg12[%add3A_22, %dma_start3A_63] : memref<10080x128xbf16, #tpu.memory_space<vmem_shared>> -> memref<126x128xbf16, #tpu.memory_space<vmem_shared>>
      %dma_start3A_65 = arith.constant 0 : i32
      %dma_start3A_66 = tpu.memref_slice %arg12[%add3A_22, %dma_start3A_65] : memref<10080x128xbf16, #tpu.memory_space<vmem_shared>> -> memref<126x128xbf16, #tpu.memory_space<vmem_shared>>
      %dma_start3A_67 = arith.constant 0 : i32
      %dma_start3A_68 = arith.constant 0 : i32
      %dma_start3A_69 = tpu.memref_slice %arg18[%dma_start3A_67, %dma_start3A_68] : memref<128x128xbf16, #tpu.memory_space<vmem>> -> memref<126x128xbf16, #tpu.memory_space<vmem>>
      tpu.enqueue_dma source(%dma_start3A_69 : memref<126x128xbf16, #tpu.memory_space<vmem>>) target(%dma_start3A_66 : memref<126x128xbf16, #tpu.memory_space<vmem_shared>>) target_semaphore(%run_scoped3A : memref<!tpu.dma_semaphore, #tpu.memory_space<semaphore_mem>>)
      %dma_wait3A = arith.constant 0 : i32
      %dma_wait3A_70 = arith.constant 0 : i32
      %dma_wait3A_71 = tpu.memref_slice %arg18[%dma_wait3A, %dma_wait3A_70] : memref<128x128xbf16, #tpu.memory_space<vmem>> -> memref<126x128xbf16, #tpu.memory_space<vmem>>
      %dma_wait3A_72 = arith.constant 0 : i32
      %dma_wait3A_73 = tpu.memref_slice %arg12[%add3A_22, %dma_wait3A_72] : memref<10080x128xbf16, #tpu.memory_space<vmem_shared>> -> memref<126x128xbf16, #tpu.memory_space<vmem_shared>>
      %dma_wait3A_74 = arith.constant 0 : i32
      %dma_wait3A_75 = tpu.memref_slice %arg12[%add3A_22, %dma_wait3A_74] : memref<10080x128xbf16, #tpu.memory_space<vmem_shared>> -> memref<126x128xbf16, #tpu.memory_space<vmem_shared>>
      %dma_wait3A_76 = arith.constant 0 : i32
      %dma_wait3A_77 = arith.constant 0 : i32
      %dma_wait3A_78 = tpu.memref_slice %arg18[%dma_wait3A_76, %dma_wait3A_77] : memref<128x128xbf16, #tpu.memory_space<vmem>> -> memref<126x128xbf16, #tpu.memory_space<vmem>>
      tpu.wait_dma2 semaphore(%run_scoped3A : memref<!tpu.dma_semaphore, #tpu.memory_space<semaphore_mem>>) src(%dma_wait3A_78 : memref<126x128xbf16, #tpu.memory_space<vmem>>) dst(%dma_wait3A_75 : memref<126x128xbf16, #tpu.memory_space<vmem_shared>>)
      tpu.yield
    }) : () -> ()
    %add3A_23 = arith.constant 0 : i32
    %add3A_24 = arith.addi %mul3A_0, %add3A_23 : i32
    "tpu.region"() ({
      %run_scoped3A = tpu.sem_alloc : memref<!tpu.dma_semaphore, #tpu.memory_space<semaphore_mem>>
      %dma_start3A = arith.constant 0 : i32
      %dma_start3A_61 = arith.constant 0 : i32
      %dma_start3A_62 = tpu.memref_slice %arg28[%dma_start3A, %dma_start3A_61] : memref<128x16xf32, #tpu.memory_space<vmem>> -> memref<63x16xf32, #tpu.memory_space<vmem>>
      %dma_start3A_63 = arith.constant 0 : i32
      %dma_start3A_64 = tpu.memref_slice %arg13[%add3A_24, %dma_start3A_63] : memref<10080x16xf32, #tpu.memory_space<vmem_shared>> -> memref<63x16xf32, #tpu.memory_space<vmem_shared>>
      %dma_start3A_65 = arith.constant 0 : i32
      %dma_start3A_66 = tpu.memref_slice %arg13[%add3A_24, %dma_start3A_65] : memref<10080x16xf32, #tpu.memory_space<vmem_shared>> -> memref<63x16xf32, #tpu.memory_space<vmem_shared>>
      %dma_start3A_67 = arith.constant 0 : i32
      %dma_start3A_68 = arith.constant 0 : i32
      %dma_start3A_69 = tpu.memref_slice %arg28[%dma_start3A_67, %dma_start3A_68] : memref<128x16xf32, #tpu.memory_space<vmem>> -> memref<63x16xf32, #tpu.memory_space<vmem>>
      tpu.enqueue_dma source(%dma_start3A_69 : memref<63x16xf32, #tpu.memory_space<vmem>>) target(%dma_start3A_66 : memref<63x16xf32, #tpu.memory_space<vmem_shared>>) target_semaphore(%run_scoped3A : memref<!tpu.dma_semaphore, #tpu.memory_space<semaphore_mem>>)
      %dma_wait3A = arith.constant 0 : i32
      %dma_wait3A_70 = arith.constant 0 : i32
      %dma_wait3A_71 = tpu.memref_slice %arg28[%dma_wait3A, %dma_wait3A_70] : memref<128x16xf32, #tpu.memory_space<vmem>> -> memref<63x16xf32, #tpu.memory_space<vmem>>
      %dma_wait3A_72 = arith.constant 0 : i32
      %dma_wait3A_73 = tpu.memref_slice %arg13[%add3A_24, %dma_wait3A_72] : memref<10080x16xf32, #tpu.memory_space<vmem_shared>> -> memref<63x16xf32, #tpu.memory_space<vmem_shared>>
      %dma_wait3A_74 = arith.constant 0 : i32
      %dma_wait3A_75 = tpu.memref_slice %arg13[%add3A_24, %dma_wait3A_74] : memref<10080x16xf32, #tpu.memory_space<vmem_shared>> -> memref<63x16xf32, #tpu.memory_space<vmem_shared>>
      %dma_wait3A_76 = arith.constant 0 : i32
      %dma_wait3A_77 = arith.constant 0 : i32
      %dma_wait3A_78 = tpu.memref_slice %arg28[%dma_wait3A_76, %dma_wait3A_77] : memref<128x16xf32, #tpu.memory_space<vmem>> -> memref<63x16xf32, #tpu.memory_space<vmem>>
      tpu.wait_dma2 semaphore(%run_scoped3A : memref<!tpu.dma_semaphore, #tpu.memory_space<semaphore_mem>>) src(%dma_wait3A_78 : memref<63x16xf32, #tpu.memory_space<vmem>>) dst(%dma_wait3A_75 : memref<63x16xf32, #tpu.memory_space<vmem_shared>>)
      tpu.yield
    }) : () -> ()
    %add3A_25 = arith.constant 63 : i32
    %add3A_26 = arith.addi %mul3A_0, %add3A_25 : i32
    "tpu.region"() ({
      %run_scoped3A = tpu.sem_alloc : memref<!tpu.dma_semaphore, #tpu.memory_space<semaphore_mem>>
      %dma_start3A = arith.constant 0 : i32
      %dma_start3A_61 = arith.constant 0 : i32
      %dma_start3A_62 = tpu.memref_slice %arg28[%dma_start3A, %dma_start3A_61] : memref<128x16xf32, #tpu.memory_space<vmem>> -> memref<63x16xf32, #tpu.memory_space<vmem>>
      %dma_start3A_63 = arith.constant 0 : i32
      %dma_start3A_64 = tpu.memref_slice %arg13[%add3A_26, %dma_start3A_63] : memref<10080x16xf32, #tpu.memory_space<vmem_shared>> -> memref<63x16xf32, #tpu.memory_space<vmem_shared>>
      %dma_start3A_65 = arith.constant 0 : i32
      %dma_start3A_66 = tpu.memref_slice %arg13[%add3A_26, %dma_start3A_65] : memref<10080x16xf32, #tpu.memory_space<vmem_shared>> -> memref<63x16xf32, #tpu.memory_space<vmem_shared>>
      %dma_start3A_67 = arith.constant 0 : i32
      %dma_start3A_68 = arith.constant 0 : i32
      %dma_start3A_69 = tpu.memref_slice %arg28[%dma_start3A_67, %dma_start3A_68] : memref<128x16xf32, #tpu.memory_space<vmem>> -> memref<63x16xf32, #tpu.memory_space<vmem>>
      tpu.enqueue_dma source(%dma_start3A_69 : memref<63x16xf32, #tpu.memory_space<vmem>>) target(%dma_start3A_66 : memref<63x16xf32, #tpu.memory_space<vmem_shared>>) target_semaphore(%run_scoped3A : memref<!tpu.dma_semaphore, #tpu.memory_space<semaphore_mem>>)
      %dma_wait3A = arith.constant 0 : i32
      %dma_wait3A_70 = arith.constant 0 : i32
      %dma_wait3A_71 = tpu.memref_slice %arg28[%dma_wait3A, %dma_wait3A_70] : memref<128x16xf32, #tpu.memory_space<vmem>> -> memref<63x16xf32, #tpu.memory_space<vmem>>
      %dma_wait3A_72 = arith.constant 0 : i32
      %dma_wait3A_73 = tpu.memref_slice %arg13[%add3A_26, %dma_wait3A_72] : memref<10080x16xf32, #tpu.memory_space<vmem_shared>> -> memref<63x16xf32, #tpu.memory_space<vmem_shared>>
      %dma_wait3A_74 = arith.constant 0 : i32
      %dma_wait3A_75 = tpu.memref_slice %arg13[%add3A_26, %dma_wait3A_74] : memref<10080x16xf32, #tpu.memory_space<vmem_shared>> -> memref<63x16xf32, #tpu.memory_space<vmem_shared>>
      %dma_wait3A_76 = arith.constant 0 : i32
      %dma_wait3A_77 = arith.constant 0 : i32
      %dma_wait3A_78 = tpu.memref_slice %arg28[%dma_wait3A_76, %dma_wait3A_77] : memref<128x16xf32, #tpu.memory_space<vmem>> -> memref<63x16xf32, #tpu.memory_space<vmem>>
      tpu.wait_dma2 semaphore(%run_scoped3A : memref<!tpu.dma_semaphore, #tpu.memory_space<semaphore_mem>>) src(%dma_wait3A_78 : memref<63x16xf32, #tpu.memory_space<vmem>>) dst(%dma_wait3A_75 : memref<63x16xf32, #tpu.memory_space<vmem_shared>>)
      tpu.yield
    }) : () -> ()
    %add3A_27 = arith.constant 126 : i32
    %add3A_28 = arith.addi %mul3A_0, %add3A_27 : i32
    "tpu.region"() ({
      %run_scoped3A = tpu.sem_alloc : memref<!tpu.dma_semaphore, #tpu.memory_space<semaphore_mem>>
      %dma_start3A = arith.constant 0 : i32
      %dma_start3A_61 = arith.constant 0 : i32
      %dma_start3A_62 = tpu.memref_slice %arg28[%dma_start3A, %dma_start3A_61] : memref<128x16xf32, #tpu.memory_space<vmem>> -> memref<63x16xf32, #tpu.memory_space<vmem>>
      %dma_start3A_63 = arith.constant 0 : i32
      %dma_start3A_64 = tpu.memref_slice %arg13[%add3A_28, %dma_start3A_63] : memref<10080x16xf32, #tpu.memory_space<vmem_shared>> -> memref<63x16xf32, #tpu.memory_space<vmem_shared>>
      %dma_start3A_65 = arith.constant 0 : i32
      %dma_start3A_66 = tpu.memref_slice %arg13[%add3A_28, %dma_start3A_65] : memref<10080x16xf32, #tpu.memory_space<vmem_shared>> -> memref<63x16xf32, #tpu.memory_space<vmem_shared>>
      %dma_start3A_67 = arith.constant 0 : i32
      %dma_start3A_68 = arith.constant 0 : i32
      %dma_start3A_69 = tpu.memref_slice %arg28[%dma_start3A_67, %dma_start3A_68] : memref<128x16xf32, #tpu.memory_space<vmem>> -> memref<63x16xf32, #tpu.memory_space<vmem>>
      tpu.enqueue_dma source(%dma_start3A_69 : memref<63x16xf32, #tpu.memory_space<vmem>>) target(%dma_start3A_66 : memref<63x16xf32, #tpu.memory_space<vmem_shared>>) target_semaphore(%run_scoped3A : memref<!tpu.dma_semaphore, #tpu.memory_space<semaphore_mem>>)
      %dma_wait3A = arith.constant 0 : i32
      %dma_wait3A_70 = arith.constant 0 : i32
      %dma_wait3A_71 = tpu.memref_slice %arg28[%dma_wait3A, %dma_wait3A_70] : memref<128x16xf32, #tpu.memory_space<vmem>> -> memref<63x16xf32, #tpu.memory_space<vmem>>
      %dma_wait3A_72 = arith.constant 0 : i32
      %dma_wait3A_73 = tpu.memref_slice %arg13[%add3A_28, %dma_wait3A_72] : memref<10080x16xf32, #tpu.memory_space<vmem_shared>> -> memref<63x16xf32, #tpu.memory_space<vmem_shared>>
      %dma_wait3A_74 = arith.constant 0 : i32
      %dma_wait3A_75 = tpu.memref_slice %arg13[%add3A_28, %dma_wait3A_74] : memref<10080x16xf32, #tpu.memory_space<vmem_shared>> -> memref<63x16xf32, #tpu.memory_space<vmem_shared>>
      %dma_wait3A_76 = arith.constant 0 : i32
      %dma_wait3A_77 = arith.constant 0 : i32
      %dma_wait3A_78 = tpu.memref_slice %arg28[%dma_wait3A_76, %dma_wait3A_77] : memref<128x16xf32, #tpu.memory_space<vmem>> -> memref<63x16xf32, #tpu.memory_space<vmem>>
      tpu.wait_dma2 semaphore(%run_scoped3A : memref<!tpu.dma_semaphore, #tpu.memory_space<semaphore_mem>>) src(%dma_wait3A_78 : memref<63x16xf32, #tpu.memory_space<vmem>>) dst(%dma_wait3A_75 : memref<63x16xf32, #tpu.memory_space<vmem_shared>>)
      tpu.yield
    }) : () -> ()
    %add3A_29 = arith.constant 189 : i32
    %add3A_30 = arith.addi %mul3A_0, %add3A_29 : i32
    "tpu.region"() ({
      %run_scoped3A = tpu.sem_alloc : memref<!tpu.dma_semaphore, #tpu.memory_space<semaphore_mem>>
      %dma_start3A = arith.constant 0 : i32
      %dma_start3A_61 = arith.constant 0 : i32
      %dma_start3A_62 = tpu.memref_slice %arg28[%dma_start3A, %dma_start3A_61] : memref<128x16xf32, #tpu.memory_space<vmem>> -> memref<63x16xf32, #tpu.memory_space<vmem>>
      %dma_start3A_63 = arith.constant 0 : i32
      %dma_start3A_64 = tpu.memref_slice %arg13[%add3A_30, %dma_start3A_63] : memref<10080x16xf32, #tpu.memory_space<vmem_shared>> -> memref<63x16xf32, #tpu.memory_space<vmem_shared>>
      %dma_start3A_65 = arith.constant 0 : i32
      %dma_start3A_66 = tpu.memref_slice %arg13[%add3A_30, %dma_start3A_65] : memref<10080x16xf32, #tpu.memory_space<vmem_shared>> -> memref<63x16xf32, #tpu.memory_space<vmem_shared>>
      %dma_start3A_67 = arith.constant 0 : i32
      %dma_start3A_68 = arith.constant 0 : i32
      %dma_start3A_69 = tpu.memref_slice %arg28[%dma_start3A_67, %dma_start3A_68] : memref<128x16xf32, #tpu.memory_space<vmem>> -> memref<63x16xf32, #tpu.memory_space<vmem>>
      tpu.enqueue_dma source(%dma_start3A_69 : memref<63x16xf32, #tpu.memory_space<vmem>>) target(%dma_start3A_66 : memref<63x16xf32, #tpu.memory_space<vmem_shared>>) target_semaphore(%run_scoped3A : memref<!tpu.dma_semaphore, #tpu.memory_space<semaphore_mem>>)
      %dma_wait3A = arith.constant 0 : i32
      %dma_wait3A_70 = arith.constant 0 : i32
      %dma_wait3A_71 = tpu.memref_slice %arg28[%dma_wait3A, %dma_wait3A_70] : memref<128x16xf32, #tpu.memory_space<vmem>> -> memref<63x16xf32, #tpu.memory_space<vmem>>
      %dma_wait3A_72 = arith.constant 0 : i32
      %dma_wait3A_73 = tpu.memref_slice %arg13[%add3A_30, %dma_wait3A_72] : memref<10080x16xf32, #tpu.memory_space<vmem_shared>> -> memref<63x16xf32, #tpu.memory_space<vmem_shared>>
      %dma_wait3A_74 = arith.constant 0 : i32
      %dma_wait3A_75 = tpu.memref_slice %arg13[%add3A_30, %dma_wait3A_74] : memref<10080x16xf32, #tpu.memory_space<vmem_shared>> -> memref<63x16xf32, #tpu.memory_space<vmem_shared>>
      %dma_wait3A_76 = arith.constant 0 : i32
      %dma_wait3A_77 = arith.constant 0 : i32
      %dma_wait3A_78 = tpu.memref_slice %arg28[%dma_wait3A_76, %dma_wait3A_77] : memref<128x16xf32, #tpu.memory_space<vmem>> -> memref<63x16xf32, #tpu.memory_space<vmem>>
      tpu.wait_dma2 semaphore(%run_scoped3A : memref<!tpu.dma_semaphore, #tpu.memory_space<semaphore_mem>>) src(%dma_wait3A_78 : memref<63x16xf32, #tpu.memory_space<vmem>>) dst(%dma_wait3A_75 : memref<63x16xf32, #tpu.memory_space<vmem_shared>>)
      tpu.yield
    }) : () -> ()
    %add3A_31 = arith.constant 252 : i32
    %add3A_32 = arith.addi %mul3A_0, %add3A_31 : i32
    "tpu.region"() ({
      %run_scoped3A = tpu.sem_alloc : memref<!tpu.dma_semaphore, #tpu.memory_space<semaphore_mem>>
      %dma_start3A = arith.constant 0 : i32
      %dma_start3A_61 = arith.constant 0 : i32
      %dma_start3A_62 = tpu.memref_slice %arg28[%dma_start3A, %dma_start3A_61] : memref<128x16xf32, #tpu.memory_space<vmem>> -> memref<63x16xf32, #tpu.memory_space<vmem>>
      %dma_start3A_63 = arith.constant 0 : i32
      %dma_start3A_64 = tpu.memref_slice %arg13[%add3A_32, %dma_start3A_63] : memref<10080x16xf32, #tpu.memory_space<vmem_shared>> -> memref<63x16xf32, #tpu.memory_space<vmem_shared>>
      %dma_start3A_65 = arith.constant 0 : i32
      %dma_start3A_66 = tpu.memref_slice %arg13[%add3A_32, %dma_start3A_65] : memref<10080x16xf32, #tpu.memory_space<vmem_shared>> -> memref<63x16xf32, #tpu.memory_space<vmem_shared>>
      %dma_start3A_67 = arith.constant 0 : i32
      %dma_start3A_68 = arith.constant 0 : i32
      %dma_start3A_69 = tpu.memref_slice %arg28[%dma_start3A_67, %dma_start3A_68] : memref<128x16xf32, #tpu.memory_space<vmem>> -> memref<63x16xf32, #tpu.memory_space<vmem>>
      tpu.enqueue_dma source(%dma_start3A_69 : memref<63x16xf32, #tpu.memory_space<vmem>>) target(%dma_start3A_66 : memref<63x16xf32, #tpu.memory_space<vmem_shared>>) target_semaphore(%run_scoped3A : memref<!tpu.dma_semaphore, #tpu.memory_space<semaphore_mem>>)
      %dma_wait3A = arith.constant 0 : i32
      %dma_wait3A_70 = arith.constant 0 : i32
      %dma_wait3A_71 = tpu.memref_slice %arg28[%dma_wait3A, %dma_wait3A_70] : memref<128x16xf32, #tpu.memory_space<vmem>> -> memref<63x16xf32, #tpu.memory_space<vmem>>
      %dma_wait3A_72 = arith.constant 0 : i32
      %dma_wait3A_73 = tpu.memref_slice %arg13[%add3A_32, %dma_wait3A_72] : memref<10080x16xf32, #tpu.memory_space<vmem_shared>> -> memref<63x16xf32, #tpu.memory_space<vmem_shared>>
      %dma_wait3A_74 = arith.constant 0 : i32
      %dma_wait3A_75 = tpu.memref_slice %arg13[%add3A_32, %dma_wait3A_74] : memref<10080x16xf32, #tpu.memory_space<vmem_shared>> -> memref<63x16xf32, #tpu.memory_space<vmem_shared>>
      %dma_wait3A_76 = arith.constant 0 : i32
      %dma_wait3A_77 = arith.constant 0 : i32
      %dma_wait3A_78 = tpu.memref_slice %arg28[%dma_wait3A_76, %dma_wait3A_77] : memref<128x16xf32, #tpu.memory_space<vmem>> -> memref<63x16xf32, #tpu.memory_space<vmem>>
      tpu.wait_dma2 semaphore(%run_scoped3A : memref<!tpu.dma_semaphore, #tpu.memory_space<semaphore_mem>>) src(%dma_wait3A_78 : memref<63x16xf32, #tpu.memory_space<vmem>>) dst(%dma_wait3A_75 : memref<63x16xf32, #tpu.memory_space<vmem_shared>>)
      tpu.yield
    }) : () -> ()
    %add3A_33 = arith.constant 315 : i32
    %add3A_34 = arith.addi %mul3A_0, %add3A_33 : i32
    "tpu.region"() ({
      %run_scoped3A = tpu.sem_alloc : memref<!tpu.dma_semaphore, #tpu.memory_space<semaphore_mem>>
      %dma_start3A = arith.constant 0 : i32
      %dma_start3A_61 = arith.constant 0 : i32
      %dma_start3A_62 = tpu.memref_slice %arg28[%dma_start3A, %dma_start3A_61] : memref<128x16xf32, #tpu.memory_space<vmem>> -> memref<63x16xf32, #tpu.memory_space<vmem>>
      %dma_start3A_63 = arith.constant 0 : i32
      %dma_start3A_64 = tpu.memref_slice %arg13[%add3A_34, %dma_start3A_63] : memref<10080x16xf32, #tpu.memory_space<vmem_shared>> -> memref<63x16xf32, #tpu.memory_space<vmem_shared>>
      %dma_start3A_65 = arith.constant 0 : i32
      %dma_start3A_66 = tpu.memref_slice %arg13[%add3A_34, %dma_start3A_65] : memref<10080x16xf32, #tpu.memory_space<vmem_shared>> -> memref<63x16xf32, #tpu.memory_space<vmem_shared>>
      %dma_start3A_67 = arith.constant 0 : i32
      %dma_start3A_68 = arith.constant 0 : i32
      %dma_start3A_69 = tpu.memref_slice %arg28[%dma_start3A_67, %dma_start3A_68] : memref<128x16xf32, #tpu.memory_space<vmem>> -> memref<63x16xf32, #tpu.memory_space<vmem>>
      tpu.enqueue_dma source(%dma_start3A_69 : memref<63x16xf32, #tpu.memory_space<vmem>>) target(%dma_start3A_66 : memref<63x16xf32, #tpu.memory_space<vmem_shared>>) target_semaphore(%run_scoped3A : memref<!tpu.dma_semaphore, #tpu.memory_space<semaphore_mem>>)
      %dma_wait3A = arith.constant 0 : i32
      %dma_wait3A_70 = arith.constant 0 : i32
      %dma_wait3A_71 = tpu.memref_slice %arg28[%dma_wait3A, %dma_wait3A_70] : memref<128x16xf32, #tpu.memory_space<vmem>> -> memref<63x16xf32, #tpu.memory_space<vmem>>
      %dma_wait3A_72 = arith.constant 0 : i32
      %dma_wait3A_73 = tpu.memref_slice %arg13[%add3A_34, %dma_wait3A_72] : memref<10080x16xf32, #tpu.memory_space<vmem_shared>> -> memref<63x16xf32, #tpu.memory_space<vmem_shared>>
      %dma_wait3A_74 = arith.constant 0 : i32
      %dma_wait3A_75 = tpu.memref_slice %arg13[%add3A_34, %dma_wait3A_74] : memref<10080x16xf32, #tpu.memory_space<vmem_shared>> -> memref<63x16xf32, #tpu.memory_space<vmem_shared>>
      %dma_wait3A_76 = arith.constant 0 : i32
      %dma_wait3A_77 = arith.constant 0 : i32
      %dma_wait3A_78 = tpu.memref_slice %arg28[%dma_wait3A_76, %dma_wait3A_77] : memref<128x16xf32, #tpu.memory_space<vmem>> -> memref<63x16xf32, #tpu.memory_space<vmem>>
      tpu.wait_dma2 semaphore(%run_scoped3A : memref<!tpu.dma_semaphore, #tpu.memory_space<semaphore_mem>>) src(%dma_wait3A_78 : memref<63x16xf32, #tpu.memory_space<vmem>>) dst(%dma_wait3A_75 : memref<63x16xf32, #tpu.memory_space<vmem_shared>>)
      tpu.yield
    }) : () -> ()
    %add3A_35 = arith.constant 378 : i32
    %add3A_36 = arith.addi %mul3A_0, %add3A_35 : i32
    "tpu.region"() ({
      %run_scoped3A = tpu.sem_alloc : memref<!tpu.dma_semaphore, #tpu.memory_space<semaphore_mem>>
      %dma_start3A = arith.constant 0 : i32
      %dma_start3A_61 = arith.constant 0 : i32
      %dma_start3A_62 = tpu.memref_slice %arg28[%dma_start3A, %dma_start3A_61] : memref<128x16xf32, #tpu.memory_space<vmem>> -> memref<63x16xf32, #tpu.memory_space<vmem>>
      %dma_start3A_63 = arith.constant 0 : i32
      %dma_start3A_64 = tpu.memref_slice %arg13[%add3A_36, %dma_start3A_63] : memref<10080x16xf32, #tpu.memory_space<vmem_shared>> -> memref<63x16xf32, #tpu.memory_space<vmem_shared>>
      %dma_start3A_65 = arith.constant 0 : i32
      %dma_start3A_66 = tpu.memref_slice %arg13[%add3A_36, %dma_start3A_65] : memref<10080x16xf32, #tpu.memory_space<vmem_shared>> -> memref<63x16xf32, #tpu.memory_space<vmem_shared>>
      %dma_start3A_67 = arith.constant 0 : i32
      %dma_start3A_68 = arith.constant 0 : i32
      %dma_start3A_69 = tpu.memref_slice %arg28[%dma_start3A_67, %dma_start3A_68] : memref<128x16xf32, #tpu.memory_space<vmem>> -> memref<63x16xf32, #tpu.memory_space<vmem>>
      tpu.enqueue_dma source(%dma_start3A_69 : memref<63x16xf32, #tpu.memory_space<vmem>>) target(%dma_start3A_66 : memref<63x16xf32, #tpu.memory_space<vmem_shared>>) target_semaphore(%run_scoped3A : memref<!tpu.dma_semaphore, #tpu.memory_space<semaphore_mem>>)
      %dma_wait3A = arith.constant 0 : i32
      %dma_wait3A_70 = arith.constant 0 : i32
      %dma_wait3A_71 = tpu.memref_slice %arg28[%dma_wait3A, %dma_wait3A_70] : memref<128x16xf32, #tpu.memory_space<vmem>> -> memref<63x16xf32, #tpu.memory_space<vmem>>
      %dma_wait3A_72 = arith.constant 0 : i32
      %dma_wait3A_73 = tpu.memref_slice %arg13[%add3A_36, %dma_wait3A_72] : memref<10080x16xf32, #tpu.memory_space<vmem_shared>> -> memref<63x16xf32, #tpu.memory_space<vmem_shared>>
      %dma_wait3A_74 = arith.constant 0 : i32
      %dma_wait3A_75 = tpu.memref_slice %arg13[%add3A_36, %dma_wait3A_74] : memref<10080x16xf32, #tpu.memory_space<vmem_shared>> -> memref<63x16xf32, #tpu.memory_space<vmem_shared>>
      %dma_wait3A_76 = arith.constant 0 : i32
      %dma_wait3A_77 = arith.constant 0 : i32
      %dma_wait3A_78 = tpu.memref_slice %arg28[%dma_wait3A_76, %dma_wait3A_77] : memref<128x16xf32, #tpu.memory_space<vmem>> -> memref<63x16xf32, #tpu.memory_space<vmem>>
      tpu.wait_dma2 semaphore(%run_scoped3A : memref<!tpu.dma_semaphore, #tpu.memory_space<semaphore_mem>>) src(%dma_wait3A_78 : memref<63x16xf32, #tpu.memory_space<vmem>>) dst(%dma_wait3A_75 : memref<63x16xf32, #tpu.memory_space<vmem_shared>>)
      tpu.yield
    }) : () -> ()
    %add3A_37 = arith.constant 441 : i32
    %add3A_38 = arith.addi %mul3A_0, %add3A_37 : i32
    "tpu.region"() ({
      %run_scoped3A = tpu.sem_alloc : memref<!tpu.dma_semaphore, #tpu.memory_space<semaphore_mem>>
      %dma_start3A = arith.constant 0 : i32
      %dma_start3A_61 = arith.constant 0 : i32
      %dma_start3A_62 = tpu.memref_slice %arg28[%dma_start3A, %dma_start3A_61] : memref<128x16xf32, #tpu.memory_space<vmem>> -> memref<63x16xf32, #tpu.memory_space<vmem>>
      %dma_start3A_63 = arith.constant 0 : i32
      %dma_start3A_64 = tpu.memref_slice %arg13[%add3A_38, %dma_start3A_63] : memref<10080x16xf32, #tpu.memory_space<vmem_shared>> -> memref<63x16xf32, #tpu.memory_space<vmem_shared>>
      %dma_start3A_65 = arith.constant 0 : i32
      %dma_start3A_66 = tpu.memref_slice %arg13[%add3A_38, %dma_start3A_65] : memref<10080x16xf32, #tpu.memory_space<vmem_shared>> -> memref<63x16xf32, #tpu.memory_space<vmem_shared>>
      %dma_start3A_67 = arith.constant 0 : i32
      %dma_start3A_68 = arith.constant 0 : i32
      %dma_start3A_69 = tpu.memref_slice %arg28[%dma_start3A_67, %dma_start3A_68] : memref<128x16xf32, #tpu.memory_space<vmem>> -> memref<63x16xf32, #tpu.memory_space<vmem>>
      tpu.enqueue_dma source(%dma_start3A_69 : memref<63x16xf32, #tpu.memory_space<vmem>>) target(%dma_start3A_66 : memref<63x16xf32, #tpu.memory_space<vmem_shared>>) target_semaphore(%run_scoped3A : memref<!tpu.dma_semaphore, #tpu.memory_space<semaphore_mem>>)
      %dma_wait3A = arith.constant 0 : i32
      %dma_wait3A_70 = arith.constant 0 : i32
      %dma_wait3A_71 = tpu.memref_slice %arg28[%dma_wait3A, %dma_wait3A_70] : memref<128x16xf32, #tpu.memory_space<vmem>> -> memref<63x16xf32, #tpu.memory_space<vmem>>
      %dma_wait3A_72 = arith.constant 0 : i32
      %dma_wait3A_73 = tpu.memref_slice %arg13[%add3A_38, %dma_wait3A_72] : memref<10080x16xf32, #tpu.memory_space<vmem_shared>> -> memref<63x16xf32, #tpu.memory_space<vmem_shared>>
      %dma_wait3A_74 = arith.constant 0 : i32
      %dma_wait3A_75 = tpu.memref_slice %arg13[%add3A_38, %dma_wait3A_74] : memref<10080x16xf32, #tpu.memory_space<vmem_shared>> -> memref<63x16xf32, #tpu.memory_space<vmem_shared>>
      %dma_wait3A_76 = arith.constant 0 : i32
      %dma_wait3A_77 = arith.constant 0 : i32
      %dma_wait3A_78 = tpu.memref_slice %arg28[%dma_wait3A_76, %dma_wait3A_77] : memref<128x16xf32, #tpu.memory_space<vmem>> -> memref<63x16xf32, #tpu.memory_space<vmem>>
      tpu.wait_dma2 semaphore(%run_scoped3A : memref<!tpu.dma_semaphore, #tpu.memory_space<semaphore_mem>>) src(%dma_wait3A_78 : memref<63x16xf32, #tpu.memory_space<vmem>>) dst(%dma_wait3A_75 : memref<63x16xf32, #tpu.memory_space<vmem_shared>>)
      tpu.yield
    }) : () -> ()
    %add3A_39 = arith.constant 504 : i32
    %add3A_40 = arith.addi %mul3A_0, %add3A_39 : i32
    "tpu.region"() ({
      %run_scoped3A = tpu.sem_alloc : memref<!tpu.dma_semaphore, #tpu.memory_space<semaphore_mem>>
      %dma_start3A = arith.constant 0 : i32
      %dma_start3A_61 = arith.constant 0 : i32
      %dma_start3A_62 = tpu.memref_slice %arg28[%dma_start3A, %dma_start3A_61] : memref<128x16xf32, #tpu.memory_space<vmem>> -> memref<63x16xf32, #tpu.memory_space<vmem>>
      %dma_start3A_63 = arith.constant 0 : i32
      %dma_start3A_64 = tpu.memref_slice %arg13[%add3A_40, %dma_start3A_63] : memref<10080x16xf32, #tpu.memory_space<vmem_shared>> -> memref<63x16xf32, #tpu.memory_space<vmem_shared>>
      %dma_start3A_65 = arith.constant 0 : i32
      %dma_start3A_66 = tpu.memref_slice %arg13[%add3A_40, %dma_start3A_65] : memref<10080x16xf32, #tpu.memory_space<vmem_shared>> -> memref<63x16xf32, #tpu.memory_space<vmem_shared>>
      %dma_start3A_67 = arith.constant 0 : i32
      %dma_start3A_68 = arith.constant 0 : i32
      %dma_start3A_69 = tpu.memref_slice %arg28[%dma_start3A_67, %dma_start3A_68] : memref<128x16xf32, #tpu.memory_space<vmem>> -> memref<63x16xf32, #tpu.memory_space<vmem>>
      tpu.enqueue_dma source(%dma_start3A_69 : memref<63x16xf32, #tpu.memory_space<vmem>>) target(%dma_start3A_66 : memref<63x16xf32, #tpu.memory_space<vmem_shared>>) target_semaphore(%run_scoped3A : memref<!tpu.dma_semaphore, #tpu.memory_space<semaphore_mem>>)
      %dma_wait3A = arith.constant 0 : i32
      %dma_wait3A_70 = arith.constant 0 : i32
      %dma_wait3A_71 = tpu.memref_slice %arg28[%dma_wait3A, %dma_wait3A_70] : memref<128x16xf32, #tpu.memory_space<vmem>> -> memref<63x16xf32, #tpu.memory_space<vmem>>
      %dma_wait3A_72 = arith.constant 0 : i32
      %dma_wait3A_73 = tpu.memref_slice %arg13[%add3A_40, %dma_wait3A_72] : memref<10080x16xf32, #tpu.memory_space<vmem_shared>> -> memref<63x16xf32, #tpu.memory_space<vmem_shared>>
      %dma_wait3A_74 = arith.constant 0 : i32
      %dma_wait3A_75 = tpu.memref_slice %arg13[%add3A_40, %dma_wait3A_74] : memref<10080x16xf32, #tpu.memory_space<vmem_shared>> -> memref<63x16xf32, #tpu.memory_space<vmem_shared>>
      %dma_wait3A_76 = arith.constant 0 : i32
      %dma_wait3A_77 = arith.constant 0 : i32
      %dma_wait3A_78 = tpu.memref_slice %arg28[%dma_wait3A_76, %dma_wait3A_77] : memref<128x16xf32, #tpu.memory_space<vmem>> -> memref<63x16xf32, #tpu.memory_space<vmem>>
      tpu.wait_dma2 semaphore(%run_scoped3A : memref<!tpu.dma_semaphore, #tpu.memory_space<semaphore_mem>>) src(%dma_wait3A_78 : memref<63x16xf32, #tpu.memory_space<vmem>>) dst(%dma_wait3A_75 : memref<63x16xf32, #tpu.memory_space<vmem_shared>>)
      tpu.yield
    }) : () -> ()
    %add3A_41 = arith.constant 567 : i32
    %add3A_42 = arith.addi %mul3A_0, %add3A_41 : i32
    "tpu.region"() ({
      %run_scoped3A = tpu.sem_alloc : memref<!tpu.dma_semaphore, #tpu.memory_space<semaphore_mem>>
      %dma_start3A = arith.constant 0 : i32
      %dma_start3A_61 = arith.constant 0 : i32
      %dma_start3A_62 = tpu.memref_slice %arg28[%dma_start3A, %dma_start3A_61] : memref<128x16xf32, #tpu.memory_space<vmem>> -> memref<63x16xf32, #tpu.memory_space<vmem>>
      %dma_start3A_63 = arith.constant 0 : i32
      %dma_start3A_64 = tpu.memref_slice %arg13[%add3A_42, %dma_start3A_63] : memref<10080x16xf32, #tpu.memory_space<vmem_shared>> -> memref<63x16xf32, #tpu.memory_space<vmem_shared>>
      %dma_start3A_65 = arith.constant 0 : i32
      %dma_start3A_66 = tpu.memref_slice %arg13[%add3A_42, %dma_start3A_65] : memref<10080x16xf32, #tpu.memory_space<vmem_shared>> -> memref<63x16xf32, #tpu.memory_space<vmem_shared>>
      %dma_start3A_67 = arith.constant 0 : i32
      %dma_start3A_68 = arith.constant 0 : i32
      %dma_start3A_69 = tpu.memref_slice %arg28[%dma_start3A_67, %dma_start3A_68] : memref<128x16xf32, #tpu.memory_space<vmem>> -> memref<63x16xf32, #tpu.memory_space<vmem>>
      tpu.enqueue_dma source(%dma_start3A_69 : memref<63x16xf32, #tpu.memory_space<vmem>>) target(%dma_start3A_66 : memref<63x16xf32, #tpu.memory_space<vmem_shared>>) target_semaphore(%run_scoped3A : memref<!tpu.dma_semaphore, #tpu.memory_space<semaphore_mem>>)
      %dma_wait3A = arith.constant 0 : i32
      %dma_wait3A_70 = arith.constant 0 : i32
      %dma_wait3A_71 = tpu.memref_slice %arg28[%dma_wait3A, %dma_wait3A_70] : memref<128x16xf32, #tpu.memory_space<vmem>> -> memref<63x16xf32, #tpu.memory_space<vmem>>
      %dma_wait3A_72 = arith.constant 0 : i32
      %dma_wait3A_73 = tpu.memref_slice %arg13[%add3A_42, %dma_wait3A_72] : memref<10080x16xf32, #tpu.memory_space<vmem_shared>> -> memref<63x16xf32, #tpu.memory_space<vmem_shared>>
      %dma_wait3A_74 = arith.constant 0 : i32
      %dma_wait3A_75 = tpu.memref_slice %arg13[%add3A_42, %dma_wait3A_74] : memref<10080x16xf32, #tpu.memory_space<vmem_shared>> -> memref<63x16xf32, #tpu.memory_space<vmem_shared>>
      %dma_wait3A_76 = arith.constant 0 : i32
      %dma_wait3A_77 = arith.constant 0 : i32
      %dma_wait3A_78 = tpu.memref_slice %arg28[%dma_wait3A_76, %dma_wait3A_77] : memref<128x16xf32, #tpu.memory_space<vmem>> -> memref<63x16xf32, #tpu.memory_space<vmem>>
      tpu.wait_dma2 semaphore(%run_scoped3A : memref<!tpu.dma_semaphore, #tpu.memory_space<semaphore_mem>>) src(%dma_wait3A_78 : memref<63x16xf32, #tpu.memory_space<vmem>>) dst(%dma_wait3A_75 : memref<63x16xf32, #tpu.memory_space<vmem_shared>>)
      tpu.yield
    }) : () -> ()
    %barrier3A = arith.constant 0 : index
    tpu.barrier barrier_id(%barrier3A)
    %eq3A = arith.constant 0 : i32
    %eq3A_43 = arith.cmpi eq, %arg0, %eq3A : i32
    %convert_element_type3A = arith.extui %eq3A_43 : i1 to i32
    %cond3A = arith.constant 0 : i32
    %cond3A_44 = arith.cmpi ne, %convert_element_type3A, %cond3A : i32
    scf.if %cond3A_44 {
      %mul3A_61 = arith.constant 10240 : i32
      %mul3A_62 = arith.muli %arg1, %mul3A_61 : i32
      %mul3A_63 = arith.constant 5120 : i32
      %mul3A_64 = arith.muli %arg1, %mul3A_63 : i32
      %add3A_65 = arith.constant 0 : i32
      %add3A_66 = arith.addi %add3A_65, %mul3A_64 : i32
      "tpu.region"() ({
        %run_scoped3A = tpu.sem_alloc : memref<!tpu.dma_semaphore, #tpu.memory_space<semaphore_mem>>
        %dma_start3A_87 = tpu.memref_slice %arg4[%mul3A_62] : memref<163840xi32, #tpu.memory_space<hbm>> -> memref<128xi32, #tpu.memory_space<hbm>>
        %dma_start3A_88 = tpu.memref_slice %arg4[%mul3A_62] : memref<163840xi32, #tpu.memory_space<hbm>> -> memref<128xi32, #tpu.memory_space<hbm>>
        tpu.enqueue_dma source(%dma_start3A_88 : memref<128xi32, #tpu.memory_space<hbm>>) target(%arg14 : memref<128xi32, #tpu.memory_space<vmem>>) target_semaphore(%run_scoped3A : memref<!tpu.dma_semaphore, #tpu.memory_space<semaphore_mem>>)
        %dma_wait3A_89 = tpu.memref_slice %arg4[%mul3A_62] : memref<163840xi32, #tpu.memory_space<hbm>> -> memref<128xi32, #tpu.memory_space<hbm>>
        %dma_wait3A_90 = tpu.memref_slice %arg4[%mul3A_62] : memref<163840xi32, #tpu.memory_space<hbm>> -> memref<128xi32, #tpu.memory_space<hbm>>
        tpu.wait_dma2 semaphore(%run_scoped3A : memref<!tpu.dma_semaphore, #tpu.memory_space<semaphore_mem>>) src(%dma_wait3A_90 : memref<128xi32, #tpu.memory_space<hbm>>) dst(%arg14 : memref<128xi32, #tpu.memory_space<vmem>>)
        tpu.yield
      }) : () -> ()
      "tpu.region"() ({
        %run_scoped3A = tpu.sem_alloc : memref<!tpu.dma_semaphore, #tpu.memory_space<semaphore_mem>>
        %dma_start3A_87 = tpu.memref_slice %arg5[%mul3A_62] : memref<163840xi32, #tpu.memory_space<hbm>> -> memref<128xi32, #tpu.memory_space<hbm>>
        %dma_start3A_88 = tpu.memref_slice %arg5[%mul3A_62] : memref<163840xi32, #tpu.memory_space<hbm>> -> memref<128xi32, #tpu.memory_space<hbm>>
        tpu.enqueue_dma source(%dma_start3A_88 : memref<128xi32, #tpu.memory_space<hbm>>) target(%arg16 : memref<128xi32, #tpu.memory_space<vmem>>) target_semaphore(%run_scoped3A : memref<!tpu.dma_semaphore, #tpu.memory_space<semaphore_mem>>)
        %dma_wait3A_89 = tpu.memref_slice %arg5[%mul3A_62] : memref<163840xi32, #tpu.memory_space<hbm>> -> memref<128xi32, #tpu.memory_space<hbm>>
        %dma_wait3A_90 = tpu.memref_slice %arg5[%mul3A_62] : memref<163840xi32, #tpu.memory_space<hbm>> -> memref<128xi32, #tpu.memory_space<hbm>>
        tpu.wait_dma2 semaphore(%run_scoped3A : memref<!tpu.dma_semaphore, #tpu.memory_space<semaphore_mem>>) src(%dma_wait3A_90 : memref<128xi32, #tpu.memory_space<hbm>>) dst(%arg16 : memref<128xi32, #tpu.memory_space<vmem>>)
        tpu.yield
      }) : () -> ()
      %dma_start3A = arith.constant 0 : i32
      %dma_start3A_67 = arith.constant 0 : i32
      %dma_start3A_68 = tpu.memref_slice %arg2[%dma_start3A, %dma_start3A_67] : memref<10000x128xbf16, #tpu.memory_space<hbm>> -> memref<10000x128xbf16, #tpu.memory_space<hbm>>
      tpu.enqueue_indirect_dma source(%dma_start3A_68 : memref<10000x128xbf16, #tpu.memory_space<hbm>>) target(%arg18 : memref<128x128xbf16, #tpu.memory_space<vmem>>) offsets(%arg14 : memref<128xi32, #tpu.memory_space<vmem>>) semaphore(%arg32 : memref<!tpu.dma_semaphore, #tpu.memory_space<semaphore_mem>>)
      "tpu.region"() ({
        %run_scoped3A = tpu.sem_alloc : memref<!tpu.dma_semaphore, #tpu.memory_space<semaphore_mem>>
        %dma_start3A_87 = tpu.memref_slice %arg4[%add3A_66] : memref<163840xi32, #tpu.memory_space<hbm>> -> memref<128xi32, #tpu.memory_space<hbm>>
        %dma_start3A_88 = tpu.memref_slice %arg4[%add3A_66] : memref<163840xi32, #tpu.memory_space<hbm>> -> memref<128xi32, #tpu.memory_space<hbm>>
        tpu.enqueue_dma source(%dma_start3A_88 : memref<128xi32, #tpu.memory_space<hbm>>) target(%arg20 : memref<128xi32, #tpu.memory_space<vmem>>) target_semaphore(%run_scoped3A : memref<!tpu.dma_semaphore, #tpu.memory_space<semaphore_mem>>)
        %dma_wait3A_89 = tpu.memref_slice %arg4[%add3A_66] : memref<163840xi32, #tpu.memory_space<hbm>> -> memref<128xi32, #tpu.memory_space<hbm>>
        %dma_wait3A_90 = tpu.memref_slice %arg4[%add3A_66] : memref<163840xi32, #tpu.memory_space<hbm>> -> memref<128xi32, #tpu.memory_space<hbm>>
        tpu.wait_dma2 semaphore(%run_scoped3A : memref<!tpu.dma_semaphore, #tpu.memory_space<semaphore_mem>>) src(%dma_wait3A_90 : memref<128xi32, #tpu.memory_space<hbm>>) dst(%arg20 : memref<128xi32, #tpu.memory_space<vmem>>)
        tpu.yield
      }) : () -> ()
      "tpu.region"() ({
        %run_scoped3A = tpu.sem_alloc : memref<!tpu.dma_semaphore, #tpu.memory_space<semaphore_mem>>
        %dma_start3A_87 = tpu.memref_slice %arg5[%add3A_66] : memref<163840xi32, #tpu.memory_space<hbm>> -> memref<128xi32, #tpu.memory_space<hbm>>
        %dma_start3A_88 = tpu.memref_slice %arg5[%add3A_66] : memref<163840xi32, #tpu.memory_space<hbm>> -> memref<128xi32, #tpu.memory_space<hbm>>
        tpu.enqueue_dma source(%dma_start3A_88 : memref<128xi32, #tpu.memory_space<hbm>>) target(%arg22 : memref<128xi32, #tpu.memory_space<vmem>>) target_semaphore(%run_scoped3A : memref<!tpu.dma_semaphore, #tpu.memory_space<semaphore_mem>>)
        %dma_wait3A_89 = tpu.memref_slice %arg5[%add3A_66] : memref<163840xi32, #tpu.memory_space<hbm>> -> memref<128xi32, #tpu.memory_space<hbm>>
        %dma_wait3A_90 = tpu.memref_slice %arg5[%add3A_66] : memref<163840xi32, #tpu.memory_space<hbm>> -> memref<128xi32, #tpu.memory_space<hbm>>
        tpu.wait_dma2 semaphore(%run_scoped3A : memref<!tpu.dma_semaphore, #tpu.memory_space<semaphore_mem>>) src(%dma_wait3A_90 : memref<128xi32, #tpu.memory_space<hbm>>) dst(%arg22 : memref<128xi32, #tpu.memory_space<vmem>>)
        tpu.yield
      }) : () -> ()
      "tpu.region"() ({
        %run_scoped3A = tpu.sem_alloc : memref<!tpu.dma_semaphore, #tpu.memory_space<semaphore_mem>>
        %dma_start3A_87 = tpu.memref_slice %arg6[%add3A_66] : memref<163840xf32, #tpu.memory_space<hbm>> -> memref<128xf32, #tpu.memory_space<hbm>>
        %dma_start3A_88 = tpu.memref_slice %arg6[%add3A_66] : memref<163840xf32, #tpu.memory_space<hbm>> -> memref<128xf32, #tpu.memory_space<hbm>>
        tpu.enqueue_dma source(%dma_start3A_88 : memref<128xf32, #tpu.memory_space<hbm>>) target(%arg30 : memref<128xf32, #tpu.memory_space<vmem>>) target_semaphore(%run_scoped3A : memref<!tpu.dma_semaphore, #tpu.memory_space<semaphore_mem>>)
        %dma_wait3A_89 = tpu.memref_slice %arg6[%add3A_66] : memref<163840xf32, #tpu.memory_space<hbm>> -> memref<128xf32, #tpu.memory_space<hbm>>
        %dma_wait3A_90 = tpu.memref_slice %arg6[%add3A_66] : memref<163840xf32, #tpu.memory_space<hbm>> -> memref<128xf32, #tpu.memory_space<hbm>>
        tpu.wait_dma2 semaphore(%run_scoped3A : memref<!tpu.dma_semaphore, #tpu.memory_space<semaphore_mem>>) src(%dma_wait3A_90 : memref<128xf32, #tpu.memory_space<hbm>>) dst(%arg30 : memref<128xf32, #tpu.memory_space<vmem>>)
        tpu.yield
      }) : () -> ()
      %dma_start3A_69 = arith.constant 0 : i32
      %dma_start3A_70 = arith.constant 0 : i32
      %dma_start3A_71 = tpu.memref_slice %arg7[%dma_start3A_69, %dma_start3A_70] : memref<10000x16xf32, #tpu.memory_space<hbm>> -> memref<10000x16xf32, #tpu.memory_space<hbm>>
      tpu.enqueue_indirect_dma source(%dma_start3A_71 : memref<10000x16xf32, #tpu.memory_space<hbm>>) target(%arg24 : memref<128x16xf32, #tpu.memory_space<vmem>>) offsets(%arg20 : memref<128xi32, #tpu.memory_space<vmem>>) semaphore(%arg40 : memref<!tpu.dma_semaphore, #tpu.memory_space<semaphore_mem>>)
      %dma_start3A_72 = arith.constant 0 : i32
      %dma_start3A_73 = arith.constant 0 : i32
      %dma_start3A_74 = tpu.memref_slice %arg7[%dma_start3A_72, %dma_start3A_73] : memref<10000x16xf32, #tpu.memory_space<hbm>> -> memref<10000x16xf32, #tpu.memory_space<hbm>>
      tpu.enqueue_indirect_dma source(%dma_start3A_74 : memref<10000x16xf32, #tpu.memory_space<hbm>>) target(%arg26 : memref<128x16xf32, #tpu.memory_space<vmem>>) offsets(%arg22 : memref<128xi32, #tpu.memory_space<vmem>>) semaphore(%arg34 : memref<!tpu.dma_semaphore, #tpu.memory_space<semaphore_mem>>)
      %scan3A_75 = arith.constant 0 : i32
      %scan3A_76 = arith.constant 0 : i32
      %scan3A_77 = arith.constant 20 : i32
      %scan3A_78 = arith.addi %scan3A_76, %scan3A_77 : i32
      %scan3A_79 = arith.constant 1 : i32
      %scan3A_80 = scf.for %scan3A_87 = %scan3A_76 to %scan3A_78 step %scan3A_79 iter_args(%scan3A_88 = %scan3A_75) -> (i32)  : i32 {
        %mul3A_89 = arith.constant 4 : i32
        %mul3A_90 = arith.muli %scan3A_87, %mul3A_89 : i32
        %add3A_91 = arith.constant 0 : i32
        %add3A_92 = arith.addi %mul3A_90, %add3A_91 : i32
        %add3A_93 = arith.constant 1 : i32
        %add3A_94 = arith.addi %add3A_92, %add3A_93 : i32
        %mul3A_95 = arith.constant 128 : i32
        %mul3A_96 = arith.muli %add3A_94, %mul3A_95 : i32
        %add3A_97 = arith.addi %mul3A_62, %mul3A_96 : i32
        %gt3A = arith.constant 0 : i32
        %gt3A_98 = arith.cmpi sgt, %add3A_92, %gt3A : i32
        %convert_element_type3A_99 = arith.extui %gt3A_98 : i1 to i32
        %cond3A_100 = arith.constant 0 : i32
        %cond3A_101 = arith.cmpi ne, %convert_element_type3A_99, %cond3A_100 : i32
        scf.if %cond3A_101 {
          %dma_wait3A_310 = arith.constant 0 : i32
          %dma_wait3A_311 = arith.constant 0 : i32
          %dma_wait3A_312 = tpu.memref_slice %arg12[%dma_wait3A_310, %dma_wait3A_311] : memref<10080x128xbf16, #tpu.memory_space<vmem_shared>> -> memref<10080x128xbf16, #tpu.memory_space<vmem_shared>>
          tpu.wait_indirect_dma semaphore(%arg37 : memref<!tpu.dma_semaphore, #tpu.memory_space<semaphore_mem>>) src(%arg19 : memref<128x128xbf16, #tpu.memory_space<vmem>>) dst(%dma_wait3A_312 : memref<10080x128xbf16, #tpu.memory_space<vmem_shared>>)
        } else {
        }
        %add3A_102 = arith.constant 1 : i32
        %add3A_103 = arith.addi %add3A_92, %add3A_102 : i32
        %lt3A = arith.constant 80 : i32
        %lt3A_104 = arith.cmpi slt, %add3A_103, %lt3A : i32
        %convert_element_type3A_105 = arith.extui %lt3A_104 : i1 to i32
        %cond3A_106 = arith.constant 0 : i32
        %cond3A_107 = arith.cmpi ne, %convert_element_type3A_105, %cond3A_106 : i32
        scf.if %cond3A_107 {
          %dma_start3A_310 = tpu.memref_slice %arg4[%add3A_97] : memref<163840xi32, #tpu.memory_space<hbm>> -> memref<128xi32, #tpu.memory_space<hbm>>
          %dma_start3A_311 = tpu.memref_slice %arg4[%add3A_97] : memref<163840xi32, #tpu.memory_space<hbm>> -> memref<128xi32, #tpu.memory_space<hbm>>
          tpu.enqueue_dma source(%dma_start3A_311 : memref<128xi32, #tpu.memory_space<hbm>>) target(%arg15 : memref<128xi32, #tpu.memory_space<vmem>>) target_semaphore(%arg39 : memref<!tpu.dma_semaphore, #tpu.memory_space<semaphore_mem>>)
          %dma_start3A_312 = tpu.memref_slice %arg5[%add3A_97] : memref<163840xi32, #tpu.memory_space<hbm>> -> memref<128xi32, #tpu.memory_space<hbm>>
          %dma_start3A_313 = tpu.memref_slice %arg5[%add3A_97] : memref<163840xi32, #tpu.memory_space<hbm>> -> memref<128xi32, #tpu.memory_space<hbm>>
          tpu.enqueue_dma source(%dma_start3A_313 : memref<128xi32, #tpu.memory_space<hbm>>) target(%arg17 : memref<128xi32, #tpu.memory_space<vmem>>) target_semaphore(%arg39 : memref<!tpu.dma_semaphore, #tpu.memory_space<semaphore_mem>>)
        } else {
        }
        %dma_wait3A_108 = arith.constant 0 : i32
        %dma_wait3A_109 = arith.constant 0 : i32
        %dma_wait3A_110 = tpu.memref_slice %arg2[%dma_wait3A_108, %dma_wait3A_109] : memref<10000x128xbf16, #tpu.memory_space<hbm>> -> memref<10000x128xbf16, #tpu.memory_space<hbm>>
        tpu.wait_indirect_dma semaphore(%arg32 : memref<!tpu.dma_semaphore, #tpu.memory_space<semaphore_mem>>) src(%dma_wait3A_110 : memref<10000x128xbf16, #tpu.memory_space<hbm>>) dst(%arg18 : memref<128x128xbf16, #tpu.memory_space<vmem>>)
        %dma_start3A_111 = arith.constant 0 : i32
        %dma_start3A_112 = arith.constant 0 : i32
        %dma_start3A_113 = tpu.memref_slice %arg12[%dma_start3A_111, %dma_start3A_112] : memref<10080x128xbf16, #tpu.memory_space<vmem_shared>> -> memref<10080x128xbf16, #tpu.memory_space<vmem_shared>>
        tpu.enqueue_indirect_dma source(%arg18 : memref<128x128xbf16, #tpu.memory_space<vmem>>) target(%dma_start3A_113 : memref<10080x128xbf16, #tpu.memory_space<vmem_shared>>) offsets(%arg16 : memref<128xi32, #tpu.memory_space<vmem>>) semaphore(%arg36 : memref<!tpu.dma_semaphore, #tpu.memory_space<semaphore_mem>>) {add = true}
        %add3A_114 = arith.constant 1 : i32
        %add3A_115 = arith.addi %add3A_92, %add3A_114 : i32
        %lt3A_116 = arith.constant 80 : i32
        %lt3A_117 = arith.cmpi slt, %add3A_115, %lt3A_116 : i32
        %convert_element_type3A_118 = arith.extui %lt3A_117 : i1 to i32
        %cond3A_119 = arith.constant 0 : i32
        %cond3A_120 = arith.cmpi ne, %convert_element_type3A_118, %cond3A_119 : i32
        scf.if %cond3A_120 {
          %dma_wait3A_310 = tpu.memref_slice %arg4[%add3A_97] : memref<163840xi32, #tpu.memory_space<hbm>> -> memref<128xi32, #tpu.memory_space<hbm>>
          %dma_wait3A_311 = tpu.memref_slice %arg4[%add3A_97] : memref<163840xi32, #tpu.memory_space<hbm>> -> memref<128xi32, #tpu.memory_space<hbm>>
          tpu.wait_dma2 semaphore(%arg39 : memref<!tpu.dma_semaphore, #tpu.memory_space<semaphore_mem>>) src(%dma_wait3A_311 : memref<128xi32, #tpu.memory_space<hbm>>) dst(%arg15 : memref<128xi32, #tpu.memory_space<vmem>>)
          %dma_wait3A_312 = tpu.memref_slice %arg5[%add3A_97] : memref<163840xi32, #tpu.memory_space<hbm>> -> memref<128xi32, #tpu.memory_space<hbm>>
          %dma_wait3A_313 = tpu.memref_slice %arg5[%add3A_97] : memref<163840xi32, #tpu.memory_space<hbm>> -> memref<128xi32, #tpu.memory_space<hbm>>
          tpu.wait_dma2 semaphore(%arg39 : memref<!tpu.dma_semaphore, #tpu.memory_space<semaphore_mem>>) src(%dma_wait3A_313 : memref<128xi32, #tpu.memory_space<hbm>>) dst(%arg17 : memref<128xi32, #tpu.memory_space<vmem>>)
          %dma_start3A_314 = arith.constant 0 : i32
          %dma_start3A_315 = arith.constant 0 : i32
          %dma_start3A_316 = tpu.memref_slice %arg2[%dma_start3A_314, %dma_start3A_315] : memref<10000x128xbf16, #tpu.memory_space<hbm>> -> memref<10000x128xbf16, #tpu.memory_space<hbm>>
          tpu.enqueue_indirect_dma source(%dma_start3A_316 : memref<10000x128xbf16, #tpu.memory_space<hbm>>) target(%arg19 : memref<128x128xbf16, #tpu.memory_space<vmem>>) offsets(%arg15 : memref<128xi32, #tpu.memory_space<vmem>>) semaphore(%arg33 : memref<!tpu.dma_semaphore, #tpu.memory_space<semaphore_mem>>)
        } else {
        }
        %mul3A_121 = arith.constant 2 : i32
        %mul3A_122 = arith.muli %scan3A_87, %mul3A_121 : i32
        %add3A_123 = arith.constant 1 : i32
        %add3A_124 = arith.addi %mul3A_122, %add3A_123 : i32
        %mul3A_125 = arith.constant 128 : i32
        %mul3A_126 = arith.muli %add3A_124, %mul3A_125 : i32
        %add3A_127 = arith.addi %add3A_66, %mul3A_126 : i32
        %gt3A_128 = arith.constant 0 : i32
        %gt3A_129 = arith.cmpi sgt, %mul3A_122, %gt3A_128 : i32
        %convert_element_type3A_130 = arith.extui %gt3A_129 : i1 to i32
        %cond3A_131 = arith.constant 0 : i32
        %cond3A_132 = arith.cmpi ne, %convert_element_type3A_130, %cond3A_131 : i32
        scf.if %cond3A_132 {
          %dma_wait3A_310 = arith.constant 0 : i32
          %dma_wait3A_311 = arith.constant 0 : i32
          %dma_wait3A_312 = tpu.memref_slice %arg13[%dma_wait3A_310, %dma_wait3A_311] : memref<10080x16xf32, #tpu.memory_space<vmem_shared>> -> memref<10080x16xf32, #tpu.memory_space<vmem_shared>>
          tpu.wait_indirect_dma semaphore(%arg43 : memref<!tpu.dma_semaphore, #tpu.memory_space<semaphore_mem>>) src(%arg29 : memref<128x16xf32, #tpu.memory_space<vmem>>) dst(%dma_wait3A_312 : memref<10080x16xf32, #tpu.memory_space<vmem_shared>>)
        } else {
        }
        %add3A_133 = arith.constant 1 : i32
        %add3A_134 = arith.addi %mul3A_122, %add3A_133 : i32
        %lt3A_135 = arith.constant 40 : i32
        %lt3A_136 = arith.cmpi slt, %add3A_134, %lt3A_135 : i32
        %convert_element_type3A_137 = arith.extui %lt3A_136 : i1 to i32
        %cond3A_138 = arith.constant 0 : i32
        %cond3A_139 = arith.cmpi ne, %convert_element_type3A_137, %cond3A_138 : i32
        scf.if %cond3A_139 {
          %dma_start3A_310 = tpu.memref_slice %arg4[%add3A_127] : memref<163840xi32, #tpu.memory_space<hbm>> -> memref<128xi32, #tpu.memory_space<hbm>>
          %dma_start3A_311 = tpu.memref_slice %arg4[%add3A_127] : memref<163840xi32, #tpu.memory_space<hbm>> -> memref<128xi32, #tpu.memory_space<hbm>>
          tpu.enqueue_dma source(%dma_start3A_311 : memref<128xi32, #tpu.memory_space<hbm>>) target(%arg21 : memref<128xi32, #tpu.memory_space<vmem>>) target_semaphore(%arg45 : memref<!tpu.dma_semaphore, #tpu.memory_space<semaphore_mem>>)
          %dma_start3A_312 = tpu.memref_slice %arg5[%add3A_127] : memref<163840xi32, #tpu.memory_space<hbm>> -> memref<128xi32, #tpu.memory_space<hbm>>
          %dma_start3A_313 = tpu.memref_slice %arg5[%add3A_127] : memref<163840xi32, #tpu.memory_space<hbm>> -> memref<128xi32, #tpu.memory_space<hbm>>
          tpu.enqueue_dma source(%dma_start3A_313 : memref<128xi32, #tpu.memory_space<hbm>>) target(%arg23 : memref<128xi32, #tpu.memory_space<vmem>>) target_semaphore(%arg45 : memref<!tpu.dma_semaphore, #tpu.memory_space<semaphore_mem>>)
          %dma_start3A_314 = tpu.memref_slice %arg6[%add3A_127] : memref<163840xf32, #tpu.memory_space<hbm>> -> memref<128xf32, #tpu.memory_space<hbm>>
          %dma_start3A_315 = tpu.memref_slice %arg6[%add3A_127] : memref<163840xf32, #tpu.memory_space<hbm>> -> memref<128xf32, #tpu.memory_space<hbm>>
          tpu.enqueue_dma source(%dma_start3A_315 : memref<128xf32, #tpu.memory_space<hbm>>) target(%arg31 : memref<128xf32, #tpu.memory_space<vmem>>) target_semaphore(%arg45 : memref<!tpu.dma_semaphore, #tpu.memory_space<semaphore_mem>>)
        } else {
        }
        %dma_wait3A_140 = arith.constant 0 : i32
        %dma_wait3A_141 = arith.constant 0 : i32
        %dma_wait3A_142 = tpu.memref_slice %arg7[%dma_wait3A_140, %dma_wait3A_141] : memref<10000x16xf32, #tpu.memory_space<hbm>> -> memref<10000x16xf32, #tpu.memory_space<hbm>>
        tpu.wait_indirect_dma semaphore(%arg40 : memref<!tpu.dma_semaphore, #tpu.memory_space<semaphore_mem>>) src(%dma_wait3A_142 : memref<10000x16xf32, #tpu.memory_space<hbm>>) dst(%arg24 : memref<128x16xf32, #tpu.memory_space<vmem>>)
        %dma_wait3A_143 = arith.constant 0 : i32
        %dma_wait3A_144 = arith.constant 0 : i32
        %dma_wait3A_145 = tpu.memref_slice %arg7[%dma_wait3A_143, %dma_wait3A_144] : memref<10000x16xf32, #tpu.memory_space<hbm>> -> memref<10000x16xf32, #tpu.memory_space<hbm>>
        tpu.wait_indirect_dma semaphore(%arg34 : memref<!tpu.dma_semaphore, #tpu.memory_space<semaphore_mem>>) src(%dma_wait3A_145 : memref<10000x16xf32, #tpu.memory_space<hbm>>) dst(%arg26 : memref<128x16xf32, #tpu.memory_space<vmem>>)
        %add3A_146 = arith.constant 1 : i32
        %add3A_147 = arith.addi %mul3A_122, %add3A_146 : i32
        %lt3A_148 = arith.constant 40 : i32
        %lt3A_149 = arith.cmpi slt, %add3A_147, %lt3A_148 : i32
        %convert_element_type3A_150 = arith.extui %lt3A_149 : i1 to i32
        %cond3A_151 = arith.constant 0 : i32
        %cond3A_152 = arith.cmpi ne, %convert_element_type3A_150, %cond3A_151 : i32
        scf.if %cond3A_152 {
          %dma_wait3A_310 = tpu.memref_slice %arg4[%add3A_127] : memref<163840xi32, #tpu.memory_space<hbm>> -> memref<128xi32, #tpu.memory_space<hbm>>
          %dma_wait3A_311 = tpu.memref_slice %arg4[%add3A_127] : memref<163840xi32, #tpu.memory_space<hbm>> -> memref<128xi32, #tpu.memory_space<hbm>>
          tpu.wait_dma2 semaphore(%arg45 : memref<!tpu.dma_semaphore, #tpu.memory_space<semaphore_mem>>) src(%dma_wait3A_311 : memref<128xi32, #tpu.memory_space<hbm>>) dst(%arg21 : memref<128xi32, #tpu.memory_space<vmem>>)
          %dma_wait3A_312 = tpu.memref_slice %arg5[%add3A_127] : memref<163840xi32, #tpu.memory_space<hbm>> -> memref<128xi32, #tpu.memory_space<hbm>>
          %dma_wait3A_313 = tpu.memref_slice %arg5[%add3A_127] : memref<163840xi32, #tpu.memory_space<hbm>> -> memref<128xi32, #tpu.memory_space<hbm>>
          tpu.wait_dma2 semaphore(%arg45 : memref<!tpu.dma_semaphore, #tpu.memory_space<semaphore_mem>>) src(%dma_wait3A_313 : memref<128xi32, #tpu.memory_space<hbm>>) dst(%arg23 : memref<128xi32, #tpu.memory_space<vmem>>)
          %dma_wait3A_314 = tpu.memref_slice %arg6[%add3A_127] : memref<163840xf32, #tpu.memory_space<hbm>> -> memref<128xf32, #tpu.memory_space<hbm>>
          %dma_wait3A_315 = tpu.memref_slice %arg6[%add3A_127] : memref<163840xf32, #tpu.memory_space<hbm>> -> memref<128xf32, #tpu.memory_space<hbm>>
          tpu.wait_dma2 semaphore(%arg45 : memref<!tpu.dma_semaphore, #tpu.memory_space<semaphore_mem>>) src(%dma_wait3A_315 : memref<128xf32, #tpu.memory_space<hbm>>) dst(%arg31 : memref<128xf32, #tpu.memory_space<vmem>>)
          %dma_start3A_316 = arith.constant 0 : i32
          %dma_start3A_317 = arith.constant 0 : i32
          %dma_start3A_318 = tpu.memref_slice %arg7[%dma_start3A_316, %dma_start3A_317] : memref<10000x16xf32, #tpu.memory_space<hbm>> -> memref<10000x16xf32, #tpu.memory_space<hbm>>
          tpu.enqueue_indirect_dma source(%dma_start3A_318 : memref<10000x16xf32, #tpu.memory_space<hbm>>) target(%arg25 : memref<128x16xf32, #tpu.memory_space<vmem>>) offsets(%arg21 : memref<128xi32, #tpu.memory_space<vmem>>) semaphore(%arg41 : memref<!tpu.dma_semaphore, #tpu.memory_space<semaphore_mem>>)
          %dma_start3A_319 = arith.constant 0 : i32
          %dma_start3A_320 = arith.constant 0 : i32
          %dma_start3A_321 = tpu.memref_slice %arg7[%dma_start3A_319, %dma_start3A_320] : memref<10000x16xf32, #tpu.memory_space<hbm>> -> memref<10000x16xf32, #tpu.memory_space<hbm>>
          tpu.enqueue_indirect_dma source(%dma_start3A_321 : memref<10000x16xf32, #tpu.memory_space<hbm>>) target(%arg27 : memref<128x16xf32, #tpu.memory_space<vmem>>) offsets(%arg23 : memref<128xi32, #tpu.memory_space<vmem>>) semaphore(%arg35 : memref<!tpu.dma_semaphore, #tpu.memory_space<semaphore_mem>>)
        } else {
        }
        %scan3A_153 = arith.constant 0 : i32
        %scan3A_154 = arith.constant 0 : i32
        %scan3A_155 = arith.constant 8 : i32
        %scan3A_156 = arith.addi %scan3A_154, %scan3A_155 : i32
        %scan3A_157 = arith.constant 1 : i32
        %scan3A_158 = scf.for %scan3A_310 = %scan3A_154 to %scan3A_156 step %scan3A_157 iter_args(%scan3A_311 = %scan3A_153) -> (i32)  : i32 {
          %mul3A_312 = arith.constant 16 : i32
          %mul3A_313 = arith.muli %scan3A_310, %mul3A_312 : i32
          %get3A = arith.index_cast %mul3A_313 : i32 to index
          %get3A_314 = tpu.vector_load %arg30[%get3A] {strides = array<i32>} : memref<128xf32, #tpu.memory_space<vmem>>, vector<16xf32>,
          %get3A_315 = vector.shape_cast %get3A_314 : vector<16xf32> to vector<16xf32>
          %mul3A_316 = arith.constant 16 : i32
          %mul3A_317 = arith.muli %scan3A_310, %mul3A_316 : i32
          %add3A_318 = arith.constant 0 : i32
          %add3A_319 = arith.addi %mul3A_317, %add3A_318 : i32
          %slice3A = vector.extract_strided_slice %get3A_315 {offsets = [0], sizes = [1], strides = [1]} : vector<16xf32> to vector<1xf32>
          %squeeze3A = vector.extract %slice3A[0] : f32 from vector<1xf32>
          %get3A_320 = arith.index_cast %add3A_319 : i32 to index
          %get3A_321 = arith.constant 0 : index
          %get3A_322 = tpu.vector_load %arg24[%get3A_320, %get3A_321] {strides = array<i32>} : memref<128x16xf32, #tpu.memory_space<vmem>>, vector<1x16xf32>,
          %get3A_323 = vector.shape_cast %get3A_322 : vector<1x16xf32> to vector<16xf32>
          %get3A_324 = arith.index_cast %add3A_319 : i32 to index
          %get3A_325 = arith.constant 0 : index
          %get3A_326 = tpu.vector_load %arg26[%get3A_324, %get3A_325] {strides = array<i32>} : memref<128x16xf32, #tpu.memory_space<vmem>>, vector<1x16xf32>,
          %get3A_327 = vector.shape_cast %get3A_326 : vector<1x16xf32> to vector<16xf32>
          %sub3A = arith.subf %get3A_323, %get3A_327 : vector<16xf32>
          %mul3A_328 = vector.broadcast %squeeze3A : f32 to vector<16xf32>
          %mul3A_329 = arith.mulf %sub3A, %mul3A_328 : vector<16xf32>
          %swap3A = arith.index_cast %add3A_319 : i32 to index
          %swap3A_330 = arith.constant 0 : index
          %swap3A_331 = tpu.vector_load %arg28[%swap3A, %swap3A_330] {strides = array<i32>} : memref<128x16xf32, #tpu.memory_space<vmem>>, vector<1x16xf32>,
          %swap3A_332 = vector.shape_cast %swap3A_331 : vector<1x16xf32> to vector<16xf32>
          %swap3A_333 = vector.shape_cast %mul3A_329 : vector<16xf32> to vector<1x16xf32>
          tpu.vector_store %arg28[%swap3A, %swap3A_330], %swap3A_333 {strides = array<i32>} : memref<128x16xf32, #tpu.memory_space<vmem>>, vector<1x16xf32>,
          %mul3A_334 = arith.constant 16 : i32
          %mul3A_335 = arith.muli %scan3A_310, %mul3A_334 : i32
          %add3A_336 = arith.constant 1 : i32
          %add3A_337 = arith.addi %mul3A_335, %add3A_336 : i32
          %slice3A_338 = vector.extract_strided_slice %get3A_315 {offsets = [1], sizes = [1], strides = [1]} : vector<16xf32> to vector<1xf32>
          %squeeze3A_339 = vector.extract %slice3A_338[0] : f32 from vector<1xf32>
          %get3A_340 = arith.index_cast %add3A_337 : i32 to index
          %get3A_341 = arith.constant 0 : index
          %get3A_342 = tpu.vector_load %arg24[%get3A_340, %get3A_341] {strides = array<i32>} : memref<128x16xf32, #tpu.memory_space<vmem>>, vector<1x16xf32>,
          %get3A_343 = vector.shape_cast %get3A_342 : vector<1x16xf32> to vector<16xf32>
          %get3A_344 = arith.index_cast %add3A_337 : i32 to index
          %get3A_345 = arith.constant 0 : index
          %get3A_346 = tpu.vector_load %arg26[%get3A_344, %get3A_345] {strides = array<i32>} : memref<128x16xf32, #tpu.memory_space<vmem>>, vector<1x16xf32>,
          %get3A_347 = vector.shape_cast %get3A_346 : vector<1x16xf32> to vector<16xf32>
          %sub3A_348 = arith.subf %get3A_343, %get3A_347 : vector<16xf32>
          %mul3A_349 = vector.broadcast %squeeze3A_339 : f32 to vector<16xf32>
          %mul3A_350 = arith.mulf %sub3A_348, %mul3A_349 : vector<16xf32>
          %swap3A_351 = arith.index_cast %add3A_337 : i32 to index
          %swap3A_352 = arith.constant 0 : index
          %swap3A_353 = tpu.vector_load %arg28[%swap3A_351, %swap3A_352] {strides = array<i32>} : memref<128x16xf32, #tpu.memory_space<vmem>>, vector<1x16xf32>,
          %swap3A_354 = vector.shape_cast %swap3A_353 : vector<1x16xf32> to vector<16xf32>
          %swap3A_355 = vector.shape_cast %mul3A_350 : vector<16xf32> to vector<1x16xf32>
          tpu.vector_store %arg28[%swap3A_351, %swap3A_352], %swap3A_355 {strides = array<i32>} : memref<128x16xf32, #tpu.memory_space<vmem>>, vector<1x16xf32>,
          %mul3A_356 = arith.constant 16 : i32
          %mul3A_357 = arith.muli %scan3A_310, %mul3A_356 : i32
          %add3A_358 = arith.constant 2 : i32
          %add3A_359 = arith.addi %mul3A_357, %add3A_358 : i32
          %slice3A_360 = vector.extract_strided_slice %get3A_315 {offsets = [2], sizes = [1], strides = [1]} : vector<16xf32> to vector<1xf32>
          %squeeze3A_361 = vector.extract %slice3A_360[0] : f32 from vector<1xf32>
          %get3A_362 = arith.index_cast %add3A_359 : i32 to index
          %get3A_363 = arith.constant 0 : index
          %get3A_364 = tpu.vector_load %arg24[%get3A_362, %get3A_363] {strides = array<i32>} : memref<128x16xf32, #tpu.memory_space<vmem>>, vector<1x16xf32>,
          %get3A_365 = vector.shape_cast %get3A_364 : vector<1x16xf32> to vector<16xf32>
          %get3A_366 = arith.index_cast %add3A_359 : i32 to index
          %get3A_367 = arith.constant 0 : index
          %get3A_368 = tpu.vector_load %arg26[%get3A_366, %get3A_367] {strides = array<i32>} : memref<128x16xf32, #tpu.memory_space<vmem>>, vector<1x16xf32>,
          %get3A_369 = vector.shape_cast %get3A_368 : vector<1x16xf32> to vector<16xf32>
          %sub3A_370 = arith.subf %get3A_365, %get3A_369 : vector<16xf32>
          %mul3A_371 = vector.broadcast %squeeze3A_361 : f32 to vector<16xf32>
          %mul3A_372 = arith.mulf %sub3A_370, %mul3A_371 : vector<16xf32>
          %swap3A_373 = arith.index_cast %add3A_359 : i32 to index
          %swap3A_374 = arith.constant 0 : index
          %swap3A_375 = tpu.vector_load %arg28[%swap3A_373, %swap3A_374] {strides = array<i32>} : memref<128x16xf32, #tpu.memory_space<vmem>>, vector<1x16xf32>,
          %swap3A_376 = vector.shape_cast %swap3A_375 : vector<1x16xf32> to vector<16xf32>
          %swap3A_377 = vector.shape_cast %mul3A_372 : vector<16xf32> to vector<1x16xf32>
          tpu.vector_store %arg28[%swap3A_373, %swap3A_374], %swap3A_377 {strides = array<i32>} : memref<128x16xf32, #tpu.memory_space<vmem>>, vector<1x16xf32>,
          %mul3A_378 = arith.constant 16 : i32
          %mul3A_379 = arith.muli %scan3A_310, %mul3A_378 : i32
          %add3A_380 = arith.constant 3 : i32
          %add3A_381 = arith.addi %mul3A_379, %add3A_380 : i32
          %slice3A_382 = vector.extract_strided_slice %get3A_315 {offsets = [3], sizes = [1], strides = [1]} : vector<16xf32> to vector<1xf32>
          %squeeze3A_383 = vector.extract %slice3A_382[0] : f32 from vector<1xf32>
          %get3A_384 = arith.index_cast %add3A_381 : i32 to index
          %get3A_385 = arith.constant 0 : index
          %get3A_386 = tpu.vector_load %arg24[%get3A_384, %get3A_385] {strides = array<i32>} : memref<128x16xf32, #tpu.memory_space<vmem>>, vector<1x16xf32>,
          %get3A_387 = vector.shape_cast %get3A_386 : vector<1x16xf32> to vector<16xf32>
          %get3A_388 = arith.index_cast %add3A_381 : i32 to index
          %get3A_389 = arith.constant 0 : index
          %get3A_390 = tpu.vector_load %arg26[%get3A_388, %get3A_389] {strides = array<i32>} : memref<128x16xf32, #tpu.memory_space<vmem>>, vector<1x16xf32>,
          %get3A_391 = vector.shape_cast %get3A_390 : vector<1x16xf32> to vector<16xf32>
          %sub3A_392 = arith.subf %get3A_387, %get3A_391 : vector<16xf32>
          %mul3A_393 = vector.broadcast %squeeze3A_383 : f32 to vector<16xf32>
          %mul3A_394 = arith.mulf %sub3A_392, %mul3A_393 : vector<16xf32>
          %swap3A_395 = arith.index_cast %add3A_381 : i32 to index
          %swap3A_396 = arith.constant 0 : index
          %swap3A_397 = tpu.vector_load %arg28[%swap3A_395, %swap3A_396] {strides = array<i32>} : memref<128x16xf32, #tpu.memory_space<vmem>>, vector<1x16xf32>,
          %swap3A_398 = vector.shape_cast %swap3A_397 : vector<1x16xf32> to vector<16xf32>
          %swap3A_399 = vector.shape_cast %mul3A_394 : vector<16xf32> to vector<1x16xf32>
          tpu.vector_store %arg28[%swap3A_395, %swap3A_396], %swap3A_399 {strides = array<i32>} : memref<128x16xf32, #tpu.memory_space<vmem>>, vector<1x16xf32>,
          %mul3A_400 = arith.constant 16 : i32
          %mul3A_401 = arith.muli %scan3A_310, %mul3A_400 : i32
          %add3A_402 = arith.constant 4 : i32
          %add3A_403 = arith.addi %mul3A_401, %add3A_402 : i32
          %slice3A_404 = vector.extract_strided_slice %get3A_315 {offsets = [4], sizes = [1], strides = [1]} : vector<16xf32> to vector<1xf32>
          %squeeze3A_405 = vector.extract %slice3A_404[0] : f32 from vector<1xf32>
          %get3A_406 = arith.index_cast %add3A_403 : i32 to index
          %get3A_407 = arith.constant 0 : index
          %get3A_408 = tpu.vector_load %arg24[%get3A_406, %get3A_407] {strides = array<i32>} : memref<128x16xf32, #tpu.memory_space<vmem>>, vector<1x16xf32>,
          %get3A_409 = vector.shape_cast %get3A_408 : vector<1x16xf32> to vector<16xf32>
          %get3A_410 = arith.index_cast %add3A_403 : i32 to index
          %get3A_411 = arith.constant 0 : index
          %get3A_412 = tpu.vector_load %arg26[%get3A_410, %get3A_411] {strides = array<i32>} : memref<128x16xf32, #tpu.memory_space<vmem>>, vector<1x16xf32>,
          %get3A_413 = vector.shape_cast %get3A_412 : vector<1x16xf32> to vector<16xf32>
          %sub3A_414 = arith.subf %get3A_409, %get3A_413 : vector<16xf32>
          %mul3A_415 = vector.broadcast %squeeze3A_405 : f32 to vector<16xf32>
          %mul3A_416 = arith.mulf %sub3A_414, %mul3A_415 : vector<16xf32>
          %swap3A_417 = arith.index_cast %add3A_403 : i32 to index
          %swap3A_418 = arith.constant 0 : index
          %swap3A_419 = tpu.vector_load %arg28[%swap3A_417, %swap3A_418] {strides = array<i32>} : memref<128x16xf32, #tpu.memory_space<vmem>>, vector<1x16xf32>,
          %swap3A_420 = vector.shape_cast %swap3A_419 : vector<1x16xf32> to vector<16xf32>
          %swap3A_421 = vector.shape_cast %mul3A_416 : vector<16xf32> to vector<1x16xf32>
          tpu.vector_store %arg28[%swap3A_417, %swap3A_418], %swap3A_421 {strides = array<i32>} : memref<128x16xf32, #tpu.memory_space<vmem>>, vector<1x16xf32>,
          %mul3A_422 = arith.constant 16 : i32
          %mul3A_423 = arith.muli %scan3A_310, %mul3A_422 : i32
          %add3A_424 = arith.constant 5 : i32
          %add3A_425 = arith.addi %mul3A_423, %add3A_424 : i32
          %slice3A_426 = vector.extract_strided_slice %get3A_315 {offsets = [5], sizes = [1], strides = [1]} : vector<16xf32> to vector<1xf32>
          %squeeze3A_427 = vector.extract %slice3A_426[0] : f32 from vector<1xf32>
          %get3A_428 = arith.index_cast %add3A_425 : i32 to index
          %get3A_429 = arith.constant 0 : index
          %get3A_430 = tpu.vector_load %arg24[%get3A_428, %get3A_429] {strides = array<i32>} : memref<128x16xf32, #tpu.memory_space<vmem>>, vector<1x16xf32>,
          %get3A_431 = vector.shape_cast %get3A_430 : vector<1x16xf32> to vector<16xf32>
          %get3A_432 = arith.index_cast %add3A_425 : i32 to index
          %get3A_433 = arith.constant 0 : index
          %get3A_434 = tpu.vector_load %arg26[%get3A_432, %get3A_433] {strides = array<i32>} : memref<128x16xf32, #tpu.memory_space<vmem>>, vector<1x16xf32>,
          %get3A_435 = vector.shape_cast %get3A_434 : vector<1x16xf32> to vector<16xf32>
          %sub3A_436 = arith.subf %get3A_431, %get3A_435 : vector<16xf32>
          %mul3A_437 = vector.broadcast %squeeze3A_427 : f32 to vector<16xf32>
          %mul3A_438 = arith.mulf %sub3A_436, %mul3A_437 : vector<16xf32>
          %swap3A_439 = arith.index_cast %add3A_425 : i32 to index
          %swap3A_440 = arith.constant 0 : index
          %swap3A_441 = tpu.vector_load %arg28[%swap3A_439, %swap3A_440] {strides = array<i32>} : memref<128x16xf32, #tpu.memory_space<vmem>>, vector<1x16xf32>,
          %swap3A_442 = vector.shape_cast %swap3A_441 : vector<1x16xf32> to vector<16xf32>
          %swap3A_443 = vector.shape_cast %mul3A_438 : vector<16xf32> to vector<1x16xf32>
          tpu.vector_store %arg28[%swap3A_439, %swap3A_440], %swap3A_443 {strides = array<i32>} : memref<128x16xf32, #tpu.memory_space<vmem>>, vector<1x16xf32>,
          %mul3A_444 = arith.constant 16 : i32
          %mul3A_445 = arith.muli %scan3A_310, %mul3A_444 : i32
          %add3A_446 = arith.constant 6 : i32
          %add3A_447 = arith.addi %mul3A_445, %add3A_446 : i32
          %slice3A_448 = vector.extract_strided_slice %get3A_315 {offsets = [6], sizes = [1], strides = [1]} : vector<16xf32> to vector<1xf32>
          %squeeze3A_449 = vector.extract %slice3A_448[0] : f32 from vector<1xf32>
          %get3A_450 = arith.index_cast %add3A_447 : i32 to index
          %get3A_451 = arith.constant 0 : index
          %get3A_452 = tpu.vector_load %arg24[%get3A_450, %get3A_451] {strides = array<i32>} : memref<128x16xf32, #tpu.memory_space<vmem>>, vector<1x16xf32>,
          %get3A_453 = vector.shape_cast %get3A_452 : vector<1x16xf32> to vector<16xf32>
          %get3A_454 = arith.index_cast %add3A_447 : i32 to index
          %get3A_455 = arith.constant 0 : index
          %get3A_456 = tpu.vector_load %arg26[%get3A_454, %get3A_455] {strides = array<i32>} : memref<128x16xf32, #tpu.memory_space<vmem>>, vector<1x16xf32>,
          %get3A_457 = vector.shape_cast %get3A_456 : vector<1x16xf32> to vector<16xf32>
          %sub3A_458 = arith.subf %get3A_453, %get3A_457 : vector<16xf32>
          %mul3A_459 = vector.broadcast %squeeze3A_449 : f32 to vector<16xf32>
          %mul3A_460 = arith.mulf %sub3A_458, %mul3A_459 : vector<16xf32>
          %swap3A_461 = arith.index_cast %add3A_447 : i32 to index
          %swap3A_462 = arith.constant 0 : index
          %swap3A_463 = tpu.vector_load %arg28[%swap3A_461, %swap3A_462] {strides = array<i32>} : memref<128x16xf32, #tpu.memory_space<vmem>>, vector<1x16xf32>,
          %swap3A_464 = vector.shape_cast %swap3A_463 : vector<1x16xf32> to vector<16xf32>
          %swap3A_465 = vector.shape_cast %mul3A_460 : vector<16xf32> to vector<1x16xf32>
          tpu.vector_store %arg28[%swap3A_461, %swap3A_462], %swap3A_465 {strides = array<i32>} : memref<128x16xf32, #tpu.memory_space<vmem>>, vector<1x16xf32>,
          %mul3A_466 = arith.constant 16 : i32
          %mul3A_467 = arith.muli %scan3A_310, %mul3A_466 : i32
          %add3A_468 = arith.constant 7 : i32
          %add3A_469 = arith.addi %mul3A_467, %add3A_468 : i32
          %slice3A_470 = vector.extract_strided_slice %get3A_315 {offsets = [7], sizes = [1], strides = [1]} : vector<16xf32> to vector<1xf32>
          %squeeze3A_471 = vector.extract %slice3A_470[0] : f32 from vector<1xf32>
          %get3A_472 = arith.index_cast %add3A_469 : i32 to index
          %get3A_473 = arith.constant 0 : index
          %get3A_474 = tpu.vector_load %arg24[%get3A_472, %get3A_473] {strides = array<i32>} : memref<128x16xf32, #tpu.memory_space<vmem>>, vector<1x16xf32>,
          %get3A_475 = vector.shape_cast %get3A_474 : vector<1x16xf32> to vector<16xf32>
          %get3A_476 = arith.index_cast %add3A_469 : i32 to index
          %get3A_477 = arith.constant 0 : index
          %get3A_478 = tpu.vector_load %arg26[%get3A_476, %get3A_477] {strides = array<i32>} : memref<128x16xf32, #tpu.memory_space<vmem>>, vector<1x16xf32>,
          %get3A_479 = vector.shape_cast %get3A_478 : vector<1x16xf32> to vector<16xf32>
          %sub3A_480 = arith.subf %get3A_475, %get3A_479 : vector<16xf32>
          %mul3A_481 = vector.broadcast %squeeze3A_471 : f32 to vector<16xf32>
          %mul3A_482 = arith.mulf %sub3A_480, %mul3A_481 : vector<16xf32>
          %swap3A_483 = arith.index_cast %add3A_469 : i32 to index
          %swap3A_484 = arith.constant 0 : index
          %swap3A_485 = tpu.vector_load %arg28[%swap3A_483, %swap3A_484] {strides = array<i32>} : memref<128x16xf32, #tpu.memory_space<vmem>>, vector<1x16xf32>,
          %swap3A_486 = vector.shape_cast %swap3A_485 : vector<1x16xf32> to vector<16xf32>
          %swap3A_487 = vector.shape_cast %mul3A_482 : vector<16xf32> to vector<1x16xf32>
          tpu.vector_store %arg28[%swap3A_483, %swap3A_484], %swap3A_487 {strides = array<i32>} : memref<128x16xf32, #tpu.memory_space<vmem>>, vector<1x16xf32>,
          %mul3A_488 = arith.constant 16 : i32
          %mul3A_489 = arith.muli %scan3A_310, %mul3A_488 : i32
          %add3A_490 = arith.constant 8 : i32
          %add3A_491 = arith.addi %mul3A_489, %add3A_490 : i32
          %slice3A_492 = vector.extract_strided_slice %get3A_315 {offsets = [8], sizes = [1], strides = [1]} : vector<16xf32> to vector<1xf32>
          %squeeze3A_493 = vector.extract %slice3A_492[0] : f32 from vector<1xf32>
          %get3A_494 = arith.index_cast %add3A_491 : i32 to index
          %get3A_495 = arith.constant 0 : index
          %get3A_496 = tpu.vector_load %arg24[%get3A_494, %get3A_495] {strides = array<i32>} : memref<128x16xf32, #tpu.memory_space<vmem>>, vector<1x16xf32>,
          %get3A_497 = vector.shape_cast %get3A_496 : vector<1x16xf32> to vector<16xf32>
          %get3A_498 = arith.index_cast %add3A_491 : i32 to index
          %get3A_499 = arith.constant 0 : index
          %get3A_500 = tpu.vector_load %arg26[%get3A_498, %get3A_499] {strides = array<i32>} : memref<128x16xf32, #tpu.memory_space<vmem>>, vector<1x16xf32>,
          %get3A_501 = vector.shape_cast %get3A_500 : vector<1x16xf32> to vector<16xf32>
          %sub3A_502 = arith.subf %get3A_497, %get3A_501 : vector<16xf32>
          %mul3A_503 = vector.broadcast %squeeze3A_493 : f32 to vector<16xf32>
          %mul3A_504 = arith.mulf %sub3A_502, %mul3A_503 : vector<16xf32>
          %swap3A_505 = arith.index_cast %add3A_491 : i32 to index
          %swap3A_506 = arith.constant 0 : index
          %swap3A_507 = tpu.vector_load %arg28[%swap3A_505, %swap3A_506] {strides = array<i32>} : memref<128x16xf32, #tpu.memory_space<vmem>>, vector<1x16xf32>,
          %swap3A_508 = vector.shape_cast %swap3A_507 : vector<1x16xf32> to vector<16xf32>
          %swap3A_509 = vector.shape_cast %mul3A_504 : vector<16xf32> to vector<1x16xf32>
          tpu.vector_store %arg28[%swap3A_505, %swap3A_506], %swap3A_509 {strides = array<i32>} : memref<128x16xf32, #tpu.memory_space<vmem>>, vector<1x16xf32>,
          %mul3A_510 = arith.constant 16 : i32
          %mul3A_511 = arith.muli %scan3A_310, %mul3A_510 : i32
          %add3A_512 = arith.constant 9 : i32
          %add3A_513 = arith.addi %mul3A_511, %add3A_512 : i32
          %slice3A_514 = vector.extract_strided_slice %get3A_315 {offsets = [9], sizes = [1], strides = [1]} : vector<16xf32> to vector<1xf32>
          %squeeze3A_515 = vector.extract %slice3A_514[0] : f32 from vector<1xf32>
          %get3A_516 = arith.index_cast %add3A_513 : i32 to index
          %get3A_517 = arith.constant 0 : index
          %get3A_518 = tpu.vector_load %arg24[%get3A_516, %get3A_517] {strides = array<i32>} : memref<128x16xf32, #tpu.memory_space<vmem>>, vector<1x16xf32>,
          %get3A_519 = vector.shape_cast %get3A_518 : vector<1x16xf32> to vector<16xf32>
          %get3A_520 = arith.index_cast %add3A_513 : i32 to index
          %get3A_521 = arith.constant 0 : index
          %get3A_522 = tpu.vector_load %arg26[%get3A_520, %get3A_521] {strides = array<i32>} : memref<128x16xf32, #tpu.memory_space<vmem>>, vector<1x16xf32>,
          %get3A_523 = vector.shape_cast %get3A_522 : vector<1x16xf32> to vector<16xf32>
          %sub3A_524 = arith.subf %get3A_519, %get3A_523 : vector<16xf32>
          %mul3A_525 = vector.broadcast %squeeze3A_515 : f32 to vector<16xf32>
          %mul3A_526 = arith.mulf %sub3A_524, %mul3A_525 : vector<16xf32>
          %swap3A_527 = arith.index_cast %add3A_513 : i32 to index
          %swap3A_528 = arith.constant 0 : index
          %swap3A_529 = tpu.vector_load %arg28[%swap3A_527, %swap3A_528] {strides = array<i32>} : memref<128x16xf32, #tpu.memory_space<vmem>>, vector<1x16xf32>,
          %swap3A_530 = vector.shape_cast %swap3A_529 : vector<1x16xf32> to vector<16xf32>
          %swap3A_531 = vector.shape_cast %mul3A_526 : vector<16xf32> to vector<1x16xf32>
          tpu.vector_store %arg28[%swap3A_527, %swap3A_528], %swap3A_531 {strides = array<i32>} : memref<128x16xf32, #tpu.memory_space<vmem>>, vector<1x16xf32>,
          %mul3A_532 = arith.constant 16 : i32
          %mul3A_533 = arith.muli %scan3A_310, %mul3A_532 : i32
          %add3A_534 = arith.constant 10 : i32
          %add3A_535 = arith.addi %mul3A_533, %add3A_534 : i32
          %slice3A_536 = vector.extract_strided_slice %get3A_315 {offsets = [10], sizes = [1], strides = [1]} : vector<16xf32> to vector<1xf32>
          %squeeze3A_537 = vector.extract %slice3A_536[0] : f32 from vector<1xf32>
          %get3A_538 = arith.index_cast %add3A_535 : i32 to index
          %get3A_539 = arith.constant 0 : index
          %get3A_540 = tpu.vector_load %arg24[%get3A_538, %get3A_539] {strides = array<i32>} : memref<128x16xf32, #tpu.memory_space<vmem>>, vector<1x16xf32>,
          %get3A_541 = vector.shape_cast %get3A_540 : vector<1x16xf32> to vector<16xf32>
          %get3A_542 = arith.index_cast %add3A_535 : i32 to index
          %get3A_543 = arith.constant 0 : index
          %get3A_544 = tpu.vector_load %arg26[%get3A_542, %get3A_543] {strides = array<i32>} : memref<128x16xf32, #tpu.memory_space<vmem>>, vector<1x16xf32>,
          %get3A_545 = vector.shape_cast %get3A_544 : vector<1x16xf32> to vector<16xf32>
          %sub3A_546 = arith.subf %get3A_541, %get3A_545 : vector<16xf32>
          %mul3A_547 = vector.broadcast %squeeze3A_537 : f32 to vector<16xf32>
          %mul3A_548 = arith.mulf %sub3A_546, %mul3A_547 : vector<16xf32>
          %swap3A_549 = arith.index_cast %add3A_535 : i32 to index
          %swap3A_550 = arith.constant 0 : index
          %swap3A_551 = tpu.vector_load %arg28[%swap3A_549, %swap3A_550] {strides = array<i32>} : memref<128x16xf32, #tpu.memory_space<vmem>>, vector<1x16xf32>,
          %swap3A_552 = vector.shape_cast %swap3A_551 : vector<1x16xf32> to vector<16xf32>
          %swap3A_553 = vector.shape_cast %mul3A_548 : vector<16xf32> to vector<1x16xf32>
          tpu.vector_store %arg28[%swap3A_549, %swap3A_550], %swap3A_553 {strides = array<i32>} : memref<128x16xf32, #tpu.memory_space<vmem>>, vector<1x16xf32>,
          %mul3A_554 = arith.constant 16 : i32
          %mul3A_555 = arith.muli %scan3A_310, %mul3A_554 : i32
          %add3A_556 = arith.constant 11 : i32
          %add3A_557 = arith.addi %mul3A_555, %add3A_556 : i32
          %slice3A_558 = vector.extract_strided_slice %get3A_315 {offsets = [11], sizes = [1], strides = [1]} : vector<16xf32> to vector<1xf32>
          %squeeze3A_559 = vector.extract %slice3A_558[0] : f32 from vector<1xf32>
          %get3A_560 = arith.index_cast %add3A_557 : i32 to index
          %get3A_561 = arith.constant 0 : index
          %get3A_562 = tpu.vector_load %arg24[%get3A_560, %get3A_561] {strides = array<i32>} : memref<128x16xf32, #tpu.memory_space<vmem>>, vector<1x16xf32>,
          %get3A_563 = vector.shape_cast %get3A_562 : vector<1x16xf32> to vector<16xf32>
          %get3A_564 = arith.index_cast %add3A_557 : i32 to index
          %get3A_565 = arith.constant 0 : index
          %get3A_566 = tpu.vector_load %arg26[%get3A_564, %get3A_565] {strides = array<i32>} : memref<128x16xf32, #tpu.memory_space<vmem>>, vector<1x16xf32>,
          %get3A_567 = vector.shape_cast %get3A_566 : vector<1x16xf32> to vector<16xf32>
          %sub3A_568 = arith.subf %get3A_563, %get3A_567 : vector<16xf32>
          %mul3A_569 = vector.broadcast %squeeze3A_559 : f32 to vector<16xf32>
          %mul3A_570 = arith.mulf %sub3A_568, %mul3A_569 : vector<16xf32>
          %swap3A_571 = arith.index_cast %add3A_557 : i32 to index
          %swap3A_572 = arith.constant 0 : index
          %swap3A_573 = tpu.vector_load %arg28[%swap3A_571, %swap3A_572] {strides = array<i32>} : memref<128x16xf32, #tpu.memory_space<vmem>>, vector<1x16xf32>,
          %swap3A_574 = vector.shape_cast %swap3A_573 : vector<1x16xf32> to vector<16xf32>
          %swap3A_575 = vector.shape_cast %mul3A_570 : vector<16xf32> to vector<1x16xf32>
          tpu.vector_store %arg28[%swap3A_571, %swap3A_572], %swap3A_575 {strides = array<i32>} : memref<128x16xf32, #tpu.memory_space<vmem>>, vector<1x16xf32>,
          %mul3A_576 = arith.constant 16 : i32
          %mul3A_577 = arith.muli %scan3A_310, %mul3A_576 : i32
          %add3A_578 = arith.constant 12 : i32
          %add3A_579 = arith.addi %mul3A_577, %add3A_578 : i32
          %slice3A_580 = vector.extract_strided_slice %get3A_315 {offsets = [12], sizes = [1], strides = [1]} : vector<16xf32> to vector<1xf32>
          %squeeze3A_581 = vector.extract %slice3A_580[0] : f32 from vector<1xf32>
          %get3A_582 = arith.index_cast %add3A_579 : i32 to index
          %get3A_583 = arith.constant 0 : index
          %get3A_584 = tpu.vector_load %arg24[%get3A_582, %get3A_583] {strides = array<i32>} : memref<128x16xf32, #tpu.memory_space<vmem>>, vector<1x16xf32>,
          %get3A_585 = vector.shape_cast %get3A_584 : vector<1x16xf32> to vector<16xf32>
          %get3A_586 = arith.index_cast %add3A_579 : i32 to index
          %get3A_587 = arith.constant 0 : index
          %get3A_588 = tpu.vector_load %arg26[%get3A_586, %get3A_587] {strides = array<i32>} : memref<128x16xf32, #tpu.memory_space<vmem>>, vector<1x16xf32>,
          %get3A_589 = vector.shape_cast %get3A_588 : vector<1x16xf32> to vector<16xf32>
          %sub3A_590 = arith.subf %get3A_585, %get3A_589 : vector<16xf32>
          %mul3A_591 = vector.broadcast %squeeze3A_581 : f32 to vector<16xf32>
          %mul3A_592 = arith.mulf %sub3A_590, %mul3A_591 : vector<16xf32>
          %swap3A_593 = arith.index_cast %add3A_579 : i32 to index
          %swap3A_594 = arith.constant 0 : index
          %swap3A_595 = tpu.vector_load %arg28[%swap3A_593, %swap3A_594] {strides = array<i32>} : memref<128x16xf32, #tpu.memory_space<vmem>>, vector<1x16xf32>,
          %swap3A_596 = vector.shape_cast %swap3A_595 : vector<1x16xf32> to vector<16xf32>
          %swap3A_597 = vector.shape_cast %mul3A_592 : vector<16xf32> to vector<1x16xf32>
          tpu.vector_store %arg28[%swap3A_593, %swap3A_594], %swap3A_597 {strides = array<i32>} : memref<128x16xf32, #tpu.memory_space<vmem>>, vector<1x16xf32>,
          %mul3A_598 = arith.constant 16 : i32
          %mul3A_599 = arith.muli %scan3A_310, %mul3A_598 : i32
          %add3A_600 = arith.constant 13 : i32
          %add3A_601 = arith.addi %mul3A_599, %add3A_600 : i32
          %slice3A_602 = vector.extract_strided_slice %get3A_315 {offsets = [13], sizes = [1], strides = [1]} : vector<16xf32> to vector<1xf32>
          %squeeze3A_603 = vector.extract %slice3A_602[0] : f32 from vector<1xf32>
          %get3A_604 = arith.index_cast %add3A_601 : i32 to index
          %get3A_605 = arith.constant 0 : index
          %get3A_606 = tpu.vector_load %arg24[%get3A_604, %get3A_605] {strides = array<i32>} : memref<128x16xf32, #tpu.memory_space<vmem>>, vector<1x16xf32>,
          %get3A_607 = vector.shape_cast %get3A_606 : vector<1x16xf32> to vector<16xf32>
          %get3A_608 = arith.index_cast %add3A_601 : i32 to index
          %get3A_609 = arith.constant 0 : index
          %get3A_610 = tpu.vector_load %arg26[%get3A_608, %get3A_609] {strides = array<i32>} : memref<128x16xf32, #tpu.memory_space<vmem>>, vector<1x16xf32>,
          %get3A_611 = vector.shape_cast %get3A_610 : vector<1x16xf32> to vector<16xf32>
          %sub3A_612 = arith.subf %get3A_607, %get3A_611 : vector<16xf32>
          %mul3A_613 = vector.broadcast %squeeze3A_603 : f32 to vector<16xf32>
          %mul3A_614 = arith.mulf %sub3A_612, %mul3A_613 : vector<16xf32>
          %swap3A_615 = arith.index_cast %add3A_601 : i32 to index
          %swap3A_616 = arith.constant 0 : index
          %swap3A_617 = tpu.vector_load %arg28[%swap3A_615, %swap3A_616] {strides = array<i32>} : memref<128x16xf32, #tpu.memory_space<vmem>>, vector<1x16xf32>,
          %swap3A_618 = vector.shape_cast %swap3A_617 : vector<1x16xf32> to vector<16xf32>
          %swap3A_619 = vector.shape_cast %mul3A_614 : vector<16xf32> to vector<1x16xf32>
          tpu.vector_store %arg28[%swap3A_615, %swap3A_616], %swap3A_619 {strides = array<i32>} : memref<128x16xf32, #tpu.memory_space<vmem>>, vector<1x16xf32>,
          %mul3A_620 = arith.constant 16 : i32
          %mul3A_621 = arith.muli %scan3A_310, %mul3A_620 : i32
          %add3A_622 = arith.constant 14 : i32
          %add3A_623 = arith.addi %mul3A_621, %add3A_622 : i32
          %slice3A_624 = vector.extract_strided_slice %get3A_315 {offsets = [14], sizes = [1], strides = [1]} : vector<16xf32> to vector<1xf32>
          %squeeze3A_625 = vector.extract %slice3A_624[0] : f32 from vector<1xf32>
          %get3A_626 = arith.index_cast %add3A_623 : i32 to index
          %get3A_627 = arith.constant 0 : index
          %get3A_628 = tpu.vector_load %arg24[%get3A_626, %get3A_627] {strides = array<i32>} : memref<128x16xf32, #tpu.memory_space<vmem>>, vector<1x16xf32>,
          %get3A_629 = vector.shape_cast %get3A_628 : vector<1x16xf32> to vector<16xf32>
          %get3A_630 = arith.index_cast %add3A_623 : i32 to index
          %get3A_631 = arith.constant 0 : index
          %get3A_632 = tpu.vector_load %arg26[%get3A_630, %get3A_631] {strides = array<i32>} : memref<128x16xf32, #tpu.memory_space<vmem>>, vector<1x16xf32>,
          %get3A_633 = vector.shape_cast %get3A_632 : vector<1x16xf32> to vector<16xf32>
          %sub3A_634 = arith.subf %get3A_629, %get3A_633 : vector<16xf32>
          %mul3A_635 = vector.broadcast %squeeze3A_625 : f32 to vector<16xf32>
          %mul3A_636 = arith.mulf %sub3A_634, %mul3A_635 : vector<16xf32>
          %swap3A_637 = arith.index_cast %add3A_623 : i32 to index
          %swap3A_638 = arith.constant 0 : index
          %swap3A_639 = tpu.vector_load %arg28[%swap3A_637, %swap3A_638] {strides = array<i32>} : memref<128x16xf32, #tpu.memory_space<vmem>>, vector<1x16xf32>,
          %swap3A_640 = vector.shape_cast %swap3A_639 : vector<1x16xf32> to vector<16xf32>
          %swap3A_641 = vector.shape_cast %mul3A_636 : vector<16xf32> to vector<1x16xf32>
          tpu.vector_store %arg28[%swap3A_637, %swap3A_638], %swap3A_641 {strides = array<i32>} : memref<128x16xf32, #tpu.memory_space<vmem>>, vector<1x16xf32>,
          %mul3A_642 = arith.constant 16 : i32
          %mul3A_643 = arith.muli %scan3A_310, %mul3A_642 : i32
          %add3A_644 = arith.constant 15 : i32
          %add3A_645 = arith.addi %mul3A_643, %add3A_644 : i32
          %slice3A_646 = vector.extract_strided_slice %get3A_315 {offsets = [15], sizes = [1], strides = [1]} : vector<16xf32> to vector<1xf32>
          %squeeze3A_647 = vector.extract %slice3A_646[0] : f32 from vector<1xf32>
          %get3A_648 = arith.index_cast %add3A_645 : i32 to index
          %get3A_649 = arith.constant 0 : index
          %get3A_650 = tpu.vector_load %arg24[%get3A_648, %get3A_649] {strides = array<i32>} : memref<128x16xf32, #tpu.memory_space<vmem>>, vector<1x16xf32>,
          %get3A_651 = vector.shape_cast %get3A_650 : vector<1x16xf32> to vector<16xf32>
          %get3A_652 = arith.index_cast %add3A_645 : i32 to index
          %get3A_653 = arith.constant 0 : index
          %get3A_654 = tpu.vector_load %arg26[%get3A_652, %get3A_653] {strides = array<i32>} : memref<128x16xf32, #tpu.memory_space<vmem>>, vector<1x16xf32>,
          %get3A_655 = vector.shape_cast %get3A_654 : vector<1x16xf32> to vector<16xf32>
          %sub3A_656 = arith.subf %get3A_651, %get3A_655 : vector<16xf32>
          %mul3A_657 = vector.broadcast %squeeze3A_647 : f32 to vector<16xf32>
          %mul3A_658 = arith.mulf %sub3A_656, %mul3A_657 : vector<16xf32>
          %swap3A_659 = arith.index_cast %add3A_645 : i32 to index
          %swap3A_660 = arith.constant 0 : index
          %swap3A_661 = tpu.vector_load %arg28[%swap3A_659, %swap3A_660] {strides = array<i32>} : memref<128x16xf32, #tpu.memory_space<vmem>>, vector<1x16xf32>,
          %swap3A_662 = vector.shape_cast %swap3A_661 : vector<1x16xf32> to vector<16xf32>
          %swap3A_663 = vector.shape_cast %mul3A_658 : vector<16xf32> to vector<1x16xf32>
          tpu.vector_store %arg28[%swap3A_659, %swap3A_660], %swap3A_663 {strides = array<i32>} : memref<128x16xf32, #tpu.memory_space<vmem>>, vector<1x16xf32>,
          %scan3A_664 = arith.constant 0 : i32
          scf.yield %scan3A_664 : i32
        }
        %scan3A_159 = arith.constant 8 : i32
        %dma_start3A_160 = arith.constant 0 : i32
        %dma_start3A_161 = arith.constant 0 : i32
        %dma_start3A_162 = tpu.memref_slice %arg13[%dma_start3A_160, %dma_start3A_161] : memref<10080x16xf32, #tpu.memory_space<vmem_shared>> -> memref<10080x16xf32, #tpu.memory_space<vmem_shared>>
        tpu.enqueue_indirect_dma source(%arg28 : memref<128x16xf32, #tpu.memory_space<vmem>>) target(%dma_start3A_162 : memref<10080x16xf32, #tpu.memory_space<vmem_shared>>) offsets(%arg22 : memref<128xi32, #tpu.memory_space<vmem>>) semaphore(%arg42 : memref<!tpu.dma_semaphore, #tpu.memory_space<semaphore_mem>>) {add = true}
        %mul3A_163 = arith.constant 4 : i32
        %mul3A_164 = arith.muli %scan3A_87, %mul3A_163 : i32
        %add3A_165 = arith.constant 1 : i32
        %add3A_166 = arith.addi %mul3A_164, %add3A_165 : i32
        %add3A_167 = arith.constant 1 : i32
        %add3A_168 = arith.addi %add3A_166, %add3A_167 : i32
        %mul3A_169 = arith.constant 128 : i32
        %mul3A_170 = arith.muli %add3A_168, %mul3A_169 : i32
        %add3A_171 = arith.addi %mul3A_62, %mul3A_170 : i32
        %gt3A_172 = arith.constant 0 : i32
        %gt3A_173 = arith.cmpi sgt, %add3A_166, %gt3A_172 : i32
        %convert_element_type3A_174 = arith.extui %gt3A_173 : i1 to i32
        %cond3A_175 = arith.constant 0 : i32
        %cond3A_176 = arith.cmpi ne, %convert_element_type3A_174, %cond3A_175 : i32
        scf.if %cond3A_176 {
          %dma_wait3A_310 = arith.constant 0 : i32
          %dma_wait3A_311 = arith.constant 0 : i32
          %dma_wait3A_312 = tpu.memref_slice %arg12[%dma_wait3A_310, %dma_wait3A_311] : memref<10080x128xbf16, #tpu.memory_space<vmem_shared>> -> memref<10080x128xbf16, #tpu.memory_space<vmem_shared>>
          tpu.wait_indirect_dma semaphore(%arg36 : memref<!tpu.dma_semaphore, #tpu.memory_space<semaphore_mem>>) src(%arg18 : memref<128x128xbf16, #tpu.memory_space<vmem>>) dst(%dma_wait3A_312 : memref<10080x128xbf16, #tpu.memory_space<vmem_shared>>)
        } else {
        }
        %add3A_177 = arith.constant 1 : i32
        %add3A_178 = arith.addi %add3A_166, %add3A_177 : i32
        %lt3A_179 = arith.constant 80 : i32
        %lt3A_180 = arith.cmpi slt, %add3A_178, %lt3A_179 : i32
        %convert_element_type3A_181 = arith.extui %lt3A_180 : i1 to i32
        %cond3A_182 = arith.constant 0 : i32
        %cond3A_183 = arith.cmpi ne, %convert_element_type3A_181, %cond3A_182 : i32
        scf.if %cond3A_183 {
          %dma_start3A_310 = tpu.memref_slice %arg4[%add3A_171] : memref<163840xi32, #tpu.memory_space<hbm>> -> memref<128xi32, #tpu.memory_space<hbm>>
          %dma_start3A_311 = tpu.memref_slice %arg4[%add3A_171] : memref<163840xi32, #tpu.memory_space<hbm>> -> memref<128xi32, #tpu.memory_space<hbm>>
          tpu.enqueue_dma source(%dma_start3A_311 : memref<128xi32, #tpu.memory_space<hbm>>) target(%arg14 : memref<128xi32, #tpu.memory_space<vmem>>) target_semaphore(%arg38 : memref<!tpu.dma_semaphore, #tpu.memory_space<semaphore_mem>>)
          %dma_start3A_312 = tpu.memref_slice %arg5[%add3A_171] : memref<163840xi32, #tpu.memory_space<hbm>> -> memref<128xi32, #tpu.memory_space<hbm>>
          %dma_start3A_313 = tpu.memref_slice %arg5[%add3A_171] : memref<163840xi32, #tpu.memory_space<hbm>> -> memref<128xi32, #tpu.memory_space<hbm>>
          tpu.enqueue_dma source(%dma_start3A_313 : memref<128xi32, #tpu.memory_space<hbm>>) target(%arg16 : memref<128xi32, #tpu.memory_space<vmem>>) target_semaphore(%arg38 : memref<!tpu.dma_semaphore, #tpu.memory_space<semaphore_mem>>)
        } else {
        }
        %dma_wait3A_184 = arith.constant 0 : i32
        %dma_wait3A_185 = arith.constant 0 : i32
        %dma_wait3A_186 = tpu.memref_slice %arg2[%dma_wait3A_184, %dma_wait3A_185] : memref<10000x128xbf16, #tpu.memory_space<hbm>> -> memref<10000x128xbf16, #tpu.memory_space<hbm>>
        tpu.wait_indirect_dma semaphore(%arg33 : memref<!tpu.dma_semaphore, #tpu.memory_space<semaphore_mem>>) src(%dma_wait3A_186 : memref<10000x128xbf16, #tpu.memory_space<hbm>>) dst(%arg19 : memref<128x128xbf16, #tpu.memory_space<vmem>>)
        %dma_start3A_187 = arith.constant 0 : i32
        %dma_start3A_188 = arith.constant 0 : i32
        %dma_start3A_189 = tpu.memref_slice %arg12[%dma_start3A_187, %dma_start3A_188] : memref<10080x128xbf16, #tpu.memory_space<vmem_shared>> -> memref<10080x128xbf16, #tpu.memory_space<vmem_shared>>
        tpu.enqueue_indirect_dma source(%arg19 : memref<128x128xbf16, #tpu.memory_space<vmem>>) target(%dma_start3A_189 : memref<10080x128xbf16, #tpu.memory_space<vmem_shared>>) offsets(%arg17 : memref<128xi32, #tpu.memory_space<vmem>>) semaphore(%arg37 : memref<!tpu.dma_semaphore, #tpu.memory_space<semaphore_mem>>) {add = true}
        %add3A_190 = arith.constant 1 : i32
        %add3A_191 = arith.addi %add3A_166, %add3A_190 : i32
        %lt3A_192 = arith.constant 80 : i32
        %lt3A_193 = arith.cmpi slt, %add3A_191, %lt3A_192 : i32
        %convert_element_type3A_194 = arith.extui %lt3A_193 : i1 to i32
        %cond3A_195 = arith.constant 0 : i32
        %cond3A_196 = arith.cmpi ne, %convert_element_type3A_194, %cond3A_195 : i32
        scf.if %cond3A_196 {
          %dma_wait3A_310 = tpu.memref_slice %arg4[%add3A_171] : memref<163840xi32, #tpu.memory_space<hbm>> -> memref<128xi32, #tpu.memory_space<hbm>>
          %dma_wait3A_311 = tpu.memref_slice %arg4[%add3A_171] : memref<163840xi32, #tpu.memory_space<hbm>> -> memref<128xi32, #tpu.memory_space<hbm>>
          tpu.wait_dma2 semaphore(%arg38 : memref<!tpu.dma_semaphore, #tpu.memory_space<semaphore_mem>>) src(%dma_wait3A_311 : memref<128xi32, #tpu.memory_space<hbm>>) dst(%arg14 : memref<128xi32, #tpu.memory_space<vmem>>)
          %dma_wait3A_312 = tpu.memref_slice %arg5[%add3A_171] : memref<163840xi32, #tpu.memory_space<hbm>> -> memref<128xi32, #tpu.memory_space<hbm>>
          %dma_wait3A_313 = tpu.memref_slice %arg5[%add3A_171] : memref<163840xi32, #tpu.memory_space<hbm>> -> memref<128xi32, #tpu.memory_space<hbm>>
          tpu.wait_dma2 semaphore(%arg38 : memref<!tpu.dma_semaphore, #tpu.memory_space<semaphore_mem>>) src(%dma_wait3A_313 : memref<128xi32, #tpu.memory_space<hbm>>) dst(%arg16 : memref<128xi32, #tpu.memory_space<vmem>>)
          %dma_start3A_314 = arith.constant 0 : i32
          %dma_start3A_315 = arith.constant 0 : i32
          %dma_start3A_316 = tpu.memref_slice %arg2[%dma_start3A_314, %dma_start3A_315] : memref<10000x128xbf16, #tpu.memory_space<hbm>> -> memref<10000x128xbf16, #tpu.memory_space<hbm>>
          tpu.enqueue_indirect_dma source(%dma_start3A_316 : memref<10000x128xbf16, #tpu.memory_space<hbm>>) target(%arg18 : memref<128x128xbf16, #tpu.memory_space<vmem>>) offsets(%arg14 : memref<128xi32, #tpu.memory_space<vmem>>) semaphore(%arg32 : memref<!tpu.dma_semaphore, #tpu.memory_space<semaphore_mem>>)
        } else {
        }
        %mul3A_197 = arith.constant 4 : i32
        %mul3A_198 = arith.muli %scan3A_87, %mul3A_197 : i32
        %add3A_199 = arith.constant 2 : i32
        %add3A_200 = arith.addi %mul3A_198, %add3A_199 : i32
        %add3A_201 = arith.constant 1 : i32
        %add3A_202 = arith.addi %add3A_200, %add3A_201 : i32
        %mul3A_203 = arith.constant 128 : i32
        %mul3A_204 = arith.muli %add3A_202, %mul3A_203 : i32
        %add3A_205 = arith.addi %mul3A_62, %mul3A_204 : i32
        %gt3A_206 = arith.constant 0 : i32
        %gt3A_207 = arith.cmpi sgt, %add3A_200, %gt3A_206 : i32
        %convert_element_type3A_208 = arith.extui %gt3A_207 : i1 to i32
        %cond3A_209 = arith.constant 0 : i32
        %cond3A_210 = arith.cmpi ne, %convert_element_type3A_208, %cond3A_209 : i32
        scf.if %cond3A_210 {
          %dma_wait3A_310 = arith.constant 0 : i32
          %dma_wait3A_311 = arith.constant 0 : i32
          %dma_wait3A_312 = tpu.memref_slice %arg12[%dma_wait3A_310, %dma_wait3A_311] : memref<10080x128xbf16, #tpu.memory_space<vmem_shared>> -> memref<10080x128xbf16, #tpu.memory_space<vmem_shared>>
          tpu.wait_indirect_dma semaphore(%arg37 : memref<!tpu.dma_semaphore, #tpu.memory_space<semaphore_mem>>) src(%arg19 : memref<128x128xbf16, #tpu.memory_space<vmem>>) dst(%dma_wait3A_312 : memref<10080x128xbf16, #tpu.memory_space<vmem_shared>>)
        } else {
        }
        %add3A_211 = arith.constant 1 : i32
        %add3A_212 = arith.addi %add3A_200, %add3A_211 : i32
        %lt3A_213 = arith.constant 80 : i32
        %lt3A_214 = arith.cmpi slt, %add3A_212, %lt3A_213 : i32
        %convert_element_type3A_215 = arith.extui %lt3A_214 : i1 to i32
        %cond3A_216 = arith.constant 0 : i32
        %cond3A_217 = arith.cmpi ne, %convert_element_type3A_215, %cond3A_216 : i32
        scf.if %cond3A_217 {
          %dma_start3A_310 = tpu.memref_slice %arg4[%add3A_205] : memref<163840xi32, #tpu.memory_space<hbm>> -> memref<128xi32, #tpu.memory_space<hbm>>
          %dma_start3A_311 = tpu.memref_slice %arg4[%add3A_205] : memref<163840xi32, #tpu.memory_space<hbm>> -> memref<128xi32, #tpu.memory_space<hbm>>
          tpu.enqueue_dma source(%dma_start3A_311 : memref<128xi32, #tpu.memory_space<hbm>>) target(%arg15 : memref<128xi32, #tpu.memory_space<vmem>>) target_semaphore(%arg39 : memref<!tpu.dma_semaphore, #tpu.memory_space<semaphore_mem>>)
          %dma_start3A_312 = tpu.memref_slice %arg5[%add3A_205] : memref<163840xi32, #tpu.memory_space<hbm>> -> memref<128xi32, #tpu.memory_space<hbm>>
          %dma_start3A_313 = tpu.memref_slice %arg5[%add3A_205] : memref<163840xi32, #tpu.memory_space<hbm>> -> memref<128xi32, #tpu.memory_space<hbm>>
          tpu.enqueue_dma source(%dma_start3A_313 : memref<128xi32, #tpu.memory_space<hbm>>) target(%arg17 : memref<128xi32, #tpu.memory_space<vmem>>) target_semaphore(%arg39 : memref<!tpu.dma_semaphore, #tpu.memory_space<semaphore_mem>>)
        } else {
        }
        %dma_wait3A_218 = arith.constant 0 : i32
        %dma_wait3A_219 = arith.constant 0 : i32
        %dma_wait3A_220 = tpu.memref_slice %arg2[%dma_wait3A_218, %dma_wait3A_219] : memref<10000x128xbf16, #tpu.memory_space<hbm>> -> memref<10000x128xbf16, #tpu.memory_space<hbm>>
        tpu.wait_indirect_dma semaphore(%arg32 : memref<!tpu.dma_semaphore, #tpu.memory_space<semaphore_mem>>) src(%dma_wait3A_220 : memref<10000x128xbf16, #tpu.memory_space<hbm>>) dst(%arg18 : memref<128x128xbf16, #tpu.memory_space<vmem>>)
        %dma_start3A_221 = arith.constant 0 : i32
        %dma_start3A_222 = arith.constant 0 : i32
        %dma_start3A_223 = tpu.memref_slice %arg12[%dma_start3A_221, %dma_start3A_222] : memref<10080x128xbf16, #tpu.memory_space<vmem_shared>> -> memref<10080x128xbf16, #tpu.memory_space<vmem_shared>>
        tpu.enqueue_indirect_dma source(%arg18 : memref<128x128xbf16, #tpu.memory_space<vmem>>) target(%dma_start3A_223 : memref<10080x128xbf16, #tpu.memory_space<vmem_shared>>) offsets(%arg16 : memref<128xi32, #tpu.memory_space<vmem>>) semaphore(%arg36 : memref<!tpu.dma_semaphore, #tpu.memory_space<semaphore_mem>>) {add = true}
        %add3A_224 = arith.constant 1 : i32
        %add3A_225 = arith.addi %add3A_200, %add3A_224 : i32
        %lt3A_226 = arith.constant 80 : i32
        %lt3A_227 = arith.cmpi slt, %add3A_225, %lt3A_226 : i32
        %convert_element_type3A_228 = arith.extui %lt3A_227 : i1 to i32
        %cond3A_229 = arith.constant 0 : i32
        %cond3A_230 = arith.cmpi ne, %convert_element_type3A_228, %cond3A_229 : i32
        scf.if %cond3A_230 {
          %dma_wait3A_310 = tpu.memref_slice %arg4[%add3A_205] : memref<163840xi32, #tpu.memory_space<hbm>> -> memref<128xi32, #tpu.memory_space<hbm>>
          %dma_wait3A_311 = tpu.memref_slice %arg4[%add3A_205] : memref<163840xi32, #tpu.memory_space<hbm>> -> memref<128xi32, #tpu.memory_space<hbm>>
          tpu.wait_dma2 semaphore(%arg39 : memref<!tpu.dma_semaphore, #tpu.memory_space<semaphore_mem>>) src(%dma_wait3A_311 : memref<128xi32, #tpu.memory_space<hbm>>) dst(%arg15 : memref<128xi32, #tpu.memory_space<vmem>>)
          %dma_wait3A_312 = tpu.memref_slice %arg5[%add3A_205] : memref<163840xi32, #tpu.memory_space<hbm>> -> memref<128xi32, #tpu.memory_space<hbm>>
          %dma_wait3A_313 = tpu.memref_slice %arg5[%add3A_205] : memref<163840xi32, #tpu.memory_space<hbm>> -> memref<128xi32, #tpu.memory_space<hbm>>
          tpu.wait_dma2 semaphore(%arg39 : memref<!tpu.dma_semaphore, #tpu.memory_space<semaphore_mem>>) src(%dma_wait3A_313 : memref<128xi32, #tpu.memory_space<hbm>>) dst(%arg17 : memref<128xi32, #tpu.memory_space<vmem>>)
          %dma_start3A_314 = arith.constant 0 : i32
          %dma_start3A_315 = arith.constant 0 : i32
          %dma_start3A_316 = tpu.memref_slice %arg2[%dma_start3A_314, %dma_start3A_315] : memref<10000x128xbf16, #tpu.memory_space<hbm>> -> memref<10000x128xbf16, #tpu.memory_space<hbm>>
          tpu.enqueue_indirect_dma source(%dma_start3A_316 : memref<10000x128xbf16, #tpu.memory_space<hbm>>) target(%arg19 : memref<128x128xbf16, #tpu.memory_space<vmem>>) offsets(%arg15 : memref<128xi32, #tpu.memory_space<vmem>>) semaphore(%arg33 : memref<!tpu.dma_semaphore, #tpu.memory_space<semaphore_mem>>)
        } else {
        }
        %mul3A_231 = arith.constant 2 : i32
        %mul3A_232 = arith.muli %scan3A_87, %mul3A_231 : i32
        %add3A_233 = arith.constant 1 : i32
        %add3A_234 = arith.addi %mul3A_232, %add3A_233 : i32
        %add3A_235 = arith.constant 1 : i32
        %add3A_236 = arith.addi %add3A_234, %add3A_235 : i32
        %mul3A_237 = arith.constant 128 : i32
        %mul3A_238 = arith.muli %add3A_236, %mul3A_237 : i32
        %add3A_239 = arith.addi %add3A_66, %mul3A_238 : i32
        %gt3A_240 = arith.constant 0 : i32
        %gt3A_241 = arith.cmpi sgt, %add3A_234, %gt3A_240 : i32
        %convert_element_type3A_242 = arith.extui %gt3A_241 : i1 to i32
        %cond3A_243 = arith.constant 0 : i32
        %cond3A_244 = arith.cmpi ne, %convert_element_type3A_242, %cond3A_243 : i32
        scf.if %cond3A_244 {
          %dma_wait3A_310 = arith.constant 0 : i32
          %dma_wait3A_311 = arith.constant 0 : i32
          %dma_wait3A_312 = tpu.memref_slice %arg13[%dma_wait3A_310, %dma_wait3A_311] : memref<10080x16xf32, #tpu.memory_space<vmem_shared>> -> memref<10080x16xf32, #tpu.memory_space<vmem_shared>>
          tpu.wait_indirect_dma semaphore(%arg42 : memref<!tpu.dma_semaphore, #tpu.memory_space<semaphore_mem>>) src(%arg28 : memref<128x16xf32, #tpu.memory_space<vmem>>) dst(%dma_wait3A_312 : memref<10080x16xf32, #tpu.memory_space<vmem_shared>>)
        } else {
        }
        %add3A_245 = arith.constant 1 : i32
        %add3A_246 = arith.addi %add3A_234, %add3A_245 : i32
        %lt3A_247 = arith.constant 40 : i32
        %lt3A_248 = arith.cmpi slt, %add3A_246, %lt3A_247 : i32
        %convert_element_type3A_249 = arith.extui %lt3A_248 : i1 to i32
        %cond3A_250 = arith.constant 0 : i32
        %cond3A_251 = arith.cmpi ne, %convert_element_type3A_249, %cond3A_250 : i32
        scf.if %cond3A_251 {
          %dma_start3A_310 = tpu.memref_slice %arg4[%add3A_239] : memref<163840xi32, #tpu.memory_space<hbm>> -> memref<128xi32, #tpu.memory_space<hbm>>
          %dma_start3A_311 = tpu.memref_slice %arg4[%add3A_239] : memref<163840xi32, #tpu.memory_space<hbm>> -> memref<128xi32, #tpu.memory_space<hbm>>
          tpu.enqueue_dma source(%dma_start3A_311 : memref<128xi32, #tpu.memory_space<hbm>>) target(%arg20 : memref<128xi32, #tpu.memory_space<vmem>>) target_semaphore(%arg44 : memref<!tpu.dma_semaphore, #tpu.memory_space<semaphore_mem>>)
          %dma_start3A_312 = tpu.memref_slice %arg5[%add3A_239] : memref<163840xi32, #tpu.memory_space<hbm>> -> memref<128xi32, #tpu.memory_space<hbm>>
          %dma_start3A_313 = tpu.memref_slice %arg5[%add3A_239] : memref<163840xi32, #tpu.memory_space<hbm>> -> memref<128xi32, #tpu.memory_space<hbm>>
          tpu.enqueue_dma source(%dma_start3A_313 : memref<128xi32, #tpu.memory_space<hbm>>) target(%arg22 : memref<128xi32, #tpu.memory_space<vmem>>) target_semaphore(%arg44 : memref<!tpu.dma_semaphore, #tpu.memory_space<semaphore_mem>>)
          %dma_start3A_314 = tpu.memref_slice %arg6[%add3A_239] : memref<163840xf32, #tpu.memory_space<hbm>> -> memref<128xf32, #tpu.memory_space<hbm>>
          %dma_start3A_315 = tpu.memref_slice %arg6[%add3A_239] : memref<163840xf32, #tpu.memory_space<hbm>> -> memref<128xf32, #tpu.memory_space<hbm>>
          tpu.enqueue_dma source(%dma_start3A_315 : memref<128xf32, #tpu.memory_space<hbm>>) target(%arg30 : memref<128xf32, #tpu.memory_space<vmem>>) target_semaphore(%arg44 : memref<!tpu.dma_semaphore, #tpu.memory_space<semaphore_mem>>)
        } else {
        }
        %dma_wait3A_252 = arith.constant 0 : i32
        %dma_wait3A_253 = arith.constant 0 : i32
        %dma_wait3A_254 = tpu.memref_slice %arg7[%dma_wait3A_252, %dma_wait3A_253] : memref<10000x16xf32, #tpu.memory_space<hbm>> -> memref<10000x16xf32, #tpu.memory_space<hbm>>
        tpu.wait_indirect_dma semaphore(%arg41 : memref<!tpu.dma_semaphore, #tpu.memory_space<semaphore_mem>>) src(%dma_wait3A_254 : memref<10000x16xf32, #tpu.memory_space<hbm>>) dst(%arg25 : memref<128x16xf32, #tpu.memory_space<vmem>>)
        %dma_wait3A_255 = arith.constant 0 : i32
        %dma_wait3A_256 = arith.constant 0 : i32
        %dma_wait3A_257 = tpu.memref_slice %arg7[%dma_wait3A_255, %dma_wait3A_256] : memref<10000x16xf32, #tpu.memory_space<hbm>> -> memref<10000x16xf32, #tpu.memory_space<hbm>>
        tpu.wait_indirect_dma semaphore(%arg35 : memref<!tpu.dma_semaphore, #tpu.memory_space<semaphore_mem>>) src(%dma_wait3A_257 : memref<10000x16xf32, #tpu.memory_space<hbm>>) dst(%arg27 : memref<128x16xf32, #tpu.memory_space<vmem>>)
        %add3A_258 = arith.constant 1 : i32
        %add3A_259 = arith.addi %add3A_234, %add3A_258 : i32
        %lt3A_260 = arith.constant 40 : i32
        %lt3A_261 = arith.cmpi slt, %add3A_259, %lt3A_260 : i32
        %convert_element_type3A_262 = arith.extui %lt3A_261 : i1 to i32
        %cond3A_263 = arith.constant 0 : i32
        %cond3A_264 = arith.cmpi ne, %convert_element_type3A_262, %cond3A_263 : i32
        scf.if %cond3A_264 {
          %dma_wait3A_310 = tpu.memref_slice %arg4[%add3A_239] : memref<163840xi32, #tpu.memory_space<hbm>> -> memref<128xi32, #tpu.memory_space<hbm>>
          %dma_wait3A_311 = tpu.memref_slice %arg4[%add3A_239] : memref<163840xi32, #tpu.memory_space<hbm>> -> memref<128xi32, #tpu.memory_space<hbm>>
          tpu.wait_dma2 semaphore(%arg44 : memref<!tpu.dma_semaphore, #tpu.memory_space<semaphore_mem>>) src(%dma_wait3A_311 : memref<128xi32, #tpu.memory_space<hbm>>) dst(%arg20 : memref<128xi32, #tpu.memory_space<vmem>>)
          %dma_wait3A_312 = tpu.memref_slice %arg5[%add3A_239] : memref<163840xi32, #tpu.memory_space<hbm>> -> memref<128xi32, #tpu.memory_space<hbm>>
          %dma_wait3A_313 = tpu.memref_slice %arg5[%add3A_239] : memref<163840xi32, #tpu.memory_space<hbm>> -> memref<128xi32, #tpu.memory_space<hbm>>
          tpu.wait_dma2 semaphore(%arg44 : memref<!tpu.dma_semaphore, #tpu.memory_space<semaphore_mem>>) src(%dma_wait3A_313 : memref<128xi32, #tpu.memory_space<hbm>>) dst(%arg22 : memref<128xi32, #tpu.memory_space<vmem>>)
          %dma_wait3A_314 = tpu.memref_slice %arg6[%add3A_239] : memref<163840xf32, #tpu.memory_space<hbm>> -> memref<128xf32, #tpu.memory_space<hbm>>
          %dma_wait3A_315 = tpu.memref_slice %arg6[%add3A_239] : memref<163840xf32, #tpu.memory_space<hbm>> -> memref<128xf32, #tpu.memory_space<hbm>>
          tpu.wait_dma2 semaphore(%arg44 : memref<!tpu.dma_semaphore, #tpu.memory_space<semaphore_mem>>) src(%dma_wait3A_315 : memref<128xf32, #tpu.memory_space<hbm>>) dst(%arg30 : memref<128xf32, #tpu.memory_space<vmem>>)
          %dma_start3A_316 = arith.constant 0 : i32
          %dma_start3A_317 = arith.constant 0 : i32
          %dma_start3A_318 = tpu.memref_slice %arg7[%dma_start3A_316, %dma_start3A_317] : memref<10000x16xf32, #tpu.memory_space<hbm>> -> memref<10000x16xf32, #tpu.memory_space<hbm>>
          tpu.enqueue_indirect_dma source(%dma_start3A_318 : memref<10000x16xf32, #tpu.memory_space<hbm>>) target(%arg24 : memref<128x16xf32, #tpu.memory_space<vmem>>) offsets(%arg20 : memref<128xi32, #tpu.memory_space<vmem>>) semaphore(%arg40 : memref<!tpu.dma_semaphore, #tpu.memory_space<semaphore_mem>>)
          %dma_start3A_319 = arith.constant 0 : i32
          %dma_start3A_320 = arith.constant 0 : i32
          %dma_start3A_321 = tpu.memref_slice %arg7[%dma_start3A_319, %dma_start3A_320] : memref<10000x16xf32, #tpu.memory_space<hbm>> -> memref<10000x16xf32, #tpu.memory_space<hbm>>
          tpu.enqueue_indirect_dma source(%dma_start3A_321 : memref<10000x16xf32, #tpu.memory_space<hbm>>) target(%arg26 : memref<128x16xf32, #tpu.memory_space<vmem>>) offsets(%arg22 : memref<128xi32, #tpu.memory_space<vmem>>) semaphore(%arg34 : memref<!tpu.dma_semaphore, #tpu.memory_space<semaphore_mem>>)
        } else {
        }
        %scan3A_265 = arith.constant 0 : i32
        %scan3A_266 = arith.constant 0 : i32
        %scan3A_267 = arith.constant 8 : i32
        %scan3A_268 = arith.addi %scan3A_266, %scan3A_267 : i32
        %scan3A_269 = arith.constant 1 : i32
        %scan3A_270 = scf.for %scan3A_310 = %scan3A_266 to %scan3A_268 step %scan3A_269 iter_args(%scan3A_311 = %scan3A_265) -> (i32)  : i32 {
          %mul3A_312 = arith.constant 16 : i32
          %mul3A_313 = arith.muli %scan3A_310, %mul3A_312 : i32
          %get3A = arith.index_cast %mul3A_313 : i32 to index
          %get3A_314 = tpu.vector_load %arg31[%get3A] {strides = array<i32>} : memref<128xf32, #tpu.memory_space<vmem>>, vector<16xf32>,
          %get3A_315 = vector.shape_cast %get3A_314 : vector<16xf32> to vector<16xf32>
          %mul3A_316 = arith.constant 16 : i32
          %mul3A_317 = arith.muli %scan3A_310, %mul3A_316 : i32
          %add3A_318 = arith.constant 0 : i32
          %add3A_319 = arith.addi %mul3A_317, %add3A_318 : i32
          %slice3A = vector.extract_strided_slice %get3A_315 {offsets = [0], sizes = [1], strides = [1]} : vector<16xf32> to vector<1xf32>
          %squeeze3A = vector.extract %slice3A[0] : f32 from vector<1xf32>
          %get3A_320 = arith.index_cast %add3A_319 : i32 to index
          %get3A_321 = arith.constant 0 : index
          %get3A_322 = tpu.vector_load %arg25[%get3A_320, %get3A_321] {strides = array<i32>} : memref<128x16xf32, #tpu.memory_space<vmem>>, vector<1x16xf32>,
          %get3A_323 = vector.shape_cast %get3A_322 : vector<1x16xf32> to vector<16xf32>
          %get3A_324 = arith.index_cast %add3A_319 : i32 to index
          %get3A_325 = arith.constant 0 : index
          %get3A_326 = tpu.vector_load %arg27[%get3A_324, %get3A_325] {strides = array<i32>} : memref<128x16xf32, #tpu.memory_space<vmem>>, vector<1x16xf32>,
          %get3A_327 = vector.shape_cast %get3A_326 : vector<1x16xf32> to vector<16xf32>
          %sub3A = arith.subf %get3A_323, %get3A_327 : vector<16xf32>
          %mul3A_328 = vector.broadcast %squeeze3A : f32 to vector<16xf32>
          %mul3A_329 = arith.mulf %sub3A, %mul3A_328 : vector<16xf32>
          %swap3A = arith.index_cast %add3A_319 : i32 to index
          %swap3A_330 = arith.constant 0 : index
          %swap3A_331 = tpu.vector_load %arg29[%swap3A, %swap3A_330] {strides = array<i32>} : memref<128x16xf32, #tpu.memory_space<vmem>>, vector<1x16xf32>,
          %swap3A_332 = vector.shape_cast %swap3A_331 : vector<1x16xf32> to vector<16xf32>
          %swap3A_333 = vector.shape_cast %mul3A_329 : vector<16xf32> to vector<1x16xf32>
          tpu.vector_store %arg29[%swap3A, %swap3A_330], %swap3A_333 {strides = array<i32>} : memref<128x16xf32, #tpu.memory_space<vmem>>, vector<1x16xf32>,
          %mul3A_334 = arith.constant 16 : i32
          %mul3A_335 = arith.muli %scan3A_310, %mul3A_334 : i32
          %add3A_336 = arith.constant 1 : i32
          %add3A_337 = arith.addi %mul3A_335, %add3A_336 : i32
          %slice3A_338 = vector.extract_strided_slice %get3A_315 {offsets = [1], sizes = [1], strides = [1]} : vector<16xf32> to vector<1xf32>
          %squeeze3A_339 = vector.extract %slice3A_338[0] : f32 from vector<1xf32>
          %get3A_340 = arith.index_cast %add3A_337 : i32 to index
          %get3A_341 = arith.constant 0 : index
          %get3A_342 = tpu.vector_load %arg25[%get3A_340, %get3A_341] {strides = array<i32>} : memref<128x16xf32, #tpu.memory_space<vmem>>, vector<1x16xf32>,
          %get3A_343 = vector.shape_cast %get3A_342 : vector<1x16xf32> to vector<16xf32>
          %get3A_344 = arith.index_cast %add3A_337 : i32 to index
          %get3A_345 = arith.constant 0 : index
          %get3A_346 = tpu.vector_load %arg27[%get3A_344, %get3A_345] {strides = array<i32>} : memref<128x16xf32, #tpu.memory_space<vmem>>, vector<1x16xf32>,
          %get3A_347 = vector.shape_cast %get3A_346 : vector<1x16xf32> to vector<16xf32>
          %sub3A_348 = arith.subf %get3A_343, %get3A_347 : vector<16xf32>
          %mul3A_349 = vector.broadcast %squeeze3A_339 : f32 to vector<16xf32>
          %mul3A_350 = arith.mulf %sub3A_348, %mul3A_349 : vector<16xf32>
          %swap3A_351 = arith.index_cast %add3A_337 : i32 to index
          %swap3A_352 = arith.constant 0 : index
          %swap3A_353 = tpu.vector_load %arg29[%swap3A_351, %swap3A_352] {strides = array<i32>} : memref<128x16xf32, #tpu.memory_space<vmem>>, vector<1x16xf32>,
          %swap3A_354 = vector.shape_cast %swap3A_353 : vector<1x16xf32> to vector<16xf32>
          %swap3A_355 = vector.shape_cast %mul3A_350 : vector<16xf32> to vector<1x16xf32>
          tpu.vector_store %arg29[%swap3A_351, %swap3A_352], %swap3A_355 {strides = array<i32>} : memref<128x16xf32, #tpu.memory_space<vmem>>, vector<1x16xf32>,
          %mul3A_356 = arith.constant 16 : i32
          %mul3A_357 = arith.muli %scan3A_310, %mul3A_356 : i32
          %add3A_358 = arith.constant 2 : i32
          %add3A_359 = arith.addi %mul3A_357, %add3A_358 : i32
          %slice3A_360 = vector.extract_strided_slice %get3A_315 {offsets = [2], sizes = [1], strides = [1]} : vector<16xf32> to vector<1xf32>
          %squeeze3A_361 = vector.extract %slice3A_360[0] : f32 from vector<1xf32>
          %get3A_362 = arith.index_cast %add3A_359 : i32 to index
          %get3A_363 = arith.constant 0 : index
          %get3A_364 = tpu.vector_load %arg25[%get3A_362, %get3A_363] {strides = array<i32>} : memref<128x16xf32, #tpu.memory_space<vmem>>, vector<1x16xf32>,
          %get3A_365 = vector.shape_cast %get3A_364 : vector<1x16xf32> to vector<16xf32>
          %get3A_366 = arith.index_cast %add3A_359 : i32 to index
          %get3A_367 = arith.constant 0 : index
          %get3A_368 = tpu.vector_load %arg27[%get3A_366, %get3A_367] {strides = array<i32>} : memref<128x16xf32, #tpu.memory_space<vmem>>, vector<1x16xf32>,
          %get3A_369 = vector.shape_cast %get3A_368 : vector<1x16xf32> to vector<16xf32>
          %sub3A_370 = arith.subf %get3A_365, %get3A_369 : vector<16xf32>
          %mul3A_371 = vector.broadcast %squeeze3A_361 : f32 to vector<16xf32>
          %mul3A_372 = arith.mulf %sub3A_370, %mul3A_371 : vector<16xf32>
          %swap3A_373 = arith.index_cast %add3A_359 : i32 to index
          %swap3A_374 = arith.constant 0 : index
          %swap3A_375 = tpu.vector_load %arg29[%swap3A_373, %swap3A_374] {strides = array<i32>} : memref<128x16xf32, #tpu.memory_space<vmem>>, vector<1x16xf32>,
          %swap3A_376 = vector.shape_cast %swap3A_375 : vector<1x16xf32> to vector<16xf32>
          %swap3A_377 = vector.shape_cast %mul3A_372 : vector<16xf32> to vector<1x16xf32>
          tpu.vector_store %arg29[%swap3A_373, %swap3A_374], %swap3A_377 {strides = array<i32>} : memref<128x16xf32, #tpu.memory_space<vmem>>, vector<1x16xf32>,
          %mul3A_378 = arith.constant 16 : i32
          %mul3A_379 = arith.muli %scan3A_310, %mul3A_378 : i32
          %add3A_380 = arith.constant 3 : i32
          %add3A_381 = arith.addi %mul3A_379, %add3A_380 : i32
          %slice3A_382 = vector.extract_strided_slice %get3A_315 {offsets = [3], sizes = [1], strides = [1]} : vector<16xf32> to vector<1xf32>
          %squeeze3A_383 = vector.extract %slice3A_382[0] : f32 from vector<1xf32>
          %get3A_384 = arith.index_cast %add3A_381 : i32 to index
          %get3A_385 = arith.constant 0 : index
          %get3A_386 = tpu.vector_load %arg25[%get3A_384, %get3A_385] {strides = array<i32>} : memref<128x16xf32, #tpu.memory_space<vmem>>, vector<1x16xf32>,
          %get3A_387 = vector.shape_cast %get3A_386 : vector<1x16xf32> to vector<16xf32>
          %get3A_388 = arith.index_cast %add3A_381 : i32 to index
          %get3A_389 = arith.constant 0 : index
          %get3A_390 = tpu.vector_load %arg27[%get3A_388, %get3A_389] {strides = array<i32>} : memref<128x16xf32, #tpu.memory_space<vmem>>, vector<1x16xf32>,
          %get3A_391 = vector.shape_cast %get3A_390 : vector<1x16xf32> to vector<16xf32>
          %sub3A_392 = arith.subf %get3A_387, %get3A_391 : vector<16xf32>
          %mul3A_393 = vector.broadcast %squeeze3A_383 : f32 to vector<16xf32>
          %mul3A_394 = arith.mulf %sub3A_392, %mul3A_393 : vector<16xf32>
          %swap3A_395 = arith.index_cast %add3A_381 : i32 to index
          %swap3A_396 = arith.constant 0 : index
          %swap3A_397 = tpu.vector_load %arg29[%swap3A_395, %swap3A_396] {strides = array<i32>} : memref<128x16xf32, #tpu.memory_space<vmem>>, vector<1x16xf32>,
          %swap3A_398 = vector.shape_cast %swap3A_397 : vector<1x16xf32> to vector<16xf32>
          %swap3A_399 = vector.shape_cast %mul3A_394 : vector<16xf32> to vector<1x16xf32>
          tpu.vector_store %arg29[%swap3A_395, %swap3A_396], %swap3A_399 {strides = array<i32>} : memref<128x16xf32, #tpu.memory_space<vmem>>, vector<1x16xf32>,
          %mul3A_400 = arith.constant 16 : i32
          %mul3A_401 = arith.muli %scan3A_310, %mul3A_400 : i32
          %add3A_402 = arith.constant 4 : i32
          %add3A_403 = arith.addi %mul3A_401, %add3A_402 : i32
          %slice3A_404 = vector.extract_strided_slice %get3A_315 {offsets = [4], sizes = [1], strides = [1]} : vector<16xf32> to vector<1xf32>
          %squeeze3A_405 = vector.extract %slice3A_404[0] : f32 from vector<1xf32>
          %get3A_406 = arith.index_cast %add3A_403 : i32 to index
          %get3A_407 = arith.constant 0 : index
          %get3A_408 = tpu.vector_load %arg25[%get3A_406, %get3A_407] {strides = array<i32>} : memref<128x16xf32, #tpu.memory_space<vmem>>, vector<1x16xf32>,
          %get3A_409 = vector.shape_cast %get3A_408 : vector<1x16xf32> to vector<16xf32>
          %get3A_410 = arith.index_cast %add3A_403 : i32 to index
          %get3A_411 = arith.constant 0 : index
          %get3A_412 = tpu.vector_load %arg27[%get3A_410, %get3A_411] {strides = array<i32>} : memref<128x16xf32, #tpu.memory_space<vmem>>, vector<1x16xf32>,
          %get3A_413 = vector.shape_cast %get3A_412 : vector<1x16xf32> to vector<16xf32>
          %sub3A_414 = arith.subf %get3A_409, %get3A_413 : vector<16xf32>
          %mul3A_415 = vector.broadcast %squeeze3A_405 : f32 to vector<16xf32>
          %mul3A_416 = arith.mulf %sub3A_414, %mul3A_415 : vector<16xf32>
          %swap3A_417 = arith.index_cast %add3A_403 : i32 to index
          %swap3A_418 = arith.constant 0 : index
          %swap3A_419 = tpu.vector_load %arg29[%swap3A_417, %swap3A_418] {strides = array<i32>} : memref<128x16xf32, #tpu.memory_space<vmem>>, vector<1x16xf32>,
          %swap3A_420 = vector.shape_cast %swap3A_419 : vector<1x16xf32> to vector<16xf32>
          %swap3A_421 = vector.shape_cast %mul3A_416 : vector<16xf32> to vector<1x16xf32>
          tpu.vector_store %arg29[%swap3A_417, %swap3A_418], %swap3A_421 {strides = array<i32>} : memref<128x16xf32, #tpu.memory_space<vmem>>, vector<1x16xf32>,
          %mul3A_422 = arith.constant 16 : i32
          %mul3A_423 = arith.muli %scan3A_310, %mul3A_422 : i32
          %add3A_424 = arith.constant 5 : i32
          %add3A_425 = arith.addi %mul3A_423, %add3A_424 : i32
          %slice3A_426 = vector.extract_strided_slice %get3A_315 {offsets = [5], sizes = [1], strides = [1]} : vector<16xf32> to vector<1xf32>
          %squeeze3A_427 = vector.extract %slice3A_426[0] : f32 from vector<1xf32>
          %get3A_428 = arith.index_cast %add3A_425 : i32 to index
          %get3A_429 = arith.constant 0 : index
          %get3A_430 = tpu.vector_load %arg25[%get3A_428, %get3A_429] {strides = array<i32>} : memref<128x16xf32, #tpu.memory_space<vmem>>, vector<1x16xf32>,
          %get3A_431 = vector.shape_cast %get3A_430 : vector<1x16xf32> to vector<16xf32>
          %get3A_432 = arith.index_cast %add3A_425 : i32 to index
          %get3A_433 = arith.constant 0 : index
          %get3A_434 = tpu.vector_load %arg27[%get3A_432, %get3A_433] {strides = array<i32>} : memref<128x16xf32, #tpu.memory_space<vmem>>, vector<1x16xf32>,
          %get3A_435 = vector.shape_cast %get3A_434 : vector<1x16xf32> to vector<16xf32>
          %sub3A_436 = arith.subf %get3A_431, %get3A_435 : vector<16xf32>
          %mul3A_437 = vector.broadcast %squeeze3A_427 : f32 to vector<16xf32>
          %mul3A_438 = arith.mulf %sub3A_436, %mul3A_437 : vector<16xf32>
          %swap3A_439 = arith.index_cast %add3A_425 : i32 to index
          %swap3A_440 = arith.constant 0 : index
          %swap3A_441 = tpu.vector_load %arg29[%swap3A_439, %swap3A_440] {strides = array<i32>} : memref<128x16xf32, #tpu.memory_space<vmem>>, vector<1x16xf32>,
          %swap3A_442 = vector.shape_cast %swap3A_441 : vector<1x16xf32> to vector<16xf32>
          %swap3A_443 = vector.shape_cast %mul3A_438 : vector<16xf32> to vector<1x16xf32>
          tpu.vector_store %arg29[%swap3A_439, %swap3A_440], %swap3A_443 {strides = array<i32>} : memref<128x16xf32, #tpu.memory_space<vmem>>, vector<1x16xf32>,
          %mul3A_444 = arith.constant 16 : i32
          %mul3A_445 = arith.muli %scan3A_310, %mul3A_444 : i32
          %add3A_446 = arith.constant 6 : i32
          %add3A_447 = arith.addi %mul3A_445, %add3A_446 : i32
          %slice3A_448 = vector.extract_strided_slice %get3A_315 {offsets = [6], sizes = [1], strides = [1]} : vector<16xf32> to vector<1xf32>
          %squeeze3A_449 = vector.extract %slice3A_448[0] : f32 from vector<1xf32>
          %get3A_450 = arith.index_cast %add3A_447 : i32 to index
          %get3A_451 = arith.constant 0 : index
          %get3A_452 = tpu.vector_load %arg25[%get3A_450, %get3A_451] {strides = array<i32>} : memref<128x16xf32, #tpu.memory_space<vmem>>, vector<1x16xf32>,
          %get3A_453 = vector.shape_cast %get3A_452 : vector<1x16xf32> to vector<16xf32>
          %get3A_454 = arith.index_cast %add3A_447 : i32 to index
          %get3A_455 = arith.constant 0 : index
          %get3A_456 = tpu.vector_load %arg27[%get3A_454, %get3A_455] {strides = array<i32>} : memref<128x16xf32, #tpu.memory_space<vmem>>, vector<1x16xf32>,
          %get3A_457 = vector.shape_cast %get3A_456 : vector<1x16xf32> to vector<16xf32>
          %sub3A_458 = arith.subf %get3A_453, %get3A_457 : vector<16xf32>
          %mul3A_459 = vector.broadcast %squeeze3A_449 : f32 to vector<16xf32>
          %mul3A_460 = arith.mulf %sub3A_458, %mul3A_459 : vector<16xf32>
          %swap3A_461 = arith.index_cast %add3A_447 : i32 to index
          %swap3A_462 = arith.constant 0 : index
          %swap3A_463 = tpu.vector_load %arg29[%swap3A_461, %swap3A_462] {strides = array<i32>} : memref<128x16xf32, #tpu.memory_space<vmem>>, vector<1x16xf32>,
          %swap3A_464 = vector.shape_cast %swap3A_463 : vector<1x16xf32> to vector<16xf32>
          %swap3A_465 = vector.shape_cast %mul3A_460 : vector<16xf32> to vector<1x16xf32>
          tpu.vector_store %arg29[%swap3A_461, %swap3A_462], %swap3A_465 {strides = array<i32>} : memref<128x16xf32, #tpu.memory_space<vmem>>, vector<1x16xf32>,
          %mul3A_466 = arith.constant 16 : i32
          %mul3A_467 = arith.muli %scan3A_310, %mul3A_466 : i32
          %add3A_468 = arith.constant 7 : i32
          %add3A_469 = arith.addi %mul3A_467, %add3A_468 : i32
          %slice3A_470 = vector.extract_strided_slice %get3A_315 {offsets = [7], sizes = [1], strides = [1]} : vector<16xf32> to vector<1xf32>
          %squeeze3A_471 = vector.extract %slice3A_470[0] : f32 from vector<1xf32>
          %get3A_472 = arith.index_cast %add3A_469 : i32 to index
          %get3A_473 = arith.constant 0 : index
          %get3A_474 = tpu.vector_load %arg25[%get3A_472, %get3A_473] {strides = array<i32>} : memref<128x16xf32, #tpu.memory_space<vmem>>, vector<1x16xf32>,
          %get3A_475 = vector.shape_cast %get3A_474 : vector<1x16xf32> to vector<16xf32>
          %get3A_476 = arith.index_cast %add3A_469 : i32 to index
          %get3A_477 = arith.constant 0 : index
          %get3A_478 = tpu.vector_load %arg27[%get3A_476, %get3A_477] {strides = array<i32>} : memref<128x16xf32, #tpu.memory_space<vmem>>, vector<1x16xf32>,
          %get3A_479 = vector.shape_cast %get3A_478 : vector<1x16xf32> to vector<16xf32>
          %sub3A_480 = arith.subf %get3A_475, %get3A_479 : vector<16xf32>
          %mul3A_481 = vector.broadcast %squeeze3A_471 : f32 to vector<16xf32>
          %mul3A_482 = arith.mulf %sub3A_480, %mul3A_481 : vector<16xf32>
          %swap3A_483 = arith.index_cast %add3A_469 : i32 to index
          %swap3A_484 = arith.constant 0 : index
          %swap3A_485 = tpu.vector_load %arg29[%swap3A_483, %swap3A_484] {strides = array<i32>} : memref<128x16xf32, #tpu.memory_space<vmem>>, vector<1x16xf32>,
          %swap3A_486 = vector.shape_cast %swap3A_485 : vector<1x16xf32> to vector<16xf32>
          %swap3A_487 = vector.shape_cast %mul3A_482 : vector<16xf32> to vector<1x16xf32>
          tpu.vector_store %arg29[%swap3A_483, %swap3A_484], %swap3A_487 {strides = array<i32>} : memref<128x16xf32, #tpu.memory_space<vmem>>, vector<1x16xf32>,
          %mul3A_488 = arith.constant 16 : i32
          %mul3A_489 = arith.muli %scan3A_310, %mul3A_488 : i32
          %add3A_490 = arith.constant 8 : i32
          %add3A_491 = arith.addi %mul3A_489, %add3A_490 : i32
          %slice3A_492 = vector.extract_strided_slice %get3A_315 {offsets = [8], sizes = [1], strides = [1]} : vector<16xf32> to vector<1xf32>
          %squeeze3A_493 = vector.extract %slice3A_492[0] : f32 from vector<1xf32>
          %get3A_494 = arith.index_cast %add3A_491 : i32 to index
          %get3A_495 = arith.constant 0 : index
          %get3A_496 = tpu.vector_load %arg25[%get3A_494, %get3A_495] {strides = array<i32>} : memref<128x16xf32, #tpu.memory_space<vmem>>, vector<1x16xf32>,
          %get3A_497 = vector.shape_cast %get3A_496 : vector<1x16xf32> to vector<16xf32>
          %get3A_498 = arith.index_cast %add3A_491 : i32 to index
          %get3A_499 = arith.constant 0 : index
          %get3A_500 = tpu.vector_load %arg27[%get3A_498, %get3A_499] {strides = array<i32>} : memref<128x16xf32, #tpu.memory_space<vmem>>, vector<1x16xf32>,
          %get3A_501 = vector.shape_cast %get3A_500 : vector<1x16xf32> to vector<16xf32>
          %sub3A_502 = arith.subf %get3A_497, %get3A_501 : vector<16xf32>
          %mul3A_503 = vector.broadcast %squeeze3A_493 : f32 to vector<16xf32>
          %mul3A_504 = arith.mulf %sub3A_502, %mul3A_503 : vector<16xf32>
          %swap3A_505 = arith.index_cast %add3A_491 : i32 to index
          %swap3A_506 = arith.constant 0 : index
          %swap3A_507 = tpu.vector_load %arg29[%swap3A_505, %swap3A_506] {strides = array<i32>} : memref<128x16xf32, #tpu.memory_space<vmem>>, vector<1x16xf32>,
          %swap3A_508 = vector.shape_cast %swap3A_507 : vector<1x16xf32> to vector<16xf32>
          %swap3A_509 = vector.shape_cast %mul3A_504 : vector<16xf32> to vector<1x16xf32>
          tpu.vector_store %arg29[%swap3A_505, %swap3A_506], %swap3A_509 {strides = array<i32>} : memref<128x16xf32, #tpu.memory_space<vmem>>, vector<1x16xf32>,
          %mul3A_510 = arith.constant 16 : i32
          %mul3A_511 = arith.muli %scan3A_310, %mul3A_510 : i32
          %add3A_512 = arith.constant 9 : i32
          %add3A_513 = arith.addi %mul3A_511, %add3A_512 : i32
          %slice3A_514 = vector.extract_strided_slice %get3A_315 {offsets = [9], sizes = [1], strides = [1]} : vector<16xf32> to vector<1xf32>
          %squeeze3A_515 = vector.extract %slice3A_514[0] : f32 from vector<1xf32>
          %get3A_516 = arith.index_cast %add3A_513 : i32 to index
          %get3A_517 = arith.constant 0 : index
          %get3A_518 = tpu.vector_load %arg25[%get3A_516, %get3A_517] {strides = array<i32>} : memref<128x16xf32, #tpu.memory_space<vmem>>, vector<1x16xf32>,
          %get3A_519 = vector.shape_cast %get3A_518 : vector<1x16xf32> to vector<16xf32>
          %get3A_520 = arith.index_cast %add3A_513 : i32 to index
          %get3A_521 = arith.constant 0 : index
          %get3A_522 = tpu.vector_load %arg27[%get3A_520, %get3A_521] {strides = array<i32>} : memref<128x16xf32, #tpu.memory_space<vmem>>, vector<1x16xf32>,
          %get3A_523 = vector.shape_cast %get3A_522 : vector<1x16xf32> to vector<16xf32>
          %sub3A_524 = arith.subf %get3A_519, %get3A_523 : vector<16xf32>
          %mul3A_525 = vector.broadcast %squeeze3A_515 : f32 to vector<16xf32>
          %mul3A_526 = arith.mulf %sub3A_524, %mul3A_525 : vector<16xf32>
          %swap3A_527 = arith.index_cast %add3A_513 : i32 to index
          %swap3A_528 = arith.constant 0 : index
          %swap3A_529 = tpu.vector_load %arg29[%swap3A_527, %swap3A_528] {strides = array<i32>} : memref<128x16xf32, #tpu.memory_space<vmem>>, vector<1x16xf32>,
          %swap3A_530 = vector.shape_cast %swap3A_529 : vector<1x16xf32> to vector<16xf32>
          %swap3A_531 = vector.shape_cast %mul3A_526 : vector<16xf32> to vector<1x16xf32>
          tpu.vector_store %arg29[%swap3A_527, %swap3A_528], %swap3A_531 {strides = array<i32>} : memref<128x16xf32, #tpu.memory_space<vmem>>, vector<1x16xf32>,
          %mul3A_532 = arith.constant 16 : i32
          %mul3A_533 = arith.muli %scan3A_310, %mul3A_532 : i32
          %add3A_534 = arith.constant 10 : i32
          %add3A_535 = arith.addi %mul3A_533, %add3A_534 : i32
          %slice3A_536 = vector.extract_strided_slice %get3A_315 {offsets = [10], sizes = [1], strides = [1]} : vector<16xf32> to vector<1xf32>
          %squeeze3A_537 = vector.extract %slice3A_536[0] : f32 from vector<1xf32>
          %get3A_538 = arith.index_cast %add3A_535 : i32 to index
          %get3A_539 = arith.constant 0 : index
          %get3A_540 = tpu.vector_load %arg25[%get3A_538, %get3A_539] {strides = array<i32>} : memref<128x16xf32, #tpu.memory_space<vmem>>, vector<1x16xf32>,
          %get3A_541 = vector.shape_cast %get3A_540 : vector<1x16xf32> to vector<16xf32>
          %get3A_542 = arith.index_cast %add3A_535 : i32 to index
          %get3A_543 = arith.constant 0 : index
          %get3A_544 = tpu.vector_load %arg27[%get3A_542, %get3A_543] {strides = array<i32>} : memref<128x16xf32, #tpu.memory_space<vmem>>, vector<1x16xf32>,
          %get3A_545 = vector.shape_cast %get3A_544 : vector<1x16xf32> to vector<16xf32>
          %sub3A_546 = arith.subf %get3A_541, %get3A_545 : vector<16xf32>
          %mul3A_547 = vector.broadcast %squeeze3A_537 : f32 to vector<16xf32>
          %mul3A_548 = arith.mulf %sub3A_546, %mul3A_547 : vector<16xf32>
          %swap3A_549 = arith.index_cast %add3A_535 : i32 to index
          %swap3A_550 = arith.constant 0 : index
          %swap3A_551 = tpu.vector_load %arg29[%swap3A_549, %swap3A_550] {strides = array<i32>} : memref<128x16xf32, #tpu.memory_space<vmem>>, vector<1x16xf32>,
          %swap3A_552 = vector.shape_cast %swap3A_551 : vector<1x16xf32> to vector<16xf32>
          %swap3A_553 = vector.shape_cast %mul3A_548 : vector<16xf32> to vector<1x16xf32>
          tpu.vector_store %arg29[%swap3A_549, %swap3A_550], %swap3A_553 {strides = array<i32>} : memref<128x16xf32, #tpu.memory_space<vmem>>, vector<1x16xf32>,
          %mul3A_554 = arith.constant 16 : i32
          %mul3A_555 = arith.muli %scan3A_310, %mul3A_554 : i32
          %add3A_556 = arith.constant 11 : i32
          %add3A_557 = arith.addi %mul3A_555, %add3A_556 : i32
          %slice3A_558 = vector.extract_strided_slice %get3A_315 {offsets = [11], sizes = [1], strides = [1]} : vector<16xf32> to vector<1xf32>
          %squeeze3A_559 = vector.extract %slice3A_558[0] : f32 from vector<1xf32>
          %get3A_560 = arith.index_cast %add3A_557 : i32 to index
          %get3A_561 = arith.constant 0 : index
          %get3A_562 = tpu.vector_load %arg25[%get3A_560, %get3A_561] {strides = array<i32>} : memref<128x16xf32, #tpu.memory_space<vmem>>, vector<1x16xf32>,
          %get3A_563 = vector.shape_cast %get3A_562 : vector<1x16xf32> to vector<16xf32>
          %get3A_564 = arith.index_cast %add3A_557 : i32 to index
          %get3A_565 = arith.constant 0 : index
          %get3A_566 = tpu.vector_load %arg27[%get3A_564, %get3A_565] {strides = array<i32>} : memref<128x16xf32, #tpu.memory_space<vmem>>, vector<1x16xf32>,
          %get3A_567 = vector.shape_cast %get3A_566 : vector<1x16xf32> to vector<16xf32>
          %sub3A_568 = arith.subf %get3A_563, %get3A_567 : vector<16xf32>
          %mul3A_569 = vector.broadcast %squeeze3A_559 : f32 to vector<16xf32>
          %mul3A_570 = arith.mulf %sub3A_568, %mul3A_569 : vector<16xf32>
          %swap3A_571 = arith.index_cast %add3A_557 : i32 to index
          %swap3A_572 = arith.constant 0 : index
          %swap3A_573 = tpu.vector_load %arg29[%swap3A_571, %swap3A_572] {strides = array<i32>} : memref<128x16xf32, #tpu.memory_space<vmem>>, vector<1x16xf32>,
          %swap3A_574 = vector.shape_cast %swap3A_573 : vector<1x16xf32> to vector<16xf32>
          %swap3A_575 = vector.shape_cast %mul3A_570 : vector<16xf32> to vector<1x16xf32>
          tpu.vector_store %arg29[%swap3A_571, %swap3A_572], %swap3A_575 {strides = array<i32>} : memref<128x16xf32, #tpu.memory_space<vmem>>, vector<1x16xf32>,
          %mul3A_576 = arith.constant 16 : i32
          %mul3A_577 = arith.muli %scan3A_310, %mul3A_576 : i32
          %add3A_578 = arith.constant 12 : i32
          %add3A_579 = arith.addi %mul3A_577, %add3A_578 : i32
          %slice3A_580 = vector.extract_strided_slice %get3A_315 {offsets = [12], sizes = [1], strides = [1]} : vector<16xf32> to vector<1xf32>
          %squeeze3A_581 = vector.extract %slice3A_580[0] : f32 from vector<1xf32>
          %get3A_582 = arith.index_cast %add3A_579 : i32 to index
          %get3A_583 = arith.constant 0 : index
          %get3A_584 = tpu.vector_load %arg25[%get3A_582, %get3A_583] {strides = array<i32>} : memref<128x16xf32, #tpu.memory_space<vmem>>, vector<1x16xf32>,
          %get3A_585 = vector.shape_cast %get3A_584 : vector<1x16xf32> to vector<16xf32>
          %get3A_586 = arith.index_cast %add3A_579 : i32 to index
          %get3A_587 = arith.constant 0 : index
          %get3A_588 = tpu.vector_load %arg27[%get3A_586, %get3A_587] {strides = array<i32>} : memref<128x16xf32, #tpu.memory_space<vmem>>, vector<1x16xf32>,
          %get3A_589 = vector.shape_cast %get3A_588 : vector<1x16xf32> to vector<16xf32>
          %sub3A_590 = arith.subf %get3A_585, %get3A_589 : vector<16xf32>
          %mul3A_591 = vector.broadcast %squeeze3A_581 : f32 to vector<16xf32>
          %mul3A_592 = arith.mulf %sub3A_590, %mul3A_591 : vector<16xf32>
          %swap3A_593 = arith.index_cast %add3A_579 : i32 to index
          %swap3A_594 = arith.constant 0 : index
          %swap3A_595 = tpu.vector_load %arg29[%swap3A_593, %swap3A_594] {strides = array<i32>} : memref<128x16xf32, #tpu.memory_space<vmem>>, vector<1x16xf32>,
          %swap3A_596 = vector.shape_cast %swap3A_595 : vector<1x16xf32> to vector<16xf32>
          %swap3A_597 = vector.shape_cast %mul3A_592 : vector<16xf32> to vector<1x16xf32>
          tpu.vector_store %arg29[%swap3A_593, %swap3A_594], %swap3A_597 {strides = array<i32>} : memref<128x16xf32, #tpu.memory_space<vmem>>, vector<1x16xf32>,
          %mul3A_598 = arith.constant 16 : i32
          %mul3A_599 = arith.muli %scan3A_310, %mul3A_598 : i32
          %add3A_600 = arith.constant 13 : i32
          %add3A_601 = arith.addi %mul3A_599, %add3A_600 : i32
          %slice3A_602 = vector.extract_strided_slice %get3A_315 {offsets = [13], sizes = [1], strides = [1]} : vector<16xf32> to vector<1xf32>
          %squeeze3A_603 = vector.extract %slice3A_602[0] : f32 from vector<1xf32>
          %get3A_604 = arith.index_cast %add3A_601 : i32 to index
          %get3A_605 = arith.constant 0 : index
          %get3A_606 = tpu.vector_load %arg25[%get3A_604, %get3A_605] {strides = array<i32>} : memref<128x16xf32, #tpu.memory_space<vmem>>, vector<1x16xf32>,
          %get3A_607 = vector.shape_cast %get3A_606 : vector<1x16xf32> to vector<16xf32>
          %get3A_608 = arith.index_cast %add3A_601 : i32 to index
          %get3A_609 = arith.constant 0 : index
          %get3A_610 = tpu.vector_load %arg27[%get3A_608, %get3A_609] {strides = array<i32>} : memref<128x16xf32, #tpu.memory_space<vmem>>, vector<1x16xf32>,
          %get3A_611 = vector.shape_cast %get3A_610 : vector<1x16xf32> to vector<16xf32>
          %sub3A_612 = arith.subf %get3A_607, %get3A_611 : vector<16xf32>
          %mul3A_613 = vector.broadcast %squeeze3A_603 : f32 to vector<16xf32>
          %mul3A_614 = arith.mulf %sub3A_612, %mul3A_613 : vector<16xf32>
          %swap3A_615 = arith.index_cast %add3A_601 : i32 to index
          %swap3A_616 = arith.constant 0 : index
          %swap3A_617 = tpu.vector_load %arg29[%swap3A_615, %swap3A_616] {strides = array<i32>} : memref<128x16xf32, #tpu.memory_space<vmem>>, vector<1x16xf32>,
          %swap3A_618 = vector.shape_cast %swap3A_617 : vector<1x16xf32> to vector<16xf32>
          %swap3A_619 = vector.shape_cast %mul3A_614 : vector<16xf32> to vector<1x16xf32>
          tpu.vector_store %arg29[%swap3A_615, %swap3A_616], %swap3A_619 {strides = array<i32>} : memref<128x16xf32, #tpu.memory_space<vmem>>, vector<1x16xf32>,
          %mul3A_620 = arith.constant 16 : i32
          %mul3A_621 = arith.muli %scan3A_310, %mul3A_620 : i32
          %add3A_622 = arith.constant 14 : i32
          %add3A_623 = arith.addi %mul3A_621, %add3A_622 : i32
          %slice3A_624 = vector.extract_strided_slice %get3A_315 {offsets = [14], sizes = [1], strides = [1]} : vector<16xf32> to vector<1xf32>
          %squeeze3A_625 = vector.extract %slice3A_624[0] : f32 from vector<1xf32>
          %get3A_626 = arith.index_cast %add3A_623 : i32 to index
          %get3A_627 = arith.constant 0 : index
          %get3A_628 = tpu.vector_load %arg25[%get3A_626, %get3A_627] {strides = array<i32>} : memref<128x16xf32, #tpu.memory_space<vmem>>, vector<1x16xf32>,
          %get3A_629 = vector.shape_cast %get3A_628 : vector<1x16xf32> to vector<16xf32>
          %get3A_630 = arith.index_cast %add3A_623 : i32 to index
          %get3A_631 = arith.constant 0 : index
          %get3A_632 = tpu.vector_load %arg27[%get3A_630, %get3A_631] {strides = array<i32>} : memref<128x16xf32, #tpu.memory_space<vmem>>, vector<1x16xf32>,
          %get3A_633 = vector.shape_cast %get3A_632 : vector<1x16xf32> to vector<16xf32>
          %sub3A_634 = arith.subf %get3A_629, %get3A_633 : vector<16xf32>
          %mul3A_635 = vector.broadcast %squeeze3A_625 : f32 to vector<16xf32>
          %mul3A_636 = arith.mulf %sub3A_634, %mul3A_635 : vector<16xf32>
          %swap3A_637 = arith.index_cast %add3A_623 : i32 to index
          %swap3A_638 = arith.constant 0 : index
          %swap3A_639 = tpu.vector_load %arg29[%swap3A_637, %swap3A_638] {strides = array<i32>} : memref<128x16xf32, #tpu.memory_space<vmem>>, vector<1x16xf32>,
          %swap3A_640 = vector.shape_cast %swap3A_639 : vector<1x16xf32> to vector<16xf32>
          %swap3A_641 = vector.shape_cast %mul3A_636 : vector<16xf32> to vector<1x16xf32>
          tpu.vector_store %arg29[%swap3A_637, %swap3A_638], %swap3A_641 {strides = array<i32>} : memref<128x16xf32, #tpu.memory_space<vmem>>, vector<1x16xf32>,
          %mul3A_642 = arith.constant 16 : i32
          %mul3A_643 = arith.muli %scan3A_310, %mul3A_642 : i32
          %add3A_644 = arith.constant 15 : i32
          %add3A_645 = arith.addi %mul3A_643, %add3A_644 : i32
          %slice3A_646 = vector.extract_strided_slice %get3A_315 {offsets = [15], sizes = [1], strides = [1]} : vector<16xf32> to vector<1xf32>
          %squeeze3A_647 = vector.extract %slice3A_646[0] : f32 from vector<1xf32>
          %get3A_648 = arith.index_cast %add3A_645 : i32 to index
          %get3A_649 = arith.constant 0 : index
          %get3A_650 = tpu.vector_load %arg25[%get3A_648, %get3A_649] {strides = array<i32>} : memref<128x16xf32, #tpu.memory_space<vmem>>, vector<1x16xf32>,
          %get3A_651 = vector.shape_cast %get3A_650 : vector<1x16xf32> to vector<16xf32>
          %get3A_652 = arith.index_cast %add3A_645 : i32 to index
          %get3A_653 = arith.constant 0 : index
          %get3A_654 = tpu.vector_load %arg27[%get3A_652, %get3A_653] {strides = array<i32>} : memref<128x16xf32, #tpu.memory_space<vmem>>, vector<1x16xf32>,
          %get3A_655 = vector.shape_cast %get3A_654 : vector<1x16xf32> to vector<16xf32>
          %sub3A_656 = arith.subf %get3A_651, %get3A_655 : vector<16xf32>
          %mul3A_657 = vector.broadcast %squeeze3A_647 : f32 to vector<16xf32>
          %mul3A_658 = arith.mulf %sub3A_656, %mul3A_657 : vector<16xf32>
          %swap3A_659 = arith.index_cast %add3A_645 : i32 to index
          %swap3A_660 = arith.constant 0 : index
          %swap3A_661 = tpu.vector_load %arg29[%swap3A_659, %swap3A_660] {strides = array<i32>} : memref<128x16xf32, #tpu.memory_space<vmem>>, vector<1x16xf32>,
          %swap3A_662 = vector.shape_cast %swap3A_661 : vector<1x16xf32> to vector<16xf32>
          %swap3A_663 = vector.shape_cast %mul3A_658 : vector<16xf32> to vector<1x16xf32>
          tpu.vector_store %arg29[%swap3A_659, %swap3A_660], %swap3A_663 {strides = array<i32>} : memref<128x16xf32, #tpu.memory_space<vmem>>, vector<1x16xf32>,
          %scan3A_664 = arith.constant 0 : i32
          scf.yield %scan3A_664 : i32
        }
        %scan3A_271 = arith.constant 8 : i32
        %dma_start3A_272 = arith.constant 0 : i32
        %dma_start3A_273 = arith.constant 0 : i32
        %dma_start3A_274 = tpu.memref_slice %arg13[%dma_start3A_272, %dma_start3A_273] : memref<10080x16xf32, #tpu.memory_space<vmem_shared>> -> memref<10080x16xf32, #tpu.memory_space<vmem_shared>>
        tpu.enqueue_indirect_dma source(%arg29 : memref<128x16xf32, #tpu.memory_space<vmem>>) target(%dma_start3A_274 : memref<10080x16xf32, #tpu.memory_space<vmem_shared>>) offsets(%arg23 : memref<128xi32, #tpu.memory_space<vmem>>) semaphore(%arg43 : memref<!tpu.dma_semaphore, #tpu.memory_space<semaphore_mem>>) {add = true}
        %mul3A_275 = arith.constant 4 : i32
        %mul3A_276 = arith.muli %scan3A_87, %mul3A_275 : i32
        %add3A_277 = arith.constant 3 : i32
        %add3A_278 = arith.addi %mul3A_276, %add3A_277 : i32
        %add3A_279 = arith.constant 1 : i32
        %add3A_280 = arith.addi %add3A_278, %add3A_279 : i32
        %mul3A_281 = arith.constant 128 : i32
        %mul3A_282 = arith.muli %add3A_280, %mul3A_281 : i32
        %add3A_283 = arith.addi %mul3A_62, %mul3A_282 : i32
        %gt3A_284 = arith.constant 0 : i32
        %gt3A_285 = arith.cmpi sgt, %add3A_278, %gt3A_284 : i32
        %convert_element_type3A_286 = arith.extui %gt3A_285 : i1 to i32
        %cond3A_287 = arith.constant 0 : i32
        %cond3A_288 = arith.cmpi ne, %convert_element_type3A_286, %cond3A_287 : i32
        scf.if %cond3A_288 {
          %dma_wait3A_310 = arith.constant 0 : i32
          %dma_wait3A_311 = arith.constant 0 : i32
          %dma_wait3A_312 = tpu.memref_slice %arg12[%dma_wait3A_310, %dma_wait3A_311] : memref<10080x128xbf16, #tpu.memory_space<vmem_shared>> -> memref<10080x128xbf16, #tpu.memory_space<vmem_shared>>
          tpu.wait_indirect_dma semaphore(%arg36 : memref<!tpu.dma_semaphore, #tpu.memory_space<semaphore_mem>>) src(%arg18 : memref<128x128xbf16, #tpu.memory_space<vmem>>) dst(%dma_wait3A_312 : memref<10080x128xbf16, #tpu.memory_space<vmem_shared>>)
        } else {
        }
        %add3A_289 = arith.constant 1 : i32
        %add3A_290 = arith.addi %add3A_278, %add3A_289 : i32
        %lt3A_291 = arith.constant 80 : i32
        %lt3A_292 = arith.cmpi slt, %add3A_290, %lt3A_291 : i32
        %convert_element_type3A_293 = arith.extui %lt3A_292 : i1 to i32
        %cond3A_294 = arith.constant 0 : i32
        %cond3A_295 = arith.cmpi ne, %convert_element_type3A_293, %cond3A_294 : i32
        scf.if %cond3A_295 {
          %dma_start3A_310 = tpu.memref_slice %arg4[%add3A_283] : memref<163840xi32, #tpu.memory_space<hbm>> -> memref<128xi32, #tpu.memory_space<hbm>>
          %dma_start3A_311 = tpu.memref_slice %arg4[%add3A_283] : memref<163840xi32, #tpu.memory_space<hbm>> -> memref<128xi32, #tpu.memory_space<hbm>>
          tpu.enqueue_dma source(%dma_start3A_311 : memref<128xi32, #tpu.memory_space<hbm>>) target(%arg14 : memref<128xi32, #tpu.memory_space<vmem>>) target_semaphore(%arg38 : memref<!tpu.dma_semaphore, #tpu.memory_space<semaphore_mem>>)
          %dma_start3A_312 = tpu.memref_slice %arg5[%add3A_283] : memref<163840xi32, #tpu.memory_space<hbm>> -> memref<128xi32, #tpu.memory_space<hbm>>
          %dma_start3A_313 = tpu.memref_slice %arg5[%add3A_283] : memref<163840xi32, #tpu.memory_space<hbm>> -> memref<128xi32, #tpu.memory_space<hbm>>
          tpu.enqueue_dma source(%dma_start3A_313 : memref<128xi32, #tpu.memory_space<hbm>>) target(%arg16 : memref<128xi32, #tpu.memory_space<vmem>>) target_semaphore(%arg38 : memref<!tpu.dma_semaphore, #tpu.memory_space<semaphore_mem>>)
        } else {
        }
        %dma_wait3A_296 = arith.constant 0 : i32
        %dma_wait3A_297 = arith.constant 0 : i32
        %dma_wait3A_298 = tpu.memref_slice %arg2[%dma_wait3A_296, %dma_wait3A_297] : memref<10000x128xbf16, #tpu.memory_space<hbm>> -> memref<10000x128xbf16, #tpu.memory_space<hbm>>
        tpu.wait_indirect_dma semaphore(%arg33 : memref<!tpu.dma_semaphore, #tpu.memory_space<semaphore_mem>>) src(%dma_wait3A_298 : memref<10000x128xbf16, #tpu.memory_space<hbm>>) dst(%arg19 : memref<128x128xbf16, #tpu.memory_space<vmem>>)
        %dma_start3A_299 = arith.constant 0 : i32
        %dma_start3A_300 = arith.constant 0 : i32
        %dma_start3A_301 = tpu.memref_slice %arg12[%dma_start3A_299, %dma_start3A_300] : memref<10080x128xbf16, #tpu.memory_space<vmem_shared>> -> memref<10080x128xbf16, #tpu.memory_space<vmem_shared>>
        tpu.enqueue_indirect_dma source(%arg19 : memref<128x128xbf16, #tpu.memory_space<vmem>>) target(%dma_start3A_301 : memref<10080x128xbf16, #tpu.memory_space<vmem_shared>>) offsets(%arg17 : memref<128xi32, #tpu.memory_space<vmem>>) semaphore(%arg37 : memref<!tpu.dma_semaphore, #tpu.memory_space<semaphore_mem>>) {add = true}
        %add3A_302 = arith.constant 1 : i32
        %add3A_303 = arith.addi %add3A_278, %add3A_302 : i32
        %lt3A_304 = arith.constant 80 : i32
        %lt3A_305 = arith.cmpi slt, %add3A_303, %lt3A_304 : i32
        %convert_element_type3A_306 = arith.extui %lt3A_305 : i1 to i32
        %cond3A_307 = arith.constant 0 : i32
        %cond3A_308 = arith.cmpi ne, %convert_element_type3A_306, %cond3A_307 : i32
        scf.if %cond3A_308 {
          %dma_wait3A_310 = tpu.memref_slice %arg4[%add3A_283] : memref<163840xi32, #tpu.memory_space<hbm>> -> memref<128xi32, #tpu.memory_space<hbm>>
          %dma_wait3A_311 = tpu.memref_slice %arg4[%add3A_283] : memref<163840xi32, #tpu.memory_space<hbm>> -> memref<128xi32, #tpu.memory_space<hbm>>
          tpu.wait_dma2 semaphore(%arg38 : memref<!tpu.dma_semaphore, #tpu.memory_space<semaphore_mem>>) src(%dma_wait3A_311 : memref<128xi32, #tpu.memory_space<hbm>>) dst(%arg14 : memref<128xi32, #tpu.memory_space<vmem>>)
          %dma_wait3A_312 = tpu.memref_slice %arg5[%add3A_283] : memref<163840xi32, #tpu.memory_space<hbm>> -> memref<128xi32, #tpu.memory_space<hbm>>
          %dma_wait3A_313 = tpu.memref_slice %arg5[%add3A_283] : memref<163840xi32, #tpu.memory_space<hbm>> -> memref<128xi32, #tpu.memory_space<hbm>>
          tpu.wait_dma2 semaphore(%arg38 : memref<!tpu.dma_semaphore, #tpu.memory_space<semaphore_mem>>) src(%dma_wait3A_313 : memref<128xi32, #tpu.memory_space<hbm>>) dst(%arg16 : memref<128xi32, #tpu.memory_space<vmem>>)
          %dma_start3A_314 = arith.constant 0 : i32
          %dma_start3A_315 = arith.constant 0 : i32
          %dma_start3A_316 = tpu.memref_slice %arg2[%dma_start3A_314, %dma_start3A_315] : memref<10000x128xbf16, #tpu.memory_space<hbm>> -> memref<10000x128xbf16, #tpu.memory_space<hbm>>
          tpu.enqueue_indirect_dma source(%dma_start3A_316 : memref<10000x128xbf16, #tpu.memory_space<hbm>>) target(%arg18 : memref<128x128xbf16, #tpu.memory_space<vmem>>) offsets(%arg14 : memref<128xi32, #tpu.memory_space<vmem>>) semaphore(%arg32 : memref<!tpu.dma_semaphore, #tpu.memory_space<semaphore_mem>>)
        } else {
        }
        %scan3A_309 = arith.constant 0 : i32
        scf.yield %scan3A_309 : i32
      }
      %scan3A_81 = arith.constant 20 : i32
      %dma_wait3A = arith.constant 0 : i32
      %dma_wait3A_82 = arith.constant 0 : i32
      %dma_wait3A_83 = tpu.memref_slice %arg12[%dma_wait3A, %dma_wait3A_82] : memref<10080x128xbf16, #tpu.memory_space<vmem_shared>> -> memref<10080x128xbf16, #tpu.memory_space<vmem_shared>>
      tpu.wait_indirect_dma semaphore(%arg37 : memref<!tpu.dma_semaphore, #tpu.memory_space<semaphore_mem>>) src(%arg19 : memref<128x128xbf16, #tpu.memory_space<vmem>>) dst(%dma_wait3A_83 : memref<10080x128xbf16, #tpu.memory_space<vmem_shared>>)
      %dma_wait3A_84 = arith.constant 0 : i32
      %dma_wait3A_85 = arith.constant 0 : i32
      %dma_wait3A_86 = tpu.memref_slice %arg13[%dma_wait3A_84, %dma_wait3A_85] : memref<10080x16xf32, #tpu.memory_space<vmem_shared>> -> memref<10080x16xf32, #tpu.memory_space<vmem_shared>>
      tpu.wait_indirect_dma semaphore(%arg43 : memref<!tpu.dma_semaphore, #tpu.memory_space<semaphore_mem>>) src(%arg29 : memref<128x16xf32, #tpu.memory_space<vmem>>) dst(%dma_wait3A_86 : memref<10080x16xf32, #tpu.memory_space<vmem_shared>>)
    } else {
    }
    %eq3A_45 = arith.constant 1 : i32
    %eq3A_46 = arith.cmpi eq, %arg0, %eq3A_45 : i32
    %convert_element_type3A_47 = arith.extui %eq3A_46 : i1 to i32
    %cond3A_48 = arith.constant 0 : i32
    %cond3A_49 = arith.cmpi ne, %convert_element_type3A_47, %cond3A_48 : i32
    scf.if %cond3A_49 {
      %mul3A_61 = arith.constant 10240 : i32
      %mul3A_62 = arith.muli %arg1, %mul3A_61 : i32
      %mul3A_63 = arith.constant 5120 : i32
      %mul3A_64 = arith.muli %arg1, %mul3A_63 : i32
      %add3A_65 = arith.constant 81920 : i32
      %add3A_66 = arith.addi %add3A_65, %mul3A_64 : i32
      "tpu.region"() ({
        %run_scoped3A = tpu.sem_alloc : memref<!tpu.dma_semaphore, #tpu.memory_space<semaphore_mem>>
        %dma_start3A_87 = tpu.memref_slice %arg4[%mul3A_62] : memref<163840xi32, #tpu.memory_space<hbm>> -> memref<128xi32, #tpu.memory_space<hbm>>
        %dma_start3A_88 = tpu.memref_slice %arg4[%mul3A_62] : memref<163840xi32, #tpu.memory_space<hbm>> -> memref<128xi32, #tpu.memory_space<hbm>>
        tpu.enqueue_dma source(%dma_start3A_88 : memref<128xi32, #tpu.memory_space<hbm>>) target(%arg14 : memref<128xi32, #tpu.memory_space<vmem>>) target_semaphore(%run_scoped3A : memref<!tpu.dma_semaphore, #tpu.memory_space<semaphore_mem>>)
        %dma_wait3A_89 = tpu.memref_slice %arg4[%mul3A_62] : memref<163840xi32, #tpu.memory_space<hbm>> -> memref<128xi32, #tpu.memory_space<hbm>>
        %dma_wait3A_90 = tpu.memref_slice %arg4[%mul3A_62] : memref<163840xi32, #tpu.memory_space<hbm>> -> memref<128xi32, #tpu.memory_space<hbm>>
        tpu.wait_dma2 semaphore(%run_scoped3A : memref<!tpu.dma_semaphore, #tpu.memory_space<semaphore_mem>>) src(%dma_wait3A_90 : memref<128xi32, #tpu.memory_space<hbm>>) dst(%arg14 : memref<128xi32, #tpu.memory_space<vmem>>)
        tpu.yield
      }) : () -> ()
      "tpu.region"() ({
        %run_scoped3A = tpu.sem_alloc : memref<!tpu.dma_semaphore, #tpu.memory_space<semaphore_mem>>
        %dma_start3A_87 = tpu.memref_slice %arg5[%mul3A_62] : memref<163840xi32, #tpu.memory_space<hbm>> -> memref<128xi32, #tpu.memory_space<hbm>>
        %dma_start3A_88 = tpu.memref_slice %arg5[%mul3A_62] : memref<163840xi32, #tpu.memory_space<hbm>> -> memref<128xi32, #tpu.memory_space<hbm>>
        tpu.enqueue_dma source(%dma_start3A_88 : memref<128xi32, #tpu.memory_space<hbm>>) target(%arg16 : memref<128xi32, #tpu.memory_space<vmem>>) target_semaphore(%run_scoped3A : memref<!tpu.dma_semaphore, #tpu.memory_space<semaphore_mem>>)
        %dma_wait3A_89 = tpu.memref_slice %arg5[%mul3A_62] : memref<163840xi32, #tpu.memory_space<hbm>> -> memref<128xi32, #tpu.memory_space<hbm>>
        %dma_wait3A_90 = tpu.memref_slice %arg5[%mul3A_62] : memref<163840xi32, #tpu.memory_space<hbm>> -> memref<128xi32, #tpu.memory_space<hbm>>
        tpu.wait_dma2 semaphore(%run_scoped3A : memref<!tpu.dma_semaphore, #tpu.memory_space<semaphore_mem>>) src(%dma_wait3A_90 : memref<128xi32, #tpu.memory_space<hbm>>) dst(%arg16 : memref<128xi32, #tpu.memory_space<vmem>>)
        tpu.yield
      }) : () -> ()
      %dma_start3A = arith.constant 0 : i32
      %dma_start3A_67 = arith.constant 0 : i32
      %dma_start3A_68 = tpu.memref_slice %arg3[%dma_start3A, %dma_start3A_67] : memref<10000x128xbf16, #tpu.memory_space<hbm>> -> memref<10000x128xbf16, #tpu.memory_space<hbm>>
      tpu.enqueue_indirect_dma source(%dma_start3A_68 : memref<10000x128xbf16, #tpu.memory_space<hbm>>) target(%arg18 : memref<128x128xbf16, #tpu.memory_space<vmem>>) offsets(%arg14 : memref<128xi32, #tpu.memory_space<vmem>>) semaphore(%arg32 : memref<!tpu.dma_semaphore, #tpu.memory_space<semaphore_mem>>)
      "tpu.region"() ({
        %run_scoped3A = tpu.sem_alloc : memref<!tpu.dma_semaphore, #tpu.memory_space<semaphore_mem>>
        %dma_start3A_87 = tpu.memref_slice %arg4[%add3A_66] : memref<163840xi32, #tpu.memory_space<hbm>> -> memref<128xi32, #tpu.memory_space<hbm>>
        %dma_start3A_88 = tpu.memref_slice %arg4[%add3A_66] : memref<163840xi32, #tpu.memory_space<hbm>> -> memref<128xi32, #tpu.memory_space<hbm>>
        tpu.enqueue_dma source(%dma_start3A_88 : memref<128xi32, #tpu.memory_space<hbm>>) target(%arg20 : memref<128xi32, #tpu.memory_space<vmem>>) target_semaphore(%run_scoped3A : memref<!tpu.dma_semaphore, #tpu.memory_space<semaphore_mem>>)
        %dma_wait3A_89 = tpu.memref_slice %arg4[%add3A_66] : memref<163840xi32, #tpu.memory_space<hbm>> -> memref<128xi32, #tpu.memory_space<hbm>>
        %dma_wait3A_90 = tpu.memref_slice %arg4[%add3A_66] : memref<163840xi32, #tpu.memory_space<hbm>> -> memref<128xi32, #tpu.memory_space<hbm>>
        tpu.wait_dma2 semaphore(%run_scoped3A : memref<!tpu.dma_semaphore, #tpu.memory_space<semaphore_mem>>) src(%dma_wait3A_90 : memref<128xi32, #tpu.memory_space<hbm>>) dst(%arg20 : memref<128xi32, #tpu.memory_space<vmem>>)
        tpu.yield
      }) : () -> ()
      "tpu.region"() ({
        %run_scoped3A = tpu.sem_alloc : memref<!tpu.dma_semaphore, #tpu.memory_space<semaphore_mem>>
        %dma_start3A_87 = tpu.memref_slice %arg5[%add3A_66] : memref<163840xi32, #tpu.memory_space<hbm>> -> memref<128xi32, #tpu.memory_space<hbm>>
        %dma_start3A_88 = tpu.memref_slice %arg5[%add3A_66] : memref<163840xi32, #tpu.memory_space<hbm>> -> memref<128xi32, #tpu.memory_space<hbm>>
        tpu.enqueue_dma source(%dma_start3A_88 : memref<128xi32, #tpu.memory_space<hbm>>) target(%arg22 : memref<128xi32, #tpu.memory_space<vmem>>) target_semaphore(%run_scoped3A : memref<!tpu.dma_semaphore, #tpu.memory_space<semaphore_mem>>)
        %dma_wait3A_89 = tpu.memref_slice %arg5[%add3A_66] : memref<163840xi32, #tpu.memory_space<hbm>> -> memref<128xi32, #tpu.memory_space<hbm>>
        %dma_wait3A_90 = tpu.memref_slice %arg5[%add3A_66] : memref<163840xi32, #tpu.memory_space<hbm>> -> memref<128xi32, #tpu.memory_space<hbm>>
        tpu.wait_dma2 semaphore(%run_scoped3A : memref<!tpu.dma_semaphore, #tpu.memory_space<semaphore_mem>>) src(%dma_wait3A_90 : memref<128xi32, #tpu.memory_space<hbm>>) dst(%arg22 : memref<128xi32, #tpu.memory_space<vmem>>)
        tpu.yield
      }) : () -> ()
      "tpu.region"() ({
        %run_scoped3A = tpu.sem_alloc : memref<!tpu.dma_semaphore, #tpu.memory_space<semaphore_mem>>
        %dma_start3A_87 = tpu.memref_slice %arg6[%add3A_66] : memref<163840xf32, #tpu.memory_space<hbm>> -> memref<128xf32, #tpu.memory_space<hbm>>
        %dma_start3A_88 = tpu.memref_slice %arg6[%add3A_66] : memref<163840xf32, #tpu.memory_space<hbm>> -> memref<128xf32, #tpu.memory_space<hbm>>
        tpu.enqueue_dma source(%dma_start3A_88 : memref<128xf32, #tpu.memory_space<hbm>>) target(%arg30 : memref<128xf32, #tpu.memory_space<vmem>>) target_semaphore(%run_scoped3A : memref<!tpu.dma_semaphore, #tpu.memory_space<semaphore_mem>>)
        %dma_wait3A_89 = tpu.memref_slice %arg6[%add3A_66] : memref<163840xf32, #tpu.memory_space<hbm>> -> memref<128xf32, #tpu.memory_space<hbm>>
        %dma_wait3A_90 = tpu.memref_slice %arg6[%add3A_66] : memref<163840xf32, #tpu.memory_space<hbm>> -> memref<128xf32, #tpu.memory_space<hbm>>
        tpu.wait_dma2 semaphore(%run_scoped3A : memref<!tpu.dma_semaphore, #tpu.memory_space<semaphore_mem>>) src(%dma_wait3A_90 : memref<128xf32, #tpu.memory_space<hbm>>) dst(%arg30 : memref<128xf32, #tpu.memory_space<vmem>>)
        tpu.yield
      }) : () -> ()
      %dma_start3A_69 = arith.constant 0 : i32
      %dma_start3A_70 = arith.constant 0 : i32
      %dma_start3A_71 = tpu.memref_slice %arg7[%dma_start3A_69, %dma_start3A_70] : memref<10000x16xf32, #tpu.memory_space<hbm>> -> memref<10000x16xf32, #tpu.memory_space<hbm>>
      tpu.enqueue_indirect_dma source(%dma_start3A_71 : memref<10000x16xf32, #tpu.memory_space<hbm>>) target(%arg24 : memref<128x16xf32, #tpu.memory_space<vmem>>) offsets(%arg20 : memref<128xi32, #tpu.memory_space<vmem>>) semaphore(%arg40 : memref<!tpu.dma_semaphore, #tpu.memory_space<semaphore_mem>>)
      %dma_start3A_72 = arith.constant 0 : i32
      %dma_start3A_73 = arith.constant 0 : i32
      %dma_start3A_74 = tpu.memref_slice %arg7[%dma_start3A_72, %dma_start3A_73] : memref<10000x16xf32, #tpu.memory_space<hbm>> -> memref<10000x16xf32, #tpu.memory_space<hbm>>
      tpu.enqueue_indirect_dma source(%dma_start3A_74 : memref<10000x16xf32, #tpu.memory_space<hbm>>) target(%arg26 : memref<128x16xf32, #tpu.memory_space<vmem>>) offsets(%arg22 : memref<128xi32, #tpu.memory_space<vmem>>) semaphore(%arg34 : memref<!tpu.dma_semaphore, #tpu.memory_space<semaphore_mem>>)
      %scan3A_75 = arith.constant 0 : i32
      %scan3A_76 = arith.constant 0 : i32
      %scan3A_77 = arith.constant 20 : i32
      %scan3A_78 = arith.addi %scan3A_76, %scan3A_77 : i32
      %scan3A_79 = arith.constant 1 : i32
      %scan3A_80 = scf.for %scan3A_87 = %scan3A_76 to %scan3A_78 step %scan3A_79 iter_args(%scan3A_88 = %scan3A_75) -> (i32)  : i32 {
        %mul3A_89 = arith.constant 4 : i32
        %mul3A_90 = arith.muli %scan3A_87, %mul3A_89 : i32
        %add3A_91 = arith.constant 0 : i32
        %add3A_92 = arith.addi %mul3A_90, %add3A_91 : i32
        %add3A_93 = arith.constant 1 : i32
        %add3A_94 = arith.addi %add3A_92, %add3A_93 : i32
        %mul3A_95 = arith.constant 128 : i32
        %mul3A_96 = arith.muli %add3A_94, %mul3A_95 : i32
        %add3A_97 = arith.addi %mul3A_62, %mul3A_96 : i32
        %gt3A = arith.constant 0 : i32
        %gt3A_98 = arith.cmpi sgt, %add3A_92, %gt3A : i32
        %convert_element_type3A_99 = arith.extui %gt3A_98 : i1 to i32
        %cond3A_100 = arith.constant 0 : i32
        %cond3A_101 = arith.cmpi ne, %convert_element_type3A_99, %cond3A_100 : i32
        scf.if %cond3A_101 {
          %dma_wait3A_310 = arith.constant 0 : i32
          %dma_wait3A_311 = arith.constant 0 : i32
          %dma_wait3A_312 = tpu.memref_slice %arg12[%dma_wait3A_310, %dma_wait3A_311] : memref<10080x128xbf16, #tpu.memory_space<vmem_shared>> -> memref<10080x128xbf16, #tpu.memory_space<vmem_shared>>
          tpu.wait_indirect_dma semaphore(%arg37 : memref<!tpu.dma_semaphore, #tpu.memory_space<semaphore_mem>>) src(%arg19 : memref<128x128xbf16, #tpu.memory_space<vmem>>) dst(%dma_wait3A_312 : memref<10080x128xbf16, #tpu.memory_space<vmem_shared>>)
        } else {
        }
        %add3A_102 = arith.constant 1 : i32
        %add3A_103 = arith.addi %add3A_92, %add3A_102 : i32
        %lt3A = arith.constant 80 : i32
        %lt3A_104 = arith.cmpi slt, %add3A_103, %lt3A : i32
        %convert_element_type3A_105 = arith.extui %lt3A_104 : i1 to i32
        %cond3A_106 = arith.constant 0 : i32
        %cond3A_107 = arith.cmpi ne, %convert_element_type3A_105, %cond3A_106 : i32
        scf.if %cond3A_107 {
          %dma_start3A_310 = tpu.memref_slice %arg4[%add3A_97] : memref<163840xi32, #tpu.memory_space<hbm>> -> memref<128xi32, #tpu.memory_space<hbm>>
          %dma_start3A_311 = tpu.memref_slice %arg4[%add3A_97] : memref<163840xi32, #tpu.memory_space<hbm>> -> memref<128xi32, #tpu.memory_space<hbm>>
          tpu.enqueue_dma source(%dma_start3A_311 : memref<128xi32, #tpu.memory_space<hbm>>) target(%arg15 : memref<128xi32, #tpu.memory_space<vmem>>) target_semaphore(%arg39 : memref<!tpu.dma_semaphore, #tpu.memory_space<semaphore_mem>>)
          %dma_start3A_312 = tpu.memref_slice %arg5[%add3A_97] : memref<163840xi32, #tpu.memory_space<hbm>> -> memref<128xi32, #tpu.memory_space<hbm>>
          %dma_start3A_313 = tpu.memref_slice %arg5[%add3A_97] : memref<163840xi32, #tpu.memory_space<hbm>> -> memref<128xi32, #tpu.memory_space<hbm>>
          tpu.enqueue_dma source(%dma_start3A_313 : memref<128xi32, #tpu.memory_space<hbm>>) target(%arg17 : memref<128xi32, #tpu.memory_space<vmem>>) target_semaphore(%arg39 : memref<!tpu.dma_semaphore, #tpu.memory_space<semaphore_mem>>)
        } else {
        }
        %dma_wait3A_108 = arith.constant 0 : i32
        %dma_wait3A_109 = arith.constant 0 : i32
        %dma_wait3A_110 = tpu.memref_slice %arg3[%dma_wait3A_108, %dma_wait3A_109] : memref<10000x128xbf16, #tpu.memory_space<hbm>> -> memref<10000x128xbf16, #tpu.memory_space<hbm>>
        tpu.wait_indirect_dma semaphore(%arg32 : memref<!tpu.dma_semaphore, #tpu.memory_space<semaphore_mem>>) src(%dma_wait3A_110 : memref<10000x128xbf16, #tpu.memory_space<hbm>>) dst(%arg18 : memref<128x128xbf16, #tpu.memory_space<vmem>>)
        %dma_start3A_111 = arith.constant 0 : i32
        %dma_start3A_112 = arith.constant 0 : i32
        %dma_start3A_113 = tpu.memref_slice %arg12[%dma_start3A_111, %dma_start3A_112] : memref<10080x128xbf16, #tpu.memory_space<vmem_shared>> -> memref<10080x128xbf16, #tpu.memory_space<vmem_shared>>
        tpu.enqueue_indirect_dma source(%arg18 : memref<128x128xbf16, #tpu.memory_space<vmem>>) target(%dma_start3A_113 : memref<10080x128xbf16, #tpu.memory_space<vmem_shared>>) offsets(%arg16 : memref<128xi32, #tpu.memory_space<vmem>>) semaphore(%arg36 : memref<!tpu.dma_semaphore, #tpu.memory_space<semaphore_mem>>) {add = true}
        %add3A_114 = arith.constant 1 : i32
        %add3A_115 = arith.addi %add3A_92, %add3A_114 : i32
        %lt3A_116 = arith.constant 80 : i32
        %lt3A_117 = arith.cmpi slt, %add3A_115, %lt3A_116 : i32
        %convert_element_type3A_118 = arith.extui %lt3A_117 : i1 to i32
        %cond3A_119 = arith.constant 0 : i32
        %cond3A_120 = arith.cmpi ne, %convert_element_type3A_118, %cond3A_119 : i32
        scf.if %cond3A_120 {
          %dma_wait3A_310 = tpu.memref_slice %arg4[%add3A_97] : memref<163840xi32, #tpu.memory_space<hbm>> -> memref<128xi32, #tpu.memory_space<hbm>>
          %dma_wait3A_311 = tpu.memref_slice %arg4[%add3A_97] : memref<163840xi32, #tpu.memory_space<hbm>> -> memref<128xi32, #tpu.memory_space<hbm>>
          tpu.wait_dma2 semaphore(%arg39 : memref<!tpu.dma_semaphore, #tpu.memory_space<semaphore_mem>>) src(%dma_wait3A_311 : memref<128xi32, #tpu.memory_space<hbm>>) dst(%arg15 : memref<128xi32, #tpu.memory_space<vmem>>)
          %dma_wait3A_312 = tpu.memref_slice %arg5[%add3A_97] : memref<163840xi32, #tpu.memory_space<hbm>> -> memref<128xi32, #tpu.memory_space<hbm>>
          %dma_wait3A_313 = tpu.memref_slice %arg5[%add3A_97] : memref<163840xi32, #tpu.memory_space<hbm>> -> memref<128xi32, #tpu.memory_space<hbm>>
          tpu.wait_dma2 semaphore(%arg39 : memref<!tpu.dma_semaphore, #tpu.memory_space<semaphore_mem>>) src(%dma_wait3A_313 : memref<128xi32, #tpu.memory_space<hbm>>) dst(%arg17 : memref<128xi32, #tpu.memory_space<vmem>>)
          %dma_start3A_314 = arith.constant 0 : i32
          %dma_start3A_315 = arith.constant 0 : i32
          %dma_start3A_316 = tpu.memref_slice %arg3[%dma_start3A_314, %dma_start3A_315] : memref<10000x128xbf16, #tpu.memory_space<hbm>> -> memref<10000x128xbf16, #tpu.memory_space<hbm>>
          tpu.enqueue_indirect_dma source(%dma_start3A_316 : memref<10000x128xbf16, #tpu.memory_space<hbm>>) target(%arg19 : memref<128x128xbf16, #tpu.memory_space<vmem>>) offsets(%arg15 : memref<128xi32, #tpu.memory_space<vmem>>) semaphore(%arg33 : memref<!tpu.dma_semaphore, #tpu.memory_space<semaphore_mem>>)
        } else {
        }
        %mul3A_121 = arith.constant 2 : i32
        %mul3A_122 = arith.muli %scan3A_87, %mul3A_121 : i32
        %add3A_123 = arith.constant 1 : i32
        %add3A_124 = arith.addi %mul3A_122, %add3A_123 : i32
        %mul3A_125 = arith.constant 128 : i32
        %mul3A_126 = arith.muli %add3A_124, %mul3A_125 : i32
        %add3A_127 = arith.addi %add3A_66, %mul3A_126 : i32
        %gt3A_128 = arith.constant 0 : i32
        %gt3A_129 = arith.cmpi sgt, %mul3A_122, %gt3A_128 : i32
        %convert_element_type3A_130 = arith.extui %gt3A_129 : i1 to i32
        %cond3A_131 = arith.constant 0 : i32
        %cond3A_132 = arith.cmpi ne, %convert_element_type3A_130, %cond3A_131 : i32
        scf.if %cond3A_132 {
          %dma_wait3A_310 = arith.constant 0 : i32
          %dma_wait3A_311 = arith.constant 0 : i32
          %dma_wait3A_312 = tpu.memref_slice %arg13[%dma_wait3A_310, %dma_wait3A_311] : memref<10080x16xf32, #tpu.memory_space<vmem_shared>> -> memref<10080x16xf32, #tpu.memory_space<vmem_shared>>
          tpu.wait_indirect_dma semaphore(%arg43 : memref<!tpu.dma_semaphore, #tpu.memory_space<semaphore_mem>>) src(%arg29 : memref<128x16xf32, #tpu.memory_space<vmem>>) dst(%dma_wait3A_312 : memref<10080x16xf32, #tpu.memory_space<vmem_shared>>)
        } else {
        }
        %add3A_133 = arith.constant 1 : i32
        %add3A_134 = arith.addi %mul3A_122, %add3A_133 : i32
        %lt3A_135 = arith.constant 40 : i32
        %lt3A_136 = arith.cmpi slt, %add3A_134, %lt3A_135 : i32
        %convert_element_type3A_137 = arith.extui %lt3A_136 : i1 to i32
        %cond3A_138 = arith.constant 0 : i32
        %cond3A_139 = arith.cmpi ne, %convert_element_type3A_137, %cond3A_138 : i32
        scf.if %cond3A_139 {
          %dma_start3A_310 = tpu.memref_slice %arg4[%add3A_127] : memref<163840xi32, #tpu.memory_space<hbm>> -> memref<128xi32, #tpu.memory_space<hbm>>
          %dma_start3A_311 = tpu.memref_slice %arg4[%add3A_127] : memref<163840xi32, #tpu.memory_space<hbm>> -> memref<128xi32, #tpu.memory_space<hbm>>
          tpu.enqueue_dma source(%dma_start3A_311 : memref<128xi32, #tpu.memory_space<hbm>>) target(%arg21 : memref<128xi32, #tpu.memory_space<vmem>>) target_semaphore(%arg45 : memref<!tpu.dma_semaphore, #tpu.memory_space<semaphore_mem>>)
          %dma_start3A_312 = tpu.memref_slice %arg5[%add3A_127] : memref<163840xi32, #tpu.memory_space<hbm>> -> memref<128xi32, #tpu.memory_space<hbm>>
          %dma_start3A_313 = tpu.memref_slice %arg5[%add3A_127] : memref<163840xi32, #tpu.memory_space<hbm>> -> memref<128xi32, #tpu.memory_space<hbm>>
          tpu.enqueue_dma source(%dma_start3A_313 : memref<128xi32, #tpu.memory_space<hbm>>) target(%arg23 : memref<128xi32, #tpu.memory_space<vmem>>) target_semaphore(%arg45 : memref<!tpu.dma_semaphore, #tpu.memory_space<semaphore_mem>>)
          %dma_start3A_314 = tpu.memref_slice %arg6[%add3A_127] : memref<163840xf32, #tpu.memory_space<hbm>> -> memref<128xf32, #tpu.memory_space<hbm>>
          %dma_start3A_315 = tpu.memref_slice %arg6[%add3A_127] : memref<163840xf32, #tpu.memory_space<hbm>> -> memref<128xf32, #tpu.memory_space<hbm>>
          tpu.enqueue_dma source(%dma_start3A_315 : memref<128xf32, #tpu.memory_space<hbm>>) target(%arg31 : memref<128xf32, #tpu.memory_space<vmem>>) target_semaphore(%arg45 : memref<!tpu.dma_semaphore, #tpu.memory_space<semaphore_mem>>)
        } else {
        }
        %dma_wait3A_140 = arith.constant 0 : i32
        %dma_wait3A_141 = arith.constant 0 : i32
        %dma_wait3A_142 = tpu.memref_slice %arg7[%dma_wait3A_140, %dma_wait3A_141] : memref<10000x16xf32, #tpu.memory_space<hbm>> -> memref<10000x16xf32, #tpu.memory_space<hbm>>
        tpu.wait_indirect_dma semaphore(%arg40 : memref<!tpu.dma_semaphore, #tpu.memory_space<semaphore_mem>>) src(%dma_wait3A_142 : memref<10000x16xf32, #tpu.memory_space<hbm>>) dst(%arg24 : memref<128x16xf32, #tpu.memory_space<vmem>>)
        %dma_wait3A_143 = arith.constant 0 : i32
        %dma_wait3A_144 = arith.constant 0 : i32
        %dma_wait3A_145 = tpu.memref_slice %arg7[%dma_wait3A_143, %dma_wait3A_144] : memref<10000x16xf32, #tpu.memory_space<hbm>> -> memref<10000x16xf32, #tpu.memory_space<hbm>>
        tpu.wait_indirect_dma semaphore(%arg34 : memref<!tpu.dma_semaphore, #tpu.memory_space<semaphore_mem>>) src(%dma_wait3A_145 : memref<10000x16xf32, #tpu.memory_space<hbm>>) dst(%arg26 : memref<128x16xf32, #tpu.memory_space<vmem>>)
        %add3A_146 = arith.constant 1 : i32
        %add3A_147 = arith.addi %mul3A_122, %add3A_146 : i32
        %lt3A_148 = arith.constant 40 : i32
        %lt3A_149 = arith.cmpi slt, %add3A_147, %lt3A_148 : i32
        %convert_element_type3A_150 = arith.extui %lt3A_149 : i1 to i32
        %cond3A_151 = arith.constant 0 : i32
        %cond3A_152 = arith.cmpi ne, %convert_element_type3A_150, %cond3A_151 : i32
        scf.if %cond3A_152 {
          %dma_wait3A_310 = tpu.memref_slice %arg4[%add3A_127] : memref<163840xi32, #tpu.memory_space<hbm>> -> memref<128xi32, #tpu.memory_space<hbm>>
          %dma_wait3A_311 = tpu.memref_slice %arg4[%add3A_127] : memref<163840xi32, #tpu.memory_space<hbm>> -> memref<128xi32, #tpu.memory_space<hbm>>
          tpu.wait_dma2 semaphore(%arg45 : memref<!tpu.dma_semaphore, #tpu.memory_space<semaphore_mem>>) src(%dma_wait3A_311 : memref<128xi32, #tpu.memory_space<hbm>>) dst(%arg21 : memref<128xi32, #tpu.memory_space<vmem>>)
          %dma_wait3A_312 = tpu.memref_slice %arg5[%add3A_127] : memref<163840xi32, #tpu.memory_space<hbm>> -> memref<128xi32, #tpu.memory_space<hbm>>
          %dma_wait3A_313 = tpu.memref_slice %arg5[%add3A_127] : memref<163840xi32, #tpu.memory_space<hbm>> -> memref<128xi32, #tpu.memory_space<hbm>>
          tpu.wait_dma2 semaphore(%arg45 : memref<!tpu.dma_semaphore, #tpu.memory_space<semaphore_mem>>) src(%dma_wait3A_313 : memref<128xi32, #tpu.memory_space<hbm>>) dst(%arg23 : memref<128xi32, #tpu.memory_space<vmem>>)
          %dma_wait3A_314 = tpu.memref_slice %arg6[%add3A_127] : memref<163840xf32, #tpu.memory_space<hbm>> -> memref<128xf32, #tpu.memory_space<hbm>>
          %dma_wait3A_315 = tpu.memref_slice %arg6[%add3A_127] : memref<163840xf32, #tpu.memory_space<hbm>> -> memref<128xf32, #tpu.memory_space<hbm>>
          tpu.wait_dma2 semaphore(%arg45 : memref<!tpu.dma_semaphore, #tpu.memory_space<semaphore_mem>>) src(%dma_wait3A_315 : memref<128xf32, #tpu.memory_space<hbm>>) dst(%arg31 : memref<128xf32, #tpu.memory_space<vmem>>)
          %dma_start3A_316 = arith.constant 0 : i32
          %dma_start3A_317 = arith.constant 0 : i32
          %dma_start3A_318 = tpu.memref_slice %arg7[%dma_start3A_316, %dma_start3A_317] : memref<10000x16xf32, #tpu.memory_space<hbm>> -> memref<10000x16xf32, #tpu.memory_space<hbm>>
          tpu.enqueue_indirect_dma source(%dma_start3A_318 : memref<10000x16xf32, #tpu.memory_space<hbm>>) target(%arg25 : memref<128x16xf32, #tpu.memory_space<vmem>>) offsets(%arg21 : memref<128xi32, #tpu.memory_space<vmem>>) semaphore(%arg41 : memref<!tpu.dma_semaphore, #tpu.memory_space<semaphore_mem>>)
          %dma_start3A_319 = arith.constant 0 : i32
          %dma_start3A_320 = arith.constant 0 : i32
          %dma_start3A_321 = tpu.memref_slice %arg7[%dma_start3A_319, %dma_start3A_320] : memref<10000x16xf32, #tpu.memory_space<hbm>> -> memref<10000x16xf32, #tpu.memory_space<hbm>>
          tpu.enqueue_indirect_dma source(%dma_start3A_321 : memref<10000x16xf32, #tpu.memory_space<hbm>>) target(%arg27 : memref<128x16xf32, #tpu.memory_space<vmem>>) offsets(%arg23 : memref<128xi32, #tpu.memory_space<vmem>>) semaphore(%arg35 : memref<!tpu.dma_semaphore, #tpu.memory_space<semaphore_mem>>)
        } else {
        }
        %scan3A_153 = arith.constant 0 : i32
        %scan3A_154 = arith.constant 0 : i32
        %scan3A_155 = arith.constant 8 : i32
        %scan3A_156 = arith.addi %scan3A_154, %scan3A_155 : i32
        %scan3A_157 = arith.constant 1 : i32
        %scan3A_158 = scf.for %scan3A_310 = %scan3A_154 to %scan3A_156 step %scan3A_157 iter_args(%scan3A_311 = %scan3A_153) -> (i32)  : i32 {
          %mul3A_312 = arith.constant 16 : i32
          %mul3A_313 = arith.muli %scan3A_310, %mul3A_312 : i32
          %get3A = arith.index_cast %mul3A_313 : i32 to index
          %get3A_314 = tpu.vector_load %arg30[%get3A] {strides = array<i32>} : memref<128xf32, #tpu.memory_space<vmem>>, vector<16xf32>,
          %get3A_315 = vector.shape_cast %get3A_314 : vector<16xf32> to vector<16xf32>
          %mul3A_316 = arith.constant 16 : i32
          %mul3A_317 = arith.muli %scan3A_310, %mul3A_316 : i32
          %add3A_318 = arith.constant 0 : i32
          %add3A_319 = arith.addi %mul3A_317, %add3A_318 : i32
          %slice3A = vector.extract_strided_slice %get3A_315 {offsets = [0], sizes = [1], strides = [1]} : vector<16xf32> to vector<1xf32>
          %squeeze3A = vector.extract %slice3A[0] : f32 from vector<1xf32>
          %get3A_320 = arith.index_cast %add3A_319 : i32 to index
          %get3A_321 = arith.constant 0 : index
          %get3A_322 = tpu.vector_load %arg24[%get3A_320, %get3A_321] {strides = array<i32>} : memref<128x16xf32, #tpu.memory_space<vmem>>, vector<1x16xf32>,
          %get3A_323 = vector.shape_cast %get3A_322 : vector<1x16xf32> to vector<16xf32>
          %get3A_324 = arith.index_cast %add3A_319 : i32 to index
          %get3A_325 = arith.constant 0 : index
          %get3A_326 = tpu.vector_load %arg26[%get3A_324, %get3A_325] {strides = array<i32>} : memref<128x16xf32, #tpu.memory_space<vmem>>, vector<1x16xf32>,
          %get3A_327 = vector.shape_cast %get3A_326 : vector<1x16xf32> to vector<16xf32>
          %sub3A = arith.subf %get3A_323, %get3A_327 : vector<16xf32>
          %mul3A_328 = vector.broadcast %squeeze3A : f32 to vector<16xf32>
          %mul3A_329 = arith.mulf %sub3A, %mul3A_328 : vector<16xf32>
          %swap3A = arith.index_cast %add3A_319 : i32 to index
          %swap3A_330 = arith.constant 0 : index
          %swap3A_331 = tpu.vector_load %arg28[%swap3A, %swap3A_330] {strides = array<i32>} : memref<128x16xf32, #tpu.memory_space<vmem>>, vector<1x16xf32>,
          %swap3A_332 = vector.shape_cast %swap3A_331 : vector<1x16xf32> to vector<16xf32>
          %swap3A_333 = vector.shape_cast %mul3A_329 : vector<16xf32> to vector<1x16xf32>
          tpu.vector_store %arg28[%swap3A, %swap3A_330], %swap3A_333 {strides = array<i32>} : memref<128x16xf32, #tpu.memory_space<vmem>>, vector<1x16xf32>,
          %mul3A_334 = arith.constant 16 : i32
          %mul3A_335 = arith.muli %scan3A_310, %mul3A_334 : i32
          %add3A_336 = arith.constant 1 : i32
          %add3A_337 = arith.addi %mul3A_335, %add3A_336 : i32
          %slice3A_338 = vector.extract_strided_slice %get3A_315 {offsets = [1], sizes = [1], strides = [1]} : vector<16xf32> to vector<1xf32>
          %squeeze3A_339 = vector.extract %slice3A_338[0] : f32 from vector<1xf32>
          %get3A_340 = arith.index_cast %add3A_337 : i32 to index
          %get3A_341 = arith.constant 0 : index
          %get3A_342 = tpu.vector_load %arg24[%get3A_340, %get3A_341] {strides = array<i32>} : memref<128x16xf32, #tpu.memory_space<vmem>>, vector<1x16xf32>,
          %get3A_343 = vector.shape_cast %get3A_342 : vector<1x16xf32> to vector<16xf32>
          %get3A_344 = arith.index_cast %add3A_337 : i32 to index
          %get3A_345 = arith.constant 0 : index
          %get3A_346 = tpu.vector_load %arg26[%get3A_344, %get3A_345] {strides = array<i32>} : memref<128x16xf32, #tpu.memory_space<vmem>>, vector<1x16xf32>,
          %get3A_347 = vector.shape_cast %get3A_346 : vector<1x16xf32> to vector<16xf32>
          %sub3A_348 = arith.subf %get3A_343, %get3A_347 : vector<16xf32>
          %mul3A_349 = vector.broadcast %squeeze3A_339 : f32 to vector<16xf32>
          %mul3A_350 = arith.mulf %sub3A_348, %mul3A_349 : vector<16xf32>
          %swap3A_351 = arith.index_cast %add3A_337 : i32 to index
          %swap3A_352 = arith.constant 0 : index
          %swap3A_353 = tpu.vector_load %arg28[%swap3A_351, %swap3A_352] {strides = array<i32>} : memref<128x16xf32, #tpu.memory_space<vmem>>, vector<1x16xf32>,
          %swap3A_354 = vector.shape_cast %swap3A_353 : vector<1x16xf32> to vector<16xf32>
          %swap3A_355 = vector.shape_cast %mul3A_350 : vector<16xf32> to vector<1x16xf32>
          tpu.vector_store %arg28[%swap3A_351, %swap3A_352], %swap3A_355 {strides = array<i32>} : memref<128x16xf32, #tpu.memory_space<vmem>>, vector<1x16xf32>,
          %mul3A_356 = arith.constant 16 : i32
          %mul3A_357 = arith.muli %scan3A_310, %mul3A_356 : i32
          %add3A_358 = arith.constant 2 : i32
          %add3A_359 = arith.addi %mul3A_357, %add3A_358 : i32
          %slice3A_360 = vector.extract_strided_slice %get3A_315 {offsets = [2], sizes = [1], strides = [1]} : vector<16xf32> to vector<1xf32>
          %squeeze3A_361 = vector.extract %slice3A_360[0] : f32 from vector<1xf32>
          %get3A_362 = arith.index_cast %add3A_359 : i32 to index
          %get3A_363 = arith.constant 0 : index
          %get3A_364 = tpu.vector_load %arg24[%get3A_362, %get3A_363] {strides = array<i32>} : memref<128x16xf32, #tpu.memory_space<vmem>>, vector<1x16xf32>,
          %get3A_365 = vector.shape_cast %get3A_364 : vector<1x16xf32> to vector<16xf32>
          %get3A_366 = arith.index_cast %add3A_359 : i32 to index
          %get3A_367 = arith.constant 0 : index
          %get3A_368 = tpu.vector_load %arg26[%get3A_366, %get3A_367] {strides = array<i32>} : memref<128x16xf32, #tpu.memory_space<vmem>>, vector<1x16xf32>,
          %get3A_369 = vector.shape_cast %get3A_368 : vector<1x16xf32> to vector<16xf32>
          %sub3A_370 = arith.subf %get3A_365, %get3A_369 : vector<16xf32>
          %mul3A_371 = vector.broadcast %squeeze3A_361 : f32 to vector<16xf32>
          %mul3A_372 = arith.mulf %sub3A_370, %mul3A_371 : vector<16xf32>
          %swap3A_373 = arith.index_cast %add3A_359 : i32 to index
          %swap3A_374 = arith.constant 0 : index
          %swap3A_375 = tpu.vector_load %arg28[%swap3A_373, %swap3A_374] {strides = array<i32>} : memref<128x16xf32, #tpu.memory_space<vmem>>, vector<1x16xf32>,
          %swap3A_376 = vector.shape_cast %swap3A_375 : vector<1x16xf32> to vector<16xf32>
          %swap3A_377 = vector.shape_cast %mul3A_372 : vector<16xf32> to vector<1x16xf32>
          tpu.vector_store %arg28[%swap3A_373, %swap3A_374], %swap3A_377 {strides = array<i32>} : memref<128x16xf32, #tpu.memory_space<vmem>>, vector<1x16xf32>,
          %mul3A_378 = arith.constant 16 : i32
          %mul3A_379 = arith.muli %scan3A_310, %mul3A_378 : i32
          %add3A_380 = arith.constant 3 : i32
          %add3A_381 = arith.addi %mul3A_379, %add3A_380 : i32
          %slice3A_382 = vector.extract_strided_slice %get3A_315 {offsets = [3], sizes = [1], strides = [1]} : vector<16xf32> to vector<1xf32>
          %squeeze3A_383 = vector.extract %slice3A_382[0] : f32 from vector<1xf32>
          %get3A_384 = arith.index_cast %add3A_381 : i32 to index
          %get3A_385 = arith.constant 0 : index
          %get3A_386 = tpu.vector_load %arg24[%get3A_384, %get3A_385] {strides = array<i32>} : memref<128x16xf32, #tpu.memory_space<vmem>>, vector<1x16xf32>,
          %get3A_387 = vector.shape_cast %get3A_386 : vector<1x16xf32> to vector<16xf32>
          %get3A_388 = arith.index_cast %add3A_381 : i32 to index
          %get3A_389 = arith.constant 0 : index
          %get3A_390 = tpu.vector_load %arg26[%get3A_388, %get3A_389] {strides = array<i32>} : memref<128x16xf32, #tpu.memory_space<vmem>>, vector<1x16xf32>,
          %get3A_391 = vector.shape_cast %get3A_390 : vector<1x16xf32> to vector<16xf32>
          %sub3A_392 = arith.subf %get3A_387, %get3A_391 : vector<16xf32>
          %mul3A_393 = vector.broadcast %squeeze3A_383 : f32 to vector<16xf32>
          %mul3A_394 = arith.mulf %sub3A_392, %mul3A_393 : vector<16xf32>
          %swap3A_395 = arith.index_cast %add3A_381 : i32 to index
          %swap3A_396 = arith.constant 0 : index
          %swap3A_397 = tpu.vector_load %arg28[%swap3A_395, %swap3A_396] {strides = array<i32>} : memref<128x16xf32, #tpu.memory_space<vmem>>, vector<1x16xf32>,
          %swap3A_398 = vector.shape_cast %swap3A_397 : vector<1x16xf32> to vector<16xf32>
          %swap3A_399 = vector.shape_cast %mul3A_394 : vector<16xf32> to vector<1x16xf32>
          tpu.vector_store %arg28[%swap3A_395, %swap3A_396], %swap3A_399 {strides = array<i32>} : memref<128x16xf32, #tpu.memory_space<vmem>>, vector<1x16xf32>,
          %mul3A_400 = arith.constant 16 : i32
          %mul3A_401 = arith.muli %scan3A_310, %mul3A_400 : i32
          %add3A_402 = arith.constant 4 : i32
          %add3A_403 = arith.addi %mul3A_401, %add3A_402 : i32
          %slice3A_404 = vector.extract_strided_slice %get3A_315 {offsets = [4], sizes = [1], strides = [1]} : vector<16xf32> to vector<1xf32>
          %squeeze3A_405 = vector.extract %slice3A_404[0] : f32 from vector<1xf32>
          %get3A_406 = arith.index_cast %add3A_403 : i32 to index
          %get3A_407 = arith.constant 0 : index
          %get3A_408 = tpu.vector_load %arg24[%get3A_406, %get3A_407] {strides = array<i32>} : memref<128x16xf32, #tpu.memory_space<vmem>>, vector<1x16xf32>,
          %get3A_409 = vector.shape_cast %get3A_408 : vector<1x16xf32> to vector<16xf32>
          %get3A_410 = arith.index_cast %add3A_403 : i32 to index
          %get3A_411 = arith.constant 0 : index
          %get3A_412 = tpu.vector_load %arg26[%get3A_410, %get3A_411] {strides = array<i32>} : memref<128x16xf32, #tpu.memory_space<vmem>>, vector<1x16xf32>,
          %get3A_413 = vector.shape_cast %get3A_412 : vector<1x16xf32> to vector<16xf32>
          %sub3A_414 = arith.subf %get3A_409, %get3A_413 : vector<16xf32>
          %mul3A_415 = vector.broadcast %squeeze3A_405 : f32 to vector<16xf32>
          %mul3A_416 = arith.mulf %sub3A_414, %mul3A_415 : vector<16xf32>
          %swap3A_417 = arith.index_cast %add3A_403 : i32 to index
          %swap3A_418 = arith.constant 0 : index
          %swap3A_419 = tpu.vector_load %arg28[%swap3A_417, %swap3A_418] {strides = array<i32>} : memref<128x16xf32, #tpu.memory_space<vmem>>, vector<1x16xf32>,
          %swap3A_420 = vector.shape_cast %swap3A_419 : vector<1x16xf32> to vector<16xf32>
          %swap3A_421 = vector.shape_cast %mul3A_416 : vector<16xf32> to vector<1x16xf32>
          tpu.vector_store %arg28[%swap3A_417, %swap3A_418], %swap3A_421 {strides = array<i32>} : memref<128x16xf32, #tpu.memory_space<vmem>>, vector<1x16xf32>,
          %mul3A_422 = arith.constant 16 : i32
          %mul3A_423 = arith.muli %scan3A_310, %mul3A_422 : i32
          %add3A_424 = arith.constant 5 : i32
          %add3A_425 = arith.addi %mul3A_423, %add3A_424 : i32
          %slice3A_426 = vector.extract_strided_slice %get3A_315 {offsets = [5], sizes = [1], strides = [1]} : vector<16xf32> to vector<1xf32>
          %squeeze3A_427 = vector.extract %slice3A_426[0] : f32 from vector<1xf32>
          %get3A_428 = arith.index_cast %add3A_425 : i32 to index
          %get3A_429 = arith.constant 0 : index
          %get3A_430 = tpu.vector_load %arg24[%get3A_428, %get3A_429] {strides = array<i32>} : memref<128x16xf32, #tpu.memory_space<vmem>>, vector<1x16xf32>,
          %get3A_431 = vector.shape_cast %get3A_430 : vector<1x16xf32> to vector<16xf32>
          %get3A_432 = arith.index_cast %add3A_425 : i32 to index
          %get3A_433 = arith.constant 0 : index
          %get3A_434 = tpu.vector_load %arg26[%get3A_432, %get3A_433] {strides = array<i32>} : memref<128x16xf32, #tpu.memory_space<vmem>>, vector<1x16xf32>,
          %get3A_435 = vector.shape_cast %get3A_434 : vector<1x16xf32> to vector<16xf32>
          %sub3A_436 = arith.subf %get3A_431, %get3A_435 : vector<16xf32>
          %mul3A_437 = vector.broadcast %squeeze3A_427 : f32 to vector<16xf32>
          %mul3A_438 = arith.mulf %sub3A_436, %mul3A_437 : vector<16xf32>
          %swap3A_439 = arith.index_cast %add3A_425 : i32 to index
          %swap3A_440 = arith.constant 0 : index
          %swap3A_441 = tpu.vector_load %arg28[%swap3A_439, %swap3A_440] {strides = array<i32>} : memref<128x16xf32, #tpu.memory_space<vmem>>, vector<1x16xf32>,
          %swap3A_442 = vector.shape_cast %swap3A_441 : vector<1x16xf32> to vector<16xf32>
          %swap3A_443 = vector.shape_cast %mul3A_438 : vector<16xf32> to vector<1x16xf32>
          tpu.vector_store %arg28[%swap3A_439, %swap3A_440], %swap3A_443 {strides = array<i32>} : memref<128x16xf32, #tpu.memory_space<vmem>>, vector<1x16xf32>,
          %mul3A_444 = arith.constant 16 : i32
          %mul3A_445 = arith.muli %scan3A_310, %mul3A_444 : i32
          %add3A_446 = arith.constant 6 : i32
          %add3A_447 = arith.addi %mul3A_445, %add3A_446 : i32
          %slice3A_448 = vector.extract_strided_slice %get3A_315 {offsets = [6], sizes = [1], strides = [1]} : vector<16xf32> to vector<1xf32>
          %squeeze3A_449 = vector.extract %slice3A_448[0] : f32 from vector<1xf32>
          %get3A_450 = arith.index_cast %add3A_447 : i32 to index
          %get3A_451 = arith.constant 0 : index
          %get3A_452 = tpu.vector_load %arg24[%get3A_450, %get3A_451] {strides = array<i32>} : memref<128x16xf32, #tpu.memory_space<vmem>>, vector<1x16xf32>,
          %get3A_453 = vector.shape_cast %get3A_452 : vector<1x16xf32> to vector<16xf32>
          %get3A_454 = arith.index_cast %add3A_447 : i32 to index
          %get3A_455 = arith.constant 0 : index
          %get3A_456 = tpu.vector_load %arg26[%get3A_454, %get3A_455] {strides = array<i32>} : memref<128x16xf32, #tpu.memory_space<vmem>>, vector<1x16xf32>,
          %get3A_457 = vector.shape_cast %get3A_456 : vector<1x16xf32> to vector<16xf32>
          %sub3A_458 = arith.subf %get3A_453, %get3A_457 : vector<16xf32>
          %mul3A_459 = vector.broadcast %squeeze3A_449 : f32 to vector<16xf32>
          %mul3A_460 = arith.mulf %sub3A_458, %mul3A_459 : vector<16xf32>
          %swap3A_461 = arith.index_cast %add3A_447 : i32 to index
          %swap3A_462 = arith.constant 0 : index
          %swap3A_463 = tpu.vector_load %arg28[%swap3A_461, %swap3A_462] {strides = array<i32>} : memref<128x16xf32, #tpu.memory_space<vmem>>, vector<1x16xf32>,
          %swap3A_464 = vector.shape_cast %swap3A_463 : vector<1x16xf32> to vector<16xf32>
          %swap3A_465 = vector.shape_cast %mul3A_460 : vector<16xf32> to vector<1x16xf32>
          tpu.vector_store %arg28[%swap3A_461, %swap3A_462], %swap3A_465 {strides = array<i32>} : memref<128x16xf32, #tpu.memory_space<vmem>>, vector<1x16xf32>,
          %mul3A_466 = arith.constant 16 : i32
          %mul3A_467 = arith.muli %scan3A_310, %mul3A_466 : i32
          %add3A_468 = arith.constant 7 : i32
          %add3A_469 = arith.addi %mul3A_467, %add3A_468 : i32
          %slice3A_470 = vector.extract_strided_slice %get3A_315 {offsets = [7], sizes = [1], strides = [1]} : vector<16xf32> to vector<1xf32>
          %squeeze3A_471 = vector.extract %slice3A_470[0] : f32 from vector<1xf32>
          %get3A_472 = arith.index_cast %add3A_469 : i32 to index
          %get3A_473 = arith.constant 0 : index
          %get3A_474 = tpu.vector_load %arg24[%get3A_472, %get3A_473] {strides = array<i32>} : memref<128x16xf32, #tpu.memory_space<vmem>>, vector<1x16xf32>,
          %get3A_475 = vector.shape_cast %get3A_474 : vector<1x16xf32> to vector<16xf32>
          %get3A_476 = arith.index_cast %add3A_469 : i32 to index
          %get3A_477 = arith.constant 0 : index
          %get3A_478 = tpu.vector_load %arg26[%get3A_476, %get3A_477] {strides = array<i32>} : memref<128x16xf32, #tpu.memory_space<vmem>>, vector<1x16xf32>,
          %get3A_479 = vector.shape_cast %get3A_478 : vector<1x16xf32> to vector<16xf32>
          %sub3A_480 = arith.subf %get3A_475, %get3A_479 : vector<16xf32>
          %mul3A_481 = vector.broadcast %squeeze3A_471 : f32 to vector<16xf32>
          %mul3A_482 = arith.mulf %sub3A_480, %mul3A_481 : vector<16xf32>
          %swap3A_483 = arith.index_cast %add3A_469 : i32 to index
          %swap3A_484 = arith.constant 0 : index
          %swap3A_485 = tpu.vector_load %arg28[%swap3A_483, %swap3A_484] {strides = array<i32>} : memref<128x16xf32, #tpu.memory_space<vmem>>, vector<1x16xf32>,
          %swap3A_486 = vector.shape_cast %swap3A_485 : vector<1x16xf32> to vector<16xf32>
          %swap3A_487 = vector.shape_cast %mul3A_482 : vector<16xf32> to vector<1x16xf32>
          tpu.vector_store %arg28[%swap3A_483, %swap3A_484], %swap3A_487 {strides = array<i32>} : memref<128x16xf32, #tpu.memory_space<vmem>>, vector<1x16xf32>,
          %mul3A_488 = arith.constant 16 : i32
          %mul3A_489 = arith.muli %scan3A_310, %mul3A_488 : i32
          %add3A_490 = arith.constant 8 : i32
          %add3A_491 = arith.addi %mul3A_489, %add3A_490 : i32
          %slice3A_492 = vector.extract_strided_slice %get3A_315 {offsets = [8], sizes = [1], strides = [1]} : vector<16xf32> to vector<1xf32>
          %squeeze3A_493 = vector.extract %slice3A_492[0] : f32 from vector<1xf32>
          %get3A_494 = arith.index_cast %add3A_491 : i32 to index
          %get3A_495 = arith.constant 0 : index
          %get3A_496 = tpu.vector_load %arg24[%get3A_494, %get3A_495] {strides = array<i32>} : memref<128x16xf32, #tpu.memory_space<vmem>>, vector<1x16xf32>,
          %get3A_497 = vector.shape_cast %get3A_496 : vector<1x16xf32> to vector<16xf32>
          %get3A_498 = arith.index_cast %add3A_491 : i32 to index
          %get3A_499 = arith.constant 0 : index
          %get3A_500 = tpu.vector_load %arg26[%get3A_498, %get3A_499] {strides = array<i32>} : memref<128x16xf32, #tpu.memory_space<vmem>>, vector<1x16xf32>,
          %get3A_501 = vector.shape_cast %get3A_500 : vector<1x16xf32> to vector<16xf32>
          %sub3A_502 = arith.subf %get3A_497, %get3A_501 : vector<16xf32>
          %mul3A_503 = vector.broadcast %squeeze3A_493 : f32 to vector<16xf32>
          %mul3A_504 = arith.mulf %sub3A_502, %mul3A_503 : vector<16xf32>
          %swap3A_505 = arith.index_cast %add3A_491 : i32 to index
          %swap3A_506 = arith.constant 0 : index
          %swap3A_507 = tpu.vector_load %arg28[%swap3A_505, %swap3A_506] {strides = array<i32>} : memref<128x16xf32, #tpu.memory_space<vmem>>, vector<1x16xf32>,
          %swap3A_508 = vector.shape_cast %swap3A_507 : vector<1x16xf32> to vector<16xf32>
          %swap3A_509 = vector.shape_cast %mul3A_504 : vector<16xf32> to vector<1x16xf32>
          tpu.vector_store %arg28[%swap3A_505, %swap3A_506], %swap3A_509 {strides = array<i32>} : memref<128x16xf32, #tpu.memory_space<vmem>>, vector<1x16xf32>,
          %mul3A_510 = arith.constant 16 : i32
          %mul3A_511 = arith.muli %scan3A_310, %mul3A_510 : i32
          %add3A_512 = arith.constant 9 : i32
          %add3A_513 = arith.addi %mul3A_511, %add3A_512 : i32
          %slice3A_514 = vector.extract_strided_slice %get3A_315 {offsets = [9], sizes = [1], strides = [1]} : vector<16xf32> to vector<1xf32>
          %squeeze3A_515 = vector.extract %slice3A_514[0] : f32 from vector<1xf32>
          %get3A_516 = arith.index_cast %add3A_513 : i32 to index
          %get3A_517 = arith.constant 0 : index
          %get3A_518 = tpu.vector_load %arg24[%get3A_516, %get3A_517] {strides = array<i32>} : memref<128x16xf32, #tpu.memory_space<vmem>>, vector<1x16xf32>,
          %get3A_519 = vector.shape_cast %get3A_518 : vector<1x16xf32> to vector<16xf32>
          %get3A_520 = arith.index_cast %add3A_513 : i32 to index
          %get3A_521 = arith.constant 0 : index
          %get3A_522 = tpu.vector_load %arg26[%get3A_520, %get3A_521] {strides = array<i32>} : memref<128x16xf32, #tpu.memory_space<vmem>>, vector<1x16xf32>,
          %get3A_523 = vector.shape_cast %get3A_522 : vector<1x16xf32> to vector<16xf32>
          %sub3A_524 = arith.subf %get3A_519, %get3A_523 : vector<16xf32>
          %mul3A_525 = vector.broadcast %squeeze3A_515 : f32 to vector<16xf32>
          %mul3A_526 = arith.mulf %sub3A_524, %mul3A_525 : vector<16xf32>
          %swap3A_527 = arith.index_cast %add3A_513 : i32 to index
          %swap3A_528 = arith.constant 0 : index
          %swap3A_529 = tpu.vector_load %arg28[%swap3A_527, %swap3A_528] {strides = array<i32>} : memref<128x16xf32, #tpu.memory_space<vmem>>, vector<1x16xf32>,
          %swap3A_530 = vector.shape_cast %swap3A_529 : vector<1x16xf32> to vector<16xf32>
          %swap3A_531 = vector.shape_cast %mul3A_526 : vector<16xf32> to vector<1x16xf32>
          tpu.vector_store %arg28[%swap3A_527, %swap3A_528], %swap3A_531 {strides = array<i32>} : memref<128x16xf32, #tpu.memory_space<vmem>>, vector<1x16xf32>,
          %mul3A_532 = arith.constant 16 : i32
          %mul3A_533 = arith.muli %scan3A_310, %mul3A_532 : i32
          %add3A_534 = arith.constant 10 : i32
          %add3A_535 = arith.addi %mul3A_533, %add3A_534 : i32
          %slice3A_536 = vector.extract_strided_slice %get3A_315 {offsets = [10], sizes = [1], strides = [1]} : vector<16xf32> to vector<1xf32>
          %squeeze3A_537 = vector.extract %slice3A_536[0] : f32 from vector<1xf32>
          %get3A_538 = arith.index_cast %add3A_535 : i32 to index
          %get3A_539 = arith.constant 0 : index
          %get3A_540 = tpu.vector_load %arg24[%get3A_538, %get3A_539] {strides = array<i32>} : memref<128x16xf32, #tpu.memory_space<vmem>>, vector<1x16xf32>,
          %get3A_541 = vector.shape_cast %get3A_540 : vector<1x16xf32> to vector<16xf32>
          %get3A_542 = arith.index_cast %add3A_535 : i32 to index
          %get3A_543 = arith.constant 0 : index
          %get3A_544 = tpu.vector_load %arg26[%get3A_542, %get3A_543] {strides = array<i32>} : memref<128x16xf32, #tpu.memory_space<vmem>>, vector<1x16xf32>,
          %get3A_545 = vector.shape_cast %get3A_544 : vector<1x16xf32> to vector<16xf32>
          %sub3A_546 = arith.subf %get3A_541, %get3A_545 : vector<16xf32>
          %mul3A_547 = vector.broadcast %squeeze3A_537 : f32 to vector<16xf32>
          %mul3A_548 = arith.mulf %sub3A_546, %mul3A_547 : vector<16xf32>
          %swap3A_549 = arith.index_cast %add3A_535 : i32 to index
          %swap3A_550 = arith.constant 0 : index
          %swap3A_551 = tpu.vector_load %arg28[%swap3A_549, %swap3A_550] {strides = array<i32>} : memref<128x16xf32, #tpu.memory_space<vmem>>, vector<1x16xf32>,
          %swap3A_552 = vector.shape_cast %swap3A_551 : vector<1x16xf32> to vector<16xf32>
          %swap3A_553 = vector.shape_cast %mul3A_548 : vector<16xf32> to vector<1x16xf32>
          tpu.vector_store %arg28[%swap3A_549, %swap3A_550], %swap3A_553 {strides = array<i32>} : memref<128x16xf32, #tpu.memory_space<vmem>>, vector<1x16xf32>,
          %mul3A_554 = arith.constant 16 : i32
          %mul3A_555 = arith.muli %scan3A_310, %mul3A_554 : i32
          %add3A_556 = arith.constant 11 : i32
          %add3A_557 = arith.addi %mul3A_555, %add3A_556 : i32
          %slice3A_558 = vector.extract_strided_slice %get3A_315 {offsets = [11], sizes = [1], strides = [1]} : vector<16xf32> to vector<1xf32>
          %squeeze3A_559 = vector.extract %slice3A_558[0] : f32 from vector<1xf32>
          %get3A_560 = arith.index_cast %add3A_557 : i32 to index
          %get3A_561 = arith.constant 0 : index
          %get3A_562 = tpu.vector_load %arg24[%get3A_560, %get3A_561] {strides = array<i32>} : memref<128x16xf32, #tpu.memory_space<vmem>>, vector<1x16xf32>,
          %get3A_563 = vector.shape_cast %get3A_562 : vector<1x16xf32> to vector<16xf32>
          %get3A_564 = arith.index_cast %add3A_557 : i32 to index
          %get3A_565 = arith.constant 0 : index
          %get3A_566 = tpu.vector_load %arg26[%get3A_564, %get3A_565] {strides = array<i32>} : memref<128x16xf32, #tpu.memory_space<vmem>>, vector<1x16xf32>,
          %get3A_567 = vector.shape_cast %get3A_566 : vector<1x16xf32> to vector<16xf32>
          %sub3A_568 = arith.subf %get3A_563, %get3A_567 : vector<16xf32>
          %mul3A_569 = vector.broadcast %squeeze3A_559 : f32 to vector<16xf32>
          %mul3A_570 = arith.mulf %sub3A_568, %mul3A_569 : vector<16xf32>
          %swap3A_571 = arith.index_cast %add3A_557 : i32 to index
          %swap3A_572 = arith.constant 0 : index
          %swap3A_573 = tpu.vector_load %arg28[%swap3A_571, %swap3A_572] {strides = array<i32>} : memref<128x16xf32, #tpu.memory_space<vmem>>, vector<1x16xf32>,
          %swap3A_574 = vector.shape_cast %swap3A_573 : vector<1x16xf32> to vector<16xf32>
          %swap3A_575 = vector.shape_cast %mul3A_570 : vector<16xf32> to vector<1x16xf32>
          tpu.vector_store %arg28[%swap3A_571, %swap3A_572], %swap3A_575 {strides = array<i32>} : memref<128x16xf32, #tpu.memory_space<vmem>>, vector<1x16xf32>,
          %mul3A_576 = arith.constant 16 : i32
          %mul3A_577 = arith.muli %scan3A_310, %mul3A_576 : i32
          %add3A_578 = arith.constant 12 : i32
          %add3A_579 = arith.addi %mul3A_577, %add3A_578 : i32
          %slice3A_580 = vector.extract_strided_slice %get3A_315 {offsets = [12], sizes = [1], strides = [1]} : vector<16xf32> to vector<1xf32>
          %squeeze3A_581 = vector.extract %slice3A_580[0] : f32 from vector<1xf32>
          %get3A_582 = arith.index_cast %add3A_579 : i32 to index
          %get3A_583 = arith.constant 0 : index
          %get3A_584 = tpu.vector_load %arg24[%get3A_582, %get3A_583] {strides = array<i32>} : memref<128x16xf32, #tpu.memory_space<vmem>>, vector<1x16xf32>,
          %get3A_585 = vector.shape_cast %get3A_584 : vector<1x16xf32> to vector<16xf32>
          %get3A_586 = arith.index_cast %add3A_579 : i32 to index
          %get3A_587 = arith.constant 0 : index
          %get3A_588 = tpu.vector_load %arg26[%get3A_586, %get3A_587] {strides = array<i32>} : memref<128x16xf32, #tpu.memory_space<vmem>>, vector<1x16xf32>,
          %get3A_589 = vector.shape_cast %get3A_588 : vector<1x16xf32> to vector<16xf32>
          %sub3A_590 = arith.subf %get3A_585, %get3A_589 : vector<16xf32>
          %mul3A_591 = vector.broadcast %squeeze3A_581 : f32 to vector<16xf32>
          %mul3A_592 = arith.mulf %sub3A_590, %mul3A_591 : vector<16xf32>
          %swap3A_593 = arith.index_cast %add3A_579 : i32 to index
          %swap3A_594 = arith.constant 0 : index
          %swap3A_595 = tpu.vector_load %arg28[%swap3A_593, %swap3A_594] {strides = array<i32>} : memref<128x16xf32, #tpu.memory_space<vmem>>, vector<1x16xf32>,
          %swap3A_596 = vector.shape_cast %swap3A_595 : vector<1x16xf32> to vector<16xf32>
          %swap3A_597 = vector.shape_cast %mul3A_592 : vector<16xf32> to vector<1x16xf32>
          tpu.vector_store %arg28[%swap3A_593, %swap3A_594], %swap3A_597 {strides = array<i32>} : memref<128x16xf32, #tpu.memory_space<vmem>>, vector<1x16xf32>,
          %mul3A_598 = arith.constant 16 : i32
          %mul3A_599 = arith.muli %scan3A_310, %mul3A_598 : i32
          %add3A_600 = arith.constant 13 : i32
          %add3A_601 = arith.addi %mul3A_599, %add3A_600 : i32
          %slice3A_602 = vector.extract_strided_slice %get3A_315 {offsets = [13], sizes = [1], strides = [1]} : vector<16xf32> to vector<1xf32>
          %squeeze3A_603 = vector.extract %slice3A_602[0] : f32 from vector<1xf32>
          %get3A_604 = arith.index_cast %add3A_601 : i32 to index
          %get3A_605 = arith.constant 0 : index
          %get3A_606 = tpu.vector_load %arg24[%get3A_604, %get3A_605] {strides = array<i32>} : memref<128x16xf32, #tpu.memory_space<vmem>>, vector<1x16xf32>,
          %get3A_607 = vector.shape_cast %get3A_606 : vector<1x16xf32> to vector<16xf32>
          %get3A_608 = arith.index_cast %add3A_601 : i32 to index
          %get3A_609 = arith.constant 0 : index
          %get3A_610 = tpu.vector_load %arg26[%get3A_608, %get3A_609] {strides = array<i32>} : memref<128x16xf32, #tpu.memory_space<vmem>>, vector<1x16xf32>,
          %get3A_611 = vector.shape_cast %get3A_610 : vector<1x16xf32> to vector<16xf32>
          %sub3A_612 = arith.subf %get3A_607, %get3A_611 : vector<16xf32>
          %mul3A_613 = vector.broadcast %squeeze3A_603 : f32 to vector<16xf32>
          %mul3A_614 = arith.mulf %sub3A_612, %mul3A_613 : vector<16xf32>
          %swap3A_615 = arith.index_cast %add3A_601 : i32 to index
          %swap3A_616 = arith.constant 0 : index
          %swap3A_617 = tpu.vector_load %arg28[%swap3A_615, %swap3A_616] {strides = array<i32>} : memref<128x16xf32, #tpu.memory_space<vmem>>, vector<1x16xf32>,
          %swap3A_618 = vector.shape_cast %swap3A_617 : vector<1x16xf32> to vector<16xf32>
          %swap3A_619 = vector.shape_cast %mul3A_614 : vector<16xf32> to vector<1x16xf32>
          tpu.vector_store %arg28[%swap3A_615, %swap3A_616], %swap3A_619 {strides = array<i32>} : memref<128x16xf32, #tpu.memory_space<vmem>>, vector<1x16xf32>,
          %mul3A_620 = arith.constant 16 : i32
          %mul3A_621 = arith.muli %scan3A_310, %mul3A_620 : i32
          %add3A_622 = arith.constant 14 : i32
          %add3A_623 = arith.addi %mul3A_621, %add3A_622 : i32
          %slice3A_624 = vector.extract_strided_slice %get3A_315 {offsets = [14], sizes = [1], strides = [1]} : vector<16xf32> to vector<1xf32>
          %squeeze3A_625 = vector.extract %slice3A_624[0] : f32 from vector<1xf32>
          %get3A_626 = arith.index_cast %add3A_623 : i32 to index
          %get3A_627 = arith.constant 0 : index
          %get3A_628 = tpu.vector_load %arg24[%get3A_626, %get3A_627] {strides = array<i32>} : memref<128x16xf32, #tpu.memory_space<vmem>>, vector<1x16xf32>,
          %get3A_629 = vector.shape_cast %get3A_628 : vector<1x16xf32> to vector<16xf32>
          %get3A_630 = arith.index_cast %add3A_623 : i32 to index
          %get3A_631 = arith.constant 0 : index
          %get3A_632 = tpu.vector_load %arg26[%get3A_630, %get3A_631] {strides = array<i32>} : memref<128x16xf32, #tpu.memory_space<vmem>>, vector<1x16xf32>,
          %get3A_633 = vector.shape_cast %get3A_632 : vector<1x16xf32> to vector<16xf32>
          %sub3A_634 = arith.subf %get3A_629, %get3A_633 : vector<16xf32>
          %mul3A_635 = vector.broadcast %squeeze3A_625 : f32 to vector<16xf32>
          %mul3A_636 = arith.mulf %sub3A_634, %mul3A_635 : vector<16xf32>
          %swap3A_637 = arith.index_cast %add3A_623 : i32 to index
          %swap3A_638 = arith.constant 0 : index
          %swap3A_639 = tpu.vector_load %arg28[%swap3A_637, %swap3A_638] {strides = array<i32>} : memref<128x16xf32, #tpu.memory_space<vmem>>, vector<1x16xf32>,
          %swap3A_640 = vector.shape_cast %swap3A_639 : vector<1x16xf32> to vector<16xf32>
          %swap3A_641 = vector.shape_cast %mul3A_636 : vector<16xf32> to vector<1x16xf32>
          tpu.vector_store %arg28[%swap3A_637, %swap3A_638], %swap3A_641 {strides = array<i32>} : memref<128x16xf32, #tpu.memory_space<vmem>>, vector<1x16xf32>,
          %mul3A_642 = arith.constant 16 : i32
          %mul3A_643 = arith.muli %scan3A_310, %mul3A_642 : i32
          %add3A_644 = arith.constant 15 : i32
          %add3A_645 = arith.addi %mul3A_643, %add3A_644 : i32
          %slice3A_646 = vector.extract_strided_slice %get3A_315 {offsets = [15], sizes = [1], strides = [1]} : vector<16xf32> to vector<1xf32>
          %squeeze3A_647 = vector.extract %slice3A_646[0] : f32 from vector<1xf32>
          %get3A_648 = arith.index_cast %add3A_645 : i32 to index
          %get3A_649 = arith.constant 0 : index
          %get3A_650 = tpu.vector_load %arg24[%get3A_648, %get3A_649] {strides = array<i32>} : memref<128x16xf32, #tpu.memory_space<vmem>>, vector<1x16xf32>,
          %get3A_651 = vector.shape_cast %get3A_650 : vector<1x16xf32> to vector<16xf32>
          %get3A_652 = arith.index_cast %add3A_645 : i32 to index
          %get3A_653 = arith.constant 0 : index
          %get3A_654 = tpu.vector_load %arg26[%get3A_652, %get3A_653] {strides = array<i32>} : memref<128x16xf32, #tpu.memory_space<vmem>>, vector<1x16xf32>,
          %get3A_655 = vector.shape_cast %get3A_654 : vector<1x16xf32> to vector<16xf32>
          %sub3A_656 = arith.subf %get3A_651, %get3A_655 : vector<16xf32>
          %mul3A_657 = vector.broadcast %squeeze3A_647 : f32 to vector<16xf32>
          %mul3A_658 = arith.mulf %sub3A_656, %mul3A_657 : vector<16xf32>
          %swap3A_659 = arith.index_cast %add3A_645 : i32 to index
          %swap3A_660 = arith.constant 0 : index
          %swap3A_661 = tpu.vector_load %arg28[%swap3A_659, %swap3A_660] {strides = array<i32>} : memref<128x16xf32, #tpu.memory_space<vmem>>, vector<1x16xf32>,
          %swap3A_662 = vector.shape_cast %swap3A_661 : vector<1x16xf32> to vector<16xf32>
          %swap3A_663 = vector.shape_cast %mul3A_658 : vector<16xf32> to vector<1x16xf32>
          tpu.vector_store %arg28[%swap3A_659, %swap3A_660], %swap3A_663 {strides = array<i32>} : memref<128x16xf32, #tpu.memory_space<vmem>>, vector<1x16xf32>,
          %scan3A_664 = arith.constant 0 : i32
          scf.yield %scan3A_664 : i32
        }
        %scan3A_159 = arith.constant 8 : i32
        %dma_start3A_160 = arith.constant 0 : i32
        %dma_start3A_161 = arith.constant 0 : i32
        %dma_start3A_162 = tpu.memref_slice %arg13[%dma_start3A_160, %dma_start3A_161] : memref<10080x16xf32, #tpu.memory_space<vmem_shared>> -> memref<10080x16xf32, #tpu.memory_space<vmem_shared>>
        tpu.enqueue_indirect_dma source(%arg28 : memref<128x16xf32, #tpu.memory_space<vmem>>) target(%dma_start3A_162 : memref<10080x16xf32, #tpu.memory_space<vmem_shared>>) offsets(%arg22 : memref<128xi32, #tpu.memory_space<vmem>>) semaphore(%arg42 : memref<!tpu.dma_semaphore, #tpu.memory_space<semaphore_mem>>) {add = true}
        %mul3A_163 = arith.constant 4 : i32
        %mul3A_164 = arith.muli %scan3A_87, %mul3A_163 : i32
        %add3A_165 = arith.constant 1 : i32
        %add3A_166 = arith.addi %mul3A_164, %add3A_165 : i32
        %add3A_167 = arith.constant 1 : i32
        %add3A_168 = arith.addi %add3A_166, %add3A_167 : i32
        %mul3A_169 = arith.constant 128 : i32
        %mul3A_170 = arith.muli %add3A_168, %mul3A_169 : i32
        %add3A_171 = arith.addi %mul3A_62, %mul3A_170 : i32
        %gt3A_172 = arith.constant 0 : i32
        %gt3A_173 = arith.cmpi sgt, %add3A_166, %gt3A_172 : i32
        %convert_element_type3A_174 = arith.extui %gt3A_173 : i1 to i32
        %cond3A_175 = arith.constant 0 : i32
        %cond3A_176 = arith.cmpi ne, %convert_element_type3A_174, %cond3A_175 : i32
        scf.if %cond3A_176 {
          %dma_wait3A_310 = arith.constant 0 : i32
          %dma_wait3A_311 = arith.constant 0 : i32
          %dma_wait3A_312 = tpu.memref_slice %arg12[%dma_wait3A_310, %dma_wait3A_311] : memref<10080x128xbf16, #tpu.memory_space<vmem_shared>> -> memref<10080x128xbf16, #tpu.memory_space<vmem_shared>>
          tpu.wait_indirect_dma semaphore(%arg36 : memref<!tpu.dma_semaphore, #tpu.memory_space<semaphore_mem>>) src(%arg18 : memref<128x128xbf16, #tpu.memory_space<vmem>>) dst(%dma_wait3A_312 : memref<10080x128xbf16, #tpu.memory_space<vmem_shared>>)
        } else {
        }
        %add3A_177 = arith.constant 1 : i32
        %add3A_178 = arith.addi %add3A_166, %add3A_177 : i32
        %lt3A_179 = arith.constant 80 : i32
        %lt3A_180 = arith.cmpi slt, %add3A_178, %lt3A_179 : i32
        %convert_element_type3A_181 = arith.extui %lt3A_180 : i1 to i32
        %cond3A_182 = arith.constant 0 : i32
        %cond3A_183 = arith.cmpi ne, %convert_element_type3A_181, %cond3A_182 : i32
        scf.if %cond3A_183 {
          %dma_start3A_310 = tpu.memref_slice %arg4[%add3A_171] : memref<163840xi32, #tpu.memory_space<hbm>> -> memref<128xi32, #tpu.memory_space<hbm>>
          %dma_start3A_311 = tpu.memref_slice %arg4[%add3A_171] : memref<163840xi32, #tpu.memory_space<hbm>> -> memref<128xi32, #tpu.memory_space<hbm>>
          tpu.enqueue_dma source(%dma_start3A_311 : memref<128xi32, #tpu.memory_space<hbm>>) target(%arg14 : memref<128xi32, #tpu.memory_space<vmem>>) target_semaphore(%arg38 : memref<!tpu.dma_semaphore, #tpu.memory_space<semaphore_mem>>)
          %dma_start3A_312 = tpu.memref_slice %arg5[%add3A_171] : memref<163840xi32, #tpu.memory_space<hbm>> -> memref<128xi32, #tpu.memory_space<hbm>>
          %dma_start3A_313 = tpu.memref_slice %arg5[%add3A_171] : memref<163840xi32, #tpu.memory_space<hbm>> -> memref<128xi32, #tpu.memory_space<hbm>>
          tpu.enqueue_dma source(%dma_start3A_313 : memref<128xi32, #tpu.memory_space<hbm>>) target(%arg16 : memref<128xi32, #tpu.memory_space<vmem>>) target_semaphore(%arg38 : memref<!tpu.dma_semaphore, #tpu.memory_space<semaphore_mem>>)
        } else {
        }
        %dma_wait3A_184 = arith.constant 0 : i32
        %dma_wait3A_185 = arith.constant 0 : i32
        %dma_wait3A_186 = tpu.memref_slice %arg3[%dma_wait3A_184, %dma_wait3A_185] : memref<10000x128xbf16, #tpu.memory_space<hbm>> -> memref<10000x128xbf16, #tpu.memory_space<hbm>>
        tpu.wait_indirect_dma semaphore(%arg33 : memref<!tpu.dma_semaphore, #tpu.memory_space<semaphore_mem>>) src(%dma_wait3A_186 : memref<10000x128xbf16, #tpu.memory_space<hbm>>) dst(%arg19 : memref<128x128xbf16, #tpu.memory_space<vmem>>)
        %dma_start3A_187 = arith.constant 0 : i32
        %dma_start3A_188 = arith.constant 0 : i32
        %dma_start3A_189 = tpu.memref_slice %arg12[%dma_start3A_187, %dma_start3A_188] : memref<10080x128xbf16, #tpu.memory_space<vmem_shared>> -> memref<10080x128xbf16, #tpu.memory_space<vmem_shared>>
        tpu.enqueue_indirect_dma source(%arg19 : memref<128x128xbf16, #tpu.memory_space<vmem>>) target(%dma_start3A_189 : memref<10080x128xbf16, #tpu.memory_space<vmem_shared>>) offsets(%arg17 : memref<128xi32, #tpu.memory_space<vmem>>) semaphore(%arg37 : memref<!tpu.dma_semaphore, #tpu.memory_space<semaphore_mem>>) {add = true}
        %add3A_190 = arith.constant 1 : i32
        %add3A_191 = arith.addi %add3A_166, %add3A_190 : i32
        %lt3A_192 = arith.constant 80 : i32
        %lt3A_193 = arith.cmpi slt, %add3A_191, %lt3A_192 : i32
        %convert_element_type3A_194 = arith.extui %lt3A_193 : i1 to i32
        %cond3A_195 = arith.constant 0 : i32
        %cond3A_196 = arith.cmpi ne, %convert_element_type3A_194, %cond3A_195 : i32
        scf.if %cond3A_196 {
          %dma_wait3A_310 = tpu.memref_slice %arg4[%add3A_171] : memref<163840xi32, #tpu.memory_space<hbm>> -> memref<128xi32, #tpu.memory_space<hbm>>
          %dma_wait3A_311 = tpu.memref_slice %arg4[%add3A_171] : memref<163840xi32, #tpu.memory_space<hbm>> -> memref<128xi32, #tpu.memory_space<hbm>>
          tpu.wait_dma2 semaphore(%arg38 : memref<!tpu.dma_semaphore, #tpu.memory_space<semaphore_mem>>) src(%dma_wait3A_311 : memref<128xi32, #tpu.memory_space<hbm>>) dst(%arg14 : memref<128xi32, #tpu.memory_space<vmem>>)
          %dma_wait3A_312 = tpu.memref_slice %arg5[%add3A_171] : memref<163840xi32, #tpu.memory_space<hbm>> -> memref<128xi32, #tpu.memory_space<hbm>>
          %dma_wait3A_313 = tpu.memref_slice %arg5[%add3A_171] : memref<163840xi32, #tpu.memory_space<hbm>> -> memref<128xi32, #tpu.memory_space<hbm>>
          tpu.wait_dma2 semaphore(%arg38 : memref<!tpu.dma_semaphore, #tpu.memory_space<semaphore_mem>>) src(%dma_wait3A_313 : memref<128xi32, #tpu.memory_space<hbm>>) dst(%arg16 : memref<128xi32, #tpu.memory_space<vmem>>)
          %dma_start3A_314 = arith.constant 0 : i32
          %dma_start3A_315 = arith.constant 0 : i32
          %dma_start3A_316 = tpu.memref_slice %arg3[%dma_start3A_314, %dma_start3A_315] : memref<10000x128xbf16, #tpu.memory_space<hbm>> -> memref<10000x128xbf16, #tpu.memory_space<hbm>>
          tpu.enqueue_indirect_dma source(%dma_start3A_316 : memref<10000x128xbf16, #tpu.memory_space<hbm>>) target(%arg18 : memref<128x128xbf16, #tpu.memory_space<vmem>>) offsets(%arg14 : memref<128xi32, #tpu.memory_space<vmem>>) semaphore(%arg32 : memref<!tpu.dma_semaphore, #tpu.memory_space<semaphore_mem>>)
        } else {
        }
        %mul3A_197 = arith.constant 4 : i32
        %mul3A_198 = arith.muli %scan3A_87, %mul3A_197 : i32
        %add3A_199 = arith.constant 2 : i32
        %add3A_200 = arith.addi %mul3A_198, %add3A_199 : i32
        %add3A_201 = arith.constant 1 : i32
        %add3A_202 = arith.addi %add3A_200, %add3A_201 : i32
        %mul3A_203 = arith.constant 128 : i32
        %mul3A_204 = arith.muli %add3A_202, %mul3A_203 : i32
        %add3A_205 = arith.addi %mul3A_62, %mul3A_204 : i32
        %gt3A_206 = arith.constant 0 : i32
        %gt3A_207 = arith.cmpi sgt, %add3A_200, %gt3A_206 : i32
        %convert_element_type3A_208 = arith.extui %gt3A_207 : i1 to i32
        %cond3A_209 = arith.constant 0 : i32
        %cond3A_210 = arith.cmpi ne, %convert_element_type3A_208, %cond3A_209 : i32
        scf.if %cond3A_210 {
          %dma_wait3A_310 = arith.constant 0 : i32
          %dma_wait3A_311 = arith.constant 0 : i32
          %dma_wait3A_312 = tpu.memref_slice %arg12[%dma_wait3A_310, %dma_wait3A_311] : memref<10080x128xbf16, #tpu.memory_space<vmem_shared>> -> memref<10080x128xbf16, #tpu.memory_space<vmem_shared>>
          tpu.wait_indirect_dma semaphore(%arg37 : memref<!tpu.dma_semaphore, #tpu.memory_space<semaphore_mem>>) src(%arg19 : memref<128x128xbf16, #tpu.memory_space<vmem>>) dst(%dma_wait3A_312 : memref<10080x128xbf16, #tpu.memory_space<vmem_shared>>)
        } else {
        }
        %add3A_211 = arith.constant 1 : i32
        %add3A_212 = arith.addi %add3A_200, %add3A_211 : i32
        %lt3A_213 = arith.constant 80 : i32
        %lt3A_214 = arith.cmpi slt, %add3A_212, %lt3A_213 : i32
        %convert_element_type3A_215 = arith.extui %lt3A_214 : i1 to i32
        %cond3A_216 = arith.constant 0 : i32
        %cond3A_217 = arith.cmpi ne, %convert_element_type3A_215, %cond3A_216 : i32
        scf.if %cond3A_217 {
          %dma_start3A_310 = tpu.memref_slice %arg4[%add3A_205] : memref<163840xi32, #tpu.memory_space<hbm>> -> memref<128xi32, #tpu.memory_space<hbm>>
          %dma_start3A_311 = tpu.memref_slice %arg4[%add3A_205] : memref<163840xi32, #tpu.memory_space<hbm>> -> memref<128xi32, #tpu.memory_space<hbm>>
          tpu.enqueue_dma source(%dma_start3A_311 : memref<128xi32, #tpu.memory_space<hbm>>) target(%arg15 : memref<128xi32, #tpu.memory_space<vmem>>) target_semaphore(%arg39 : memref<!tpu.dma_semaphore, #tpu.memory_space<semaphore_mem>>)
          %dma_start3A_312 = tpu.memref_slice %arg5[%add3A_205] : memref<163840xi32, #tpu.memory_space<hbm>> -> memref<128xi32, #tpu.memory_space<hbm>>
          %dma_start3A_313 = tpu.memref_slice %arg5[%add3A_205] : memref<163840xi32, #tpu.memory_space<hbm>> -> memref<128xi32, #tpu.memory_space<hbm>>
          tpu.enqueue_dma source(%dma_start3A_313 : memref<128xi32, #tpu.memory_space<hbm>>) target(%arg17 : memref<128xi32, #tpu.memory_space<vmem>>) target_semaphore(%arg39 : memref<!tpu.dma_semaphore, #tpu.memory_space<semaphore_mem>>)
        } else {
        }
        %dma_wait3A_218 = arith.constant 0 : i32
        %dma_wait3A_219 = arith.constant 0 : i32
        %dma_wait3A_220 = tpu.memref_slice %arg3[%dma_wait3A_218, %dma_wait3A_219] : memref<10000x128xbf16, #tpu.memory_space<hbm>> -> memref<10000x128xbf16, #tpu.memory_space<hbm>>
        tpu.wait_indirect_dma semaphore(%arg32 : memref<!tpu.dma_semaphore, #tpu.memory_space<semaphore_mem>>) src(%dma_wait3A_220 : memref<10000x128xbf16, #tpu.memory_space<hbm>>) dst(%arg18 : memref<128x128xbf16, #tpu.memory_space<vmem>>)
        %dma_start3A_221 = arith.constant 0 : i32
        %dma_start3A_222 = arith.constant 0 : i32
        %dma_start3A_223 = tpu.memref_slice %arg12[%dma_start3A_221, %dma_start3A_222] : memref<10080x128xbf16, #tpu.memory_space<vmem_shared>> -> memref<10080x128xbf16, #tpu.memory_space<vmem_shared>>
        tpu.enqueue_indirect_dma source(%arg18 : memref<128x128xbf16, #tpu.memory_space<vmem>>) target(%dma_start3A_223 : memref<10080x128xbf16, #tpu.memory_space<vmem_shared>>) offsets(%arg16 : memref<128xi32, #tpu.memory_space<vmem>>) semaphore(%arg36 : memref<!tpu.dma_semaphore, #tpu.memory_space<semaphore_mem>>) {add = true}
        %add3A_224 = arith.constant 1 : i32
        %add3A_225 = arith.addi %add3A_200, %add3A_224 : i32
        %lt3A_226 = arith.constant 80 : i32
        %lt3A_227 = arith.cmpi slt, %add3A_225, %lt3A_226 : i32
        %convert_element_type3A_228 = arith.extui %lt3A_227 : i1 to i32
        %cond3A_229 = arith.constant 0 : i32
        %cond3A_230 = arith.cmpi ne, %convert_element_type3A_228, %cond3A_229 : i32
        scf.if %cond3A_230 {
          %dma_wait3A_310 = tpu.memref_slice %arg4[%add3A_205] : memref<163840xi32, #tpu.memory_space<hbm>> -> memref<128xi32, #tpu.memory_space<hbm>>
          %dma_wait3A_311 = tpu.memref_slice %arg4[%add3A_205] : memref<163840xi32, #tpu.memory_space<hbm>> -> memref<128xi32, #tpu.memory_space<hbm>>
          tpu.wait_dma2 semaphore(%arg39 : memref<!tpu.dma_semaphore, #tpu.memory_space<semaphore_mem>>) src(%dma_wait3A_311 : memref<128xi32, #tpu.memory_space<hbm>>) dst(%arg15 : memref<128xi32, #tpu.memory_space<vmem>>)
          %dma_wait3A_312 = tpu.memref_slice %arg5[%add3A_205] : memref<163840xi32, #tpu.memory_space<hbm>> -> memref<128xi32, #tpu.memory_space<hbm>>
          %dma_wait3A_313 = tpu.memref_slice %arg5[%add3A_205] : memref<163840xi32, #tpu.memory_space<hbm>> -> memref<128xi32, #tpu.memory_space<hbm>>
          tpu.wait_dma2 semaphore(%arg39 : memref<!tpu.dma_semaphore, #tpu.memory_space<semaphore_mem>>) src(%dma_wait3A_313 : memref<128xi32, #tpu.memory_space<hbm>>) dst(%arg17 : memref<128xi32, #tpu.memory_space<vmem>>)
          %dma_start3A_314 = arith.constant 0 : i32
          %dma_start3A_315 = arith.constant 0 : i32
          %dma_start3A_316 = tpu.memref_slice %arg3[%dma_start3A_314, %dma_start3A_315] : memref<10000x128xbf16, #tpu.memory_space<hbm>> -> memref<10000x128xbf16, #tpu.memory_space<hbm>>
          tpu.enqueue_indirect_dma source(%dma_start3A_316 : memref<10000x128xbf16, #tpu.memory_space<hbm>>) target(%arg19 : memref<128x128xbf16, #tpu.memory_space<vmem>>) offsets(%arg15 : memref<128xi32, #tpu.memory_space<vmem>>) semaphore(%arg33 : memref<!tpu.dma_semaphore, #tpu.memory_space<semaphore_mem>>)
        } else {
        }
        %mul3A_231 = arith.constant 2 : i32
        %mul3A_232 = arith.muli %scan3A_87, %mul3A_231 : i32
        %add3A_233 = arith.constant 1 : i32
        %add3A_234 = arith.addi %mul3A_232, %add3A_233 : i32
        %add3A_235 = arith.constant 1 : i32
        %add3A_236 = arith.addi %add3A_234, %add3A_235 : i32
        %mul3A_237 = arith.constant 128 : i32
        %mul3A_238 = arith.muli %add3A_236, %mul3A_237 : i32
        %add3A_239 = arith.addi %add3A_66, %mul3A_238 : i32
        %gt3A_240 = arith.constant 0 : i32
        %gt3A_241 = arith.cmpi sgt, %add3A_234, %gt3A_240 : i32
        %convert_element_type3A_242 = arith.extui %gt3A_241 : i1 to i32
        %cond3A_243 = arith.constant 0 : i32
        %cond3A_244 = arith.cmpi ne, %convert_element_type3A_242, %cond3A_243 : i32
        scf.if %cond3A_244 {
          %dma_wait3A_310 = arith.constant 0 : i32
          %dma_wait3A_311 = arith.constant 0 : i32
          %dma_wait3A_312 = tpu.memref_slice %arg13[%dma_wait3A_310, %dma_wait3A_311] : memref<10080x16xf32, #tpu.memory_space<vmem_shared>> -> memref<10080x16xf32, #tpu.memory_space<vmem_shared>>
          tpu.wait_indirect_dma semaphore(%arg42 : memref<!tpu.dma_semaphore, #tpu.memory_space<semaphore_mem>>) src(%arg28 : memref<128x16xf32, #tpu.memory_space<vmem>>) dst(%dma_wait3A_312 : memref<10080x16xf32, #tpu.memory_space<vmem_shared>>)
        } else {
        }
        %add3A_245 = arith.constant 1 : i32
        %add3A_246 = arith.addi %add3A_234, %add3A_245 : i32
        %lt3A_247 = arith.constant 40 : i32
        %lt3A_248 = arith.cmpi slt, %add3A_246, %lt3A_247 : i32
        %convert_element_type3A_249 = arith.extui %lt3A_248 : i1 to i32
        %cond3A_250 = arith.constant 0 : i32
        %cond3A_251 = arith.cmpi ne, %convert_element_type3A_249, %cond3A_250 : i32
        scf.if %cond3A_251 {
          %dma_start3A_310 = tpu.memref_slice %arg4[%add3A_239] : memref<163840xi32, #tpu.memory_space<hbm>> -> memref<128xi32, #tpu.memory_space<hbm>>
          %dma_start3A_311 = tpu.memref_slice %arg4[%add3A_239] : memref<163840xi32, #tpu.memory_space<hbm>> -> memref<128xi32, #tpu.memory_space<hbm>>
          tpu.enqueue_dma source(%dma_start3A_311 : memref<128xi32, #tpu.memory_space<hbm>>) target(%arg20 : memref<128xi32, #tpu.memory_space<vmem>>) target_semaphore(%arg44 : memref<!tpu.dma_semaphore, #tpu.memory_space<semaphore_mem>>)
          %dma_start3A_312 = tpu.memref_slice %arg5[%add3A_239] : memref<163840xi32, #tpu.memory_space<hbm>> -> memref<128xi32, #tpu.memory_space<hbm>>
          %dma_start3A_313 = tpu.memref_slice %arg5[%add3A_239] : memref<163840xi32, #tpu.memory_space<hbm>> -> memref<128xi32, #tpu.memory_space<hbm>>
          tpu.enqueue_dma source(%dma_start3A_313 : memref<128xi32, #tpu.memory_space<hbm>>) target(%arg22 : memref<128xi32, #tpu.memory_space<vmem>>) target_semaphore(%arg44 : memref<!tpu.dma_semaphore, #tpu.memory_space<semaphore_mem>>)
          %dma_start3A_314 = tpu.memref_slice %arg6[%add3A_239] : memref<163840xf32, #tpu.memory_space<hbm>> -> memref<128xf32, #tpu.memory_space<hbm>>
          %dma_start3A_315 = tpu.memref_slice %arg6[%add3A_239] : memref<163840xf32, #tpu.memory_space<hbm>> -> memref<128xf32, #tpu.memory_space<hbm>>
          tpu.enqueue_dma source(%dma_start3A_315 : memref<128xf32, #tpu.memory_space<hbm>>) target(%arg30 : memref<128xf32, #tpu.memory_space<vmem>>) target_semaphore(%arg44 : memref<!tpu.dma_semaphore, #tpu.memory_space<semaphore_mem>>)
        } else {
        }
        %dma_wait3A_252 = arith.constant 0 : i32
        %dma_wait3A_253 = arith.constant 0 : i32
        %dma_wait3A_254 = tpu.memref_slice %arg7[%dma_wait3A_252, %dma_wait3A_253] : memref<10000x16xf32, #tpu.memory_space<hbm>> -> memref<10000x16xf32, #tpu.memory_space<hbm>>
        tpu.wait_indirect_dma semaphore(%arg41 : memref<!tpu.dma_semaphore, #tpu.memory_space<semaphore_mem>>) src(%dma_wait3A_254 : memref<10000x16xf32, #tpu.memory_space<hbm>>) dst(%arg25 : memref<128x16xf32, #tpu.memory_space<vmem>>)
        %dma_wait3A_255 = arith.constant 0 : i32
        %dma_wait3A_256 = arith.constant 0 : i32
        %dma_wait3A_257 = tpu.memref_slice %arg7[%dma_wait3A_255, %dma_wait3A_256] : memref<10000x16xf32, #tpu.memory_space<hbm>> -> memref<10000x16xf32, #tpu.memory_space<hbm>>
        tpu.wait_indirect_dma semaphore(%arg35 : memref<!tpu.dma_semaphore, #tpu.memory_space<semaphore_mem>>) src(%dma_wait3A_257 : memref<10000x16xf32, #tpu.memory_space<hbm>>) dst(%arg27 : memref<128x16xf32, #tpu.memory_space<vmem>>)
        %add3A_258 = arith.constant 1 : i32
        %add3A_259 = arith.addi %add3A_234, %add3A_258 : i32
        %lt3A_260 = arith.constant 40 : i32
        %lt3A_261 = arith.cmpi slt, %add3A_259, %lt3A_260 : i32
        %convert_element_type3A_262 = arith.extui %lt3A_261 : i1 to i32
        %cond3A_263 = arith.constant 0 : i32
        %cond3A_264 = arith.cmpi ne, %convert_element_type3A_262, %cond3A_263 : i32
        scf.if %cond3A_264 {
          %dma_wait3A_310 = tpu.memref_slice %arg4[%add3A_239] : memref<163840xi32, #tpu.memory_space<hbm>> -> memref<128xi32, #tpu.memory_space<hbm>>
          %dma_wait3A_311 = tpu.memref_slice %arg4[%add3A_239] : memref<163840xi32, #tpu.memory_space<hbm>> -> memref<128xi32, #tpu.memory_space<hbm>>
          tpu.wait_dma2 semaphore(%arg44 : memref<!tpu.dma_semaphore, #tpu.memory_space<semaphore_mem>>) src(%dma_wait3A_311 : memref<128xi32, #tpu.memory_space<hbm>>) dst(%arg20 : memref<128xi32, #tpu.memory_space<vmem>>)
          %dma_wait3A_312 = tpu.memref_slice %arg5[%add3A_239] : memref<163840xi32, #tpu.memory_space<hbm>> -> memref<128xi32, #tpu.memory_space<hbm>>
          %dma_wait3A_313 = tpu.memref_slice %arg5[%add3A_239] : memref<163840xi32, #tpu.memory_space<hbm>> -> memref<128xi32, #tpu.memory_space<hbm>>
          tpu.wait_dma2 semaphore(%arg44 : memref<!tpu.dma_semaphore, #tpu.memory_space<semaphore_mem>>) src(%dma_wait3A_313 : memref<128xi32, #tpu.memory_space<hbm>>) dst(%arg22 : memref<128xi32, #tpu.memory_space<vmem>>)
          %dma_wait3A_314 = tpu.memref_slice %arg6[%add3A_239] : memref<163840xf32, #tpu.memory_space<hbm>> -> memref<128xf32, #tpu.memory_space<hbm>>
          %dma_wait3A_315 = tpu.memref_slice %arg6[%add3A_239] : memref<163840xf32, #tpu.memory_space<hbm>> -> memref<128xf32, #tpu.memory_space<hbm>>
          tpu.wait_dma2 semaphore(%arg44 : memref<!tpu.dma_semaphore, #tpu.memory_space<semaphore_mem>>) src(%dma_wait3A_315 : memref<128xf32, #tpu.memory_space<hbm>>) dst(%arg30 : memref<128xf32, #tpu.memory_space<vmem>>)
          %dma_start3A_316 = arith.constant 0 : i32
          %dma_start3A_317 = arith.constant 0 : i32
          %dma_start3A_318 = tpu.memref_slice %arg7[%dma_start3A_316, %dma_start3A_317] : memref<10000x16xf32, #tpu.memory_space<hbm>> -> memref<10000x16xf32, #tpu.memory_space<hbm>>
          tpu.enqueue_indirect_dma source(%dma_start3A_318 : memref<10000x16xf32, #tpu.memory_space<hbm>>) target(%arg24 : memref<128x16xf32, #tpu.memory_space<vmem>>) offsets(%arg20 : memref<128xi32, #tpu.memory_space<vmem>>) semaphore(%arg40 : memref<!tpu.dma_semaphore, #tpu.memory_space<semaphore_mem>>)
          %dma_start3A_319 = arith.constant 0 : i32
          %dma_start3A_320 = arith.constant 0 : i32
          %dma_start3A_321 = tpu.memref_slice %arg7[%dma_start3A_319, %dma_start3A_320] : memref<10000x16xf32, #tpu.memory_space<hbm>> -> memref<10000x16xf32, #tpu.memory_space<hbm>>
          tpu.enqueue_indirect_dma source(%dma_start3A_321 : memref<10000x16xf32, #tpu.memory_space<hbm>>) target(%arg26 : memref<128x16xf32, #tpu.memory_space<vmem>>) offsets(%arg22 : memref<128xi32, #tpu.memory_space<vmem>>) semaphore(%arg34 : memref<!tpu.dma_semaphore, #tpu.memory_space<semaphore_mem>>)
        } else {
        }
        %scan3A_265 = arith.constant 0 : i32
        %scan3A_266 = arith.constant 0 : i32
        %scan3A_267 = arith.constant 8 : i32
        %scan3A_268 = arith.addi %scan3A_266, %scan3A_267 : i32
        %scan3A_269 = arith.constant 1 : i32
        %scan3A_270 = scf.for %scan3A_310 = %scan3A_266 to %scan3A_268 step %scan3A_269 iter_args(%scan3A_311 = %scan3A_265) -> (i32)  : i32 {
          %mul3A_312 = arith.constant 16 : i32
          %mul3A_313 = arith.muli %scan3A_310, %mul3A_312 : i32
          %get3A = arith.index_cast %mul3A_313 : i32 to index
          %get3A_314 = tpu.vector_load %arg31[%get3A] {strides = array<i32>} : memref<128xf32, #tpu.memory_space<vmem>>, vector<16xf32>,
          %get3A_315 = vector.shape_cast %get3A_314 : vector<16xf32> to vector<16xf32>
          %mul3A_316 = arith.constant 16 : i32
          %mul3A_317 = arith.muli %scan3A_310, %mul3A_316 : i32
          %add3A_318 = arith.constant 0 : i32
          %add3A_319 = arith.addi %mul3A_317, %add3A_318 : i32
          %slice3A = vector.extract_strided_slice %get3A_315 {offsets = [0], sizes = [1], strides = [1]} : vector<16xf32> to vector<1xf32>
          %squeeze3A = vector.extract %slice3A[0] : f32 from vector<1xf32>
          %get3A_320 = arith.index_cast %add3A_319 : i32 to index
          %get3A_321 = arith.constant 0 : index
          %get3A_322 = tpu.vector_load %arg25[%get3A_320, %get3A_321] {strides = array<i32>} : memref<128x16xf32, #tpu.memory_space<vmem>>, vector<1x16xf32>,
          %get3A_323 = vector.shape_cast %get3A_322 : vector<1x16xf32> to vector<16xf32>
          %get3A_324 = arith.index_cast %add3A_319 : i32 to index
          %get3A_325 = arith.constant 0 : index
          %get3A_326 = tpu.vector_load %arg27[%get3A_324, %get3A_325] {strides = array<i32>} : memref<128x16xf32, #tpu.memory_space<vmem>>, vector<1x16xf32>,
          %get3A_327 = vector.shape_cast %get3A_326 : vector<1x16xf32> to vector<16xf32>
          %sub3A = arith.subf %get3A_323, %get3A_327 : vector<16xf32>
          %mul3A_328 = vector.broadcast %squeeze3A : f32 to vector<16xf32>
          %mul3A_329 = arith.mulf %sub3A, %mul3A_328 : vector<16xf32>
          %swap3A = arith.index_cast %add3A_319 : i32 to index
          %swap3A_330 = arith.constant 0 : index
          %swap3A_331 = tpu.vector_load %arg29[%swap3A, %swap3A_330] {strides = array<i32>} : memref<128x16xf32, #tpu.memory_space<vmem>>, vector<1x16xf32>,
          %swap3A_332 = vector.shape_cast %swap3A_331 : vector<1x16xf32> to vector<16xf32>
          %swap3A_333 = vector.shape_cast %mul3A_329 : vector<16xf32> to vector<1x16xf32>
          tpu.vector_store %arg29[%swap3A, %swap3A_330], %swap3A_333 {strides = array<i32>} : memref<128x16xf32, #tpu.memory_space<vmem>>, vector<1x16xf32>,
          %mul3A_334 = arith.constant 16 : i32
          %mul3A_335 = arith.muli %scan3A_310, %mul3A_334 : i32
          %add3A_336 = arith.constant 1 : i32
          %add3A_337 = arith.addi %mul3A_335, %add3A_336 : i32
          %slice3A_338 = vector.extract_strided_slice %get3A_315 {offsets = [1], sizes = [1], strides = [1]} : vector<16xf32> to vector<1xf32>
          %squeeze3A_339 = vector.extract %slice3A_338[0] : f32 from vector<1xf32>
          %get3A_340 = arith.index_cast %add3A_337 : i32 to index
          %get3A_341 = arith.constant 0 : index
          %get3A_342 = tpu.vector_load %arg25[%get3A_340, %get3A_341] {strides = array<i32>} : memref<128x16xf32, #tpu.memory_space<vmem>>, vector<1x16xf32>,
          %get3A_343 = vector.shape_cast %get3A_342 : vector<1x16xf32> to vector<16xf32>
          %get3A_344 = arith.index_cast %add3A_337 : i32 to index
          %get3A_345 = arith.constant 0 : index
          %get3A_346 = tpu.vector_load %arg27[%get3A_344, %get3A_345] {strides = array<i32>} : memref<128x16xf32, #tpu.memory_space<vmem>>, vector<1x16xf32>,
          %get3A_347 = vector.shape_cast %get3A_346 : vector<1x16xf32> to vector<16xf32>
          %sub3A_348 = arith.subf %get3A_343, %get3A_347 : vector<16xf32>
          %mul3A_349 = vector.broadcast %squeeze3A_339 : f32 to vector<16xf32>
          %mul3A_350 = arith.mulf %sub3A_348, %mul3A_349 : vector<16xf32>
          %swap3A_351 = arith.index_cast %add3A_337 : i32 to index
          %swap3A_352 = arith.constant 0 : index
          %swap3A_353 = tpu.vector_load %arg29[%swap3A_351, %swap3A_352] {strides = array<i32>} : memref<128x16xf32, #tpu.memory_space<vmem>>, vector<1x16xf32>,
          %swap3A_354 = vector.shape_cast %swap3A_353 : vector<1x16xf32> to vector<16xf32>
          %swap3A_355 = vector.shape_cast %mul3A_350 : vector<16xf32> to vector<1x16xf32>
          tpu.vector_store %arg29[%swap3A_351, %swap3A_352], %swap3A_355 {strides = array<i32>} : memref<128x16xf32, #tpu.memory_space<vmem>>, vector<1x16xf32>,
          %mul3A_356 = arith.constant 16 : i32
          %mul3A_357 = arith.muli %scan3A_310, %mul3A_356 : i32
          %add3A_358 = arith.constant 2 : i32
          %add3A_359 = arith.addi %mul3A_357, %add3A_358 : i32
          %slice3A_360 = vector.extract_strided_slice %get3A_315 {offsets = [2], sizes = [1], strides = [1]} : vector<16xf32> to vector<1xf32>
          %squeeze3A_361 = vector.extract %slice3A_360[0] : f32 from vector<1xf32>
          %get3A_362 = arith.index_cast %add3A_359 : i32 to index
          %get3A_363 = arith.constant 0 : index
          %get3A_364 = tpu.vector_load %arg25[%get3A_362, %get3A_363] {strides = array<i32>} : memref<128x16xf32, #tpu.memory_space<vmem>>, vector<1x16xf32>,
          %get3A_365 = vector.shape_cast %get3A_364 : vector<1x16xf32> to vector<16xf32>
          %get3A_366 = arith.index_cast %add3A_359 : i32 to index
          %get3A_367 = arith.constant 0 : index
          %get3A_368 = tpu.vector_load %arg27[%get3A_366, %get3A_367] {strides = array<i32>} : memref<128x16xf32, #tpu.memory_space<vmem>>, vector<1x16xf32>,
          %get3A_369 = vector.shape_cast %get3A_368 : vector<1x16xf32> to vector<16xf32>
          %sub3A_370 = arith.subf %get3A_365, %get3A_369 : vector<16xf32>
          %mul3A_371 = vector.broadcast %squeeze3A_361 : f32 to vector<16xf32>
          %mul3A_372 = arith.mulf %sub3A_370, %mul3A_371 : vector<16xf32>
          %swap3A_373 = arith.index_cast %add3A_359 : i32 to index
          %swap3A_374 = arith.constant 0 : index
          %swap3A_375 = tpu.vector_load %arg29[%swap3A_373, %swap3A_374] {strides = array<i32>} : memref<128x16xf32, #tpu.memory_space<vmem>>, vector<1x16xf32>,
          %swap3A_376 = vector.shape_cast %swap3A_375 : vector<1x16xf32> to vector<16xf32>
          %swap3A_377 = vector.shape_cast %mul3A_372 : vector<16xf32> to vector<1x16xf32>
          tpu.vector_store %arg29[%swap3A_373, %swap3A_374], %swap3A_377 {strides = array<i32>} : memref<128x16xf32, #tpu.memory_space<vmem>>, vector<1x16xf32>,
          %mul3A_378 = arith.constant 16 : i32
          %mul3A_379 = arith.muli %scan3A_310, %mul3A_378 : i32
          %add3A_380 = arith.constant 3 : i32
          %add3A_381 = arith.addi %mul3A_379, %add3A_380 : i32
          %slice3A_382 = vector.extract_strided_slice %get3A_315 {offsets = [3], sizes = [1], strides = [1]} : vector<16xf32> to vector<1xf32>
          %squeeze3A_383 = vector.extract %slice3A_382[0] : f32 from vector<1xf32>
          %get3A_384 = arith.index_cast %add3A_381 : i32 to index
          %get3A_385 = arith.constant 0 : index
          %get3A_386 = tpu.vector_load %arg25[%get3A_384, %get3A_385] {strides = array<i32>} : memref<128x16xf32, #tpu.memory_space<vmem>>, vector<1x16xf32>,
          %get3A_387 = vector.shape_cast %get3A_386 : vector<1x16xf32> to vector<16xf32>
          %get3A_388 = arith.index_cast %add3A_381 : i32 to index
          %get3A_389 = arith.constant 0 : index
          %get3A_390 = tpu.vector_load %arg27[%get3A_388, %get3A_389] {strides = array<i32>} : memref<128x16xf32, #tpu.memory_space<vmem>>, vector<1x16xf32>,
          %get3A_391 = vector.shape_cast %get3A_390 : vector<1x16xf32> to vector<16xf32>
          %sub3A_392 = arith.subf %get3A_387, %get3A_391 : vector<16xf32>
          %mul3A_393 = vector.broadcast %squeeze3A_383 : f32 to vector<16xf32>
          %mul3A_394 = arith.mulf %sub3A_392, %mul3A_393 : vector<16xf32>
          %swap3A_395 = arith.index_cast %add3A_381 : i32 to index
          %swap3A_396 = arith.constant 0 : index
          %swap3A_397 = tpu.vector_load %arg29[%swap3A_395, %swap3A_396] {strides = array<i32>} : memref<128x16xf32, #tpu.memory_space<vmem>>, vector<1x16xf32>,
          %swap3A_398 = vector.shape_cast %swap3A_397 : vector<1x16xf32> to vector<16xf32>
          %swap3A_399 = vector.shape_cast %mul3A_394 : vector<16xf32> to vector<1x16xf32>
          tpu.vector_store %arg29[%swap3A_395, %swap3A_396], %swap3A_399 {strides = array<i32>} : memref<128x16xf32, #tpu.memory_space<vmem>>, vector<1x16xf32>,
          %mul3A_400 = arith.constant 16 : i32
          %mul3A_401 = arith.muli %scan3A_310, %mul3A_400 : i32
          %add3A_402 = arith.constant 4 : i32
          %add3A_403 = arith.addi %mul3A_401, %add3A_402 : i32
          %slice3A_404 = vector.extract_strided_slice %get3A_315 {offsets = [4], sizes = [1], strides = [1]} : vector<16xf32> to vector<1xf32>
          %squeeze3A_405 = vector.extract %slice3A_404[0] : f32 from vector<1xf32>
          %get3A_406 = arith.index_cast %add3A_403 : i32 to index
          %get3A_407 = arith.constant 0 : index
          %get3A_408 = tpu.vector_load %arg25[%get3A_406, %get3A_407] {strides = array<i32>} : memref<128x16xf32, #tpu.memory_space<vmem>>, vector<1x16xf32>,
          %get3A_409 = vector.shape_cast %get3A_408 : vector<1x16xf32> to vector<16xf32>
          %get3A_410 = arith.index_cast %add3A_403 : i32 to index
          %get3A_411 = arith.constant 0 : index
          %get3A_412 = tpu.vector_load %arg27[%get3A_410, %get3A_411] {strides = array<i32>} : memref<128x16xf32, #tpu.memory_space<vmem>>, vector<1x16xf32>,
          %get3A_413 = vector.shape_cast %get3A_412 : vector<1x16xf32> to vector<16xf32>
          %sub3A_414 = arith.subf %get3A_409, %get3A_413 : vector<16xf32>
          %mul3A_415 = vector.broadcast %squeeze3A_405 : f32 to vector<16xf32>
          %mul3A_416 = arith.mulf %sub3A_414, %mul3A_415 : vector<16xf32>
          %swap3A_417 = arith.index_cast %add3A_403 : i32 to index
          %swap3A_418 = arith.constant 0 : index
          %swap3A_419 = tpu.vector_load %arg29[%swap3A_417, %swap3A_418] {strides = array<i32>} : memref<128x16xf32, #tpu.memory_space<vmem>>, vector<1x16xf32>,
          %swap3A_420 = vector.shape_cast %swap3A_419 : vector<1x16xf32> to vector<16xf32>
          %swap3A_421 = vector.shape_cast %mul3A_416 : vector<16xf32> to vector<1x16xf32>
          tpu.vector_store %arg29[%swap3A_417, %swap3A_418], %swap3A_421 {strides = array<i32>} : memref<128x16xf32, #tpu.memory_space<vmem>>, vector<1x16xf32>,
          %mul3A_422 = arith.constant 16 : i32
          %mul3A_423 = arith.muli %scan3A_310, %mul3A_422 : i32
          %add3A_424 = arith.constant 5 : i32
          %add3A_425 = arith.addi %mul3A_423, %add3A_424 : i32
          %slice3A_426 = vector.extract_strided_slice %get3A_315 {offsets = [5], sizes = [1], strides = [1]} : vector<16xf32> to vector<1xf32>
          %squeeze3A_427 = vector.extract %slice3A_426[0] : f32 from vector<1xf32>
          %get3A_428 = arith.index_cast %add3A_425 : i32 to index
          %get3A_429 = arith.constant 0 : index
          %get3A_430 = tpu.vector_load %arg25[%get3A_428, %get3A_429] {strides = array<i32>} : memref<128x16xf32, #tpu.memory_space<vmem>>, vector<1x16xf32>,
          %get3A_431 = vector.shape_cast %get3A_430 : vector<1x16xf32> to vector<16xf32>
          %get3A_432 = arith.index_cast %add3A_425 : i32 to index
          %get3A_433 = arith.constant 0 : index
          %get3A_434 = tpu.vector_load %arg27[%get3A_432, %get3A_433] {strides = array<i32>} : memref<128x16xf32, #tpu.memory_space<vmem>>, vector<1x16xf32>,
          %get3A_435 = vector.shape_cast %get3A_434 : vector<1x16xf32> to vector<16xf32>
          %sub3A_436 = arith.subf %get3A_431, %get3A_435 : vector<16xf32>
          %mul3A_437 = vector.broadcast %squeeze3A_427 : f32 to vector<16xf32>
          %mul3A_438 = arith.mulf %sub3A_436, %mul3A_437 : vector<16xf32>
          %swap3A_439 = arith.index_cast %add3A_425 : i32 to index
          %swap3A_440 = arith.constant 0 : index
          %swap3A_441 = tpu.vector_load %arg29[%swap3A_439, %swap3A_440] {strides = array<i32>} : memref<128x16xf32, #tpu.memory_space<vmem>>, vector<1x16xf32>,
          %swap3A_442 = vector.shape_cast %swap3A_441 : vector<1x16xf32> to vector<16xf32>
          %swap3A_443 = vector.shape_cast %mul3A_438 : vector<16xf32> to vector<1x16xf32>
          tpu.vector_store %arg29[%swap3A_439, %swap3A_440], %swap3A_443 {strides = array<i32>} : memref<128x16xf32, #tpu.memory_space<vmem>>, vector<1x16xf32>,
          %mul3A_444 = arith.constant 16 : i32
          %mul3A_445 = arith.muli %scan3A_310, %mul3A_444 : i32
          %add3A_446 = arith.constant 6 : i32
          %add3A_447 = arith.addi %mul3A_445, %add3A_446 : i32
          %slice3A_448 = vector.extract_strided_slice %get3A_315 {offsets = [6], sizes = [1], strides = [1]} : vector<16xf32> to vector<1xf32>
          %squeeze3A_449 = vector.extract %slice3A_448[0] : f32 from vector<1xf32>
          %get3A_450 = arith.index_cast %add3A_447 : i32 to index
          %get3A_451 = arith.constant 0 : index
          %get3A_452 = tpu.vector_load %arg25[%get3A_450, %get3A_451] {strides = array<i32>} : memref<128x16xf32, #tpu.memory_space<vmem>>, vector<1x16xf32>,
          %get3A_453 = vector.shape_cast %get3A_452 : vector<1x16xf32> to vector<16xf32>
          %get3A_454 = arith.index_cast %add3A_447 : i32 to index
          %get3A_455 = arith.constant 0 : index
          %get3A_456 = tpu.vector_load %arg27[%get3A_454, %get3A_455] {strides = array<i32>} : memref<128x16xf32, #tpu.memory_space<vmem>>, vector<1x16xf32>,
          %get3A_457 = vector.shape_cast %get3A_456 : vector<1x16xf32> to vector<16xf32>
          %sub3A_458 = arith.subf %get3A_453, %get3A_457 : vector<16xf32>
          %mul3A_459 = vector.broadcast %squeeze3A_449 : f32 to vector<16xf32>
          %mul3A_460 = arith.mulf %sub3A_458, %mul3A_459 : vector<16xf32>
          %swap3A_461 = arith.index_cast %add3A_447 : i32 to index
          %swap3A_462 = arith.constant 0 : index
          %swap3A_463 = tpu.vector_load %arg29[%swap3A_461, %swap3A_462] {strides = array<i32>} : memref<128x16xf32, #tpu.memory_space<vmem>>, vector<1x16xf32>,
          %swap3A_464 = vector.shape_cast %swap3A_463 : vector<1x16xf32> to vector<16xf32>
          %swap3A_465 = vector.shape_cast %mul3A_460 : vector<16xf32> to vector<1x16xf32>
          tpu.vector_store %arg29[%swap3A_461, %swap3A_462], %swap3A_465 {strides = array<i32>} : memref<128x16xf32, #tpu.memory_space<vmem>>, vector<1x16xf32>,
          %mul3A_466 = arith.constant 16 : i32
          %mul3A_467 = arith.muli %scan3A_310, %mul3A_466 : i32
          %add3A_468 = arith.constant 7 : i32
          %add3A_469 = arith.addi %mul3A_467, %add3A_468 : i32
          %slice3A_470 = vector.extract_strided_slice %get3A_315 {offsets = [7], sizes = [1], strides = [1]} : vector<16xf32> to vector<1xf32>
          %squeeze3A_471 = vector.extract %slice3A_470[0] : f32 from vector<1xf32>
          %get3A_472 = arith.index_cast %add3A_469 : i32 to index
          %get3A_473 = arith.constant 0 : index
          %get3A_474 = tpu.vector_load %arg25[%get3A_472, %get3A_473] {strides = array<i32>} : memref<128x16xf32, #tpu.memory_space<vmem>>, vector<1x16xf32>,
          %get3A_475 = vector.shape_cast %get3A_474 : vector<1x16xf32> to vector<16xf32>
          %get3A_476 = arith.index_cast %add3A_469 : i32 to index
          %get3A_477 = arith.constant 0 : index
          %get3A_478 = tpu.vector_load %arg27[%get3A_476, %get3A_477] {strides = array<i32>} : memref<128x16xf32, #tpu.memory_space<vmem>>, vector<1x16xf32>,
          %get3A_479 = vector.shape_cast %get3A_478 : vector<1x16xf32> to vector<16xf32>
          %sub3A_480 = arith.subf %get3A_475, %get3A_479 : vector<16xf32>
          %mul3A_481 = vector.broadcast %squeeze3A_471 : f32 to vector<16xf32>
          %mul3A_482 = arith.mulf %sub3A_480, %mul3A_481 : vector<16xf32>
          %swap3A_483 = arith.index_cast %add3A_469 : i32 to index
          %swap3A_484 = arith.constant 0 : index
          %swap3A_485 = tpu.vector_load %arg29[%swap3A_483, %swap3A_484] {strides = array<i32>} : memref<128x16xf32, #tpu.memory_space<vmem>>, vector<1x16xf32>,
          %swap3A_486 = vector.shape_cast %swap3A_485 : vector<1x16xf32> to vector<16xf32>
          %swap3A_487 = vector.shape_cast %mul3A_482 : vector<16xf32> to vector<1x16xf32>
          tpu.vector_store %arg29[%swap3A_483, %swap3A_484], %swap3A_487 {strides = array<i32>} : memref<128x16xf32, #tpu.memory_space<vmem>>, vector<1x16xf32>,
          %mul3A_488 = arith.constant 16 : i32
          %mul3A_489 = arith.muli %scan3A_310, %mul3A_488 : i32
          %add3A_490 = arith.constant 8 : i32
          %add3A_491 = arith.addi %mul3A_489, %add3A_490 : i32
          %slice3A_492 = vector.extract_strided_slice %get3A_315 {offsets = [8], sizes = [1], strides = [1]} : vector<16xf32> to vector<1xf32>
          %squeeze3A_493 = vector.extract %slice3A_492[0] : f32 from vector<1xf32>
          %get3A_494 = arith.index_cast %add3A_491 : i32 to index
          %get3A_495 = arith.constant 0 : index
          %get3A_496 = tpu.vector_load %arg25[%get3A_494, %get3A_495] {strides = array<i32>} : memref<128x16xf32, #tpu.memory_space<vmem>>, vector<1x16xf32>,
          %get3A_497 = vector.shape_cast %get3A_496 : vector<1x16xf32> to vector<16xf32>
          %get3A_498 = arith.index_cast %add3A_491 : i32 to index
          %get3A_499 = arith.constant 0 : index
          %get3A_500 = tpu.vector_load %arg27[%get3A_498, %get3A_499] {strides = array<i32>} : memref<128x16xf32, #tpu.memory_space<vmem>>, vector<1x16xf32>,
          %get3A_501 = vector.shape_cast %get3A_500 : vector<1x16xf32> to vector<16xf32>
          %sub3A_502 = arith.subf %get3A_497, %get3A_501 : vector<16xf32>
          %mul3A_503 = vector.broadcast %squeeze3A_493 : f32 to vector<16xf32>
          %mul3A_504 = arith.mulf %sub3A_502, %mul3A_503 : vector<16xf32>
          %swap3A_505 = arith.index_cast %add3A_491 : i32 to index
          %swap3A_506 = arith.constant 0 : index
          %swap3A_507 = tpu.vector_load %arg29[%swap3A_505, %swap3A_506] {strides = array<i32>} : memref<128x16xf32, #tpu.memory_space<vmem>>, vector<1x16xf32>,
          %swap3A_508 = vector.shape_cast %swap3A_507 : vector<1x16xf32> to vector<16xf32>
          %swap3A_509 = vector.shape_cast %mul3A_504 : vector<16xf32> to vector<1x16xf32>
          tpu.vector_store %arg29[%swap3A_505, %swap3A_506], %swap3A_509 {strides = array<i32>} : memref<128x16xf32, #tpu.memory_space<vmem>>, vector<1x16xf32>,
          %mul3A_510 = arith.constant 16 : i32
          %mul3A_511 = arith.muli %scan3A_310, %mul3A_510 : i32
          %add3A_512 = arith.constant 9 : i32
          %add3A_513 = arith.addi %mul3A_511, %add3A_512 : i32
          %slice3A_514 = vector.extract_strided_slice %get3A_315 {offsets = [9], sizes = [1], strides = [1]} : vector<16xf32> to vector<1xf32>
          %squeeze3A_515 = vector.extract %slice3A_514[0] : f32 from vector<1xf32>
          %get3A_516 = arith.index_cast %add3A_513 : i32 to index
          %get3A_517 = arith.constant 0 : index
          %get3A_518 = tpu.vector_load %arg25[%get3A_516, %get3A_517] {strides = array<i32>} : memref<128x16xf32, #tpu.memory_space<vmem>>, vector<1x16xf32>,
          %get3A_519 = vector.shape_cast %get3A_518 : vector<1x16xf32> to vector<16xf32>
          %get3A_520 = arith.index_cast %add3A_513 : i32 to index
          %get3A_521 = arith.constant 0 : index
          %get3A_522 = tpu.vector_load %arg27[%get3A_520, %get3A_521] {strides = array<i32>} : memref<128x16xf32, #tpu.memory_space<vmem>>, vector<1x16xf32>,
          %get3A_523 = vector.shape_cast %get3A_522 : vector<1x16xf32> to vector<16xf32>
          %sub3A_524 = arith.subf %get3A_519, %get3A_523 : vector<16xf32>
          %mul3A_525 = vector.broadcast %squeeze3A_515 : f32 to vector<16xf32>
          %mul3A_526 = arith.mulf %sub3A_524, %mul3A_525 : vector<16xf32>
          %swap3A_527 = arith.index_cast %add3A_513 : i32 to index
          %swap3A_528 = arith.constant 0 : index
          %swap3A_529 = tpu.vector_load %arg29[%swap3A_527, %swap3A_528] {strides = array<i32>} : memref<128x16xf32, #tpu.memory_space<vmem>>, vector<1x16xf32>,
          %swap3A_530 = vector.shape_cast %swap3A_529 : vector<1x16xf32> to vector<16xf32>
          %swap3A_531 = vector.shape_cast %mul3A_526 : vector<16xf32> to vector<1x16xf32>
          tpu.vector_store %arg29[%swap3A_527, %swap3A_528], %swap3A_531 {strides = array<i32>} : memref<128x16xf32, #tpu.memory_space<vmem>>, vector<1x16xf32>,
          %mul3A_532 = arith.constant 16 : i32
          %mul3A_533 = arith.muli %scan3A_310, %mul3A_532 : i32
          %add3A_534 = arith.constant 10 : i32
          %add3A_535 = arith.addi %mul3A_533, %add3A_534 : i32
          %slice3A_536 = vector.extract_strided_slice %get3A_315 {offsets = [10], sizes = [1], strides = [1]} : vector<16xf32> to vector<1xf32>
          %squeeze3A_537 = vector.extract %slice3A_536[0] : f32 from vector<1xf32>
          %get3A_538 = arith.index_cast %add3A_535 : i32 to index
          %get3A_539 = arith.constant 0 : index
          %get3A_540 = tpu.vector_load %arg25[%get3A_538, %get3A_539] {strides = array<i32>} : memref<128x16xf32, #tpu.memory_space<vmem>>, vector<1x16xf32>,
          %get3A_541 = vector.shape_cast %get3A_540 : vector<1x16xf32> to vector<16xf32>
          %get3A_542 = arith.index_cast %add3A_535 : i32 to index
          %get3A_543 = arith.constant 0 : index
          %get3A_544 = tpu.vector_load %arg27[%get3A_542, %get3A_543] {strides = array<i32>} : memref<128x16xf32, #tpu.memory_space<vmem>>, vector<1x16xf32>,
          %get3A_545 = vector.shape_cast %get3A_544 : vector<1x16xf32> to vector<16xf32>
          %sub3A_546 = arith.subf %get3A_541, %get3A_545 : vector<16xf32>
          %mul3A_547 = vector.broadcast %squeeze3A_537 : f32 to vector<16xf32>
          %mul3A_548 = arith.mulf %sub3A_546, %mul3A_547 : vector<16xf32>
          %swap3A_549 = arith.index_cast %add3A_535 : i32 to index
          %swap3A_550 = arith.constant 0 : index
          %swap3A_551 = tpu.vector_load %arg29[%swap3A_549, %swap3A_550] {strides = array<i32>} : memref<128x16xf32, #tpu.memory_space<vmem>>, vector<1x16xf32>,
          %swap3A_552 = vector.shape_cast %swap3A_551 : vector<1x16xf32> to vector<16xf32>
          %swap3A_553 = vector.shape_cast %mul3A_548 : vector<16xf32> to vector<1x16xf32>
          tpu.vector_store %arg29[%swap3A_549, %swap3A_550], %swap3A_553 {strides = array<i32>} : memref<128x16xf32, #tpu.memory_space<vmem>>, vector<1x16xf32>,
          %mul3A_554 = arith.constant 16 : i32
          %mul3A_555 = arith.muli %scan3A_310, %mul3A_554 : i32
          %add3A_556 = arith.constant 11 : i32
          %add3A_557 = arith.addi %mul3A_555, %add3A_556 : i32
          %slice3A_558 = vector.extract_strided_slice %get3A_315 {offsets = [11], sizes = [1], strides = [1]} : vector<16xf32> to vector<1xf32>
          %squeeze3A_559 = vector.extract %slice3A_558[0] : f32 from vector<1xf32>
          %get3A_560 = arith.index_cast %add3A_557 : i32 to index
          %get3A_561 = arith.constant 0 : index
          %get3A_562 = tpu.vector_load %arg25[%get3A_560, %get3A_561] {strides = array<i32>} : memref<128x16xf32, #tpu.memory_space<vmem>>, vector<1x16xf32>,
          %get3A_563 = vector.shape_cast %get3A_562 : vector<1x16xf32> to vector<16xf32>
          %get3A_564 = arith.index_cast %add3A_557 : i32 to index
          %get3A_565 = arith.constant 0 : index
          %get3A_566 = tpu.vector_load %arg27[%get3A_564, %get3A_565] {strides = array<i32>} : memref<128x16xf32, #tpu.memory_space<vmem>>, vector<1x16xf32>,
          %get3A_567 = vector.shape_cast %get3A_566 : vector<1x16xf32> to vector<16xf32>
          %sub3A_568 = arith.subf %get3A_563, %get3A_567 : vector<16xf32>
          %mul3A_569 = vector.broadcast %squeeze3A_559 : f32 to vector<16xf32>
          %mul3A_570 = arith.mulf %sub3A_568, %mul3A_569 : vector<16xf32>
          %swap3A_571 = arith.index_cast %add3A_557 : i32 to index
          %swap3A_572 = arith.constant 0 : index
          %swap3A_573 = tpu.vector_load %arg29[%swap3A_571, %swap3A_572] {strides = array<i32>} : memref<128x16xf32, #tpu.memory_space<vmem>>, vector<1x16xf32>,
          %swap3A_574 = vector.shape_cast %swap3A_573 : vector<1x16xf32> to vector<16xf32>
          %swap3A_575 = vector.shape_cast %mul3A_570 : vector<16xf32> to vector<1x16xf32>
          tpu.vector_store %arg29[%swap3A_571, %swap3A_572], %swap3A_575 {strides = array<i32>} : memref<128x16xf32, #tpu.memory_space<vmem>>, vector<1x16xf32>,
          %mul3A_576 = arith.constant 16 : i32
          %mul3A_577 = arith.muli %scan3A_310, %mul3A_576 : i32
          %add3A_578 = arith.constant 12 : i32
          %add3A_579 = arith.addi %mul3A_577, %add3A_578 : i32
          %slice3A_580 = vector.extract_strided_slice %get3A_315 {offsets = [12], sizes = [1], strides = [1]} : vector<16xf32> to vector<1xf32>
          %squeeze3A_581 = vector.extract %slice3A_580[0] : f32 from vector<1xf32>
          %get3A_582 = arith.index_cast %add3A_579 : i32 to index
          %get3A_583 = arith.constant 0 : index
          %get3A_584 = tpu.vector_load %arg25[%get3A_582, %get3A_583] {strides = array<i32>} : memref<128x16xf32, #tpu.memory_space<vmem>>, vector<1x16xf32>,
          %get3A_585 = vector.shape_cast %get3A_584 : vector<1x16xf32> to vector<16xf32>
          %get3A_586 = arith.index_cast %add3A_579 : i32 to index
          %get3A_587 = arith.constant 0 : index
          %get3A_588 = tpu.vector_load %arg27[%get3A_586, %get3A_587] {strides = array<i32>} : memref<128x16xf32, #tpu.memory_space<vmem>>, vector<1x16xf32>,
          %get3A_589 = vector.shape_cast %get3A_588 : vector<1x16xf32> to vector<16xf32>
          %sub3A_590 = arith.subf %get3A_585, %get3A_589 : vector<16xf32>
          %mul3A_591 = vector.broadcast %squeeze3A_581 : f32 to vector<16xf32>
          %mul3A_592 = arith.mulf %sub3A_590, %mul3A_591 : vector<16xf32>
          %swap3A_593 = arith.index_cast %add3A_579 : i32 to index
          %swap3A_594 = arith.constant 0 : index
          %swap3A_595 = tpu.vector_load %arg29[%swap3A_593, %swap3A_594] {strides = array<i32>} : memref<128x16xf32, #tpu.memory_space<vmem>>, vector<1x16xf32>,
          %swap3A_596 = vector.shape_cast %swap3A_595 : vector<1x16xf32> to vector<16xf32>
          %swap3A_597 = vector.shape_cast %mul3A_592 : vector<16xf32> to vector<1x16xf32>
          tpu.vector_store %arg29[%swap3A_593, %swap3A_594], %swap3A_597 {strides = array<i32>} : memref<128x16xf32, #tpu.memory_space<vmem>>, vector<1x16xf32>,
          %mul3A_598 = arith.constant 16 : i32
          %mul3A_599 = arith.muli %scan3A_310, %mul3A_598 : i32
          %add3A_600 = arith.constant 13 : i32
          %add3A_601 = arith.addi %mul3A_599, %add3A_600 : i32
          %slice3A_602 = vector.extract_strided_slice %get3A_315 {offsets = [13], sizes = [1], strides = [1]} : vector<16xf32> to vector<1xf32>
          %squeeze3A_603 = vector.extract %slice3A_602[0] : f32 from vector<1xf32>
          %get3A_604 = arith.index_cast %add3A_601 : i32 to index
          %get3A_605 = arith.constant 0 : index
          %get3A_606 = tpu.vector_load %arg25[%get3A_604, %get3A_605] {strides = array<i32>} : memref<128x16xf32, #tpu.memory_space<vmem>>, vector<1x16xf32>,
          %get3A_607 = vector.shape_cast %get3A_606 : vector<1x16xf32> to vector<16xf32>
          %get3A_608 = arith.index_cast %add3A_601 : i32 to index
          %get3A_609 = arith.constant 0 : index
          %get3A_610 = tpu.vector_load %arg27[%get3A_608, %get3A_609] {strides = array<i32>} : memref<128x16xf32, #tpu.memory_space<vmem>>, vector<1x16xf32>,
          %get3A_611 = vector.shape_cast %get3A_610 : vector<1x16xf32> to vector<16xf32>
          %sub3A_612 = arith.subf %get3A_607, %get3A_611 : vector<16xf32>
          %mul3A_613 = vector.broadcast %squeeze3A_603 : f32 to vector<16xf32>
          %mul3A_614 = arith.mulf %sub3A_612, %mul3A_613 : vector<16xf32>
          %swap3A_615 = arith.index_cast %add3A_601 : i32 to index
          %swap3A_616 = arith.constant 0 : index
          %swap3A_617 = tpu.vector_load %arg29[%swap3A_615, %swap3A_616] {strides = array<i32>} : memref<128x16xf32, #tpu.memory_space<vmem>>, vector<1x16xf32>,
          %swap3A_618 = vector.shape_cast %swap3A_617 : vector<1x16xf32> to vector<16xf32>
          %swap3A_619 = vector.shape_cast %mul3A_614 : vector<16xf32> to vector<1x16xf32>
          tpu.vector_store %arg29[%swap3A_615, %swap3A_616], %swap3A_619 {strides = array<i32>} : memref<128x16xf32, #tpu.memory_space<vmem>>, vector<1x16xf32>,
          %mul3A_620 = arith.constant 16 : i32
          %mul3A_621 = arith.muli %scan3A_310, %mul3A_620 : i32
          %add3A_622 = arith.constant 14 : i32
          %add3A_623 = arith.addi %mul3A_621, %add3A_622 : i32
          %slice3A_624 = vector.extract_strided_slice %get3A_315 {offsets = [14], sizes = [1], strides = [1]} : vector<16xf32> to vector<1xf32>
          %squeeze3A_625 = vector.extract %slice3A_624[0] : f32 from vector<1xf32>
          %get3A_626 = arith.index_cast %add3A_623 : i32 to index
          %get3A_627 = arith.constant 0 : index
          %get3A_628 = tpu.vector_load %arg25[%get3A_626, %get3A_627] {strides = array<i32>} : memref<128x16xf32, #tpu.memory_space<vmem>>, vector<1x16xf32>,
          %get3A_629 = vector.shape_cast %get3A_628 : vector<1x16xf32> to vector<16xf32>
          %get3A_630 = arith.index_cast %add3A_623 : i32 to index
          %get3A_631 = arith.constant 0 : index
          %get3A_632 = tpu.vector_load %arg27[%get3A_630, %get3A_631] {strides = array<i32>} : memref<128x16xf32, #tpu.memory_space<vmem>>, vector<1x16xf32>,
          %get3A_633 = vector.shape_cast %get3A_632 : vector<1x16xf32> to vector<16xf32>
          %sub3A_634 = arith.subf %get3A_629, %get3A_633 : vector<16xf32>
          %mul3A_635 = vector.broadcast %squeeze3A_625 : f32 to vector<16xf32>
          %mul3A_636 = arith.mulf %sub3A_634, %mul3A_635 : vector<16xf32>
          %swap3A_637 = arith.index_cast %add3A_623 : i32 to index
          %swap3A_638 = arith.constant 0 : index
          %swap3A_639 = tpu.vector_load %arg29[%swap3A_637, %swap3A_638] {strides = array<i32>} : memref<128x16xf32, #tpu.memory_space<vmem>>, vector<1x16xf32>,
          %swap3A_640 = vector.shape_cast %swap3A_639 : vector<1x16xf32> to vector<16xf32>
          %swap3A_641 = vector.shape_cast %mul3A_636 : vector<16xf32> to vector<1x16xf32>
          tpu.vector_store %arg29[%swap3A_637, %swap3A_638], %swap3A_641 {strides = array<i32>} : memref<128x16xf32, #tpu.memory_space<vmem>>, vector<1x16xf32>,
          %mul3A_642 = arith.constant 16 : i32
          %mul3A_643 = arith.muli %scan3A_310, %mul3A_642 : i32
          %add3A_644 = arith.constant 15 : i32
          %add3A_645 = arith.addi %mul3A_643, %add3A_644 : i32
          %slice3A_646 = vector.extract_strided_slice %get3A_315 {offsets = [15], sizes = [1], strides = [1]} : vector<16xf32> to vector<1xf32>
          %squeeze3A_647 = vector.extract %slice3A_646[0] : f32 from vector<1xf32>
          %get3A_648 = arith.index_cast %add3A_645 : i32 to index
          %get3A_649 = arith.constant 0 : index
          %get3A_650 = tpu.vector_load %arg25[%get3A_648, %get3A_649] {strides = array<i32>} : memref<128x16xf32, #tpu.memory_space<vmem>>, vector<1x16xf32>,
          %get3A_651 = vector.shape_cast %get3A_650 : vector<1x16xf32> to vector<16xf32>
          %get3A_652 = arith.index_cast %add3A_645 : i32 to index
          %get3A_653 = arith.constant 0 : index
          %get3A_654 = tpu.vector_load %arg27[%get3A_652, %get3A_653] {strides = array<i32>} : memref<128x16xf32, #tpu.memory_space<vmem>>, vector<1x16xf32>,
          %get3A_655 = vector.shape_cast %get3A_654 : vector<1x16xf32> to vector<16xf32>
          %sub3A_656 = arith.subf %get3A_651, %get3A_655 : vector<16xf32>
          %mul3A_657 = vector.broadcast %squeeze3A_647 : f32 to vector<16xf32>
          %mul3A_658 = arith.mulf %sub3A_656, %mul3A_657 : vector<16xf32>
          %swap3A_659 = arith.index_cast %add3A_645 : i32 to index
          %swap3A_660 = arith.constant 0 : index
          %swap3A_661 = tpu.vector_load %arg29[%swap3A_659, %swap3A_660] {strides = array<i32>} : memref<128x16xf32, #tpu.memory_space<vmem>>, vector<1x16xf32>,
          %swap3A_662 = vector.shape_cast %swap3A_661 : vector<1x16xf32> to vector<16xf32>
          %swap3A_663 = vector.shape_cast %mul3A_658 : vector<16xf32> to vector<1x16xf32>
          tpu.vector_store %arg29[%swap3A_659, %swap3A_660], %swap3A_663 {strides = array<i32>} : memref<128x16xf32, #tpu.memory_space<vmem>>, vector<1x16xf32>,
          %scan3A_664 = arith.constant 0 : i32
          scf.yield %scan3A_664 : i32
        }
        %scan3A_271 = arith.constant 8 : i32
        %dma_start3A_272 = arith.constant 0 : i32
        %dma_start3A_273 = arith.constant 0 : i32
        %dma_start3A_274 = tpu.memref_slice %arg13[%dma_start3A_272, %dma_start3A_273] : memref<10080x16xf32, #tpu.memory_space<vmem_shared>> -> memref<10080x16xf32, #tpu.memory_space<vmem_shared>>
        tpu.enqueue_indirect_dma source(%arg29 : memref<128x16xf32, #tpu.memory_space<vmem>>) target(%dma_start3A_274 : memref<10080x16xf32, #tpu.memory_space<vmem_shared>>) offsets(%arg23 : memref<128xi32, #tpu.memory_space<vmem>>) semaphore(%arg43 : memref<!tpu.dma_semaphore, #tpu.memory_space<semaphore_mem>>) {add = true}
        %mul3A_275 = arith.constant 4 : i32
        %mul3A_276 = arith.muli %scan3A_87, %mul3A_275 : i32
        %add3A_277 = arith.constant 3 : i32
        %add3A_278 = arith.addi %mul3A_276, %add3A_277 : i32
        %add3A_279 = arith.constant 1 : i32
        %add3A_280 = arith.addi %add3A_278, %add3A_279 : i32
        %mul3A_281 = arith.constant 128 : i32
        %mul3A_282 = arith.muli %add3A_280, %mul3A_281 : i32
        %add3A_283 = arith.addi %mul3A_62, %mul3A_282 : i32
        %gt3A_284 = arith.constant 0 : i32
        %gt3A_285 = arith.cmpi sgt, %add3A_278, %gt3A_284 : i32
        %convert_element_type3A_286 = arith.extui %gt3A_285 : i1 to i32
        %cond3A_287 = arith.constant 0 : i32
        %cond3A_288 = arith.cmpi ne, %convert_element_type3A_286, %cond3A_287 : i32
        scf.if %cond3A_288 {
          %dma_wait3A_310 = arith.constant 0 : i32
          %dma_wait3A_311 = arith.constant 0 : i32
          %dma_wait3A_312 = tpu.memref_slice %arg12[%dma_wait3A_310, %dma_wait3A_311] : memref<10080x128xbf16, #tpu.memory_space<vmem_shared>> -> memref<10080x128xbf16, #tpu.memory_space<vmem_shared>>
          tpu.wait_indirect_dma semaphore(%arg36 : memref<!tpu.dma_semaphore, #tpu.memory_space<semaphore_mem>>) src(%arg18 : memref<128x128xbf16, #tpu.memory_space<vmem>>) dst(%dma_wait3A_312 : memref<10080x128xbf16, #tpu.memory_space<vmem_shared>>)
        } else {
        }
        %add3A_289 = arith.constant 1 : i32
        %add3A_290 = arith.addi %add3A_278, %add3A_289 : i32
        %lt3A_291 = arith.constant 80 : i32
        %lt3A_292 = arith.cmpi slt, %add3A_290, %lt3A_291 : i32
        %convert_element_type3A_293 = arith.extui %lt3A_292 : i1 to i32
        %cond3A_294 = arith.constant 0 : i32
        %cond3A_295 = arith.cmpi ne, %convert_element_type3A_293, %cond3A_294 : i32
        scf.if %cond3A_295 {
          %dma_start3A_310 = tpu.memref_slice %arg4[%add3A_283] : memref<163840xi32, #tpu.memory_space<hbm>> -> memref<128xi32, #tpu.memory_space<hbm>>
          %dma_start3A_311 = tpu.memref_slice %arg4[%add3A_283] : memref<163840xi32, #tpu.memory_space<hbm>> -> memref<128xi32, #tpu.memory_space<hbm>>
          tpu.enqueue_dma source(%dma_start3A_311 : memref<128xi32, #tpu.memory_space<hbm>>) target(%arg14 : memref<128xi32, #tpu.memory_space<vmem>>) target_semaphore(%arg38 : memref<!tpu.dma_semaphore, #tpu.memory_space<semaphore_mem>>)
          %dma_start3A_312 = tpu.memref_slice %arg5[%add3A_283] : memref<163840xi32, #tpu.memory_space<hbm>> -> memref<128xi32, #tpu.memory_space<hbm>>
          %dma_start3A_313 = tpu.memref_slice %arg5[%add3A_283] : memref<163840xi32, #tpu.memory_space<hbm>> -> memref<128xi32, #tpu.memory_space<hbm>>
          tpu.enqueue_dma source(%dma_start3A_313 : memref<128xi32, #tpu.memory_space<hbm>>) target(%arg16 : memref<128xi32, #tpu.memory_space<vmem>>) target_semaphore(%arg38 : memref<!tpu.dma_semaphore, #tpu.memory_space<semaphore_mem>>)
        } else {
        }
        %dma_wait3A_296 = arith.constant 0 : i32
        %dma_wait3A_297 = arith.constant 0 : i32
        %dma_wait3A_298 = tpu.memref_slice %arg3[%dma_wait3A_296, %dma_wait3A_297] : memref<10000x128xbf16, #tpu.memory_space<hbm>> -> memref<10000x128xbf16, #tpu.memory_space<hbm>>
        tpu.wait_indirect_dma semaphore(%arg33 : memref<!tpu.dma_semaphore, #tpu.memory_space<semaphore_mem>>) src(%dma_wait3A_298 : memref<10000x128xbf16, #tpu.memory_space<hbm>>) dst(%arg19 : memref<128x128xbf16, #tpu.memory_space<vmem>>)
        %dma_start3A_299 = arith.constant 0 : i32
        %dma_start3A_300 = arith.constant 0 : i32
        %dma_start3A_301 = tpu.memref_slice %arg12[%dma_start3A_299, %dma_start3A_300] : memref<10080x128xbf16, #tpu.memory_space<vmem_shared>> -> memref<10080x128xbf16, #tpu.memory_space<vmem_shared>>
        tpu.enqueue_indirect_dma source(%arg19 : memref<128x128xbf16, #tpu.memory_space<vmem>>) target(%dma_start3A_301 : memref<10080x128xbf16, #tpu.memory_space<vmem_shared>>) offsets(%arg17 : memref<128xi32, #tpu.memory_space<vmem>>) semaphore(%arg37 : memref<!tpu.dma_semaphore, #tpu.memory_space<semaphore_mem>>) {add = true}
        %add3A_302 = arith.constant 1 : i32
        %add3A_303 = arith.addi %add3A_278, %add3A_302 : i32
        %lt3A_304 = arith.constant 80 : i32
        %lt3A_305 = arith.cmpi slt, %add3A_303, %lt3A_304 : i32
        %convert_element_type3A_306 = arith.extui %lt3A_305 : i1 to i32
        %cond3A_307 = arith.constant 0 : i32
        %cond3A_308 = arith.cmpi ne, %convert_element_type3A_306, %cond3A_307 : i32
        scf.if %cond3A_308 {
          %dma_wait3A_310 = tpu.memref_slice %arg4[%add3A_283] : memref<163840xi32, #tpu.memory_space<hbm>> -> memref<128xi32, #tpu.memory_space<hbm>>
          %dma_wait3A_311 = tpu.memref_slice %arg4[%add3A_283] : memref<163840xi32, #tpu.memory_space<hbm>> -> memref<128xi32, #tpu.memory_space<hbm>>
          tpu.wait_dma2 semaphore(%arg38 : memref<!tpu.dma_semaphore, #tpu.memory_space<semaphore_mem>>) src(%dma_wait3A_311 : memref<128xi32, #tpu.memory_space<hbm>>) dst(%arg14 : memref<128xi32, #tpu.memory_space<vmem>>)
          %dma_wait3A_312 = tpu.memref_slice %arg5[%add3A_283] : memref<163840xi32, #tpu.memory_space<hbm>> -> memref<128xi32, #tpu.memory_space<hbm>>
          %dma_wait3A_313 = tpu.memref_slice %arg5[%add3A_283] : memref<163840xi32, #tpu.memory_space<hbm>> -> memref<128xi32, #tpu.memory_space<hbm>>
          tpu.wait_dma2 semaphore(%arg38 : memref<!tpu.dma_semaphore, #tpu.memory_space<semaphore_mem>>) src(%dma_wait3A_313 : memref<128xi32, #tpu.memory_space<hbm>>) dst(%arg16 : memref<128xi32, #tpu.memory_space<vmem>>)
          %dma_start3A_314 = arith.constant 0 : i32
          %dma_start3A_315 = arith.constant 0 : i32
          %dma_start3A_316 = tpu.memref_slice %arg3[%dma_start3A_314, %dma_start3A_315] : memref<10000x128xbf16, #tpu.memory_space<hbm>> -> memref<10000x128xbf16, #tpu.memory_space<hbm>>
          tpu.enqueue_indirect_dma source(%dma_start3A_316 : memref<10000x128xbf16, #tpu.memory_space<hbm>>) target(%arg18 : memref<128x128xbf16, #tpu.memory_space<vmem>>) offsets(%arg14 : memref<128xi32, #tpu.memory_space<vmem>>) semaphore(%arg32 : memref<!tpu.dma_semaphore, #tpu.memory_space<semaphore_mem>>)
        } else {
        }
        %scan3A_309 = arith.constant 0 : i32
        scf.yield %scan3A_309 : i32
      }
      %scan3A_81 = arith.constant 20 : i32
      %dma_wait3A = arith.constant 0 : i32
      %dma_wait3A_82 = arith.constant 0 : i32
      %dma_wait3A_83 = tpu.memref_slice %arg12[%dma_wait3A, %dma_wait3A_82] : memref<10080x128xbf16, #tpu.memory_space<vmem_shared>> -> memref<10080x128xbf16, #tpu.memory_space<vmem_shared>>
      tpu.wait_indirect_dma semaphore(%arg37 : memref<!tpu.dma_semaphore, #tpu.memory_space<semaphore_mem>>) src(%arg19 : memref<128x128xbf16, #tpu.memory_space<vmem>>) dst(%dma_wait3A_83 : memref<10080x128xbf16, #tpu.memory_space<vmem_shared>>)
      %dma_wait3A_84 = arith.constant 0 : i32
      %dma_wait3A_85 = arith.constant 0 : i32
      %dma_wait3A_86 = tpu.memref_slice %arg13[%dma_wait3A_84, %dma_wait3A_85] : memref<10080x16xf32, #tpu.memory_space<vmem_shared>> -> memref<10080x16xf32, #tpu.memory_space<vmem_shared>>
      tpu.wait_indirect_dma semaphore(%arg43 : memref<!tpu.dma_semaphore, #tpu.memory_space<semaphore_mem>>) src(%arg29 : memref<128x16xf32, #tpu.memory_space<vmem>>) dst(%dma_wait3A_86 : memref<10080x16xf32, #tpu.memory_space<vmem_shared>>)
    } else {
    }
    %barrier3A_50 = arith.constant 0 : index
    tpu.barrier barrier_id(%barrier3A_50)
    %eq3A_51 = arith.constant 0 : i32
    %eq3A_52 = arith.cmpi eq, %arg0, %eq3A_51 : i32
    %convert_element_type3A_53 = arith.extui %eq3A_52 : i1 to i32
    %cond3A_54 = arith.constant 0 : i32
    %cond3A_55 = arith.cmpi ne, %convert_element_type3A_53, %cond3A_54 : i32
    scf.if %cond3A_55 {
      "tpu.region"() ({
        %run_scoped3A = tpu.sem_alloc : memref<!tpu.dma_semaphore, #tpu.memory_space<semaphore_mem>>
        %dma_start3A = arith.constant 0 : i32
        %dma_start3A_61 = tpu.memref_slice %arg8[%mul3A_0, %dma_start3A] : memref<10080x128xbf16, #tpu.memory_space<hbm>> -> memref<630x128xbf16, #tpu.memory_space<hbm>>
        %dma_start3A_62 = arith.constant 0 : i32
        %dma_start3A_63 = tpu.memref_slice %arg12[%mul3A_0, %dma_start3A_62] : memref<10080x128xbf16, #tpu.memory_space<vmem_shared>> -> memref<630x128xbf16, #tpu.memory_space<vmem_shared>>
        tpu.enqueue_dma source(%dma_start3A_63 : memref<630x128xbf16, #tpu.memory_space<vmem_shared>>) target(%dma_start3A_61 : memref<630x128xbf16, #tpu.memory_space<hbm>>) target_semaphore(%run_scoped3A : memref<!tpu.dma_semaphore, #tpu.memory_space<semaphore_mem>>)
        %dma_wait3A = arith.constant 0 : i32
        %dma_wait3A_64 = tpu.memref_slice %arg8[%mul3A_0, %dma_wait3A] : memref<10080x128xbf16, #tpu.memory_space<hbm>> -> memref<630x128xbf16, #tpu.memory_space<hbm>>
        %dma_wait3A_65 = arith.constant 0 : i32
        %dma_wait3A_66 = tpu.memref_slice %arg12[%mul3A_0, %dma_wait3A_65] : memref<10080x128xbf16, #tpu.memory_space<vmem_shared>> -> memref<630x128xbf16, #tpu.memory_space<vmem_shared>>
        tpu.wait_dma2 semaphore(%run_scoped3A : memref<!tpu.dma_semaphore, #tpu.memory_space<semaphore_mem>>) src(%dma_wait3A_66 : memref<630x128xbf16, #tpu.memory_space<vmem_shared>>) dst(%dma_wait3A_64 : memref<630x128xbf16, #tpu.memory_space<hbm>>)
        tpu.yield
      }) : () -> ()
      "tpu.region"() ({
        %run_scoped3A = tpu.sem_alloc : memref<!tpu.dma_semaphore, #tpu.memory_space<semaphore_mem>>
        %dma_start3A = arith.constant 0 : i32
        %dma_start3A_61 = tpu.memref_slice %arg10[%mul3A_0, %dma_start3A] : memref<10080x16xf32, #tpu.memory_space<hbm>> -> memref<630x16xf32, #tpu.memory_space<hbm>>
        %dma_start3A_62 = arith.constant 0 : i32
        %dma_start3A_63 = tpu.memref_slice %arg13[%mul3A_0, %dma_start3A_62] : memref<10080x16xf32, #tpu.memory_space<vmem_shared>> -> memref<630x16xf32, #tpu.memory_space<vmem_shared>>
        tpu.enqueue_dma source(%dma_start3A_63 : memref<630x16xf32, #tpu.memory_space<vmem_shared>>) target(%dma_start3A_61 : memref<630x16xf32, #tpu.memory_space<hbm>>) target_semaphore(%run_scoped3A : memref<!tpu.dma_semaphore, #tpu.memory_space<semaphore_mem>>)
        %dma_wait3A = arith.constant 0 : i32
        %dma_wait3A_64 = tpu.memref_slice %arg10[%mul3A_0, %dma_wait3A] : memref<10080x16xf32, #tpu.memory_space<hbm>> -> memref<630x16xf32, #tpu.memory_space<hbm>>
        %dma_wait3A_65 = arith.constant 0 : i32
        %dma_wait3A_66 = tpu.memref_slice %arg13[%mul3A_0, %dma_wait3A_65] : memref<10080x16xf32, #tpu.memory_space<vmem_shared>> -> memref<630x16xf32, #tpu.memory_space<vmem_shared>>
        tpu.wait_dma2 semaphore(%run_scoped3A : memref<!tpu.dma_semaphore, #tpu.memory_space<semaphore_mem>>) src(%dma_wait3A_66 : memref<630x16xf32, #tpu.memory_space<vmem_shared>>) dst(%dma_wait3A_64 : memref<630x16xf32, #tpu.memory_space<hbm>>)
        tpu.yield
      }) : () -> ()
    } else {
    }
    %eq3A_56 = arith.constant 1 : i32
    %eq3A_57 = arith.cmpi eq, %arg0, %eq3A_56 : i32
    %convert_element_type3A_58 = arith.extui %eq3A_57 : i1 to i32
    %cond3A_59 = arith.constant 0 : i32
    %cond3A_60 = arith.cmpi ne, %convert_element_type3A_58, %cond3A_59 : i32
    scf.if %cond3A_60 {
      "tpu.region"() ({
        %run_scoped3A = tpu.sem_alloc : memref<!tpu.dma_semaphore, #tpu.memory_space<semaphore_mem>>
        %dma_start3A = arith.constant 0 : i32
        %dma_start3A_61 = tpu.memref_slice %arg9[%mul3A_0, %dma_start3A] : memref<10080x128xbf16, #tpu.memory_space<hbm>> -> memref<630x128xbf16, #tpu.memory_space<hbm>>
        %dma_start3A_62 = arith.constant 0 : i32
        %dma_start3A_63 = tpu.memref_slice %arg12[%mul3A_0, %dma_start3A_62] : memref<10080x128xbf16, #tpu.memory_space<vmem_shared>> -> memref<630x128xbf16, #tpu.memory_space<vmem_shared>>
        tpu.enqueue_dma source(%dma_start3A_63 : memref<630x128xbf16, #tpu.memory_space<vmem_shared>>) target(%dma_start3A_61 : memref<630x128xbf16, #tpu.memory_space<hbm>>) target_semaphore(%run_scoped3A : memref<!tpu.dma_semaphore, #tpu.memory_space<semaphore_mem>>)
        %dma_wait3A = arith.constant 0 : i32
        %dma_wait3A_64 = tpu.memref_slice %arg9[%mul3A_0, %dma_wait3A] : memref<10080x128xbf16, #tpu.memory_space<hbm>> -> memref<630x128xbf16, #tpu.memory_space<hbm>>
        %dma_wait3A_65 = arith.constant 0 : i32
        %dma_wait3A_66 = tpu.memref_slice %arg12[%mul3A_0, %dma_wait3A_65] : memref<10080x128xbf16, #tpu.memory_space<vmem_shared>> -> memref<630x128xbf16, #tpu.memory_space<vmem_shared>>
        tpu.wait_dma2 semaphore(%run_scoped3A : memref<!tpu.dma_semaphore, #tpu.memory_space<semaphore_mem>>) src(%dma_wait3A_66 : memref<630x128xbf16, #tpu.memory_space<vmem_shared>>) dst(%dma_wait3A_64 : memref<630x128xbf16, #tpu.memory_space<hbm>>)
        tpu.yield
      }) : () -> ()
      "tpu.region"() ({
        %run_scoped3A = tpu.sem_alloc : memref<!tpu.dma_semaphore, #tpu.memory_space<semaphore_mem>>
        %dma_start3A = arith.constant 0 : i32
        %dma_start3A_61 = tpu.memref_slice %arg11[%mul3A_0, %dma_start3A] : memref<10080x16xf32, #tpu.memory_space<hbm>> -> memref<630x16xf32, #tpu.memory_space<hbm>>
        %dma_start3A_62 = arith.constant 0 : i32
        %dma_start3A_63 = tpu.memref_slice %arg13[%mul3A_0, %dma_start3A_62] : memref<10080x16xf32, #tpu.memory_space<vmem_shared>> -> memref<630x16xf32, #tpu.memory_space<vmem_shared>>
        tpu.enqueue_dma source(%dma_start3A_63 : memref<630x16xf32, #tpu.memory_space<vmem_shared>>) target(%dma_start3A_61 : memref<630x16xf32, #tpu.memory_space<hbm>>) target_semaphore(%run_scoped3A : memref<!tpu.dma_semaphore, #tpu.memory_space<semaphore_mem>>)
        %dma_wait3A = arith.constant 0 : i32
        %dma_wait3A_64 = tpu.memref_slice %arg11[%mul3A_0, %dma_wait3A] : memref<10080x16xf32, #tpu.memory_space<hbm>> -> memref<630x16xf32, #tpu.memory_space<hbm>>
        %dma_wait3A_65 = arith.constant 0 : i32
        %dma_wait3A_66 = tpu.memref_slice %arg13[%mul3A_0, %dma_wait3A_65] : memref<10080x16xf32, #tpu.memory_space<vmem_shared>> -> memref<630x16xf32, #tpu.memory_space<vmem_shared>>
        tpu.wait_dma2 semaphore(%run_scoped3A : memref<!tpu.dma_semaphore, #tpu.memory_space<semaphore_mem>>) src(%dma_wait3A_66 : memref<630x16xf32, #tpu.memory_space<vmem_shared>>) dst(%dma_wait3A_64 : memref<630x16xf32, #tpu.memory_space<hbm>>)
        tpu.yield
      }) : () -> ()
    } else {
    }
    return
  }
}

module attributes {stable_mosaic.version = 14 : i64} {
  func.func @_mm_body(%arg0: i32, %arg1: memref<2000x256xf32, #tpu.memory_space<vmem>>, %arg2: memref<2000x16xf32, #tpu.memory_space<vmem>>, %arg3: memref<256x256xf32, #tpu.memory_space<vmem>>, %arg4: memref<16x256xf32, #tpu.memory_space<vmem>>, %arg5: memref<2000x128xbf16, #tpu.memory_space<vmem>>, %arg6: memref<2000x128xbf16, #tpu.memory_space<vmem>>) attributes {dimension_semantics = [#tpu.dimension_semantics<arbitrary>], iteration_bounds = array<i64: 5>, scalar_prefetch = 0 : i64, scratch_operands = 0 : i64, tpu.core_type = #tpu.core_type<tc>, window_params = [{transform_indices = @transform_0, window_bounds = array<i64: 2000, 256>}, {transform_indices = @transform_1, window_bounds = array<i64: 2000, 16>}, {pipeline_mode = #tpu.pipeline_mode<synchronous>, transform_indices = @transform_2, window_bounds = array<i64: 256, 256>}, {pipeline_mode = #tpu.pipeline_mode<synchronous>, transform_indices = @transform_3, window_bounds = array<i64: 16, 256>}, {transform_indices = @transform_4, window_bounds = array<i64: 2000, 128>}, {transform_indices = @transform_5, window_bounds = array<i64: 2000, 128>}]} {
    %get3A = arith.constant 0 : index
    %get3A_0 = arith.constant 0 : index
    %get3A_1 = vector.load %arg1[%get3A, %get3A_0] : memref<2000x256xf32, #tpu.memory_space<vmem>>, vector<2000x256xf32>
    %get3A_2 = arith.constant 0 : index
    %get3A_3 = arith.constant 0 : index
    %get3A_4 = vector.load %arg3[%get3A_2, %get3A_3] : memref<256x256xf32, #tpu.memory_space<vmem>>, vector<256x256xf32>
    %dot_general3A = arith.constant dense<0.000000e+00> : vector<2000x256xf32>
    %dot_general3A_5 = tpu.matmul %get3A_1, %get3A_4, %dot_general3A {dimension_numbers = #tpu.dot_dimension_numbers<[1], [0], [0], [1], [0, 0, 1, 1], [], []>, transpose_lhs_hint = false} : vector<2000x256xf32>, vector<256x256xf32>, vector<2000x256xf32> -> vector<2000x256xf32>
    %get3A_6 = arith.constant 0 : index
    %get3A_7 = arith.constant 0 : index
    %get3A_8 = vector.load %arg2[%get3A_6, %get3A_7] : memref<2000x16xf32, #tpu.memory_space<vmem>>, vector<2000x16xf32>
    %get3A_9 = arith.constant 0 : index
    %get3A_10 = arith.constant 0 : index
    %get3A_11 = vector.load %arg4[%get3A_9, %get3A_10] : memref<16x256xf32, #tpu.memory_space<vmem>>, vector<16x256xf32>
    %dot_general3A_12 = arith.constant dense<0.000000e+00> : vector<2000x256xf32>
    %dot_general3A_13 = tpu.matmul %get3A_8, %get3A_11, %dot_general3A_12 {dimension_numbers = #tpu.dot_dimension_numbers<[1], [0], [0], [1], [0, 0, 1, 1], [], []>, transpose_lhs_hint = false} : vector<2000x16xf32>, vector<16x256xf32>, vector<2000x256xf32> -> vector<2000x256xf32>
    %add3A = arith.addf %dot_general3A_5, %dot_general3A_13 : vector<2000x256xf32>
    %slice3A = vector.extract_strided_slice %add3A {offsets = [0, 0], sizes = [2000, 128], strides = [1, 1]} : vector<2000x256xf32> to vector<2000x128xf32>
    %convert_element_type3A = arith.truncf %slice3A : vector<2000x128xf32> to vector<2000x128xbf16>
    %swap3A = arith.constant 0 : index
    %swap3A_14 = arith.constant 0 : index
    %swap3A_15 = vector.load %arg5[%swap3A, %swap3A_14] : memref<2000x128xbf16, #tpu.memory_space<vmem>>, vector<2000x128xbf16>
    tpu.vector_store %arg5[%swap3A, %swap3A_14], %convert_element_type3A {strides = array<i32>} : memref<2000x128xbf16, #tpu.memory_space<vmem>>, vector<2000x128xbf16>,
    %slice3A_16 = vector.extract_strided_slice %add3A {offsets = [0, 128], sizes = [2000, 128], strides = [1, 1]} : vector<2000x256xf32> to vector<2000x128xf32>
    %convert_element_type3A_17 = arith.truncf %slice3A_16 : vector<2000x128xf32> to vector<2000x128xbf16>
    %swap3A_18 = arith.constant 0 : index
    %swap3A_19 = arith.constant 0 : index
    %swap3A_20 = vector.load %arg6[%swap3A_18, %swap3A_19] : memref<2000x128xbf16, #tpu.memory_space<vmem>>, vector<2000x128xbf16>
    tpu.vector_store %arg6[%swap3A_18, %swap3A_19], %convert_element_type3A_17 {strides = array<i32>} : memref<2000x128xbf16, #tpu.memory_space<vmem>>, vector<2000x128xbf16>,
    return
  }
  func.func @transform_0(%arg0: i32) -> (i32, i32) {
    %c0_i32 = arith.constant 0 : i32
    %c0_i32_0 = arith.constant 0 : i32
    return %arg0, %c0_i32 : i32, i32
  }
  func.func @transform_1(%arg0: i32) -> (i32, i32) {
    %c0_i32 = arith.constant 0 : i32
    %c0_i32_0 = arith.constant 0 : i32
    return %arg0, %c0_i32 : i32, i32
  }
  func.func @transform_2(%arg0: i32) -> (i32, i32) {
    %c0_i32 = arith.constant 0 : i32
    %c0_i32_0 = arith.constant 0 : i32
    %c0_i32_1 = arith.constant 0 : i32
    return %c0_i32, %c0_i32_0 : i32, i32
  }
  func.func @transform_3(%arg0: i32) -> (i32, i32) {
    %c0_i32 = arith.constant 0 : i32
    %c0_i32_0 = arith.constant 0 : i32
    %c0_i32_1 = arith.constant 0 : i32
    return %c0_i32, %c0_i32_0 : i32, i32
  }
  func.func @transform_4(%arg0: i32) -> (i32, i32) {
    %c0_i32 = arith.constant 0 : i32
    %c0_i32_0 = arith.constant 0 : i32
    return %arg0, %c0_i32 : i32, i32
  }
  func.func @transform_5(%arg0: i32) -> (i32, i32) {
    %c0_i32 = arith.constant 0 : i32
    %c0_i32_0 = arith.constant 0 : i32
    return %arg0, %c0_i32 : i32, i32
  }
}

module attributes {stable_mosaic.version = 14 : i64} {
  func.func @_fin_body(%arg0: i32, %arg1: memref<2000x128xbf16, #tpu.memory_space<vmem>>, %arg2: memref<2000x128xbf16, #tpu.memory_space<vmem>>, %arg3: memref<2000x16xf32, #tpu.memory_space<vmem>>, %arg4: memref<2000x16xf32, #tpu.memory_space<vmem>>, %arg5: memref<2000x1xf32, #tpu.memory_space<vmem>>, %arg6: memref<512x288xf32, #tpu.memory_space<vmem>>, %arg7: memref<1x512xf32, #tpu.memory_space<vmem>>, %arg8: memref<2000x256xf32, #tpu.memory_space<vmem>>, %arg9: memref<2000x1xf32, #tpu.memory_space<vmem>>) attributes {dimension_semantics = [#tpu.dimension_semantics<arbitrary>], iteration_bounds = array<i64: 5>, scalar_prefetch = 0 : i64, scratch_operands = 0 : i64, tpu.core_type = #tpu.core_type<tc>, window_params = [{transform_indices = @transform_0, window_bounds = array<i64: 2000, 128>}, {transform_indices = @transform_1, window_bounds = array<i64: 2000, 128>}, {transform_indices = @transform_2, window_bounds = array<i64: 2000, 16>}, {transform_indices = @transform_3, window_bounds = array<i64: 2000, 16>}, {transform_indices = @transform_4, window_bounds = array<i64: 2000, 1>}, {pipeline_mode = #tpu.pipeline_mode<synchronous>, transform_indices = @transform_5, window_bounds = array<i64: 512, 288>}, {pipeline_mode = #tpu.pipeline_mode<synchronous>, transform_indices = @transform_6, window_bounds = array<i64: 1, 512>}, {transform_indices = @transform_7, window_bounds = array<i64: 2000, 256>}, {transform_indices = @transform_8, window_bounds = array<i64: 2000, 1>}]} {
    %get3A = arith.constant 0 : index
    %get3A_0 = arith.constant 0 : index
    %get3A_1 = vector.load %arg7[%get3A, %get3A_0] : memref<1x512xf32, #tpu.memory_space<vmem>>, vector<1x512xf32>
    %get3A_2 = arith.constant 0 : index
    %get3A_3 = arith.constant 0 : index
    %get3A_4 = vector.load %arg6[%get3A_2, %get3A_3] : memref<512x288xf32, #tpu.memory_space<vmem>>, vector<512x288xf32>
    %dot_general3A = arith.constant dense<0.000000e+00> : vector<1x288xf32>
    %dot_general3A_5 = tpu.matmul %get3A_1, %get3A_4, %dot_general3A {dimension_numbers = #tpu.dot_dimension_numbers<[1], [0], [0], [1], [0, 0, 1, 1], [], []>, transpose_lhs_hint = false} : vector<1x512xf32>, vector<512x288xf32>, vector<1x288xf32> -> vector<1x288xf32>
    %get3A_6 = arith.constant 0 : index
    %get3A_7 = arith.constant 0 : index
    %get3A_8 = vector.load %arg1[%get3A_6, %get3A_7] : memref<2000x128xbf16, #tpu.memory_space<vmem>>, vector<2000x128xbf16>
    %get3A_9 = arith.constant 0 : index
    %get3A_10 = arith.constant 0 : index
    %get3A_11 = vector.load %arg2[%get3A_9, %get3A_10] : memref<2000x128xbf16, #tpu.memory_space<vmem>>, vector<2000x128xbf16>
    %concatenate3A = tpu.concatenate %get3A_8, %get3A_11 in 1 : vector<2000x128xbf16>, vector<2000x128xbf16> -> vector<2000x256xbf16>
    %convert_element_type3A = arith.extf %concatenate3A : vector<2000x256xbf16> to vector<2000x256xf32>
    %swap3A = arith.constant 0 : index
    %swap3A_12 = arith.constant 0 : index
    %swap3A_13 = vector.load %arg8[%swap3A, %swap3A_12] : memref<2000x256xf32, #tpu.memory_space<vmem>>, vector<2000x256xf32>
    tpu.vector_store %arg8[%swap3A, %swap3A_12], %convert_element_type3A {strides = array<i32>} : memref<2000x256xf32, #tpu.memory_space<vmem>>, vector<2000x256xf32>,
    %get3A_14 = arith.constant 0 : index
    %get3A_15 = arith.constant 0 : index
    %get3A_16 = vector.load %arg3[%get3A_14, %get3A_15] : memref<2000x16xf32, #tpu.memory_space<vmem>>, vector<2000x16xf32>
    %get3A_17 = arith.constant 0 : index
    %get3A_18 = arith.constant 0 : index
    %get3A_19 = vector.load %arg4[%get3A_17, %get3A_18] : memref<2000x16xf32, #tpu.memory_space<vmem>>, vector<2000x16xf32>
    %concatenate3A_20 = tpu.concatenate %convert_element_type3A, %get3A_16, %get3A_19 in 1 : vector<2000x256xf32>, vector<2000x16xf32>, vector<2000x16xf32> -> vector<2000x288xf32>
    %dot_general3A_21 = arith.constant dense<0.000000e+00> : vector<2000x1xf32>
    %dot_general3A_22 = tpu.matmul %concatenate3A_20, %dot_general3A_5, %dot_general3A_21 {dimension_numbers = #tpu.dot_dimension_numbers<[1], [1], [0], [0], [0, 0, 1, 0], [], []>, transpose_lhs_hint = false} : vector<2000x288xf32>, vector<1x288xf32>, vector<2000x1xf32> -> vector<2000x1xf32>
    %get3A_23 = arith.constant 0 : index
    %get3A_24 = arith.constant 0 : index
    %get3A_25 = vector.load %arg5[%get3A_23, %get3A_24] : memref<2000x1xf32, #tpu.memory_space<vmem>>, vector<2000x1xf32>
    %add3A = arith.addf %get3A_25, %dot_general3A_22 : vector<2000x1xf32>
    %swap3A_26 = arith.constant 0 : index
    %swap3A_27 = arith.constant 0 : index
    %swap3A_28 = vector.load %arg9[%swap3A_26, %swap3A_27] : memref<2000x1xf32, #tpu.memory_space<vmem>>, vector<2000x1xf32>
    tpu.vector_store %arg9[%swap3A_26, %swap3A_27], %add3A {strides = array<i32>} : memref<2000x1xf32, #tpu.memory_space<vmem>>, vector<2000x1xf32>,
    return
  }
  func.func @transform_0(%arg0: i32) -> (i32, i32) {
    %c0_i32 = arith.constant 0 : i32
    %c0_i32_0 = arith.constant 0 : i32
    return %arg0, %c0_i32 : i32, i32
  }
  func.func @transform_1(%arg0: i32) -> (i32, i32) {
    %c0_i32 = arith.constant 0 : i32
    %c0_i32_0 = arith.constant 0 : i32
    return %arg0, %c0_i32 : i32, i32
  }
  func.func @transform_2(%arg0: i32) -> (i32, i32) {
    %c0_i32 = arith.constant 0 : i32
    %c0_i32_0 = arith.constant 0 : i32
    return %arg0, %c0_i32 : i32, i32
  }
  func.func @transform_3(%arg0: i32) -> (i32, i32) {
    %c0_i32 = arith.constant 0 : i32
    %c0_i32_0 = arith.constant 0 : i32
    return %arg0, %c0_i32 : i32, i32
  }
  func.func @transform_4(%arg0: i32) -> (i32, i32) {
    %c0_i32 = arith.constant 0 : i32
    %c0_i32_0 = arith.constant 0 : i32
    return %arg0, %c0_i32 : i32, i32
  }
  func.func @transform_5(%arg0: i32) -> (i32, i32) {
    %c0_i32 = arith.constant 0 : i32
    %c0_i32_0 = arith.constant 0 : i32
    %c0_i32_1 = arith.constant 0 : i32
    return %c0_i32, %c0_i32_0 : i32, i32
  }
  func.func @transform_6(%arg0: i32) -> (i32, i32) {
    %c0_i32 = arith.constant 0 : i32
    %c0_i32_0 = arith.constant 0 : i32
    %c0_i32_1 = arith.constant 0 : i32
    return %c0_i32, %c0_i32_0 : i32, i32
  }
  func.func @transform_7(%arg0: i32) -> (i32, i32) {
    %c0_i32 = arith.constant 0 : i32
    %c0_i32_0 = arith.constant 0 : i32
    return %arg0, %c0_i32 : i32, i32
  }
  func.func @transform_8(%arg0: i32) -> (i32, i32) {
    %c0_i32 = arith.constant 0 : i32
    %c0_i32_0 = arith.constant 0 : i32
    return %arg0, %c0_i32 : i32, i32
  }
}

</mosaic_0001>

<sc_bundles>
// kernel: kernel.5.cloned.1.call-start
scs
__scs_entry_jumppad:
0x0: {  	(pc) =	sbr.rel $0x88, $3  }
0x1: {  	(tag) =	ssettag $0x0;
	lr =	simm.s32 $0x1  }
0x2: {  	[smem:$0x3F97] =	sst lr;
	_ =	strace $0xD0000000  }
0x3: {  	_ = 	snop  }
0x4: {  	_ = 	snop  }
0x5: {  	_ = 	snop  }
0x6: {  	_ = 	snop  }
0x7: {  	_ = 	snop  }
__scs_overlays_trampoline_lowered:
0x8: {  	[smem:$0x3FA6] =	sst s0  }
0x9: {  	[smem:$0x3FA7] =	sst s1  }
0xa: {  	[smem:$0x3FA8] =	sst s2  }
0xb: {  	[smem:$0x3FA9] =	sst s3  }
0xc: {  	[smem:$0x3FAA] =	sst s4  }
0xd: {  	[smem:$0x3FAB] =	sst s5  }
0xe: {  	[smem:$0x3FAC] =	sst s6  }
0xf: {  	[smem:$0x3FAD] =	sst s7  }
0x10: {  	[smem:$0x3FAE] =	sst s8  }
0x11: {  	[smem:$0x3FAF] =	sst s9;
	s0 =	simm.s32 @!p0 $0x0  }
0x12: {  	s1 =	sld [smem:$0x3F95];
	s0 =	simm.s32 @p0 $0x1  }
0x13: {  	[smem:$0x3FB0] =	sst s0;
	s0 =	simm.s32 @!p1 $0x0  }
0x14: {  	s2 =	sld [smem:$0x3F94];
	s0 =	simm.s32 @p1 $0x1  }
0x15: {  	[smem:$0x3FB1] =	sst s0;
	s0 =	simm.s32 @!p2 $0x0  }
0x16: {  	s3 =	sld [smem:$0x3FDB];
	s0 =	simm.s32 @p2 $0x1  }
0x17: {  	s4 =	simm.s32 $0x1BF5;
	[smem:$0x3FB3] =	sst s0  }
0x18: {  	s0 =	sld [smem:$0x3F96];
	_ =	swait.ge [sflag:s4], $0x0  }
0x19: {  	s7 =	sld [smem:$0x3F97]  }
0x1a: {  	s8 =	sadd.s32 $0xFFFFE003, lr  }
0x1b: {  	s9 =	sadd.s32 $0xFFFFFEF7, lr;
	s5 =	simm.s32 $0xFFFFFFFF;
	p2 =	slt.u32 s8, $0xFFFFF086  }
0x1c: {  	p1 =	slt.u32 s9, $0xF7A;
	s5 =	simm.s32 @!p2 $0x0  }
0x1d: {  	s5 =	simm.s32 @p1 $0x1;
	p0 =	seq.s32 s7, s2  }
0x1e: {  	s7 =	smul.u32 @!p0 $0xF7A, s2;
	p2 =	seq.s32 @!p0 s5, $0x0  }
0x1f: {  	s9 =	smul.u32 $0xF7A, s1;
	s8 =	simm.s32 @!p0 $0x1BF5;
	p2 =	por !p2, p0  }
0x20: {  	[sflag:s8] =	ssyncset.s32 @!p0 $0xFFFFF086;
	s6 =	sadd.s32 @!p0 s3, s7;
	s7 =	simm.s32 @!p0 $0x108  }
0x21: {  	s3 =	sadd.s32 s3, s9;
	s6 =	sadd.s32 @!p0 $0x88, s6;
	s7 =	simm.s32 @p2 $0x1082  }
0x22: {  	[simem:s7], [sflag:s8] =	dma.local @!p0 [hbm:s6], $0xF7A  }
0x23: {  	s9 =	sor.u32 $0xD0000000, s2;
	s6 =	simm.s32 $0x108;
	_ =	swait.ge @!p0 [sflag:s8], $0x0  }
0x24: {  	s3 =	sadd.s32 $0x88, s3;
	s6 =	simm.s32 @!p1 $0x1082;
	[sflag:s4] =	ssyncset.s32 $0xFFFFF086  }
0x25: {  	[simem:s6], [sflag:s4] =	dma.local [hbm:s3], $0xF7A  }
0x26: {  	[smem:$0x3F97] =	sst s1;
	(tag) =	ssettag s2;
	_ =	strace s9  }
0x27: {  	s1 =	sld [smem:$0x3FA7]  }
0x28: {  	s2 =	sld [smem:$0x3FA8]  }
0x29: {  	s4 =	sld [smem:$0x3FAA]  }
0x2a: {  	p0 =	seq.s32 s5, $0x0;
	s5 =	sld [smem:$0x3FAB]  }
0x2b: {  	s6 =	sld [smem:$0x3FAC]  }
0x2c: {  	s7 =	sld [smem:$0x3FAD]  }
0x2d: {  	s3 =	simm.s32 $0x108;
	s8 =	sld [smem:$0x3FAE]  }
0x2e: {  	s3 =	simm.s32 @!p0 $0x1082;
	s9 =	sld [smem:$0x3FAF]  }
0x2f: {  	lr =	sadd.s32 s0, s3;
	s0 =	sld [smem:$0x3FA6]  }
0x30: {  	s3 =	sld [smem:$0x3FA9]  }
0x31: {  	[smem:$0x3FB2] =	sst s10  }
0x32: {  	s10 =	sld [smem:$0x3FB0];
	_ =	sdelay $0x3  }
0x33: {  	p0 =	seq.s32 s10, $0x1;
	s10 =	sld [smem:$0x3FB2];
	_ =	sdelay $0x3  }
0x34: {  	[smem:$0x3FB2] =	sst s10  }
0x35: {  	s10 =	sld [smem:$0x3FB1];
	_ =	sdelay $0x3  }
0x36: {  	p1 =	seq.s32 s10, $0x1;
	s10 =	sld [smem:$0x3FB2];
	_ =	sdelay $0x3  }
0x37: {  	[smem:$0x3FB2] =	sst s10  }
0x38: {  	s10 =	sld [smem:$0x3FB3]  }
0x39: {  	_ = 	snop;
	(pc) =	sbr.ind lr, $3  }
0x3a: {  	_ = 	snop  }
0x3b: {  	_ = 	snop  }
0x3c: {  	p2 =	seq.s32 s10, $0x1;
	s10 =	sld [smem:$0x3FB2]  }
0x3d: {  	_ =	shalt  }
0x3e: {  	_ =	shalt  }
0x3f: {  	_ =	shalt  }
0x40: {  	_ =	shalt  }
0x41: {  	_ =	shalt  }
0x42: {  	_ =	shalt  }
0x43: {  	_ =	shalt  }
0x44: {  	_ =	shalt  }
0x45: {  	_ =	shalt  }
0x46: {  	_ =	shalt  }
0x47: {  	_ =	shalt  }
0x48: {  	_ =	shalt  }
0x49: {  	_ =	shalt  }
0x4a: {  	_ =	shalt  }
0x4b: {  	_ =	shalt  }
0x4c: {  	_ =	shalt  }
0x4d: {  	_ =	shalt  }
0x4e: {  	_ =	shalt  }
0x4f: {  	_ =	shalt  }
0x50: {  	_ =	shalt  }
0x51: {  	_ =	shalt  }
0x52: {  	_ =	shalt  }
0x53: {  	_ =	shalt  }
0x54: {  	_ =	shalt  }
0x55: {  	_ =	shalt  }
0x56: {  	_ =	shalt  }
0x57: {  	_ =	shalt  }
0x58: {  	_ =	shalt  }
0x59: {  	_ =	shalt  }
0x5a: {  	_ =	shalt  }
0x5b: {  	_ =	shalt  }
0x5c: {  	_ =	shalt  }
0x5d: {  	_ =	shalt  }
0x5e: {  	_ =	shalt  }
0x5f: {  	_ =	shalt  }
0x60: {  	_ =	shalt  }
0x61: {  	_ =	shalt  }
0x62: {  	_ =	shalt  }
0x63: {  	_ =	shalt  }
0x64: {  	_ =	shalt  }
0x65: {  	_ =	shalt  }
0x66: {  	_ =	shalt  }
0x67: {  	_ =	shalt  }
0x68: {  	_ =	shalt  }
0x69: {  	_ =	shalt  }
0x6a: {  	_ =	shalt  }
0x6b: {  	_ =	shalt  }
0x6c: {  	_ =	shalt  }
0x6d: {  	_ =	shalt  }
0x6e: {  	_ =	shalt  }
0x6f: {  	_ =	shalt  }
0x70: {  	_ =	shalt  }
0x71: {  	_ =	shalt  }
0x72: {  	_ =	shalt  }
0x73: {  	_ =	shalt  }
0x74: {  	_ =	shalt  }
0x75: {  	_ =	shalt  }
0x76: {  	_ =	shalt  }
0x77: {  	_ =	shalt  }
0x78: {  	_ =	shalt  }
0x79: {  	_ =	shalt  }
0x7a: {  	_ =	shalt  }
0x7b: {  	_ =	shalt  }
0x7c: {  	_ =	shalt  }
0x7d: {  	_ =	shalt  }
0x7e: {  	_ =	shalt  }
0x7f: {  	_ =	shalt  }
0x80: {  	_ =	shalt  }
0x81: {  	_ =	shalt  }
0x82: {  	_ =	shalt  }
0x83: {  	_ =	shalt  }
0x84: {  	_ =	shalt  }
0x85: {  	_ =	shalt  }
0x86: {  	_ =	shalt  }
0x87: {  	_ =	shalt  }
.Lfunc_end0:
.L_simem_size_0:
called_computation_lowered:
.L_overlay_start_0:
0x88: {  	s2 =	sld [smem:$0x3FD9]  }
0x89: {  	s3 =	sld [smem:$0x3FFE];
	_ =	sdelay $0x1  }
0x8a: {  	s1 =	srdreg.scid  }
0x8b: {  	s0 =	sand.u32 $0x1, s1  }
0x8c: {  	s14 =	sshll.u32 s0, $0xA;
	s2 =	sadd.s32 s3, s2  }
0x8d: {  	s2 =	sadd.s32 s2, s14  }
0x8e: {  	[smem:$0x3FBE] =	sst s2  }
0x8f: {  	_ = 	snop  }
0x90: {  	s2 =	sld [smem:$0x3FD0];
	_ =	sdelay $0x2  }
0x91: {  	s15 =	simm.s32 $0xA;
	s4 =	simm.s32 $0x10  }
0x92: {  	[smem:s4], [sflag:s15] =	dma.local [hbm:s2], $0x1  }
0x93: {  	_ =	swait.eq [sflag:s15], $0x1  }
0x94: {  	[sflag:s15] =	ssyncset.done $0x0  }
0x95: {  	[sflag:s15] =	ssyncadd.s32 $0xFFFFFFFF  }
0x96: {  	s16 =	sld [smem:$0x11];
	(tm) =	ssettm $0x1  }
0x97: {  	s17 =	sld [smem:$0x3FFB];
	_ =	sdelay $0x3  }
0x98: {  	_ =	strace s17  }
0x99: {  	s3 =	sld [smem:$0x3FFC];
	_ =	sdelay $0x3  }
0x9a: {  	_ =	strace s3  }
0x9b: {  	s3 =	sld [smem:$0x3FFD];
	_ =	sdelay $0x3  }
0x9c: {  	_ =	strace s3  }
0x9d: {  	_ =	strace $0x8FFFFFFF  }
0x9e: {  	s18 =	sld [smem:$0x3FDB];
	_ =	sdelay $0x1  }
0x9f: {  	s19 =	simm.s32 $_scs_section_size  }
0xa0: {  	s5 =	simm.s32 $_size__tile_overlayer_lowered;
	s6 =	simm.s32 $_tile_overlayer_lowered  }
0xa1: {  	s22 =	simm.s32 $0x1BFF;
	s21 =	sshll.u32 s6, $0x1;
	s3 =	sadd.s32 s19, s18  }
0xa2: {  	s7 =	simm.s32 $0x0;
	s20 =	sshll.u32 s5, $0x1;
	s5 =	sadd.s32 s21, s3  }
0xa3: {  	[timem:s7], [sflag:s22] =	dma.local [hbm:s5], s20  }
0xa4: {  	_ =	swait.ge [sflag:s22], s20  }
0xa5: {  	s4 =	ssub.s32 $0x0, s20;
	[sflag:s22] =	ssyncset.done $0x0  }
0xa6: {  	[sflag:s22] =	ssyncadd.s32 s4;
	_ =	sdelay $0x1  }
0xa7: {  	s23 =	simm.s32 $0x1B8B  }
0xa8: {  	_ =	swait.ge [sflag:s23], $0x1  }
0xa9: {  	[sflag:s23] =	ssyncset.done $0x0  }
0xaa: {  	s25 =	simm.s32 $0x1B8E;
	s24 =	sld [smem:$0x3FFE];
	[sflag:s23] =	ssyncadd.s32 $0xFFFFFFFF  }
0xab: {  	s26 =	simm.s32 $execute0_lowered;
	[smem:$0x3FD2] =	sst s25  }
0xac: {  	s5 =	sshll.u32 s26, $0x1;
	_ =	strace $0x80000046;
	[dreg:$0x1] =	wrdreg $0xFFFFFFFF  }
0xad: {  	s28 =	simm.s32 $_size_execute0_lowered;
	s3 =	sadd.s32 s3, s5;
	[dreg:$0x0] =	wrdreg $0x0  }
0xae: {  	s5 =	sshll.u32 s28, $0x1;
	[dreg:$0x2] =	wrdreg s3  }
0xaf: {  	[dreg:$0x3] =	wrdreg s5  }
0xb0: {  	[dreg:$0x4] =	wrdreg $0xC0  }
0xb1: {  	_ =	task [dreg:s7], $0x5FFFF  }
0xb2: {  	[dreg:$0x1] =	wrdreg $0xFFFFFFFF  }
0xb3: {  	[dreg:$0x0] =	wrdreg $0x60  }
0xb4: {  	[dreg:$0x2] =	wrdreg s24  }
0xb5: {  	[dreg:$0x3] =	wrdreg s16  }
0xb6: {  	[dreg:$0x4] =	wrdreg $0x0  }
0xb7: {  	[dreg:$0x5] =	wrdreg $0x9D800  }
0xb8: {  	[dreg:$0x6] =	wrdreg $0x9  }
0xb9: {  	_ =	task.clear_ibuf [dreg:s7], $0x7FFFF;
	_ =	strace $0x90000046  }
0xba: {  	s29 =	simm.s32 $0x9;
	_ =	strace $0x80000048  }
0xbb: {  	_ =	swait.ge [sflag:s29], $0x1  }
0xbc: {  	[sflag:s29] =	ssyncadd.s32 $0xFFFFFFFF  }
0xbd: {  	_ =	strace $0x90000048  }
0xbe: {  	_ =	sfence  }
0xbf: {  	s30 =	sld [smem:$0x0];
	_ =	sdelay $0x2  }
0xc0: {  	s31 =	sshll.u32 s1, $0xD;
	s1 =	sshrl.u32 s1, $0x2  }
0xc1: {  	s3 =	sand.u32 $0x4000, s31;
	s1 =	sadd.s32 s1, s30  }
0xc2: {  	s0 =	sor.u32 s3, s0;
	s1 =	sshll.u32 s1, $0x11  }
0xc3: {  	s0 =	sor.u32 s1, s0  }
0xc4: {  	s0 =	sadd.s32 $0x8F2B, s0  }
0xc5: {  	[sflag:s0] =	ssyncadd.remote.s32 $0x1  }
0xc6: {  	_ =	sfence.sel $0xFFFF  }
0xc7: {  	[dreg:$0x0] =	wrdreg $0xFFFFFFFF;
	(pc) =	sbr.abs _section_cstart, $3  }
0xc8: {  	[dreg:$0x1] =	wrdreg $0xFFFFFFFF  }
0xc9: {  	_ =	task.clear_ibuf [dreg:s7], $0x2FFFF;
	_ =	strace $0x9FFFFFFF  }
0xca: {  	(tm) =	ssettm $0x7FFFFFFF  }
0xcb: {  	_ =	shalt  }
tec
execute0_lowered:
.L_overlay_start_1:
0x0: {  	(tag) =	ssettag $0x1  }
0x1: {  	s0 =	rddreg [dreg:$0x0]  }
0x2: {  	s2 =	rddreg [dreg:$0x2]  }
0x3: {  	s17 =	rddreg [dreg:$0x3];
	s4 =	simm.s32 $0x0;
	s1 =	srdreg.scid  }
0x4: {  	s18 =	stileid.u32;
	[smem:$0x7FF] =	sst s4;
	s5 =	sadd.s32 $0x6000, s0  }
0x5: {  	s6 =	sadd.s32 $0x19A00, s0;
	s7 =	sadd.s32 $0x32400, s0;
	s8 =	sadd.s32 $0x37400, s0  }
0x6: {  	s10 =	sadd.s32 $0x2D400, s0;
	s11 =	sadd.s32 $0x1000, s0;
	s3 =	sadd.s32 $0x3C400, s0  }
0x7: {  	s1 =	sand.u32 $0x1, s1;
	s20 =	sadd.s32 $0x50000, s0;
	s9 =	smul.u32 $0x276, s18  }
0x8: {  	s12 =	smul.u32 $0x13B00, s18;
	_ =	strace $0x80000047;
	[dreg:$0x5] =	wrdreg s3  }
0x9: {  	s0 =	sadd.s32 $0x55000, s0;
	s26 =	smul.u32 $0x9D80, s18;
	[dreg:$0x6] =	wrdreg s20  }
0xa: {  	s21 =	ssub.s32 $0x2, s1;
	[dreg:$0x7] =	wrdreg s0;
	p0 =	sne.s32 s1, $0x0  }
0xb: {  	s22 =	sshrl.u32 s21, $0x1;
	s3 =	sadd.s32 $0x7E, s9;
	s13 =	sadd.s32 $0xFC, s9  }
0xc: {  	s14 =	sshrl.u32 s12, $0x1;
	s25 =	sadd.s32 $0x17A, s9;
	s9 =	sadd.s32 $0x1F8, s9  }
0xd: {  	s0 =	ssub.s32 s21, s22;
	s15 =	sshll.u32 s3, $0x6;
	s19 =	sadd.s32 s14, s2  }
0xe: {  	s16 =	sshll.u32 s13, $0x6;
	s23 =	sadd.s32 s15, s2;
	[dreg:$0x8] =	wrdreg s19  }
0xf: {  	s20 =	sshll.u32 s25, $0x6;
	s24 =	sadd.s32 s16, s2;
	[dreg:$0x9] =	wrdreg s23  }
0x10: {  	s21 =	sshll.u32 s9, $0x6;
	s1 =	sadd.s32 s20, s2;
	[dreg:$0xa] =	wrdreg s24  }
0x11: {  	s3 =	sshll.u32 s3, $0x4;
	s22 =	sadd.s32 s21, s2;
	[dreg:$0xb] =	wrdreg s1  }
0x12: {  	s13 =	sshll.u32 s13, $0x4;
	s3 =	sadd.s32 s3, s17;
	[dreg:$0xc] =	wrdreg s22  }
0x13: {  	s25 =	sshll.u32 s25, $0x4;
	s0 =	smax.u32 s0, $0x1;
	[dreg:$0xd] =	wrdreg s3  }
0x14: {  	s23 =	sshrl.u32 s26, $0x2;
	s24 =	sadd.s32 s13, s17;
	[smem:$0x7FC] =	sst s0  }
0x15: {  	s3 =	sadd.s32 s25, s17;
	s26 =	sshll.u32 s9, $0x4;
	[dreg:$0xe] =	wrdreg s24  }
0x16: {  	s1 =	sadd.s32 s23, s17;
	[dreg:$0xf] =	wrdreg s3;
	s3 =	sadd.s32 s26, s17  }
0x17: {  	[dreg:$0x10] =	wrdreg s3;
	s13 =	sadd.s32 $0x3F0, s1  }
0x18: {  	s14 =	sadd.s32 $0xBD0, s1;
	[dreg:$0x11] =	wrdreg s13  }
0x19: {  	s15 =	sadd.s32 $0x13B0, s1;
	[dreg:$0x12] =	wrdreg s14  }
0x1a: {  	s9 =	smul.u32 $0x2800, s18;
	s16 =	sadd.s32 $0x1B90, s1;
	[dreg:$0x13] =	wrdreg s15  }
0x1b: {  	s25 =	smul.u32 $0x2760, s18;
	s1 =	sadd.s32 $0x2370, s1;
	[dreg:$0x14] =	wrdreg s16  }
0x1c: {  	s3 =	smul.u32 $0x1400, s18;
	s26 =	sor.u32 $0x80, s9;
	[dreg:$0x15] =	wrdreg s1  }
0x1d: {  	s20 =	sshrl.u32 s9, $0x3;
	s18 =	sshrl.u32 s12, $0x4;
	[dreg:$0x1b] =	wrdreg s26  }
0x1e: {  	s21 =	sadd.s32 s7, s20;
	[dreg:$0x1f] =	wrdreg s18  }
0x1f: {  	s28 =	simm.s32 $0x80;
	s1 =	sadd.s32 s8, s20;
	[dreg:$0x16] =	wrdreg s21  }
0x20: {  	s31 =	simm.s32 $0xC560;
	s15 =	sor.u32 $0x100, s9;
	[dreg:$0x17] =	wrdreg s1  }
0x21: {  	s29 =	simm.s32 $0xC660;
	s16 =	sor.u32 $0x180, s9;
	[dreg:$0x1c] =	wrdreg s15  }
0x22: {  	s30 =	simm.s32 $0x2;
	s9 =	sor.u32 $0x200, s9;
	[dreg:$0x1d] =	wrdreg s16  }
0x23: {  	s12 =	simm.s32 $0x1;
	s14 =	sadd.s32 s25, s17;
	[dreg:$0x1e] =	wrdreg s9  }
0x24: {  	s13 =	sshrl.u32 s3, $0x3;
	s26 =	sor.u32 $0x100, s3;
	[smem:$0x7FD] =	sst s14  }
0x25: {  	s17 =	simm.s32 $0x5;
	s20 =	sadd.s32 s7, s13;
	[smem:$0x7FB] =	sst s26  }
0x26: {  	s22 =	sadd.s32 $0x2800, s13;
	s21 =	sadd.s32 s8, s13;
	[smem:$0x7F5] =	sst s20  }
0x27: {  	s18 =	simm.s32 $0x0;
	s23 =	sadd.s32 s7, s22;
	[smem:$0x7F6] =	sst s21  }
0x28: {  	s15 =	simm.s32 $0xF;
	s24 =	sadd.s32 s8, s22;
	[dreg:$0x18] =	wrdreg s23  }
0x29: {  	s16 =	simm.s32 $0x8;
	s1 =	sadd.s32 s10, s22;
	[dreg:$0x19] =	wrdreg s24  }
0x2a: {  	s26 =	simm.s32 $0xC5E0;
	s22 =	sadd.s32 s10, s13;
	[dreg:$0x1a] =	wrdreg s1  }
0x2b: {  	s21 =	simm.s32 $0xE6E0;
	s1 =	sshrl.u32 s25, $0x3;
	[smem:$0x7F7] =	sst s22  }
.Ltmp0:
0x2c: {  	s23 =	sadd.s32 $0x14080, s3;
	[smem:$0x7F4] =	sst s1;
	(pc) =	sbr.rel .LBB2_1-.Ltmp0, $4  }
0x2d: {  	s20 =	simm.s32 $0xE;
	s24 =	sadd.s32 $0x14100, s3;
	[smem:$0x7F8] =	sst s23  }
0x2e: {  	s25 =	sor.u32 $0x80, s3;
	s22 =	simm.s32 $0xC6E0;
	[smem:$0x7F9] =	sst s24  }
0x2f: {  	s3 =	simm.s32 $0x6;
	[smem:$0x7FA] =	sst s25;
	s25 =	simm.s32 $0xC4E0  }
0x30: {  	v0 =	vimm.bf16 $0.0e+00;
	v1 =	vimm.f32 $0.0e+00;
	s23 =	simm.s32 $0x10860;
	s24 =	simm.s32 $0x7;
	s1 =	simm.s32 $0xB  }
.LBB2_20:
0x31: {  	s9 =	rddreg [dreg:$0x5]  }
0x32: {  	s0 =	rddreg [dreg:$0x7]  }
0x33: {  	s19 =	rddreg [dreg:$0x8]  }
0x34: {  	s18 =	sld [smem:$0x7F3]  }
.LBB2_21:
0x35: {  	_ =	swait.ge [sflag:s30], $0x2000  }
0x36: {  	[sflag:s30] =	ssyncset.done $0x0  }
0x37: {  	[sflag:s30] =	ssyncadd.s32 $0xFFFFE000  }
0x38: {  	[spmem:s2] =	stream.indirect.scatter.add.bf16 [tilespmem:s21], [sflag:$0x6], $0x40, s29, s28, $0xb8;
	[tilespmem:$0x139E0] =	vst v63  }
0x39: {  	_ =	swait.ge [sflag:s3], $0x2000  }
0x3a: {  	[sflag:s3] =	ssyncset.done $0x0  }
0x3b: {  	s14 =	simm.s32 $0xC;
	[sflag:s3] =	ssyncadd.s32 $0xFFFFE000  }
0x3c: {  	_ =	swait.ge [sflag:s14], $0x800  }
0x3d: {  	[sflag:s14] =	ssyncset.done $0x0  }
0x3e: {  	s13 =	rddreg [dreg:$0x1f];
	[sflag:s14] =	ssyncadd.s32 $0xFFFFF800;
	s14 =	stileid.u32  }
0x3f: {  	s9 =	sadd.s32 s9, s13;
	s13 =	sshll.u32 s14, $0x6  }
0x40: {  	s15 =	sshrl.u32 s19, $0x3;
	[bflag:$0x0] =	sbarrier.arrive $0xFFFF;
	s13 =	sor.u32 $0x1C0F, s13  }
0x41: {  	[hbm:s9], [sflag:s13] =	dma.local [spmem:s15], $0x13B0  }
0x42: {  	s15 =	simm.s32 $0xF  }
0x43: {  	_ =	swait.ge [sflag:s15], $0x13B0  }
0x44: {  	s14 =	sld [smem:$0x7F4];
	_ =	sdelay $0x2  }
0x45: {  	s0 =	sadd.s32 s0, s14;
	s14 =	sld [smem:$0x7FD];
	_ =	sdelay $0x1  }
0x46: {  	[sflag:s15] =	ssyncset.done $0x0  }
0x47: {  	[sflag:s15] =	ssyncadd.s32 $0xFFFFEC50;
	s9 =	sshrl.u32 s14, $0x3  }
0x48: {  	[hbm:s0], [sflag:s13] =	dma.local [spmem:s9], $0x4EC  }
0x49: {  	_ =	swait.ge [sflag:s15], $0x4EC  }
0x4a: {  	s13 =	sld [smem:$0x7FC];
	_ =	sdelay $0x1  }
0x4b: {  	s18 =	sadd.s32 $0x1, s18  }
0x4c: {  	p1 =	sne.s32 s18, s13  }
.Ltmp1:
0x4d: {  	_ = 	snop;
	(pc) =	sbr.rel @!p1 .LBB2_22-.Ltmp1, $3  }
0x4e: {  	_ =	sdelay $0x1  }
0x4f: {  	[sflag:s15] =	ssyncset.done $0x0  }
0x50: {  	[sflag:s15] =	ssyncadd.s32 $0xFFFFFB14  }
.LBB2_1:
0x51: {  	[smem:$0x7F3] =	sst s18;
	s0 =	simm.s32 $0x0  }
.LBB2_2:
0x52: {  	p1 =	sne.s32 s0, $0x7F00  }
.Ltmp2:
0x53: {  	s9 =	sshra.s32 s0, $0x2;
	(pc) =	sbr.rel @p1 .LBB2_2-.Ltmp2, $4  }
0x54: {  	[tilespmem:s9+$0xC6E0] =	vst v0  }
0x55: {  	[tilespmem:s9+$0xC6F0] =	vst v0  }
0x56: {  	[tilespmem:s9+$0xC700] =	vst v0  }
0x57: {  	s0 =	sadd.s32 $0x100, s0;
	[tilespmem:s9+$0xC710] =	vst v0  }
0x58: {  	s0 =	simm.s32 $0x40;
	s9 =	simm.s32 $0x0  }
.LBB2_4:
0x59: {  	p1 =	sne.s32 s0, $0x1FC0;
	[tilespmem:s9+$0x128E0] =	vst v1;
	s9 =	smov.u32 s0;
	s0 =	sadd.s32 $0x40, s0  }
.Ltmp3:
0x5a: {  	(pc) =	sbr.rel @p1 .LBB2_4-.Ltmp3, $2  }
0x5b: {  	_ =	sdelay $0x2  }
0x5c: {  	s9 =	sshra.s32 s9, $0x2  }
0x5d: {  	[tilespmem:s9+$0x128E0] =	vst v1  }
0x5e: {  	[spmem:s19] =	stream.linear.scatter [tilespmem:s22], [sflag:$0xF], $0x1F80, $0x38;
	[tilespmem:$0x139E0] =	vst v63  }
0x5f: {  	_ =	swait.ge [sflag:s15], $0x1F80  }
0x60: {  	[sflag:s15] =	ssyncset.done $0x0  }
0x61: {  	s0 =	rddreg [dreg:$0x9];
	[sflag:s15] =	ssyncadd.s32 $0xFFFFE080  }
0x62: {  	[spmem:s0] =	stream.linear.scatter [tilespmem:s22], [sflag:$0xF], $0x1F80, $0x38;
	[tilespmem:$0x139E0] =	vst v63  }
0x63: {  	_ =	swait.ge [sflag:s15], $0x1F80  }
0x64: {  	[sflag:s15] =	ssyncset.done $0x0  }
0x65: {  	s19 =	rddreg [dreg:$0xa];
	[sflag:s15] =	ssyncadd.s32 $0xFFFFE080  }
0x66: {  	[spmem:s19] =	stream.linear.scatter [tilespmem:s22], [sflag:$0xF], $0x1F80, $0x38;
	[tilespmem:$0x139E0] =	vst v63  }
0x67: {  	_ =	swait.ge [sflag:s15], $0x1F80  }
0x68: {  	[sflag:s15] =	ssyncset.done $0x0  }
0x69: {  	s9 =	rddreg [dreg:$0xb];
	[sflag:s15] =	ssyncadd.s32 $0xFFFFE080  }
0x6a: {  	[spmem:s9] =	stream.linear.scatter [tilespmem:s22], [sflag:$0xF], $0x1F80, $0x38;
	[tilespmem:$0x139E0] =	vst v63  }
0x6b: {  	_ =	swait.ge [sflag:s15], $0x1F80  }
0x6c: {  	[sflag:s15] =	ssyncset.done $0x0  }
0x6d: {  	s13 =	rddreg [dreg:$0xc];
	[sflag:s15] =	ssyncadd.s32 $0xFFFFE080  }
0x6e: {  	[spmem:s13] =	stream.linear.scatter [tilespmem:s22], [sflag:$0xF], $0x1F80, $0x38;
	[tilespmem:$0x139E0] =	vst v63  }
0x6f: {  	_ =	swait.ge [sflag:s15], $0x1F80  }
0x70: {  	[sflag:s15] =	ssyncset.done $0x0  }
0x71: {  	s9 =	simm.s32 $0x128E0;
	[sflag:s15] =	ssyncadd.s32 $0xFFFFE080  }
0x72: {  	[spmem:s14] =	stream.linear.scatter [tilespmem:s9], [sflag:$0xF], $0x3F0, $0x38;
	[tilespmem:$0x139E0] =	vst v63  }
0x73: {  	_ =	swait.ge [sflag:s15], $0x3F0  }
0x74: {  	[sflag:s15] =	ssyncset.done $0x0  }
0x75: {  	s14 =	rddreg [dreg:$0x11];
	[sflag:s15] =	ssyncadd.s32 $0xFFFFFC10  }
0x76: {  	[spmem:s14] =	stream.linear.scatter [tilespmem:s9], [sflag:$0xF], $0x3F0, $0x38;
	[tilespmem:$0x139E0] =	vst v63  }
0x77: {  	_ =	swait.ge [sflag:s15], $0x3F0  }
0x78: {  	[sflag:s15] =	ssyncset.done $0x0  }
0x79: {  	s18 =	rddreg [dreg:$0xd];
	[sflag:s15] =	ssyncadd.s32 $0xFFFFFC10  }
0x7a: {  	[spmem:s18] =	stream.linear.scatter [tilespmem:s9], [sflag:$0xF], $0x3F0, $0x38;
	[tilespmem:$0x139E0] =	vst v63  }
0x7b: {  	_ =	swait.ge [sflag:s15], $0x3F0  }
0x7c: {  	[sflag:s15] =	ssyncset.done $0x0  }
0x7d: {  	s19 =	rddreg [dreg:$0x12];
	[sflag:s15] =	ssyncadd.s32 $0xFFFFFC10  }
0x7e: {  	[spmem:s19] =	stream.linear.scatter [tilespmem:s9], [sflag:$0xF], $0x3F0, $0x38;
	[tilespmem:$0x139E0] =	vst v63  }
0x7f: {  	_ =	swait.ge [sflag:s15], $0x3F0  }
0x80: {  	[sflag:s15] =	ssyncset.done $0x0  }
0x81: {  	s13 =	rddreg [dreg:$0xe];
	[sflag:s15] =	ssyncadd.s32 $0xFFFFFC10  }
0x82: {  	[spmem:s13] =	stream.linear.scatter [tilespmem:s9], [sflag:$0xF], $0x3F0, $0x38;
	[tilespmem:$0x139E0] =	vst v63  }
0x83: {  	_ =	swait.ge [sflag:s15], $0x3F0  }
0x84: {  	[sflag:s15] =	ssyncset.done $0x0  }
0x85: {  	s14 =	rddreg [dreg:$0x13];
	[sflag:s15] =	ssyncadd.s32 $0xFFFFFC10  }
0x86: {  	[spmem:s14] =	stream.linear.scatter [tilespmem:s9], [sflag:$0xF], $0x3F0, $0x38;
	[tilespmem:$0x139E0] =	vst v63  }
0x87: {  	_ =	swait.ge [sflag:s15], $0x3F0  }
0x88: {  	[sflag:s15] =	ssyncset.done $0x0  }
0x89: {  	s18 =	rddreg [dreg:$0xf];
	[sflag:s15] =	ssyncadd.s32 $0xFFFFFC10  }
0x8a: {  	[spmem:s18] =	stream.linear.scatter [tilespmem:s9], [sflag:$0xF], $0x3F0, $0x38;
	[tilespmem:$0x139E0] =	vst v63  }
0x8b: {  	_ =	swait.ge [sflag:s15], $0x3F0  }
0x8c: {  	[sflag:s15] =	ssyncset.done $0x0  }
0x8d: {  	s19 =	rddreg [dreg:$0x14];
	[sflag:s15] =	ssyncadd.s32 $0xFFFFFC10  }
0x8e: {  	[spmem:s19] =	stream.linear.scatter [tilespmem:s9], [sflag:$0xF], $0x3F0, $0x38;
	[tilespmem:$0x139E0] =	vst v63  }
0x8f: {  	_ =	swait.ge [sflag:s15], $0x3F0  }
0x90: {  	[sflag:s15] =	ssyncset.done $0x0  }
0x91: {  	s13 =	rddreg [dreg:$0x10];
	[sflag:s15] =	ssyncadd.s32 $0xFFFFFC10  }
0x92: {  	[spmem:s13] =	stream.linear.scatter [tilespmem:s9], [sflag:$0xF], $0x3F0, $0x38;
	[tilespmem:$0x139E0] =	vst v63  }
0x93: {  	_ =	swait.ge [sflag:s15], $0x3F0  }
0x94: {  	[sflag:s15] =	ssyncset.done $0x0  }
0x95: {  	s14 =	rddreg [dreg:$0x15];
	[sflag:s15] =	ssyncadd.s32 $0xFFFFFC10  }
0x96: {  	[spmem:s14] =	stream.linear.scatter [tilespmem:s9], [sflag:$0xF], $0x3F0, $0x38;
	[tilespmem:$0x139E0] =	vst v63  }
0x97: {  	_ =	swait.ge [sflag:s15], $0x3F0  }
0x98: {  	[sflag:s15] =	ssyncset.done $0x0  }
0x99: {  	[sflag:s15] =	ssyncadd.s32 $0xFFFFFC10  }
0x9a: {  	[bflag:$0x0] =	sbarrier.arrive $0xFFFF  }
0x9b: {  	s18 =	rddreg [dreg:$0x16]  }
0x9c: {  	[tilespmem:s25], [sflag:$0xF] =	stream.linear.gather [hbm4b:s18+s4], $0x80, $0x38;
	[tilespmem:$0x139E0] =	vst v63  }
0x9d: {  	_ =	swait.ge [sflag:s15], $0x80  }
0x9e: {  	[sflag:s15] =	ssyncset.done $0x0  }
.Ltmp4:
0x9f: {  	s19 =	rddreg [dreg:$0x17];
	[sflag:s15] =	ssyncadd.s32 $0xFFFFFF80;
	(pc) =	sbr.rel @p0 .LBB2_14-.Ltmp4, $4  }
0xa0: {  	[tilespmem:s26], [sflag:$0xF] =	stream.linear.gather [hbm4b:s19+s4], $0x80, $0x38;
	[tilespmem:$0x139E0] =	vst v63  }
0xa1: {  	_ =	swait.ge [sflag:s15], $0x80  }
0xa2: {  	[sflag:s15] =	ssyncset.done $0x0  }
0xa3: {  	[sflag:s15] =	ssyncadd.s32 $0xFFFFFF80  }
0xa4: {  	s0 =	sld [smem:$0x7F5]  }
0xa5: {  	[tilespmem:s22], [sflag:$0x1] =	stream.indirect.gather [hbm4b:s5+s28], $0x40, s25, s28, $0xb8;
	[tilespmem:$0x139E0] =	vst v63  }
0xa6: {  	s13 =	simm.s32 $0x0;
	s9 =	simm.s32 $0x106E0  }
0xa7: {  	[tilespmem:s9], [sflag:$0xF] =	stream.linear.gather [hbm4b:s0+s13], $0x80, $0x38;
	[tilespmem:$0x139E0] =	vst v63  }
0xa8: {  	_ =	swait.ge [sflag:s15], $0x80  }
0xa9: {  	s18 =	sld [smem:$0x7F6]  }
0xaa: {  	[sflag:s15] =	ssyncset.done $0x0  }
0xab: {  	s14 =	simm.s32 $0x107E0;
	[sflag:s15] =	ssyncadd.s32 $0xFFFFFF80  }
0xac: {  	[tilespmem:s14], [sflag:$0xF] =	stream.linear.gather [hbm4b:s18+s13], $0x80, $0x38;
	[tilespmem:$0x139E0] =	vst v63  }
0xad: {  	_ =	swait.ge [sflag:s15], $0x80  }
0xae: {  	s19 =	sld [smem:$0x7F7]  }
0xaf: {  	[sflag:s15] =	ssyncset.done $0x0  }
0xb0: {  	s18 =	simm.s32 $0x138E0;
	[sflag:s15] =	ssyncadd.s32 $0xFFFFFF80  }
0xb1: {  	[tilespmem:s18], [sflag:$0xF] =	stream.linear.gather [hbm4b:s19+s13], $0x80, $0x38;
	[tilespmem:$0x139E0] =	vst v63  }
0xb2: {  	_ =	swait.ge [sflag:s15], $0x80  }
0xb3: {  	[sflag:s15] =	ssyncset.done $0x0  }
0xb4: {  	s18 =	simm.s32 $0x108E0;
	[sflag:s15] =	ssyncadd.s32 $0xFFFFFF80  }
0xb5: {  	[tilespmem:s18], [sflag:$0x9] =	stream.indirect.gather [hbm4b:s11+s28], $0x10, s9, s28, $0xb8;
	[tilespmem:$0x139E0] =	vst v63  }
0xb6: {  	s19 =	simm.s32 $0x118E0  }
0xb7: {  	[tilespmem:s19], [sflag:$0x3] =	stream.indirect.gather [hbm4b:s11+s28], $0x10, s14, s28, $0xb8;
	[tilespmem:$0x139E0] =	vst v63  }
0xb8: {  	s14 =	simm.s32 $0x0  }
.LBB2_7:
0xb9: {  	p1 =	seq.s32 s14, $0x0  }
0xba: {  	s0 =	sshll.u32 s14, $0x9;
	s15 =	rddreg [dreg:$0x1b];
	s9 =	simm.s32 @!p1 $0x6  }
0xbb: {  	s15 =	sadd.s32 s0, s15;
	_ =	swait.ge @!p1 [sflag:s9], $0x2000  }
0xbc: {  	s15 =	sshrl.u32 s15, $0x3;
	[sflag:s9] =	ssyncset.done @!p1 $0x0  }
0xbd: {  	s19 =	sadd.s32 s7, s15;
	[sflag:s9] =	ssyncadd.s32 @!p1 $0xFFFFE000  }
0xbe: {  	[tilespmem:s31], [sflag:$0x8] =	stream.linear.gather [hbm4b:s19+s4], $0x80, $0x38;
	[tilespmem:$0x139E0] =	vst v63  }
0xbf: {  	s15 =	sadd.s32 s8, s15  }
0xc0: {  	[tilespmem:s29], [sflag:$0x8] =	stream.linear.gather [hbm4b:s15+s4], $0x80, $0x38;
	[tilespmem:$0x139E0] =	vst v63  }
0xc1: {  	_ =	swait.ge [sflag:s12], $0x2000  }
0xc2: {  	[sflag:s12] =	ssyncset.done $0x0  }
0xc3: {  	[sflag:s12] =	ssyncadd.s32 $0xFFFFE000  }
0xc4: {  	[spmem:s2] =	stream.indirect.scatter.add.bf16 [tilespmem:s22], [sflag:$0x5], $0x40, s26, s28, $0xb8;
	[tilespmem:$0x139E0] =	vst v63  }
0xc5: {  	_ =	swait.ge [sflag:s16], $0x80  }
0xc6: {  	[sflag:s16] =	ssyncset.done $0x0  }
0xc7: {  	[sflag:s16] =	ssyncadd.s32 $0xFFFFFF80  }
0xc8: {  	_ =	swait.ge [sflag:s16], $0x80  }
0xc9: {  	[sflag:s16] =	ssyncset.done $0x0;
	s18 =	sld [smem:$0x7FA]  }
0xca: {  	s9 =	simm.s32 @!p1 $0xC;
	s15 =	sshll.u32 s14, $0x8;
	[sflag:s16] =	ssyncadd.s32 $0xFFFFFF80  }
0xcb: {  	[tilespmem:s21], [sflag:$0x2] =	stream.indirect.gather [hbm4b:s5+s28], $0x40, s31, s28, $0xb8;
	[tilespmem:$0x139E0] =	vst v63  }
0xcc: {  	s18 =	sadd.s32 s15, s18;
	_ =	swait.ge @!p1 [sflag:s9], $0x800  }
0xcd: {  	[sflag:s9] =	ssyncset.done @!p1 $0x0;
	s18 =	sshrl.u32 s18, $0x3  }
0xce: {  	s19 =	simm.s32 $0x10760;
	[sflag:s9] =	ssyncadd.s32 @!p1 $0xFFFFF800;
	s9 =	sadd.s32 s7, s18  }
0xcf: {  	[tilespmem:s19], [sflag:$0xE] =	stream.linear.gather [hbm4b:s9+s13], $0x80, $0x38;
	[tilespmem:$0x139E0] =	vst v63  }
0xd0: {  	s9 =	sadd.s32 s8, s18  }
0xd1: {  	[tilespmem:s23], [sflag:$0xE] =	stream.linear.gather [hbm4b:s9+s13], $0x80, $0x38;
	[tilespmem:$0x139E0] =	vst v63  }
0xd2: {  	s9 =	sadd.s32 s10, s18;
	s18 =	simm.s32 $0x13960  }
0xd3: {  	[tilespmem:s18], [sflag:$0xE] =	stream.linear.gather [hbm4b:s9+s13], $0x80, $0x38;
	[tilespmem:$0x139E0] =	vst v63  }
0xd4: {  	s18 =	simm.s32 $0x9  }
0xd5: {  	_ =	swait.ge [sflag:s18], $0x800  }
0xd6: {  	[sflag:s18] =	ssyncset.done $0x0  }
0xd7: {  	[sflag:s18] =	ssyncadd.s32 $0xFFFFF800;
	s18 =	simm.s32 $0x3  }
0xd8: {  	_ =	swait.ge [sflag:s18], $0x800  }
0xd9: {  	[sflag:s18] =	ssyncset.done $0x0  }
0xda: {  	[sflag:s18] =	ssyncadd.s32 $0xFFFFF800  }
0xdb: {  	_ =	swait.ge [sflag:s20], $0x80  }
0xdc: {  	[sflag:s20] =	ssyncset.done $0x0  }
0xdd: {  	[sflag:s20] =	ssyncadd.s32 $0xFFFFFF80  }
0xde: {  	_ =	swait.ge [sflag:s20], $0x80  }
0xdf: {  	[sflag:s20] =	ssyncset.done $0x0  }
0xe0: {  	[sflag:s20] =	ssyncadd.s32 $0xFFFFFF80  }
0xe1: {  	_ =	swait.ge [sflag:s20], $0x80  }
0xe2: {  	[sflag:s20] =	ssyncset.done $0x0  }
0xe3: {  	s18 =	simm.s32 $0x110E0;
	[sflag:s20] =	ssyncadd.s32 $0xFFFFFF80  }
0xe4: {  	[tilespmem:s18], [sflag:$0xA] =	stream.indirect.gather [hbm4b:s11+s28], $0x10, s19, s28, $0xb8;
	[tilespmem:$0x139E0] =	vst v63  }
0xe5: {  	s19 =	simm.s32 $0x120E0  }
0xe6: {  	[tilespmem:s19], [sflag:$0x4] =	stream.indirect.gather [hbm4b:s11+s28], $0x10, s23, s28, $0xb8;
	[tilespmem:$0x139E0] =	vst v63  }
0xe7: {  	s23 =	simm.s32 $0x0  }
0xe8: {  	v2 =	vld [tilespmem:s23+$0x108E0]  }
0xe9: {  	v5 =	vld [tilespmem:s23+$0x118E0]  }
0xea: {  	v7 =	vld [tilespmem:s23+$0x108F0]  }
0xeb: {  	v14 =	vld [tilespmem:s23+$0x118F0]  }
0xec: {  	v10 =	vld [tilespmem:s23+$0x10900]  }
0xed: {  	v18 =	vld [tilespmem:s23+$0x11900]  }
0xee: {  	v16 =	vld [tilespmem:s23+$0x10910]  }
0xef: {  	v20 =	vld [tilespmem:s23+$0x11910]  }
0xf0: {  	v15 =	vld [tilespmem:s23+$0x10920]  }
0xf1: {  	v19 =	vld [tilespmem:s23+$0x11920]  }
0xf2: {  	v12 =	vld [tilespmem:s23+$0x10930]  }
0xf3: {  	v17 =	vld [tilespmem:s23+$0x11930]  }
0xf4: {  	v9 =	vld [tilespmem:s23+$0x10940]  }
0xf5: {  	v13 =	vld [tilespmem:s23+$0x11940]  }
0xf6: {  	v8 =	vld [tilespmem:s23+$0x10950]  }
0xf7: {  	v11 =	vld [tilespmem:s23+$0x11950]  }
0xf8: {  	v4 =	vld [tilespmem:s23+$0x10960]  }
0xf9: {  	v6 =	vld [tilespmem:s23+$0x11960]  }
0xfa: {  	s9 =	simm.s32 $0x138E0;
	s18 =	simm.s32 $0x400;
	v3 =	vld [tilespmem:s23+$0x10970]  }
.LBB2_8:
0xfb: {  	p1 =	sne.s32 s18, $0x1C00;
	v21 =	vld [tilespmem:s9+$0x0]  }
0xfc: {  	v22 =	vld [tilespmem:s23+$0x11970]  }
0xfd: {  	v23 =	vld [tilespmem:s23+$0x10980]  }
0xfe: {  	v24 =	vld [tilespmem:s23+$0x11980]  }
0xff: {  	v2 =	vsub.f32 v2, v5;
	v5 =	vsub.f32 v7, v14;
	v7 =	vld [tilespmem:s23+$0x10990]  }
0x100: {  	v10 =	vsub.f32 v10, v18;
	v14 =	vbroadcast v21, $0x0;
	v25 =	vbroadcast v21, $0x1;
	v18 =	vld [tilespmem:s23+$0x11990]  }
0x101: {  	v16 =	vsub.f32 v16, v20;
	v26 =	vbroadcast v21, $0x2;
	v20 =	vbroadcast v21, $0x3;
	v27 =	vld [tilespmem:s23+$0x109A0]  }
0x102: {  	v2 =	vmul.f32 v2, v14;
	v5 =	vmul.f32 v5, v25;
	v14 =	vsub.f32 v15, v19;
	v15 =	vld [tilespmem:s23+$0x119A0]  }
0x103: {  	v12 =	vsub.f32 v12, v17;
	v10 =	vmul.f32 v10, v26;
	v16 =	vmul.f32 v16, v20;
	v17 =	vld [tilespmem:s23+$0x109B0]  }
0x104: {  	v9 =	vsub.f32 v9, v13;
	v19 =	vbroadcast v21, $0x5;
	[tilespmem:s23+$0x128E0] =	vst v2;
	v2 =	vbroadcast v21, $0x4;
	v13 =	vld [tilespmem:s23+$0x119B0]  }
0x105: {  	v8 =	vsub.f32 v8, v11;
	v11 =	vbroadcast v21, $0x7;
	[tilespmem:s23+$0x128F0] =	vst v5;
	v5 =	vbroadcast v21, $0x6;
	v20 =	vld [tilespmem:s23+$0x109C0]  }
0x106: {  	v4 =	vsub.f32 v4, v6;
	[tilespmem:s23+$0x12900] =	vst v10;
	v2 =	vmul.f32 v14, v2;
	v10 =	vmul.f32 v12, v19;
	v6 =	vld [tilespmem:s23+$0x119C0]  }
0x107: {  	v3 =	vsub.f32 v3, v22;
	v8 =	vmul.f32 v8, v11;
	[tilespmem:s23+$0x12910] =	vst v16;
	v9 =	vmul.f32 v9, v5;
	v11 =	vld [tilespmem:s23+$0x109D0]  }
0x108: {  	s19 =	sshra.s32 s18, $0x2;
	v12 =	vbroadcast v21, $0x8;
	v14 =	vbroadcast v21, $0x9;
	v16 =	vsub.f32 v23, v24;
	[tilespmem:s23+$0x12920] =	vst v2;
	v19 =	vld [tilespmem:s23+$0x119D0]  }
0x109: {  	v22 =	vbroadcast v21, $0xB;
	v18 =	vsub.f32 v7, v18;
	v2 =	vld [tilespmem:s19+$0x108E0];
	[tilespmem:s23+$0x12930] =	vst v10;
	v10 =	vbroadcast v21, $0xA  }
0x10a: {  	v4 =	vmul.f32 v4, v12;
	v3 =	vmul.f32 v3, v14;
	v5 =	vld [tilespmem:s19+$0x118E0];
	[tilespmem:s23+$0x12940] =	vst v9;
	v9 =	vsub.f32 v27, v15  }
0x10b: {  	v12 =	vmul.f32 v18, v22;
	v13 =	vsub.f32 v17, v13;
	v7 =	vld [tilespmem:s19+$0x108F0];
	[tilespmem:s23+$0x12950] =	vst v8;
	v8 =	vmul.f32 v16, v10  }
0x10c: {  	v15 =	vbroadcast v21, $0xD;
	v6 =	vsub.f32 v20, v6;
	v14 =	vld [tilespmem:s19+$0x118F0];
	[tilespmem:s23+$0x12960] =	vst v4;
	v4 =	vbroadcast v21, $0xC  }
0x10d: {  	v17 =	vbroadcast v21, $0xF;
	v10 =	vld [tilespmem:s19+$0x10900];
	[tilespmem:s23+$0x12970] =	vst v3;
	v3 =	vbroadcast v21, $0xE;
	v11 =	vsub.f32 v11, v19  }
0x10e: {  	v18 =	vld [tilespmem:s19+$0x11900];
	[tilespmem:s23+$0x12980] =	vst v8;
	v4 =	vmul.f32 v9, v4;
	v8 =	vmul.f32 v13, v15  }
0x10f: {  	v16 =	vld [tilespmem:s19+$0x10910];
	[tilespmem:s23+$0x12990] =	vst v12;
	v3 =	vmul.f32 v6, v3;
	v6 =	vmul.f32 v11, v17  }
0x110: {  	v20 =	vld [tilespmem:s19+$0x11910];
	[tilespmem:s23+$0x129A0] =	vst v4  }
0x111: {  	v15 =	vld [tilespmem:s19+$0x10920];
	[tilespmem:s23+$0x129B0] =	vst v8  }
0x112: {  	v19 =	vld [tilespmem:s19+$0x11920];
	[tilespmem:s23+$0x129C0] =	vst v3  }
0x113: {  	v12 =	vld [tilespmem:s19+$0x10930];
	[tilespmem:s23+$0x129D0] =	vst v6;
	s23 =	smov.u32 s19  }
0x114: {  	v17 =	vld [tilespmem:s23+$0x11930]  }
0x115: {  	v9 =	vld [tilespmem:s23+$0x10940]  }
0x116: {  	v13 =	vld [tilespmem:s23+$0x11940]  }
.Ltmp5:
0x117: {  	v8 =	vld [tilespmem:s23+$0x10950];
	(pc) =	sbr.rel @p1 .LBB2_8-.Ltmp5, $4  }
0x118: {  	v11 =	vld [tilespmem:s23+$0x11950]  }
0x119: {  	v4 =	vld [tilespmem:s23+$0x10960]  }
0x11a: {  	v6 =	vld [tilespmem:s23+$0x11960]  }
0x11b: {  	s18 =	sadd.s32 $0x400, s18;
	s9 =	sadd.s32 $0x10, s9;
	v3 =	vld [tilespmem:s23+$0x10970]  }
0x11c: {  	v21 =	vld [tilespmem:s9+$0x0];
	_ =	sdelay $0x2  }
0x11d: {  	v22 =	vld [tilespmem:s23+$0x11970]  }
0x11e: {  	v23 =	vld [tilespmem:s23+$0x10980];
	v2 =	vsub.f32 v2, v5  }
0x11f: {  	v24 =	vld [tilespmem:s23+$0x11980];
	v7 =	vsub.f32 v7, v14;
	v10 =	vsub.f32 v10, v18;
	v5 =	vbroadcast v21, $0x0  }
0x120: {  	v25 =	vld [tilespmem:s23+$0x10990];
	v12 =	vsub.f32 v12, v17;
	v14 =	vbroadcast v21, $0x1;
	v17 =	vbroadcast v21, $0x5  }
0x121: {  	v26 =	vld [tilespmem:s23+$0x11990];
	v9 =	vsub.f32 v9, v13;
	v13 =	vbroadcast v21, $0x6;
	v2 =	vmul.f32 v2, v5  }
0x122: {  	v27 =	vld [tilespmem:s23+$0x109A0];
	v8 =	vsub.f32 v8, v11;
	v11 =	vbroadcast v21, $0x7;
	v7 =	vmul.f32 v7, v14  }
0x123: {  	v28 =	vld [tilespmem:s23+$0x109B0];
	v16 =	vsub.f32 v16, v20;
	v14 =	vbroadcast v21, $0x2;
	v12 =	vmul.f32 v12, v17;
	[tilespmem:s23+$0x128E0] =	vst v2  }
0x124: {  	v4 =	vsub.f32 v4, v6;
	v18 =	vbroadcast v21, $0x3;
	v5 =	vld [tilespmem:s23+$0x119A0];
	v6 =	vmul.f32 v9, v13;
	[tilespmem:s23+$0x128F0] =	vst v7  }
0x125: {  	v13 =	vld [tilespmem:s23+$0x119D0];
	v8 =	vmul.f32 v8, v11;
	v10 =	vmul.f32 v10, v14;
	[tilespmem:s23+$0x12930] =	vst v12  }
0x126: {  	v2 =	vld [tilespmem:s23+$0x119B0];
	v14 =	vsub.f32 v15, v19;
	v15 =	vmul.f32 v16, v18;
	v16 =	vbroadcast v21, $0x4;
	[tilespmem:s23+$0x12940] =	vst v6  }
0x127: {  	v9 =	vbroadcast v21, $0x8;
	v7 =	vld [tilespmem:s23+$0x109C0];
	[tilespmem:s23+$0x12950] =	vst v8  }
0x128: {  	v3 =	vsub.f32 v3, v22;
	v11 =	vbroadcast v21, $0x9;
	[tilespmem:s23+$0x12900] =	vst v10;
	v10 =	vld [tilespmem:s23+$0x119C0];
	v14 =	vmul.f32 v14, v16  }
0x129: {  	v4 =	vmul.f32 v4, v9;
	v6 =	vsub.f32 v25, v26;
	v9 =	vbroadcast v21, $0xB;
	[tilespmem:s23+$0x12910] =	vst v15;
	v15 =	vld [tilespmem:s23+$0x109D0]  }
0x12a: {  	v12 =	vsub.f32 v23, v24;
	v3 =	vmul.f32 v3, v11;
	[tilespmem:s23+$0x12920] =	vst v14;
	v14 =	vbroadcast v21, $0xA  }
0x12b: {  	[tilespmem:s23+$0x12960] =	vst v4;
	v4 =	vbroadcast v21, $0xC;
	v6 =	vmul.f32 v6, v9;
	v5 =	vsub.f32 v27, v5  }
0x12c: {  	v9 =	vbroadcast v21, $0xD;
	[tilespmem:s23+$0x12970] =	vst v3;
	v2 =	vsub.f32 v28, v2;
	v8 =	vmul.f32 v12, v14  }
0x12d: {  	[tilespmem:s23+$0x12990] =	vst v6;
	v4 =	vmul.f32 v5, v4;
	v3 =	vsub.f32 v7, v10;
	v7 =	vbroadcast v21, $0xE  }
0x12e: {  	v5 =	vsub.f32 v15, v13;
	v2 =	vmul.f32 v2, v9;
	[tilespmem:s23+$0x12980] =	vst v8;
	v8 =	vbroadcast v21, $0xF  }
0x12f: {  	[tilespmem:s23+$0x129A0] =	vst v4;
	v3 =	vmul.f32 v3, v7  }
0x130: {  	[tilespmem:s23+$0x129B0] =	vst v2;
	v4 =	vmul.f32 v5, v8  }
0x131: {  	[tilespmem:s23+$0x129C0] =	vst v3  }
0x132: {  	s18 =	simm.s32 $0x128E0;
	s19 =	simm.s32 $0x107E0;
	[tilespmem:s23+$0x129D0] =	vst v4;
	s23 =	rddreg [dreg:$0x3]  }
0x133: {  	[spmem:s23] =	stream.indirect.scatter.add.f32 [tilespmem:s18], [sflag:$0xB], $0x10, s19, s28, $0xb8;
	[tilespmem:$0x139E0] =	vst v63  }
0x134: {  	s19 =	rddreg [dreg:$0x1c]  }
0x135: {  	s9 =	sadd.s32 s0, s19;
	_ =	swait.ge [sflag:s17], $0x2000  }
0x136: {  	[sflag:s17] =	ssyncset.done $0x0;
	s9 =	sshrl.u32 s9, $0x3  }
0x137: {  	[sflag:s17] =	ssyncadd.s32 $0xFFFFE000;
	s23 =	sadd.s32 s7, s9  }
0x138: {  	[tilespmem:s25], [sflag:$0x7] =	stream.linear.gather [hbm4b:s23+s4], $0x80, $0x38;
	[tilespmem:$0x139E0] =	vst v63  }
0x139: {  	s9 =	sadd.s32 s8, s9  }
0x13a: {  	[tilespmem:s26], [sflag:$0x7] =	stream.linear.gather [hbm4b:s9+s4], $0x80, $0x38;
	[tilespmem:$0x139E0] =	vst v63  }
0x13b: {  	_ =	swait.ge [sflag:s30], $0x2000  }
0x13c: {  	[sflag:s30] =	ssyncset.done $0x0  }
0x13d: {  	[sflag:s30] =	ssyncadd.s32 $0xFFFFE000  }
0x13e: {  	[spmem:s2] =	stream.indirect.scatter.add.bf16 [tilespmem:s21], [sflag:$0x6], $0x40, s29, s28, $0xb8;
	[tilespmem:$0x139E0] =	vst v63  }
0x13f: {  	_ =	swait.ge [sflag:s24], $0x80  }
0x140: {  	[sflag:s24] =	ssyncset.done $0x0  }
0x141: {  	[sflag:s24] =	ssyncadd.s32 $0xFFFFFF80  }
0x142: {  	_ =	swait.ge [sflag:s24], $0x80  }
0x143: {  	[sflag:s24] =	ssyncset.done $0x0  }
0x144: {  	s19 =	rddreg [dreg:$0x1d];
	[sflag:s24] =	ssyncadd.s32 $0xFFFFFF80  }
0x145: {  	[tilespmem:s22], [sflag:$0x1] =	stream.indirect.gather [hbm4b:s5+s28], $0x40, s25, s28, $0xb8;
	[tilespmem:$0x139E0] =	vst v63  }
0x146: {  	s9 =	sadd.s32 s0, s19;
	_ =	swait.ge [sflag:s3], $0x2000  }
0x147: {  	s9 =	sshrl.u32 s9, $0x3;
	[sflag:s3] =	ssyncset.done $0x0  }
0x148: {  	s23 =	sadd.s32 s7, s9;
	[sflag:s3] =	ssyncadd.s32 $0xFFFFE000  }
0x149: {  	[tilespmem:s31], [sflag:$0x8] =	stream.linear.gather [hbm4b:s23+s4], $0x80, $0x38;
	[tilespmem:$0x139E0] =	vst v63  }
0x14a: {  	s9 =	sadd.s32 s8, s9  }
0x14b: {  	[tilespmem:s29], [sflag:$0x8] =	stream.linear.gather [hbm4b:s9+s4], $0x80, $0x38;
	[tilespmem:$0x139E0] =	vst v63  }
0x14c: {  	_ =	swait.ge [sflag:s12], $0x2000  }
0x14d: {  	[sflag:s12] =	ssyncset.done $0x0  }
0x14e: {  	[sflag:s12] =	ssyncadd.s32 $0xFFFFE000  }
0x14f: {  	[spmem:s2] =	stream.indirect.scatter.add.bf16 [tilespmem:s22], [sflag:$0x5], $0x40, s26, s28, $0xb8;
	[tilespmem:$0x139E0] =	vst v63  }
0x150: {  	_ =	swait.ge [sflag:s16], $0x80  }
0x151: {  	[sflag:s16] =	ssyncset.done $0x0  }
0x152: {  	[sflag:s16] =	ssyncadd.s32 $0xFFFFFF80  }
0x153: {  	_ =	swait.ge [sflag:s16], $0x80  }
0x154: {  	[sflag:s16] =	ssyncset.done $0x0  }
0x155: {  	[sflag:s16] =	ssyncadd.s32 $0xFFFFFF80  }
0x156: {  	[tilespmem:s21], [sflag:$0x2] =	stream.indirect.gather [hbm4b:s5+s28], $0x40, s31, s28, $0xb8;
	[tilespmem:$0x139E0] =	vst v63  }
0x157: {  	_ =	swait.ge [sflag:s1], $0x800  }
0x158: {  	p1 =	seq.s32 s14, $0x13;
	[sflag:s1] =	ssyncset.done $0x0  }
0x159: {  	s9 =	simm.s32 @p1 $0xA;
	[sflag:s1] =	ssyncadd.s32 $0xFFFFF800  }
0x15a: {  	_ =	swait.ge @p1 [sflag:s9], $0x800  }
0x15b: {  	[sflag:s9] =	ssyncset.done @p1 $0x0  }
0x15c: {  	[sflag:s9] =	ssyncadd.s32 @p1 $0xFFFFF800;
	s9 =	simm.s32 @p1 $0x4  }
0x15d: {  	_ =	swait.ge @p1 [sflag:s9], $0x800  }
0x15e: {  	s18 =	sld [smem:$0x7FB];
	_ =	sdelay $0x2  }
0x15f: {  	[sflag:s9] =	ssyncset.done @p1 $0x0;
	s15 =	sadd.s32 @!p1 s15, s18  }
0x160: {  	[sflag:s9] =	ssyncadd.s32 @p1 $0xFFFFF800;
	s9 =	sshrl.u32 @!p1 s15, $0x3  }
0x161: {  	s19 =	simm.s32 @!p1 $0x106E0;
	s18 =	simm.s32 @!p1 $0x0;
	s15 =	sadd.s32 @!p1 s7, s9  }
0x162: {  	[tilespmem:s19], [sflag:$0xD] =	stream.linear.gather @!p1 [hbm4b:s15+s18], $0x80, $0x38;
	[tilespmem:$0x139E0] =	vst v63  }
0x163: {  	s23 =	simm.s32 @!p1 $0x107E0;
	s15 =	sadd.s32 @!p1 s8, s9  }
0x164: {  	[tilespmem:s23], [sflag:$0xD] =	stream.linear.gather @!p1 [hbm4b:s15+s18], $0x80, $0x38;
	[tilespmem:$0x139E0] =	vst v63  }
0x165: {  	s9 =	sadd.s32 @!p1 s10, s9;
	s15 =	simm.s32 @!p1 $0x138E0  }
0x166: {  	[tilespmem:s15], [sflag:$0xD] =	stream.linear.gather @!p1 [hbm4b:s9+s18], $0x80, $0x38;
	[tilespmem:$0x139E0] =	vst v63  }
0x167: {  	s9 =	simm.s32 @!p1 $0xA  }
0x168: {  	_ =	swait.ge @!p1 [sflag:s9], $0x800  }
0x169: {  	[sflag:s9] =	ssyncset.done @!p1 $0x0  }
0x16a: {  	[sflag:s9] =	ssyncadd.s32 @!p1 $0xFFFFF800;
	s9 =	simm.s32 @!p1 $0x4  }
0x16b: {  	_ =	swait.ge @!p1 [sflag:s9], $0x800  }
0x16c: {  	[sflag:s9] =	ssyncset.done @!p1 $0x0  }
0x16d: {  	[sflag:s9] =	ssyncadd.s32 @!p1 $0xFFFFF800;
	s9 =	simm.s32 @!p1 $0xD  }
0x16e: {  	_ =	swait.ge @!p1 [sflag:s9], $0x80  }
0x16f: {  	[sflag:s9] =	ssyncset.done @!p1 $0x0  }
0x170: {  	[sflag:s9] =	ssyncadd.s32 @!p1 $0xFFFFFF80  }
0x171: {  	_ =	swait.ge @!p1 [sflag:s9], $0x80  }
0x172: {  	[sflag:s9] =	ssyncset.done @!p1 $0x0  }
0x173: {  	[sflag:s9] =	ssyncadd.s32 @!p1 $0xFFFFFF80  }
0x174: {  	_ =	swait.ge @!p1 [sflag:s9], $0x80  }
0x175: {  	[sflag:s9] =	ssyncset.done @!p1 $0x0  }
0x176: {  	s15 =	simm.s32 @!p1 $0x108E0;
	[sflag:s9] =	ssyncadd.s32 @!p1 $0xFFFFFF80;
	s9 =	simm.s32 @!p1 $0x80  }
0x177: {  	[tilespmem:s15], [sflag:$0x9] =	stream.indirect.gather @!p1 [hbm4b:s11+s9], $0x10, s19, s9, $0xb8;
	[tilespmem:$0x139E0] =	vst v63  }
0x178: {  	s15 =	simm.s32 @!p1 $0x118E0  }
0x179: {  	[tilespmem:s15], [sflag:$0x3] =	stream.indirect.gather @!p1 [hbm4b:s11+s9], $0x10, s23, s9, $0xb8;
	[tilespmem:$0x139E0] =	vst v63  }
0x17a: {  	s15 =	simm.s32 $0x0  }
0x17b: {  	v2 =	vld [tilespmem:s15+$0x110E0]  }
0x17c: {  	v5 =	vld [tilespmem:s15+$0x120E0]  }
0x17d: {  	v7 =	vld [tilespmem:s15+$0x110F0]  }
0x17e: {  	v14 =	vld [tilespmem:s15+$0x120F0]  }
0x17f: {  	v10 =	vld [tilespmem:s15+$0x11100]  }
0x180: {  	v18 =	vld [tilespmem:s15+$0x12100]  }
0x181: {  	v16 =	vld [tilespmem:s15+$0x11110]  }
0x182: {  	v20 =	vld [tilespmem:s15+$0x12110]  }
0x183: {  	v15 =	vld [tilespmem:s15+$0x11120]  }
0x184: {  	v19 =	vld [tilespmem:s15+$0x12120]  }
0x185: {  	v12 =	vld [tilespmem:s15+$0x11130]  }
0x186: {  	v17 =	vld [tilespmem:s15+$0x12130]  }
0x187: {  	v9 =	vld [tilespmem:s15+$0x11140]  }
0x188: {  	v13 =	vld [tilespmem:s15+$0x12140]  }
0x189: {  	v8 =	vld [tilespmem:s15+$0x11150]  }
0x18a: {  	v11 =	vld [tilespmem:s15+$0x12150]  }
0x18b: {  	v4 =	vld [tilespmem:s15+$0x11160]  }
0x18c: {  	v6 =	vld [tilespmem:s15+$0x12160]  }
0x18d: {  	s18 =	simm.s32 $0x400;
	s9 =	simm.s32 $0x13960;
	v3 =	vld [tilespmem:s15+$0x11170]  }
.LBB2_10:
0x18e: {  	p2 =	sne.s32 s18, $0x1C00;
	v21 =	vld [tilespmem:s9+$0x0]  }
0x18f: {  	v22 =	vld [tilespmem:s15+$0x12170]  }
0x190: {  	v23 =	vld [tilespmem:s15+$0x11180]  }
0x191: {  	v24 =	vld [tilespmem:s15+$0x12180]  }
0x192: {  	v2 =	vsub.f32 v2, v5;
	v5 =	vsub.f32 v7, v14;
	v7 =	vld [tilespmem:s15+$0x11190]  }
0x193: {  	v10 =	vsub.f32 v10, v18;
	v14 =	vbroadcast v21, $0x0;
	v25 =	vbroadcast v21, $0x1;
	v18 =	vld [tilespmem:s15+$0x12190]  }
0x194: {  	v16 =	vsub.f32 v16, v20;
	v26 =	vbroadcast v21, $0x2;
	v20 =	vbroadcast v21, $0x3;
	v27 =	vld [tilespmem:s15+$0x111A0]  }
0x195: {  	v2 =	vmul.f32 v2, v14;
	v5 =	vmul.f32 v5, v25;
	v14 =	vsub.f32 v15, v19;
	v15 =	vld [tilespmem:s15+$0x121A0]  }
0x196: {  	v12 =	vsub.f32 v12, v17;
	v10 =	vmul.f32 v10, v26;
	v16 =	vmul.f32 v16, v20;
	v17 =	vld [tilespmem:s15+$0x111B0]  }
0x197: {  	v9 =	vsub.f32 v9, v13;
	v19 =	vbroadcast v21, $0x5;
	[tilespmem:s15+$0x130E0] =	vst v2;
	v2 =	vbroadcast v21, $0x4;
	v13 =	vld [tilespmem:s15+$0x121B0]  }
0x198: {  	v8 =	vsub.f32 v8, v11;
	v11 =	vbroadcast v21, $0x7;
	[tilespmem:s15+$0x130F0] =	vst v5;
	v5 =	vbroadcast v21, $0x6;
	v20 =	vld [tilespmem:s15+$0x111C0]  }
0x199: {  	v4 =	vsub.f32 v4, v6;
	[tilespmem:s15+$0x13100] =	vst v10;
	v2 =	vmul.f32 v14, v2;
	v10 =	vmul.f32 v12, v19;
	v6 =	vld [tilespmem:s15+$0x121C0]  }
0x19a: {  	v3 =	vsub.f32 v3, v22;
	v8 =	vmul.f32 v8, v11;
	[tilespmem:s15+$0x13110] =	vst v16;
	v9 =	vmul.f32 v9, v5;
	v11 =	vld [tilespmem:s15+$0x111D0]  }
0x19b: {  	s19 =	sshra.s32 s18, $0x2;
	v12 =	vbroadcast v21, $0x8;
	v14 =	vbroadcast v21, $0x9;
	v16 =	vsub.f32 v23, v24;
	[tilespmem:s15+$0x13120] =	vst v2;
	v19 =	vld [tilespmem:s15+$0x121D0]  }
0x19c: {  	v22 =	vbroadcast v21, $0xB;
	v18 =	vsub.f32 v7, v18;
	v2 =	vld [tilespmem:s19+$0x110E0];
	[tilespmem:s15+$0x13130] =	vst v10;
	v10 =	vbroadcast v21, $0xA  }
0x19d: {  	v4 =	vmul.f32 v4, v12;
	v3 =	vmul.f32 v3, v14;
	v5 =	vld [tilespmem:s19+$0x120E0];
	[tilespmem:s15+$0x13140] =	vst v9;
	v9 =	vsub.f32 v27, v15  }
0x19e: {  	v12 =	vmul.f32 v18, v22;
	v13 =	vsub.f32 v17, v13;
	v7 =	vld [tilespmem:s19+$0x110F0];
	[tilespmem:s15+$0x13150] =	vst v8;
	v8 =	vmul.f32 v16, v10  }
0x19f: {  	v15 =	vbroadcast v21, $0xD;
	v6 =	vsub.f32 v20, v6;
	v14 =	vld [tilespmem:s19+$0x120F0];
	[tilespmem:s15+$0x13160] =	vst v4;
	v4 =	vbroadcast v21, $0xC  }
0x1a0: {  	v17 =	vbroadcast v21, $0xF;
	v10 =	vld [tilespmem:s19+$0x11100];
	[tilespmem:s15+$0x13170] =	vst v3;
	v3 =	vbroadcast v21, $0xE;
	v11 =	vsub.f32 v11, v19  }
0x1a1: {  	v18 =	vld [tilespmem:s19+$0x12100];
	[tilespmem:s15+$0x13180] =	vst v8;
	v4 =	vmul.f32 v9, v4;
	v8 =	vmul.f32 v13, v15  }
0x1a2: {  	v16 =	vld [tilespmem:s19+$0x11110];
	[tilespmem:s15+$0x13190] =	vst v12;
	v3 =	vmul.f32 v6, v3;
	v6 =	vmul.f32 v11, v17  }
0x1a3: {  	v20 =	vld [tilespmem:s19+$0x12110];
	[tilespmem:s15+$0x131A0] =	vst v4  }
0x1a4: {  	v15 =	vld [tilespmem:s19+$0x11120];
	[tilespmem:s15+$0x131B0] =	vst v8  }
0x1a5: {  	v19 =	vld [tilespmem:s19+$0x12120];
	[tilespmem:s15+$0x131C0] =	vst v3  }
0x1a6: {  	v12 =	vld [tilespmem:s19+$0x11130];
	[tilespmem:s15+$0x131D0] =	vst v6;
	s15 =	smov.u32 s19  }
0x1a7: {  	v17 =	vld [tilespmem:s15+$0x12130]  }
0x1a8: {  	v9 =	vld [tilespmem:s15+$0x11140]  }
0x1a9: {  	v13 =	vld [tilespmem:s15+$0x12140]  }
.Ltmp6:
0x1aa: {  	v8 =	vld [tilespmem:s15+$0x11150];
	(pc) =	sbr.rel @p2 .LBB2_10-.Ltmp6, $4  }
0x1ab: {  	v11 =	vld [tilespmem:s15+$0x12150]  }
0x1ac: {  	v4 =	vld [tilespmem:s15+$0x11160]  }
0x1ad: {  	v6 =	vld [tilespmem:s15+$0x12160]  }
0x1ae: {  	s18 =	sadd.s32 $0x400, s18;
	s9 =	sadd.s32 $0x10, s9;
	v3 =	vld [tilespmem:s15+$0x11170]  }
0x1af: {  	v21 =	vld [tilespmem:s9+$0x0];
	_ =	sdelay $0x2  }
0x1b0: {  	v22 =	vld [tilespmem:s15+$0x12170]  }
0x1b1: {  	v23 =	vld [tilespmem:s15+$0x11180]  }
0x1b2: {  	v24 =	vld [tilespmem:s15+$0x12180];
	v2 =	vsub.f32 v2, v5;
	v35 =	vbroadcast v21, $0x0  }
0x1b3: {  	v25 =	vld [tilespmem:s15+$0x11190];
	v7 =	vsub.f32 v7, v14;
	v36 =	vbroadcast v21, $0x1  }
0x1b4: {  	v26 =	vld [tilespmem:s15+$0x12190];
	v10 =	vsub.f32 v10, v18;
	v38 =	vbroadcast v21, $0x2;
	v2 =	vmul.f32 v2, v35  }
0x1b5: {  	v27 =	vld [tilespmem:s15+$0x111A0];
	v16 =	vsub.f32 v16, v20;
	v39 =	vbroadcast v21, $0x3;
	v7 =	vmul.f32 v7, v36  }
0x1b6: {  	v37 =	vld [tilespmem:s15+$0x121A0];
	v41 =	vsub.f32 v15, v19;
	v43 =	vbroadcast v21, $0x4;
	v10 =	vmul.f32 v10, v38;
	[tilespmem:s15+$0x130E0] =	vst v2  }
0x1b7: {  	v28 =	vld [tilespmem:s15+$0x111B0];
	v12 =	vsub.f32 v12, v17;
	v45 =	vbroadcast v21, $0x5;
	v42 =	vmul.f32 v16, v39;
	[tilespmem:s15+$0x130F0] =	vst v7  }
0x1b8: {  	v9 =	vsub.f32 v9, v13;
	v47 =	vld [tilespmem:s15+$0x111D0];
	v46 =	vbroadcast v21, $0x6;
	v14 =	vmul.f32 v41, v43;
	[tilespmem:s15+$0x13100] =	vst v10  }
0x1b9: {  	v51 =	vld [tilespmem:s15+$0x121D0];
	v8 =	vsub.f32 v8, v11;
	v48 =	vbroadcast v21, $0x7;
	v12 =	vmul.f32 v12, v45;
	[tilespmem:s15+$0x13110] =	vst v42  }
0x1ba: {  	v40 =	vld [tilespmem:s15+$0x111C0];
	v4 =	vsub.f32 v4, v6;
	v50 =	vbroadcast v21, $0x8;
	v49 =	vmul.f32 v9, v46;
	[tilespmem:s15+$0x13120] =	vst v14  }
0x1bb: {  	v44 =	vld [tilespmem:s15+$0x121C0];
	v3 =	vsub.f32 v3, v22;
	v52 =	vbroadcast v21, $0x9;
	v8 =	vmul.f32 v8, v48;
	[tilespmem:s15+$0x13130] =	vst v12  }
0x1bc: {  	v53 =	vsub.f32 v23, v24;
	v54 =	vbroadcast v21, $0xA;
	v4 =	vmul.f32 v4, v50;
	v2 =	vld [tilespmem:s15+$0x121B0];
	[tilespmem:s15+$0x13140] =	vst v49  }
0x1bd: {  	v55 =	vsub.f32 v25, v26;
	v56 =	vbroadcast v21, $0xB;
	v3 =	vmul.f32 v3, v52;
	[tilespmem:s15+$0x13150] =	vst v8  }
0x1be: {  	v61 =	vsub.f32 v47, v51;
	v62 =	vbroadcast v21, $0xF;
	v57 =	vmul.f32 v53, v54;
	[tilespmem:s15+$0x13160] =	vst v4  }
0x1bf: {  	v5 =	vsub.f32 v27, v37;
	v58 =	vbroadcast v21, $0xC;
	v6 =	vmul.f32 v55, v56;
	[tilespmem:s15+$0x13170] =	vst v3  }
0x1c0: {  	v60 =	vbroadcast v21, $0xE;
	v63 =	vmul.f32 v61, v62;
	v3 =	vsub.f32 v40, v44;
	[tilespmem:s15+$0x13180] =	vst v57  }
0x1c1: {  	v59 =	vbroadcast v21, $0xD;
	v4 =	vmul.f32 v5, v58;
	[tilespmem:s15+$0x13190] =	vst v6;
	v2 =	vsub.f32 v28, v2  }
0x1c2: {  	[tilespmem:s15+$0x131D0] =	vst v63;
	v3 =	vmul.f32 v3, v60  }
0x1c3: {  	[tilespmem:s15+$0x131A0] =	vst v4;
	v2 =	vmul.f32 v2, v59  }
0x1c4: {  	s18 =	rddreg [dreg:$0x3];
	[tilespmem:s15+$0x131C0] =	vst v3  }
.Ltmp7:
0x1c5: {  	s23 =	simm.s32 $0x10860;
	s19 =	simm.s32 $0x130E0;
	[tilespmem:s15+$0x131B0] =	vst v2;
	(pc) =	sbr.rel @p1 .LBB2_12-.Ltmp7, $4  }
0x1c6: {  	[spmem:s18] =	stream.indirect.scatter.add.f32 [tilespmem:s19], [sflag:$0xC], $0x10, s23, s28, $0xb8;
	[tilespmem:$0x139E0] =	vst v63  }
0x1c7: {  	_ =	swait.ge [sflag:s17], $0x2000  }
0x1c8: {  	[sflag:s17] =	ssyncset.done $0x0  }
0x1c9: {  	[sflag:s17] =	ssyncadd.s32 $0xFFFFE000  }
0x1ca: {  	s9 =	rddreg [dreg:$0x1e]  }
0x1cb: {  	s0 =	sadd.s32 s0, s9  }
0x1cc: {  	s0 =	sshrl.u32 s0, $0x3  }
0x1cd: {  	s19 =	sadd.s32 s7, s0  }
0x1ce: {  	[tilespmem:s25], [sflag:$0x7] =	stream.linear.gather [hbm4b:s19+s4], $0x80, $0x38;
	[tilespmem:$0x139E0] =	vst v63  }
0x1cf: {  	s0 =	sadd.s32 s8, s0  }
0x1d0: {  	[tilespmem:s26], [sflag:$0x7] =	stream.linear.gather [hbm4b:s0+s4], $0x80, $0x38;
	[tilespmem:$0x139E0] =	vst v63  }
0x1d1: {  	_ =	swait.ge [sflag:s30], $0x2000  }
0x1d2: {  	[sflag:s30] =	ssyncset.done $0x0  }
0x1d3: {  	[sflag:s30] =	ssyncadd.s32 $0xFFFFE000  }
0x1d4: {  	[spmem:s2] =	stream.indirect.scatter.add.bf16 [tilespmem:s21], [sflag:$0x6], $0x40, s29, s28, $0xb8;
	[tilespmem:$0x139E0] =	vst v63  }
0x1d5: {  	_ =	swait.ge [sflag:s24], $0x80  }
0x1d6: {  	[sflag:s24] =	ssyncset.done $0x0  }
.Ltmp8:
0x1d7: {  	[sflag:s24] =	ssyncadd.s32 $0xFFFFFF80;
	(pc) =	sbr.rel .LBB2_7-.Ltmp8, $4  }
0x1d8: {  	_ =	swait.ge [sflag:s24], $0x80  }
0x1d9: {  	[sflag:s24] =	ssyncset.done $0x0  }
0x1da: {  	s14 =	sadd.s32 $0x1, s14;
	[sflag:s24] =	ssyncadd.s32 $0xFFFFFF80  }
0x1db: {  	[tilespmem:s22], [sflag:$0x1] =	stream.indirect.gather [hbm4b:s5+s28], $0x40, s25, s28, $0xb8;
	[tilespmem:$0x139E0] =	vst v63  }
.LBB2_14:
0x1dc: {  	[tilespmem:s22], [sflag:$0x1] =	stream.indirect.gather [hbm4b:s6+s28], $0x40, s25, s28, $0xb8;
	[tilespmem:$0x139E0] =	vst v63  }
0x1dd: {  	s13 =	simm.s32 $0x0;
	s0 =	rddreg [dreg:$0x18];
	s9 =	simm.s32 $0x106E0  }
0x1de: {  	[tilespmem:s9], [sflag:$0xF] =	stream.linear.gather [hbm4b:s0+s13], $0x80, $0x38;
	[tilespmem:$0x139E0] =	vst v63  }
0x1df: {  	_ =	swait.ge [sflag:s15], $0x80  }
0x1e0: {  	[sflag:s15] =	ssyncset.done $0x0  }
0x1e1: {  	s14 =	simm.s32 $0x107E0;
	s18 =	rddreg [dreg:$0x19];
	[sflag:s15] =	ssyncadd.s32 $0xFFFFFF80  }
0x1e2: {  	[tilespmem:s14], [sflag:$0xF] =	stream.linear.gather [hbm4b:s18+s13], $0x80, $0x38;
	[tilespmem:$0x139E0] =	vst v63  }
0x1e3: {  	_ =	swait.ge [sflag:s15], $0x80  }
0x1e4: {  	[sflag:s15] =	ssyncset.done $0x0  }
0x1e5: {  	s18 =	simm.s32 $0x138E0;
	s19 =	rddreg [dreg:$0x1a];
	[sflag:s15] =	ssyncadd.s32 $0xFFFFFF80  }
0x1e6: {  	[tilespmem:s18], [sflag:$0xF] =	stream.linear.gather [hbm4b:s19+s13], $0x80, $0x38;
	[tilespmem:$0x139E0] =	vst v63  }
0x1e7: {  	_ =	swait.ge [sflag:s15], $0x80  }
0x1e8: {  	[sflag:s15] =	ssyncset.done $0x0  }
0x1e9: {  	s18 =	simm.s32 $0x108E0;
	[sflag:s15] =	ssyncadd.s32 $0xFFFFFF80  }
0x1ea: {  	[tilespmem:s18], [sflag:$0x9] =	stream.indirect.gather [hbm4b:s11+s28], $0x10, s9, s28, $0xb8;
	[tilespmem:$0x139E0] =	vst v63  }
0x1eb: {  	s19 =	simm.s32 $0x118E0  }
0x1ec: {  	[tilespmem:s19], [sflag:$0x3] =	stream.indirect.gather [hbm4b:s11+s28], $0x10, s14, s28, $0xb8;
	[tilespmem:$0x139E0] =	vst v63  }
0x1ed: {  	s14 =	simm.s32 $0x0  }
.LBB2_15:
0x1ee: {  	p1 =	seq.s32 s14, $0x0  }
0x1ef: {  	s0 =	sshll.u32 s14, $0x9;
	s15 =	rddreg [dreg:$0x1b];
	s9 =	simm.s32 @!p1 $0x6  }
0x1f0: {  	s15 =	sadd.s32 s0, s15;
	_ =	swait.ge @!p1 [sflag:s9], $0x2000  }
0x1f1: {  	s15 =	sshrl.u32 s15, $0x3;
	[sflag:s9] =	ssyncset.done @!p1 $0x0  }
0x1f2: {  	s19 =	sadd.s32 s7, s15;
	[sflag:s9] =	ssyncadd.s32 @!p1 $0xFFFFE000  }
0x1f3: {  	[tilespmem:s31], [sflag:$0x8] =	stream.linear.gather [hbm4b:s19+s4], $0x80, $0x38;
	[tilespmem:$0x139E0] =	vst v63  }
0x1f4: {  	s15 =	sadd.s32 s8, s15  }
0x1f5: {  	[tilespmem:s29], [sflag:$0x8] =	stream.linear.gather [hbm4b:s15+s4], $0x80, $0x38;
	[tilespmem:$0x139E0] =	vst v63  }
0x1f6: {  	_ =	swait.ge [sflag:s12], $0x2000  }
0x1f7: {  	[sflag:s12] =	ssyncset.done $0x0  }
0x1f8: {  	[sflag:s12] =	ssyncadd.s32 $0xFFFFE000  }
0x1f9: {  	[spmem:s2] =	stream.indirect.scatter.add.bf16 [tilespmem:s22], [sflag:$0x5], $0x40, s26, s28, $0xb8;
	[tilespmem:$0x139E0] =	vst v63  }
0x1fa: {  	_ =	swait.ge [sflag:s16], $0x80  }
0x1fb: {  	[sflag:s16] =	ssyncset.done $0x0  }
0x1fc: {  	[sflag:s16] =	ssyncadd.s32 $0xFFFFFF80  }
0x1fd: {  	_ =	swait.ge [sflag:s16], $0x80  }
0x1fe: {  	[sflag:s16] =	ssyncset.done $0x0;
	s18 =	sld [smem:$0x7F8]  }
0x1ff: {  	s9 =	simm.s32 @!p1 $0xC;
	s15 =	sshll.u32 s14, $0x8;
	[sflag:s16] =	ssyncadd.s32 $0xFFFFFF80  }
0x200: {  	[tilespmem:s21], [sflag:$0x2] =	stream.indirect.gather [hbm4b:s6+s28], $0x40, s31, s28, $0xb8;
	[tilespmem:$0x139E0] =	vst v63  }
0x201: {  	s18 =	sadd.s32 s15, s18;
	_ =	swait.ge @!p1 [sflag:s9], $0x800  }
0x202: {  	[sflag:s9] =	ssyncset.done @!p1 $0x0;
	s18 =	sshrl.u32 s18, $0x3  }
0x203: {  	s19 =	simm.s32 $0x10760;
	[sflag:s9] =	ssyncadd.s32 @!p1 $0xFFFFF800;
	s9 =	sadd.s32 s7, s18  }
0x204: {  	[tilespmem:s19], [sflag:$0xE] =	stream.linear.gather [hbm4b:s9+s13], $0x80, $0x38;
	[tilespmem:$0x139E0] =	vst v63  }
0x205: {  	s9 =	sadd.s32 s8, s18  }
0x206: {  	[tilespmem:s23], [sflag:$0xE] =	stream.linear.gather [hbm4b:s9+s13], $0x80, $0x38;
	[tilespmem:$0x139E0] =	vst v63  }
0x207: {  	s9 =	sadd.s32 s10, s18;
	s18 =	simm.s32 $0x13960  }
0x208: {  	[tilespmem:s18], [sflag:$0xE] =	stream.linear.gather [hbm4b:s9+s13], $0x80, $0x38;
	[tilespmem:$0x139E0] =	vst v63  }
0x209: {  	s18 =	simm.s32 $0x9  }
0x20a: {  	_ =	swait.ge [sflag:s18], $0x800  }
0x20b: {  	[sflag:s18] =	ssyncset.done $0x0  }
0x20c: {  	[sflag:s18] =	ssyncadd.s32 $0xFFFFF800;
	s18 =	simm.s32 $0x3  }
0x20d: {  	_ =	swait.ge [sflag:s18], $0x800  }
0x20e: {  	[sflag:s18] =	ssyncset.done $0x0  }
0x20f: {  	[sflag:s18] =	ssyncadd.s32 $0xFFFFF800  }
0x210: {  	_ =	swait.ge [sflag:s20], $0x80  }
0x211: {  	[sflag:s20] =	ssyncset.done $0x0  }
0x212: {  	[sflag:s20] =	ssyncadd.s32 $0xFFFFFF80  }
0x213: {  	_ =	swait.ge [sflag:s20], $0x80  }
0x214: {  	[sflag:s20] =	ssyncset.done $0x0  }
0x215: {  	[sflag:s20] =	ssyncadd.s32 $0xFFFFFF80  }
0x216: {  	_ =	swait.ge [sflag:s20], $0x80  }
0x217: {  	[sflag:s20] =	ssyncset.done $0x0  }
0x218: {  	s18 =	simm.s32 $0x110E0;
	[sflag:s20] =	ssyncadd.s32 $0xFFFFFF80  }
0x219: {  	[tilespmem:s18], [sflag:$0xA] =	stream.indirect.gather [hbm4b:s11+s28], $0x10, s19, s28, $0xb8;
	[tilespmem:$0x139E0] =	vst v63  }
0x21a: {  	s19 =	simm.s32 $0x120E0  }
0x21b: {  	[tilespmem:s19], [sflag:$0x4] =	stream.indirect.gather [hbm4b:s11+s28], $0x10, s23, s28, $0xb8;
	[tilespmem:$0x139E0] =	vst v63  }
0x21c: {  	s23 =	simm.s32 $0x0  }
0x21d: {  	v2 =	vld [tilespmem:s23+$0x108E0]  }
0x21e: {  	v5 =	vld [tilespmem:s23+$0x118E0]  }
0x21f: {  	v7 =	vld [tilespmem:s23+$0x108F0]  }
0x220: {  	v14 =	vld [tilespmem:s23+$0x118F0]  }
0x221: {  	v10 =	vld [tilespmem:s23+$0x10900]  }
0x222: {  	v18 =	vld [tilespmem:s23+$0x11900]  }
0x223: {  	v16 =	vld [tilespmem:s23+$0x10910]  }
0x224: {  	v20 =	vld [tilespmem:s23+$0x11910]  }
0x225: {  	v15 =	vld [tilespmem:s23+$0x10920]  }
0x226: {  	v19 =	vld [tilespmem:s23+$0x11920]  }
0x227: {  	v12 =	vld [tilespmem:s23+$0x10930]  }
0x228: {  	v17 =	vld [tilespmem:s23+$0x11930]  }
0x229: {  	v9 =	vld [tilespmem:s23+$0x10940]  }
0x22a: {  	v13 =	vld [tilespmem:s23+$0x11940]  }
0x22b: {  	v8 =	vld [tilespmem:s23+$0x10950]  }
0x22c: {  	v11 =	vld [tilespmem:s23+$0x11950]  }
0x22d: {  	v4 =	vld [tilespmem:s23+$0x10960]  }
0x22e: {  	v6 =	vld [tilespmem:s23+$0x11960]  }
0x22f: {  	s9 =	simm.s32 $0x138E0;
	s18 =	simm.s32 $0x400;
	v3 =	vld [tilespmem:s23+$0x10970]  }
.LBB2_16:
0x230: {  	p1 =	sne.s32 s18, $0x1C00;
	v21 =	vld [tilespmem:s9+$0x0]  }
0x231: {  	v22 =	vld [tilespmem:s23+$0x11970]  }
0x232: {  	v23 =	vld [tilespmem:s23+$0x10980]  }
0x233: {  	v24 =	vld [tilespmem:s23+$0x11980]  }
0x234: {  	v2 =	vsub.f32 v2, v5;
	v5 =	vsub.f32 v7, v14;
	v7 =	vld [tilespmem:s23+$0x10990]  }
0x235: {  	v10 =	vsub.f32 v10, v18;
	v14 =	vbroadcast v21, $0x0;
	v25 =	vbroadcast v21, $0x1;
	v18 =	vld [tilespmem:s23+$0x11990]  }
0x236: {  	v16 =	vsub.f32 v16, v20;
	v26 =	vbroadcast v21, $0x2;
	v20 =	vbroadcast v21, $0x3;
	v27 =	vld [tilespmem:s23+$0x109A0]  }
0x237: {  	v2 =	vmul.f32 v2, v14;
	v5 =	vmul.f32 v5, v25;
	v14 =	vsub.f32 v15, v19;
	v15 =	vld [tilespmem:s23+$0x119A0]  }
0x238: {  	v12 =	vsub.f32 v12, v17;
	v10 =	vmul.f32 v10, v26;
	v16 =	vmul.f32 v16, v20;
	v17 =	vld [tilespmem:s23+$0x109B0]  }
0x239: {  	v9 =	vsub.f32 v9, v13;
	v19 =	vbroadcast v21, $0x5;
	[tilespmem:s23+$0x128E0] =	vst v2;
	v2 =	vbroadcast v21, $0x4;
	v13 =	vld [tilespmem:s23+$0x119B0]  }
0x23a: {  	v8 =	vsub.f32 v8, v11;
	v11 =	vbroadcast v21, $0x7;
	[tilespmem:s23+$0x128F0] =	vst v5;
	v5 =	vbroadcast v21, $0x6;
	v20 =	vld [tilespmem:s23+$0x109C0]  }
0x23b: {  	v4 =	vsub.f32 v4, v6;
	[tilespmem:s23+$0x12900] =	vst v10;
	v2 =	vmul.f32 v14, v2;
	v10 =	vmul.f32 v12, v19;
	v6 =	vld [tilespmem:s23+$0x119C0]  }
0x23c: {  	v3 =	vsub.f32 v3, v22;
	v8 =	vmul.f32 v8, v11;
	[tilespmem:s23+$0x12910] =	vst v16;
	v9 =	vmul.f32 v9, v5;
	v11 =	vld [tilespmem:s23+$0x109D0]  }
0x23d: {  	s19 =	sshra.s32 s18, $0x2;
	v12 =	vbroadcast v21, $0x8;
	v14 =	vbroadcast v21, $0x9;
	v16 =	vsub.f32 v23, v24;
	[tilespmem:s23+$0x12920] =	vst v2;
	v19 =	vld [tilespmem:s23+$0x119D0]  }
0x23e: {  	v22 =	vbroadcast v21, $0xB;
	v18 =	vsub.f32 v7, v18;
	v2 =	vld [tilespmem:s19+$0x108E0];
	[tilespmem:s23+$0x12930] =	vst v10;
	v10 =	vbroadcast v21, $0xA  }
0x23f: {  	v4 =	vmul.f32 v4, v12;
	v3 =	vmul.f32 v3, v14;
	v5 =	vld [tilespmem:s19+$0x118E0];
	[tilespmem:s23+$0x12940] =	vst v9;
	v9 =	vsub.f32 v27, v15  }
0x240: {  	v12 =	vmul.f32 v18, v22;
	v13 =	vsub.f32 v17, v13;
	v7 =	vld [tilespmem:s19+$0x108F0];
	[tilespmem:s23+$0x12950] =	vst v8;
	v8 =	vmul.f32 v16, v10  }
0x241: {  	v15 =	vbroadcast v21, $0xD;
	v6 =	vsub.f32 v20, v6;
	v14 =	vld [tilespmem:s19+$0x118F0];
	[tilespmem:s23+$0x12960] =	vst v4;
	v4 =	vbroadcast v21, $0xC  }
0x242: {  	v17 =	vbroadcast v21, $0xF;
	v10 =	vld [tilespmem:s19+$0x10900];
	[tilespmem:s23+$0x12970] =	vst v3;
	v3 =	vbroadcast v21, $0xE;
	v11 =	vsub.f32 v11, v19  }
0x243: {  	v18 =	vld [tilespmem:s19+$0x11900];
	[tilespmem:s23+$0x12980] =	vst v8;
	v4 =	vmul.f32 v9, v4;
	v8 =	vmul.f32 v13, v15  }
0x244: {  	v16 =	vld [tilespmem:s19+$0x10910];
	[tilespmem:s23+$0x12990] =	vst v12;
	v3 =	vmul.f32 v6, v3;
	v6 =	vmul.f32 v11, v17  }
0x245: {  	v20 =	vld [tilespmem:s19+$0x11910];
	[tilespmem:s23+$0x129A0] =	vst v4  }
0x246: {  	v15 =	vld [tilespmem:s19+$0x10920];
	[tilespmem:s23+$0x129B0] =	vst v8  }
0x247: {  	v19 =	vld [tilespmem:s19+$0x11920];
	[tilespmem:s23+$0x129C0] =	vst v3  }
0x248: {  	v12 =	vld [tilespmem:s19+$0x10930];
	[tilespmem:s23+$0x129D0] =	vst v6;
	s23 =	smov.u32 s19  }
0x249: {  	v17 =	vld [tilespmem:s23+$0x11930]  }
0x24a: {  	v9 =	vld [tilespmem:s23+$0x10940]  }
0x24b: {  	v13 =	vld [tilespmem:s23+$0x11940]  }
.Ltmp9:
0x24c: {  	v8 =	vld [tilespmem:s23+$0x10950];
	(pc) =	sbr.rel @p1 .LBB2_16-.Ltmp9, $4  }
0x24d: {  	v11 =	vld [tilespmem:s23+$0x11950]  }
0x24e: {  	v4 =	vld [tilespmem:s23+$0x10960]  }
0x24f: {  	v6 =	vld [tilespmem:s23+$0x11960]  }
0x250: {  	s18 =	sadd.s32 $0x400, s18;
	s9 =	sadd.s32 $0x10, s9;
	v3 =	vld [tilespmem:s23+$0x10970]  }
0x251: {  	v21 =	vld [tilespmem:s9+$0x0];
	_ =	sdelay $0x2  }
0x252: {  	v22 =	vld [tilespmem:s23+$0x11970]  }
0x253: {  	v23 =	vld [tilespmem:s23+$0x10980];
	v2 =	vsub.f32 v2, v5  }
0x254: {  	v24 =	vld [tilespmem:s23+$0x11980];
	v7 =	vsub.f32 v7, v14;
	v10 =	vsub.f32 v10, v18;
	v5 =	vbroadcast v21, $0x0  }
0x255: {  	v25 =	vld [tilespmem:s23+$0x10990];
	v12 =	vsub.f32 v12, v17;
	v14 =	vbroadcast v21, $0x1;
	v17 =	vbroadcast v21, $0x5  }
0x256: {  	v26 =	vld [tilespmem:s23+$0x11990];
	v9 =	vsub.f32 v9, v13;
	v13 =	vbroadcast v21, $0x6;
	v2 =	vmul.f32 v2, v5  }
0x257: {  	v27 =	vld [tilespmem:s23+$0x109A0];
	v8 =	vsub.f32 v8, v11;
	v11 =	vbroadcast v21, $0x7;
	v7 =	vmul.f32 v7, v14  }
0x258: {  	v28 =	vld [tilespmem:s23+$0x109B0];
	v16 =	vsub.f32 v16, v20;
	v14 =	vbroadcast v21, $0x2;
	v12 =	vmul.f32 v12, v17;
	[tilespmem:s23+$0x128E0] =	vst v2  }
0x259: {  	v4 =	vsub.f32 v4, v6;
	v18 =	vbroadcast v21, $0x3;
	v5 =	vld [tilespmem:s23+$0x119A0];
	v6 =	vmul.f32 v9, v13;
	[tilespmem:s23+$0x128F0] =	vst v7  }
0x25a: {  	v13 =	vld [tilespmem:s23+$0x119D0];
	v8 =	vmul.f32 v8, v11;
	v10 =	vmul.f32 v10, v14;
	[tilespmem:s23+$0x12930] =	vst v12  }
0x25b: {  	v2 =	vld [tilespmem:s23+$0x119B0];
	v14 =	vsub.f32 v15, v19;
	v15 =	vmul.f32 v16, v18;
	v16 =	vbroadcast v21, $0x4;
	[tilespmem:s23+$0x12940] =	vst v6  }
0x25c: {  	v9 =	vbroadcast v21, $0x8;
	v7 =	vld [tilespmem:s23+$0x109C0];
	[tilespmem:s23+$0x12950] =	vst v8  }
0x25d: {  	v3 =	vsub.f32 v3, v22;
	v11 =	vbroadcast v21, $0x9;
	[tilespmem:s23+$0x12900] =	vst v10;
	v10 =	vld [tilespmem:s23+$0x119C0];
	v14 =	vmul.f32 v14, v16  }
0x25e: {  	v4 =	vmul.f32 v4, v9;
	v6 =	vsub.f32 v25, v26;
	v9 =	vbroadcast v21, $0xB;
	[tilespmem:s23+$0x12910] =	vst v15;
	v15 =	vld [tilespmem:s23+$0x109D0]  }
0x25f: {  	v12 =	vsub.f32 v23, v24;
	v3 =	vmul.f32 v3, v11;
	[tilespmem:s23+$0x12920] =	vst v14;
	v14 =	vbroadcast v21, $0xA  }
0x260: {  	[tilespmem:s23+$0x12960] =	vst v4;
	v4 =	vbroadcast v21, $0xC;
	v6 =	vmul.f32 v6, v9;
	v5 =	vsub.f32 v27, v5  }
0x261: {  	v9 =	vbroadcast v21, $0xD;
	[tilespmem:s23+$0x12970] =	vst v3;
	v2 =	vsub.f32 v28, v2;
	v8 =	vmul.f32 v12, v14  }
0x262: {  	[tilespmem:s23+$0x12990] =	vst v6;
	v4 =	vmul.f32 v5, v4;
	v3 =	vsub.f32 v7, v10;
	v7 =	vbroadcast v21, $0xE  }
0x263: {  	v5 =	vsub.f32 v15, v13;
	v2 =	vmul.f32 v2, v9;
	[tilespmem:s23+$0x12980] =	vst v8;
	v8 =	vbroadcast v21, $0xF  }
0x264: {  	[tilespmem:s23+$0x129A0] =	vst v4;
	v3 =	vmul.f32 v3, v7  }
0x265: {  	[tilespmem:s23+$0x129B0] =	vst v2;
	v4 =	vmul.f32 v5, v8  }
0x266: {  	[tilespmem:s23+$0x129C0] =	vst v3  }
0x267: {  	s18 =	simm.s32 $0x128E0;
	s19 =	simm.s32 $0x107E0;
	[tilespmem:s23+$0x129D0] =	vst v4;
	s23 =	rddreg [dreg:$0x3]  }
0x268: {  	[spmem:s23] =	stream.indirect.scatter.add.f32 [tilespmem:s18], [sflag:$0xB], $0x10, s19, s28, $0xb8;
	[tilespmem:$0x139E0] =	vst v63  }
0x269: {  	s19 =	rddreg [dreg:$0x1c]  }
0x26a: {  	s9 =	sadd.s32 s0, s19;
	_ =	swait.ge [sflag:s17], $0x2000  }
0x26b: {  	[sflag:s17] =	ssyncset.done $0x0;
	s9 =	sshrl.u32 s9, $0x3  }
0x26c: {  	[sflag:s17] =	ssyncadd.s32 $0xFFFFE000;
	s23 =	sadd.s32 s7, s9  }
0x26d: {  	[tilespmem:s25], [sflag:$0x7] =	stream.linear.gather [hbm4b:s23+s4], $0x80, $0x38;
	[tilespmem:$0x139E0] =	vst v63  }
0x26e: {  	s9 =	sadd.s32 s8, s9  }
0x26f: {  	[tilespmem:s26], [sflag:$0x7] =	stream.linear.gather [hbm4b:s9+s4], $0x80, $0x38;
	[tilespmem:$0x139E0] =	vst v63  }
0x270: {  	_ =	swait.ge [sflag:s30], $0x2000  }
0x271: {  	[sflag:s30] =	ssyncset.done $0x0  }
0x272: {  	[sflag:s30] =	ssyncadd.s32 $0xFFFFE000  }
0x273: {  	[spmem:s2] =	stream.indirect.scatter.add.bf16 [tilespmem:s21], [sflag:$0x6], $0x40, s29, s28, $0xb8;
	[tilespmem:$0x139E0] =	vst v63  }
0x274: {  	_ =	swait.ge [sflag:s24], $0x80  }
0x275: {  	[sflag:s24] =	ssyncset.done $0x0  }
0x276: {  	[sflag:s24] =	ssyncadd.s32 $0xFFFFFF80  }
0x277: {  	_ =	swait.ge [sflag:s24], $0x80  }
0x278: {  	[sflag:s24] =	ssyncset.done $0x0  }
0x279: {  	s19 =	rddreg [dreg:$0x1d];
	[sflag:s24] =	ssyncadd.s32 $0xFFFFFF80  }
0x27a: {  	[tilespmem:s22], [sflag:$0x1] =	stream.indirect.gather [hbm4b:s6+s28], $0x40, s25, s28, $0xb8;
	[tilespmem:$0x139E0] =	vst v63  }
0x27b: {  	s9 =	sadd.s32 s0, s19;
	_ =	swait.ge [sflag:s3], $0x2000  }
0x27c: {  	s9 =	sshrl.u32 s9, $0x3;
	[sflag:s3] =	ssyncset.done $0x0  }
0x27d: {  	s23 =	sadd.s32 s7, s9;
	[sflag:s3] =	ssyncadd.s32 $0xFFFFE000  }
0x27e: {  	[tilespmem:s31], [sflag:$0x8] =	stream.linear.gather [hbm4b:s23+s4], $0x80, $0x38;
	[tilespmem:$0x139E0] =	vst v63  }
0x27f: {  	s9 =	sadd.s32 s8, s9  }
0x280: {  	[tilespmem:s29], [sflag:$0x8] =	stream.linear.gather [hbm4b:s9+s4], $0x80, $0x38;
	[tilespmem:$0x139E0] =	vst v63  }
0x281: {  	_ =	swait.ge [sflag:s12], $0x2000  }
0x282: {  	[sflag:s12] =	ssyncset.done $0x0  }
0x283: {  	[sflag:s12] =	ssyncadd.s32 $0xFFFFE000  }
0x284: {  	[spmem:s2] =	stream.indirect.scatter.add.bf16 [tilespmem:s22], [sflag:$0x5], $0x40, s26, s28, $0xb8;
	[tilespmem:$0x139E0] =	vst v63  }
0x285: {  	_ =	swait.ge [sflag:s16], $0x80  }
0x286: {  	[sflag:s16] =	ssyncset.done $0x0  }
0x287: {  	[sflag:s16] =	ssyncadd.s32 $0xFFFFFF80  }
0x288: {  	_ =	swait.ge [sflag:s16], $0x80  }
0x289: {  	[sflag:s16] =	ssyncset.done $0x0  }
0x28a: {  	[sflag:s16] =	ssyncadd.s32 $0xFFFFFF80  }
0x28b: {  	[tilespmem:s21], [sflag:$0x2] =	stream.indirect.gather [hbm4b:s6+s28], $0x40, s31, s28, $0xb8;
	[tilespmem:$0x139E0] =	vst v63  }
0x28c: {  	_ =	swait.ge [sflag:s1], $0x800  }
0x28d: {  	p1 =	seq.s32 s14, $0x13;
	[sflag:s1] =	ssyncset.done $0x0  }
0x28e: {  	s9 =	simm.s32 @p1 $0xA;
	[sflag:s1] =	ssyncadd.s32 $0xFFFFF800  }
0x28f: {  	_ =	swait.ge @p1 [sflag:s9], $0x800  }
0x290: {  	[sflag:s9] =	ssyncset.done @p1 $0x0  }
0x291: {  	[sflag:s9] =	ssyncadd.s32 @p1 $0xFFFFF800;
	s9 =	simm.s32 @p1 $0x4  }
0x292: {  	_ =	swait.ge @p1 [sflag:s9], $0x800  }
0x293: {  	s18 =	sld [smem:$0x7F9];
	_ =	sdelay $0x2  }
0x294: {  	[sflag:s9] =	ssyncset.done @p1 $0x0;
	s15 =	sadd.s32 @!p1 s15, s18  }
0x295: {  	[sflag:s9] =	ssyncadd.s32 @p1 $0xFFFFF800;
	s9 =	sshrl.u32 @!p1 s15, $0x3  }
0x296: {  	s19 =	simm.s32 @!p1 $0x106E0;
	s18 =	simm.s32 @!p1 $0x0;
	s15 =	sadd.s32 @!p1 s7, s9  }
0x297: {  	[tilespmem:s19], [sflag:$0xD] =	stream.linear.gather @!p1 [hbm4b:s15+s18], $0x80, $0x38;
	[tilespmem:$0x139E0] =	vst v63  }
0x298: {  	s23 =	simm.s32 @!p1 $0x107E0;
	s15 =	sadd.s32 @!p1 s8, s9  }
0x299: {  	[tilespmem:s23], [sflag:$0xD] =	stream.linear.gather @!p1 [hbm4b:s15+s18], $0x80, $0x38;
	[tilespmem:$0x139E0] =	vst v63  }
0x29a: {  	s9 =	sadd.s32 @!p1 s10, s9;
	s15 =	simm.s32 @!p1 $0x138E0  }
0x29b: {  	[tilespmem:s15], [sflag:$0xD] =	stream.linear.gather @!p1 [hbm4b:s9+s18], $0x80, $0x38;
	[tilespmem:$0x139E0] =	vst v63  }
0x29c: {  	s9 =	simm.s32 @!p1 $0xA  }
0x29d: {  	_ =	swait.ge @!p1 [sflag:s9], $0x800  }
0x29e: {  	[sflag:s9] =	ssyncset.done @!p1 $0x0  }
0x29f: {  	[sflag:s9] =	ssyncadd.s32 @!p1 $0xFFFFF800;
	s9 =	simm.s32 @!p1 $0x4  }
0x2a0: {  	_ =	swait.ge @!p1 [sflag:s9], $0x800  }
0x2a1: {  	[sflag:s9] =	ssyncset.done @!p1 $0x0  }
0x2a2: {  	[sflag:s9] =	ssyncadd.s32 @!p1 $0xFFFFF800;
	s9 =	simm.s32 @!p1 $0xD  }
0x2a3: {  	_ =	swait.ge @!p1 [sflag:s9], $0x80  }
0x2a4: {  	[sflag:s9] =	ssyncset.done @!p1 $0x0  }
0x2a5: {  	[sflag:s9] =	ssyncadd.s32 @!p1 $0xFFFFFF80  }
0x2a6: {  	_ =	swait.ge @!p1 [sflag:s9], $0x80  }
0x2a7: {  	[sflag:s9] =	ssyncset.done @!p1 $0x0  }
0x2a8: {  	[sflag:s9] =	ssyncadd.s32 @!p1 $0xFFFFFF80  }
0x2a9: {  	_ =	swait.ge @!p1 [sflag:s9], $0x80  }
0x2aa: {  	[sflag:s9] =	ssyncset.done @!p1 $0x0  }
0x2ab: {  	s15 =	simm.s32 @!p1 $0x108E0;
	[sflag:s9] =	ssyncadd.s32 @!p1 $0xFFFFFF80;
	s9 =	simm.s32 @!p1 $0x80  }
0x2ac: {  	[tilespmem:s15], [sflag:$0x9] =	stream.indirect.gather @!p1 [hbm4b:s11+s9], $0x10, s19, s9, $0xb8;
	[tilespmem:$0x139E0] =	vst v63  }
0x2ad: {  	s15 =	simm.s32 @!p1 $0x118E0  }
0x2ae: {  	[tilespmem:s15], [sflag:$0x3] =	stream.indirect.gather @!p1 [hbm4b:s11+s9], $0x10, s23, s9, $0xb8;
	[tilespmem:$0x139E0] =	vst v63  }
0x2af: {  	s15 =	simm.s32 $0x0  }
0x2b0: {  	v2 =	vld [tilespmem:s15+$0x110E0]  }
0x2b1: {  	v5 =	vld [tilespmem:s15+$0x120E0]  }
0x2b2: {  	v7 =	vld [tilespmem:s15+$0x110F0]  }
0x2b3: {  	v14 =	vld [tilespmem:s15+$0x120F0]  }
0x2b4: {  	v10 =	vld [tilespmem:s15+$0x11100]  }
0x2b5: {  	v18 =	vld [tilespmem:s15+$0x12100]  }
0x2b6: {  	v16 =	vld [tilespmem:s15+$0x11110]  }
0x2b7: {  	v20 =	vld [tilespmem:s15+$0x12110]  }
0x2b8: {  	v15 =	vld [tilespmem:s15+$0x11120]  }
0x2b9: {  	v19 =	vld [tilespmem:s15+$0x12120]  }
0x2ba: {  	v12 =	vld [tilespmem:s15+$0x11130]  }
0x2bb: {  	v17 =	vld [tilespmem:s15+$0x12130]  }
0x2bc: {  	v9 =	vld [tilespmem:s15+$0x11140]  }
0x2bd: {  	v13 =	vld [tilespmem:s15+$0x12140]  }
0x2be: {  	v8 =	vld [tilespmem:s15+$0x11150]  }
0x2bf: {  	v11 =	vld [tilespmem:s15+$0x12150]  }
0x2c0: {  	v4 =	vld [tilespmem:s15+$0x11160]  }
0x2c1: {  	v6 =	vld [tilespmem:s15+$0x12160]  }
0x2c2: {  	s18 =	simm.s32 $0x400;
	s9 =	simm.s32 $0x13960;
	v3 =	vld [tilespmem:s15+$0x11170]  }
.LBB2_18:
0x2c3: {  	p2 =	sne.s32 s18, $0x1C00;
	v21 =	vld [tilespmem:s9+$0x0]  }
0x2c4: {  	v22 =	vld [tilespmem:s15+$0x12170]  }
0x2c5: {  	v23 =	vld [tilespmem:s15+$0x11180]  }
0x2c6: {  	v24 =	vld [tilespmem:s15+$0x12180]  }
0x2c7: {  	v2 =	vsub.f32 v2, v5;
	v5 =	vsub.f32 v7, v14;
	v7 =	vld [tilespmem:s15+$0x11190]  }
0x2c8: {  	v10 =	vsub.f32 v10, v18;
	v14 =	vbroadcast v21, $0x0;
	v25 =	vbroadcast v21, $0x1;
	v18 =	vld [tilespmem:s15+$0x12190]  }
0x2c9: {  	v16 =	vsub.f32 v16, v20;
	v26 =	vbroadcast v21, $0x2;
	v20 =	vbroadcast v21, $0x3;
	v27 =	vld [tilespmem:s15+$0x111A0]  }
0x2ca: {  	v2 =	vmul.f32 v2, v14;
	v5 =	vmul.f32 v5, v25;
	v14 =	vsub.f32 v15, v19;
	v15 =	vld [tilespmem:s15+$0x121A0]  }
0x2cb: {  	v12 =	vsub.f32 v12, v17;
	v10 =	vmul.f32 v10, v26;
	v16 =	vmul.f32 v16, v20;
	v17 =	vld [tilespmem:s15+$0x111B0]  }
0x2cc: {  	v9 =	vsub.f32 v9, v13;
	v19 =	vbroadcast v21, $0x5;
	[tilespmem:s15+$0x130E0] =	vst v2;
	v2 =	vbroadcast v21, $0x4;
	v13 =	vld [tilespmem:s15+$0x121B0]  }
0x2cd: {  	v8 =	vsub.f32 v8, v11;
	v11 =	vbroadcast v21, $0x7;
	[tilespmem:s15+$0x130F0] =	vst v5;
	v5 =	vbroadcast v21, $0x6;
	v20 =	vld [tilespmem:s15+$0x111C0]  }
0x2ce: {  	v4 =	vsub.f32 v4, v6;
	[tilespmem:s15+$0x13100] =	vst v10;
	v2 =	vmul.f32 v14, v2;
	v10 =	vmul.f32 v12, v19;
	v6 =	vld [tilespmem:s15+$0x121C0]  }
0x2cf: {  	v3 =	vsub.f32 v3, v22;
	v8 =	vmul.f32 v8, v11;
	[tilespmem:s15+$0x13110] =	vst v16;
	v9 =	vmul.f32 v9, v5;
	v11 =	vld [tilespmem:s15+$0x111D0]  }
0x2d0: {  	s19 =	sshra.s32 s18, $0x2;
	v12 =	vbroadcast v21, $0x8;
	v14 =	vbroadcast v21, $0x9;
	v16 =	vsub.f32 v23, v24;
	[tilespmem:s15+$0x13120] =	vst v2;
	v19 =	vld [tilespmem:s15+$0x121D0]  }
0x2d1: {  	v22 =	vbroadcast v21, $0xB;
	v18 =	vsub.f32 v7, v18;
	v2 =	vld [tilespmem:s19+$0x110E0];
	[tilespmem:s15+$0x13130] =	vst v10;
	v10 =	vbroadcast v21, $0xA  }
0x2d2: {  	v4 =	vmul.f32 v4, v12;
	v3 =	vmul.f32 v3, v14;
	v5 =	vld [tilespmem:s19+$0x120E0];
	[tilespmem:s15+$0x13140] =	vst v9;
	v9 =	vsub.f32 v27, v15  }
0x2d3: {  	v12 =	vmul.f32 v18, v22;
	v13 =	vsub.f32 v17, v13;
	v7 =	vld [tilespmem:s19+$0x110F0];
	[tilespmem:s15+$0x13150] =	vst v8;
	v8 =	vmul.f32 v16, v10  }
0x2d4: {  	v15 =	vbroadcast v21, $0xD;
	v6 =	vsub.f32 v20, v6;
	v14 =	vld [tilespmem:s19+$0x120F0];
	[tilespmem:s15+$0x13160] =	vst v4;
	v4 =	vbroadcast v21, $0xC  }
0x2d5: {  	v17 =	vbroadcast v21, $0xF;
	v10 =	vld [tilespmem:s19+$0x11100];
	[tilespmem:s15+$0x13170] =	vst v3;
	v3 =	vbroadcast v21, $0xE;
	v11 =	vsub.f32 v11, v19  }
0x2d6: {  	v18 =	vld [tilespmem:s19+$0x12100];
	[tilespmem:s15+$0x13180] =	vst v8;
	v4 =	vmul.f32 v9, v4;
	v8 =	vmul.f32 v13, v15  }
0x2d7: {  	v16 =	vld [tilespmem:s19+$0x11110];
	[tilespmem:s15+$0x13190] =	vst v12;
	v3 =	vmul.f32 v6, v3;
	v6 =	vmul.f32 v11, v17  }
0x2d8: {  	v20 =	vld [tilespmem:s19+$0x12110];
	[tilespmem:s15+$0x131A0] =	vst v4  }
0x2d9: {  	v15 =	vld [tilespmem:s19+$0x11120];
	[tilespmem:s15+$0x131B0] =	vst v8  }
0x2da: {  	v19 =	vld [tilespmem:s19+$0x12120];
	[tilespmem:s15+$0x131C0] =	vst v3  }
0x2db: {  	v12 =	vld [tilespmem:s19+$0x11130];
	[tilespmem:s15+$0x131D0] =	vst v6;
	s15 =	smov.u32 s19  }
0x2dc: {  	v17 =	vld [tilespmem:s15+$0x12130]  }
0x2dd: {  	v9 =	vld [tilespmem:s15+$0x11140]  }
0x2de: {  	v13 =	vld [tilespmem:s15+$0x12140]  }
.Ltmp10:
0x2df: {  	v8 =	vld [tilespmem:s15+$0x11150];
	(pc) =	sbr.rel @p2 .LBB2_18-.Ltmp10, $4  }
0x2e0: {  	v11 =	vld [tilespmem:s15+$0x12150]  }
0x2e1: {  	v4 =	vld [tilespmem:s15+$0x11160]  }
0x2e2: {  	v6 =	vld [tilespmem:s15+$0x12160]  }
0x2e3: {  	s18 =	sadd.s32 $0x400, s18;
	s9 =	sadd.s32 $0x10, s9;
	v3 =	vld [tilespmem:s15+$0x11170]  }
0x2e4: {  	v21 =	vld [tilespmem:s9+$0x0];
	_ =	sdelay $0x2  }
0x2e5: {  	v22 =	vld [tilespmem:s15+$0x12170]  }
0x2e6: {  	v23 =	vld [tilespmem:s15+$0x11180]  }
0x2e7: {  	v24 =	vld [tilespmem:s15+$0x12180];
	v2 =	vsub.f32 v2, v5;
	v35 =	vbroadcast v21, $0x0  }
0x2e8: {  	v25 =	vld [tilespmem:s15+$0x11190];
	v7 =	vsub.f32 v7, v14;
	v36 =	vbroadcast v21, $0x1  }
0x2e9: {  	v26 =	vld [tilespmem:s15+$0x12190];
	v10 =	vsub.f32 v10, v18;
	v38 =	vbroadcast v21, $0x2;
	v2 =	vmul.f32 v2, v35  }
0x2ea: {  	v27 =	vld [tilespmem:s15+$0x111A0];
	v16 =	vsub.f32 v16, v20;
	v39 =	vbroadcast v21, $0x3;
	v7 =	vmul.f32 v7, v36  }
0x2eb: {  	v37 =	vld [tilespmem:s15+$0x121A0];
	v41 =	vsub.f32 v15, v19;
	v43 =	vbroadcast v21, $0x4;
	v10 =	vmul.f32 v10, v38;
	[tilespmem:s15+$0x130E0] =	vst v2  }
0x2ec: {  	v28 =	vld [tilespmem:s15+$0x111B0];
	v12 =	vsub.f32 v12, v17;
	v45 =	vbroadcast v21, $0x5;
	v42 =	vmul.f32 v16, v39;
	[tilespmem:s15+$0x130F0] =	vst v7  }
0x2ed: {  	v9 =	vsub.f32 v9, v13;
	v47 =	vld [tilespmem:s15+$0x111D0];
	v46 =	vbroadcast v21, $0x6;
	v14 =	vmul.f32 v41, v43;
	[tilespmem:s15+$0x13100] =	vst v10  }
0x2ee: {  	v51 =	vld [tilespmem:s15+$0x121D0];
	v8 =	vsub.f32 v8, v11;
	v48 =	vbroadcast v21, $0x7;
	v12 =	vmul.f32 v12, v45;
	[tilespmem:s15+$0x13110] =	vst v42  }
0x2ef: {  	v40 =	vld [tilespmem:s15+$0x111C0];
	v4 =	vsub.f32 v4, v6;
	v50 =	vbroadcast v21, $0x8;
	v49 =	vmul.f32 v9, v46;
	[tilespmem:s15+$0x13120] =	vst v14  }
0x2f0: {  	v44 =	vld [tilespmem:s15+$0x121C0];
	v3 =	vsub.f32 v3, v22;
	v52 =	vbroadcast v21, $0x9;
	v8 =	vmul.f32 v8, v48;
	[tilespmem:s15+$0x13130] =	vst v12  }
0x2f1: {  	v53 =	vsub.f32 v23, v24;
	v54 =	vbroadcast v21, $0xA;
	v4 =	vmul.f32 v4, v50;
	v2 =	vld [tilespmem:s15+$0x121B0];
	[tilespmem:s15+$0x13140] =	vst v49  }
0x2f2: {  	v55 =	vsub.f32 v25, v26;
	v56 =	vbroadcast v21, $0xB;
	v3 =	vmul.f32 v3, v52;
	[tilespmem:s15+$0x13150] =	vst v8  }
0x2f3: {  	v61 =	vsub.f32 v47, v51;
	v62 =	vbroadcast v21, $0xF;
	v57 =	vmul.f32 v53, v54;
	[tilespmem:s15+$0x13160] =	vst v4  }
0x2f4: {  	v5 =	vsub.f32 v27, v37;
	v58 =	vbroadcast v21, $0xC;
	v6 =	vmul.f32 v55, v56;
	[tilespmem:s15+$0x13170] =	vst v3  }
0x2f5: {  	v60 =	vbroadcast v21, $0xE;
	v63 =	vmul.f32 v61, v62;
	v3 =	vsub.f32 v40, v44;
	[tilespmem:s15+$0x13180] =	vst v57  }
0x2f6: {  	v59 =	vbroadcast v21, $0xD;
	v4 =	vmul.f32 v5, v58;
	[tilespmem:s15+$0x13190] =	vst v6;
	v2 =	vsub.f32 v28, v2  }
0x2f7: {  	[tilespmem:s15+$0x131D0] =	vst v63;
	v3 =	vmul.f32 v3, v60  }
0x2f8: {  	[tilespmem:s15+$0x131A0] =	vst v4;
	v2 =	vmul.f32 v2, v59  }
0x2f9: {  	s18 =	rddreg [dreg:$0x3];
	[tilespmem:s15+$0x131C0] =	vst v3  }
.Ltmp11:
0x2fa: {  	s23 =	simm.s32 $0x10860;
	s19 =	simm.s32 $0x130E0;
	[tilespmem:s15+$0x131B0] =	vst v2;
	(pc) =	sbr.rel @p1 .LBB2_20-.Ltmp11, $4  }
0x2fb: {  	[spmem:s18] =	stream.indirect.scatter.add.f32 [tilespmem:s19], [sflag:$0xC], $0x10, s23, s28, $0xb8;
	[tilespmem:$0x139E0] =	vst v63  }
0x2fc: {  	_ =	swait.ge [sflag:s17], $0x2000  }
0x2fd: {  	[sflag:s17] =	ssyncset.done $0x0  }
0x2fe: {  	[sflag:s17] =	ssyncadd.s32 $0xFFFFE000  }
0x2ff: {  	s9 =	rddreg [dreg:$0x1e]  }
0x300: {  	s0 =	sadd.s32 s0, s9  }
0x301: {  	s0 =	sshrl.u32 s0, $0x3  }
0x302: {  	s19 =	sadd.s32 s7, s0  }
0x303: {  	[tilespmem:s25], [sflag:$0x7] =	stream.linear.gather [hbm4b:s19+s4], $0x80, $0x38;
	[tilespmem:$0x139E0] =	vst v63  }
0x304: {  	s0 =	sadd.s32 s8, s0  }
0x305: {  	[tilespmem:s26], [sflag:$0x7] =	stream.linear.gather [hbm4b:s0+s4], $0x80, $0x38;
	[tilespmem:$0x139E0] =	vst v63  }
0x306: {  	_ =	swait.ge [sflag:s30], $0x2000  }
0x307: {  	[sflag:s30] =	ssyncset.done $0x0  }
0x308: {  	[sflag:s30] =	ssyncadd.s32 $0xFFFFE000  }
0x309: {  	[spmem:s2] =	stream.indirect.scatter.add.bf16 [tilespmem:s21], [sflag:$0x6], $0x40, s29, s28, $0xb8;
	[tilespmem:$0x139E0] =	vst v63  }
0x30a: {  	_ =	swait.ge [sflag:s24], $0x80  }
0x30b: {  	[sflag:s24] =	ssyncset.done $0x0  }
.Ltmp12:
0x30c: {  	[sflag:s24] =	ssyncadd.s32 $0xFFFFFF80;
	(pc) =	sbr.rel .LBB2_15-.Ltmp12, $4  }
0x30d: {  	_ =	swait.ge [sflag:s24], $0x80  }
0x30e: {  	[sflag:s24] =	ssyncset.done $0x0  }
0x30f: {  	s14 =	sadd.s32 $0x1, s14;
	[sflag:s24] =	ssyncadd.s32 $0xFFFFFF80  }
0x310: {  	[tilespmem:s22], [sflag:$0x1] =	stream.indirect.gather [hbm4b:s6+s28], $0x40, s25, s28, $0xb8;
	[tilespmem:$0x139E0] =	vst v63  }
.LBB2_12:
.Ltmp13:
0x311: {  	(pc) =	sbr.rel .LBB2_21-.Ltmp13, $4  }
0x312: {  	s9 =	rddreg [dreg:$0x1]  }
0x313: {  	s0 =	rddreg [dreg:$0x6]  }
0x314: {  	s19 =	rddreg [dreg:$0x8]  }
0x315: {  	s18 =	sld [smem:$0x7F3]  }
.LBB2_22:
0x316: {  	_ =	sfence.sel $0x180000  }
0x317: {  	[bflag:$0x0] =	sbarrier.arrive $0xFFFF  }
0x318: {  	_ =	strace $0x90000047  }
0x319: {  	s0 =	stileid.u32;
	[bflag:$0x2] =	sbarrier.arrive $0xFFFF  }
0x31a: {  	p0 =	sne.s32 s0, $0x0;
	s0 =	rddreg [dreg:$0x4]  }
0x31b: {  	s0 =	sadd.s32 @!p0 $0x100000, s0  }
0x31c: {  	[sflag:s0] =	ssyncadd.tile.s32 @!p0 $0x1;
	_ =	shalt  }
.Lfunc_end2:
_tile_overlayer_lowered:
.L_overlay_start_2:
0x31d: {  	(tag) =	ssettag $0x2  }
0x31e: {  	s0 =	rddreg [dreg:$0x0];
	s2 =	stileid.u32  }
0x31f: {  	s1 =	rddreg [dreg:$0x1];
	p0 =	sne.s32 s2, $0x0  }
0x320: {  	s3 =	rddreg [dreg:$0x2];
	[bflag:$0x3] =	sbarrier.arrive $0xFFFF;
	s2 =	simm.s32 @!p0 $0x1C0F  }
0x321: {  	[timem:s3], [sflag:s2] =	dma.local @!p0 [hbm:s0], s1  }
0x322: {  	s0 =	simm.s32 @!p0 $0xF  }
0x323: {  	_ =	swait.ge @!p0 [sflag:s0], s1  }
0x324: {  	s1 =	ssub.s32 @!p0 $0x0, s1;
	[sflag:s0] =	ssyncset.done @!p0 $0x0  }
0x325: {  	[sflag:s0] =	ssyncadd.s32 @!p0 s1  }
0x326: {  	[bflag:$0x3] =	sbarrier.arrive $0xFFFF  }
0x327: {  	_ =	shalt  }

</sc_bundles>
